<compile_context>
chip_gen: v7x
topology: tpu7x:2x2x1
jax: 0.10.2.dev20260603
libtpu: 0.0.44.dev20260713+nightly
codegen_flags: <defaults>
</compile_context>

<pallas_src>
import functools

import jax
import jax.numpy as jnp
from jax import lax
from jax.experimental import pallas as pl
from jax.experimental.pallas import tpu as pltpu
from jax.experimental.pallas import tpu_sc as plsc

NC = 2
NS = 16
CHUNK = 128
NBUF = 4


def _vector_mesh():
    return plsc.VectorSubcoreMesh(core_axis_name="c", subcore_axis_name="s",
                                  num_cores=NC, num_subcores=NS)



def _deg_kernel_body(cpt, rpt,
                     dst_hbm, ones_hbm, zeros_hbm, out_hbm,
                     idx_v, ones_v, acc, sem):
    c = lax.axis_index("c")
    s = lax.axis_index("s")
    base = s * rpt
    pltpu.sync_copy(zeros_hbm.at[s], acc.at[pl.ds(base, rpt)])
    pltpu.sync_copy(ones_hbm, ones_v)
    pltpu.sync_copy(dst_hbm.at[s], idx_v)
    plsc.subcore_barrier()

    @pl.loop(0, cpt)
    def _(j):
        pltpu.sync_copy(ones_v, acc.at[idx_v.at[j]], add=True)

    plsc.subcore_barrier()
    pltpu.sync_copy(acc.at[pl.ds(base, rpt)], out_hbm.at[c, pl.ds(base, rpt)])


def _agg_kernel_body(cpt, rpt, h,
                     hs_hbm, src_hbm, dst_hbm, zeros_hbm, out_hbm,
                     idx_s, idx_d, rows, acc, sems):
    c = lax.axis_index("c")
    s = lax.axis_index("s")
    base = s * rpt
    pltpu.sync_copy(zeros_hbm.at[s], acc.at[pl.ds(base, rpt)])
    pltpu.sync_copy(src_hbm.at[s], idx_s)
    pltpu.sync_copy(dst_hbm.at[s], idx_d)
    plsc.subcore_barrier()
    table = hs_hbm.at[c]

    nrow = rows.shape[0] // NBUF
    rbuf = [rows.at[pl.ds(b * nrow, nrow)] for b in range(NBUF)]
    for b in range(NBUF):
        pltpu.async_copy(table.at[idx_s.at[b]], rbuf[b], sems.at[b])

    @pl.loop(0, cpt, step=NBUF)
    def _(j):
        for b in range(NBUF):
            i = j + b
            pltpu.make_async_copy(table.at[idx_s.at[i]], rbuf[b],
                                  sems.at[b]).wait()
            pltpu.sync_copy(rbuf[b], acc.at[idx_d.at[i]], add=True)

            @pl.when(i + NBUF < cpt)
            def _():
                pltpu.async_copy(table.at[idx_s.at[i + NBUF]], rbuf[b],
                                 sems.at[b])

    plsc.subcore_barrier()
    pltpu.sync_copy(acc.at[pl.ds(base, rpt)],
                    out_hbm.at[pl.ds(base, rpt), pl.ds(c * h, h)])



def _split(o_ref, full, h):
    o_ref[0, :, :] = full[:, :h]
    o_ref[1, :, :] = full[:, h:]


def _hs_full(hs_ref):
    return jnp.concatenate([hs_ref[0], hs_ref[1]], axis=-1)


def _dis_hs_body(deg_ref, x_ref, w_ref, dis_ref, hs_ref):
    deg = deg_ref[0, :, 0:1] + 1.0
    dis = lax.rsqrt(deg)
    xw = jnp.dot(x_ref[...], w_ref[...], preferred_element_type=jnp.float32)
    disb = jnp.broadcast_to(dis, xw.shape)
    dis_ref[...] = disb
    _split(hs_ref, disb * xw, xw.shape[1] // 2)


def _mid_body(agg_ref, hs_ref, dis_ref, b_ref, w_ref, o_ref):
    pre = dis_ref[...] * (agg_ref[...] + _hs_full(hs_ref)) + b_ref[...]
    act = jnp.maximum(pre, 0.0)
    xw = jnp.dot(act, w_ref[...], preferred_element_type=jnp.float32)
    _split(o_ref, dis_ref[...] * xw, xw.shape[1] // 2)


def _fin_body(agg_ref, hs_ref, dis_ref, b_ref, o_ref):
    o_ref[...] = dis_ref[...] * (agg_ref[...] + _hs_full(hs_ref)) + b_ref[...]



def kernel(x, edge_index, W1, b1, W2, b2, W3, b3, W4, b4):
    n, din = x.shape
    d = W1.shape[1]
    h = d // 2
    e = edge_index.shape[1]

    cpt = -(-e // (NS * CHUNK))
    cpt = -(-cpt // NBUF) * NBUF
    e_pad = NS * cpt * CHUNK
    rpt = -(-(n + 1) // NS)
    rpt = -(-rpt // 8) * 8
    npad = NS * rpt

    src = edge_index[0].astype(jnp.int32)
    dst = edge_index[1].astype(jnp.int32)
    pad_iota = jnp.arange(e_pad - e, dtype=jnp.int32)
    src = jnp.concatenate([src, pad_iota % n])
    dst = jnp.concatenate([dst, n + pad_iota % (npad - n)])
    src3 = src.reshape(NS, cpt, CHUNK)
    dst3 = dst.reshape(NS, cpt, CHUNK)

    ones16 = jnp.ones((CHUNK, 16), jnp.float32)
    zeros16 = jnp.zeros((NS, rpt, 16), jnp.float32)
    zerosh = jnp.zeros((NS, rpt, h), jnp.float32)

    mesh = _vector_mesh()

    deg_k = pl.kernel(
        functools.partial(_deg_kernel_body, cpt, rpt),
        out_type=jax.ShapeDtypeStruct((NC, npad, 16), jnp.float32),
        mesh=mesh,
        compiler_params=pltpu.CompilerParams(use_tc_tiling_on_sc=False),
        scratch_types=[
            pltpu.VMEM((cpt, CHUNK), jnp.int32),
            pltpu.VMEM((CHUNK, 16), jnp.float32),
            pltpu.VMEM_SHARED((npad, 16), jnp.float32),
            pltpu.SemaphoreType.DMA,
        ],
    )

    agg_k = pl.kernel(
        functools.partial(_agg_kernel_body, cpt, rpt, h),
        out_type=jax.ShapeDtypeStruct((npad, d), jnp.float32),
        mesh=mesh,
        compiler_params=pltpu.CompilerParams(use_tc_tiling_on_sc=False),
        scratch_types=[
            pltpu.VMEM((cpt, CHUNK), jnp.int32),
            pltpu.VMEM((cpt, CHUNK), jnp.int32),
            pltpu.VMEM((NBUF * CHUNK, h), jnp.float32),
            pltpu.VMEM_SHARED((npad, h), jnp.float32),
            pltpu.SemaphoreType.DMA((NBUF,)),
        ],
    )

    br = 2000
    grid = (n // br,)
    row_spec = pl.BlockSpec((br, d), lambda i: (i, 0))
    hs_spec = pl.BlockSpec((NC, br, h), lambda i: (0, i, 0))
    hs_shape = jax.ShapeDtypeStruct((NC, n, h), jnp.float32)

    dis_hs = pl.pallas_call(
        _dis_hs_body,
        grid=grid,
        in_specs=[pl.BlockSpec((NC, br, 16), lambda i: (0, i, 0)),
                  pl.BlockSpec((br, din), lambda i: (i, 0)),
                  pl.BlockSpec((din, d), lambda i: (0, 0))],
        out_specs=[row_spec, hs_spec],
        out_shape=[jax.ShapeDtypeStruct((n, d), jnp.float32), hs_shape],
    )

    mid = pl.pallas_call(
        _mid_body,
        grid=grid,
        in_specs=[row_spec, hs_spec, row_spec,
                  pl.BlockSpec((1, d), lambda i: (0, 0)),
                  pl.BlockSpec((d, d), lambda i: (0, 0))],
        out_specs=hs_spec,
        out_shape=hs_shape,
    )

    fin = pl.pallas_call(
        _fin_body,
        grid=grid,
        in_specs=[row_spec, hs_spec, row_spec,
                  pl.BlockSpec((1, d), lambda i: (0, 0))],
        out_specs=row_spec,
        out_shape=jax.ShapeDtypeStruct((n, d), jnp.float32),
    )

    def agg(hs_split):
        return agg_k(hs_split, src3, dst3, zerosh)

    deg_p = deg_k(dst3, ones16, zeros16)
    dis, hs = dis_hs(deg_p, x, W1)

    agg1 = agg(hs)
    hs = mid(agg1, hs, dis, b1.reshape(1, d), W2)
    agg2 = agg(hs)
    hs = mid(agg2, hs, dis, b2.reshape(1, d), W3)
    agg3 = agg(hs)
    hs = mid(agg3, hs, dis, b3.reshape(1, d), W4)
    agg4 = agg(hs)
    return fin(agg4, hs, dis, b4.reshape(1, d))

# --- scband reference (transcript-rebuilt; emitter-appended) ---
"""Pipeline reference for scband-encoder-32942399160406 (READ-ONLY COPY).

The authoritative reference and input builder live on the scoring server;
editing this copy changes nothing except your own understanding.
"""

import jax, jax.numpy as jnp
import numpy as np

N_NODES = 10000
N_EDGES = 320000
D_IN = 128
D_HID = 128


def setup_inputs(seed: int = 0) -> dict:
    key = jax.random.key(seed)
    ks = jax.random.split(key, 12)
    x = jax.random.normal(ks[0], (N_NODES, D_IN), dtype=jnp.float32)
    edge_index = jax.random.randint(ks[1], (2, N_EDGES), 0, N_NODES, dtype=jnp.int64 if jax.config.jax_enable_x64 else jnp.int32)
    def glorot(k, shape):
        fan_in, fan_out = shape[0], shape[1]
        lim = (6.0 / (fan_in + fan_out)) ** 0.5
        return jax.random.uniform(k, shape, dtype=jnp.float32, minval=-lim, maxval=lim)
    W1 = glorot(ks[2], (D_IN, D_HID)); b1 = jnp.zeros((D_HID,), jnp.float32)
    W2 = glorot(ks[3], (D_HID, D_HID)); b2 = jnp.zeros((D_HID,), jnp.float32)
    W3 = glorot(ks[4], (D_HID, D_HID)); b3 = jnp.zeros((D_HID,), jnp.float32)
    W4 = glorot(ks[5], (D_HID, D_HID)); b4 = jnp.zeros((D_HID,), jnp.float32)
    return {"x": x, "edge_index": edge_index,
            "W1": W1, "b1": b1, "W2": W2, "b2": b2,
            "W3": W3, "b3": b3, "W4": W4, "b4": b4}


def _gcn_conv(x, src, dst, norm, W, b, num_nodes):
    # PyG GCNConv: x = x @ W, then propagate with symmetric norm, then + bias
    x = x @ W
    msg = x[src] * norm[:, None]
    out = jax.ops.segment_sum(msg, dst, num_segments=num_nodes)
    return out + b


def reference(x, edge_index, W1, b1, W2, b2, W3, b3, W4, b4):
    num_nodes = x.shape[0]
    src = edge_index[0]
    dst = edge_index[1]
    # add self loops (default add_self_loops=True in GCNConv)
    loop = jnp.arange(num_nodes, dtype=src.dtype)
    src = jnp.concatenate([src, loop])
    dst = jnp.concatenate([dst, loop])
    # symmetric normalization D^{-1/2} A_hat D^{-1/2}
    deg = jax.ops.segment_sum(jnp.ones_like(src, dtype=jnp.float32), dst, num_segments=num_nodes)
    deg_inv_sqrt = jnp.where(deg > 0, jax.lax.rsqrt(jnp.maximum(deg, 1e-12)), 0.0)
    norm = deg_inv_sqrt[src] * deg_inv_sqrt[dst]

    h = _gcn_conv(x, src, dst, norm, W1, b1, num_nodes)
    h = jax.nn.relu(h)
    h = _gcn_conv(h, src, dst, norm, W2, b2, num_nodes)
    h = jax.nn.relu(h)
    h = _gcn_conv(h, src, dst, norm, W3, b3, num_nodes)
    h = jax.nn.relu(h)
    h = _gcn_conv(h, src, dst, norm, W4, b4, num_nodes)
    return h

if __name__ == "__main__":
    import jax
    _d = setup_inputs()
    print(jax.jit(kernel)(*tuple(_d.values())))

</pallas_src>

<mosaic_0001>
#map = affine_map<(d0, d1) -> (0, 0, 0)>
#map1 = affine_map<(d0, d1) -> (0, 0)>
module attributes {stable_mosaic.version = 14 : i64} {
  func.func @_agg_kernel_body(%arg0: i32, %arg1: i32, %arg2: memref<2x10000x64xf32, #tpu.memory_space<hbm>>, %arg3: memref<16x160x128xi32, #tpu.memory_space<hbm>>, %arg4: memref<16x160x128xi32, #tpu.memory_space<hbm>>, %arg5: memref<16x632x64xf32, #tpu.memory_space<hbm>>, %arg6: memref<10112x128xf32, #tpu.memory_space<hbm>>, %arg7: memref<160x128xi32, #tpu.memory_space<vmem>>, %arg8: memref<160x128xi32, #tpu.memory_space<vmem>>, %arg9: memref<512x64xf32, #tpu.memory_space<vmem>>, %arg10: memref<10112x64xf32, #tpu.memory_space<vmem_shared>>, %arg11: memref<4x!tpu.dma_semaphore, #tpu.memory_space<semaphore_mem>>) attributes {dimension_semantics = [#tpu.dimension_semantics<core_parallel>, #tpu.dimension_semantics<subcore_parallel>], iteration_bounds = array<i64: 2, 16>, scalar_prefetch = 0 : i64, scratch_operands = 5 : i64, tpu.core_type = #tpu.core_type<sc_vector_subcore>, window_params = [{transform_indices = #map}, {transform_indices = #map}, {transform_indices = #map}, {transform_indices = #map}, {transform_indices = #map1}]} {
    %mul3A = arith.constant 632 : i32
    %mul3A_0 = arith.muli %arg1, %mul3A : i32
    "tpu.region"() ({
      %run_scoped3A = tpu.sem_alloc : memref<!tpu.dma_semaphore, #tpu.memory_space<semaphore_mem>>
      %dma_start3A_75 = arith.constant 0 : i32
      %dma_start3A_76 = tpu.memref_slice %arg10[%mul3A_0, %dma_start3A_75] : memref<10112x64xf32, #tpu.memory_space<vmem_shared>> -> memref<632x64xf32, #tpu.memory_space<vmem_shared>>
      %dma_start3A_77 = arith.constant 0 : i32
      %dma_start3A_78 = arith.constant 0 : i32
      %dma_start3A_79 = tpu.memref_slice %arg5[%arg1, %dma_start3A_77, %dma_start3A_78] : memref<16x632x64xf32, #tpu.memory_space<hbm>> -> memref<1x632x64xf32, #tpu.memory_space<hbm>>
      %dma_start3A_80 = tpu.memref_squeeze %dma_start3A_79 : memref<1x632x64xf32, #tpu.memory_space<hbm>> -> memref<632x64xf32, #tpu.memory_space<hbm>>
      tpu.enqueue_dma source(%dma_start3A_80 : memref<632x64xf32, #tpu.memory_space<hbm>>) target(%dma_start3A_76 : memref<632x64xf32, #tpu.memory_space<vmem_shared>>) target_semaphore(%run_scoped3A : memref<!tpu.dma_semaphore, #tpu.memory_space<semaphore_mem>>)
      %dma_wait3A = arith.constant 0 : i32
      %dma_wait3A_81 = tpu.memref_slice %arg10[%mul3A_0, %dma_wait3A] : memref<10112x64xf32, #tpu.memory_space<vmem_shared>> -> memref<632x64xf32, #tpu.memory_space<vmem_shared>>
      %dma_wait3A_82 = arith.constant 0 : i32
      %dma_wait3A_83 = arith.constant 0 : i32
      %dma_wait3A_84 = tpu.memref_slice %arg5[%arg1, %dma_wait3A_82, %dma_wait3A_83] : memref<16x632x64xf32, #tpu.memory_space<hbm>> -> memref<1x632x64xf32, #tpu.memory_space<hbm>>
      %dma_wait3A_85 = tpu.memref_squeeze %dma_wait3A_84 : memref<1x632x64xf32, #tpu.memory_space<hbm>> -> memref<632x64xf32, #tpu.memory_space<hbm>>
      tpu.wait_dma2 semaphore(%run_scoped3A : memref<!tpu.dma_semaphore, #tpu.memory_space<semaphore_mem>>) src(%dma_wait3A_85 : memref<632x64xf32, #tpu.memory_space<hbm>>) dst(%dma_wait3A_81 : memref<632x64xf32, #tpu.memory_space<vmem_shared>>)
      tpu.yield
    }) : () -> ()
    "tpu.region"() ({
      %run_scoped3A = tpu.sem_alloc : memref<!tpu.dma_semaphore, #tpu.memory_space<semaphore_mem>>
      %dma_start3A_75 = arith.constant 0 : i32
      %dma_start3A_76 = arith.constant 0 : i32
      %dma_start3A_77 = tpu.memref_slice %arg3[%arg1, %dma_start3A_75, %dma_start3A_76] : memref<16x160x128xi32, #tpu.memory_space<hbm>> -> memref<1x160x128xi32, #tpu.memory_space<hbm>>
      %dma_start3A_78 = tpu.memref_squeeze %dma_start3A_77 : memref<1x160x128xi32, #tpu.memory_space<hbm>> -> memref<160x128xi32, #tpu.memory_space<hbm>>
      %dma_start3A_79 = arith.constant 0 : i32
      %dma_start3A_80 = arith.constant 0 : i32
      %dma_start3A_81 = tpu.memref_slice %arg3[%arg1, %dma_start3A_79, %dma_start3A_80] : memref<16x160x128xi32, #tpu.memory_space<hbm>> -> memref<1x160x128xi32, #tpu.memory_space<hbm>>
      %dma_start3A_82 = tpu.memref_squeeze %dma_start3A_81 : memref<1x160x128xi32, #tpu.memory_space<hbm>> -> memref<160x128xi32, #tpu.memory_space<hbm>>
      tpu.enqueue_dma source(%dma_start3A_82 : memref<160x128xi32, #tpu.memory_space<hbm>>) target(%arg7 : memref<160x128xi32, #tpu.memory_space<vmem>>) target_semaphore(%run_scoped3A : memref<!tpu.dma_semaphore, #tpu.memory_space<semaphore_mem>>)
      %dma_wait3A = arith.constant 0 : i32
      %dma_wait3A_83 = arith.constant 0 : i32
      %dma_wait3A_84 = tpu.memref_slice %arg3[%arg1, %dma_wait3A, %dma_wait3A_83] : memref<16x160x128xi32, #tpu.memory_space<hbm>> -> memref<1x160x128xi32, #tpu.memory_space<hbm>>
      %dma_wait3A_85 = tpu.memref_squeeze %dma_wait3A_84 : memref<1x160x128xi32, #tpu.memory_space<hbm>> -> memref<160x128xi32, #tpu.memory_space<hbm>>
      %dma_wait3A_86 = arith.constant 0 : i32
      %dma_wait3A_87 = arith.constant 0 : i32
      %dma_wait3A_88 = tpu.memref_slice %arg3[%arg1, %dma_wait3A_86, %dma_wait3A_87] : memref<16x160x128xi32, #tpu.memory_space<hbm>> -> memref<1x160x128xi32, #tpu.memory_space<hbm>>
      %dma_wait3A_89 = tpu.memref_squeeze %dma_wait3A_88 : memref<1x160x128xi32, #tpu.memory_space<hbm>> -> memref<160x128xi32, #tpu.memory_space<hbm>>
      tpu.wait_dma2 semaphore(%run_scoped3A : memref<!tpu.dma_semaphore, #tpu.memory_space<semaphore_mem>>) src(%dma_wait3A_89 : memref<160x128xi32, #tpu.memory_space<hbm>>) dst(%arg7 : memref<160x128xi32, #tpu.memory_space<vmem>>)
      tpu.yield
    }) : () -> ()
    "tpu.region"() ({
      %run_scoped3A = tpu.sem_alloc : memref<!tpu.dma_semaphore, #tpu.memory_space<semaphore_mem>>
      %dma_start3A_75 = arith.constant 0 : i32
      %dma_start3A_76 = arith.constant 0 : i32
      %dma_start3A_77 = tpu.memref_slice %arg4[%arg1, %dma_start3A_75, %dma_start3A_76] : memref<16x160x128xi32, #tpu.memory_space<hbm>> -> memref<1x160x128xi32, #tpu.memory_space<hbm>>
      %dma_start3A_78 = tpu.memref_squeeze %dma_start3A_77 : memref<1x160x128xi32, #tpu.memory_space<hbm>> -> memref<160x128xi32, #tpu.memory_space<hbm>>
      %dma_start3A_79 = arith.constant 0 : i32
      %dma_start3A_80 = arith.constant 0 : i32
      %dma_start3A_81 = tpu.memref_slice %arg4[%arg1, %dma_start3A_79, %dma_start3A_80] : memref<16x160x128xi32, #tpu.memory_space<hbm>> -> memref<1x160x128xi32, #tpu.memory_space<hbm>>
      %dma_start3A_82 = tpu.memref_squeeze %dma_start3A_81 : memref<1x160x128xi32, #tpu.memory_space<hbm>> -> memref<160x128xi32, #tpu.memory_space<hbm>>
      tpu.enqueue_dma source(%dma_start3A_82 : memref<160x128xi32, #tpu.memory_space<hbm>>) target(%arg8 : memref<160x128xi32, #tpu.memory_space<vmem>>) target_semaphore(%run_scoped3A : memref<!tpu.dma_semaphore, #tpu.memory_space<semaphore_mem>>)
      %dma_wait3A = arith.constant 0 : i32
      %dma_wait3A_83 = arith.constant 0 : i32
      %dma_wait3A_84 = tpu.memref_slice %arg4[%arg1, %dma_wait3A, %dma_wait3A_83] : memref<16x160x128xi32, #tpu.memory_space<hbm>> -> memref<1x160x128xi32, #tpu.memory_space<hbm>>
      %dma_wait3A_85 = tpu.memref_squeeze %dma_wait3A_84 : memref<1x160x128xi32, #tpu.memory_space<hbm>> -> memref<160x128xi32, #tpu.memory_space<hbm>>
      %dma_wait3A_86 = arith.constant 0 : i32
      %dma_wait3A_87 = arith.constant 0 : i32
      %dma_wait3A_88 = tpu.memref_slice %arg4[%arg1, %dma_wait3A_86, %dma_wait3A_87] : memref<16x160x128xi32, #tpu.memory_space<hbm>> -> memref<1x160x128xi32, #tpu.memory_space<hbm>>
      %dma_wait3A_89 = tpu.memref_squeeze %dma_wait3A_88 : memref<1x160x128xi32, #tpu.memory_space<hbm>> -> memref<160x128xi32, #tpu.memory_space<hbm>>
      tpu.wait_dma2 semaphore(%run_scoped3A : memref<!tpu.dma_semaphore, #tpu.memory_space<semaphore_mem>>) src(%dma_wait3A_89 : memref<160x128xi32, #tpu.memory_space<hbm>>) dst(%arg8 : memref<160x128xi32, #tpu.memory_space<vmem>>)
      tpu.yield
    }) : () -> ()
    %barrier3A = arith.constant 0 : index
    tpu.barrier barrier_id(%barrier3A)
    %dma_start3A = arith.constant 0 : i32
    %dma_start3A_1 = arith.constant 0 : i32
    %dma_start3A_2 = arith.constant 0 : i32
    %dma_start3A_3 = arith.constant 0 : i32
    %dma_start3A_4 = tpu.memref_slice %arg9[%dma_start3A_2, %dma_start3A_3] : memref<512x64xf32, #tpu.memory_space<vmem>> -> memref<128x64xf32, #tpu.memory_space<vmem>>
    %dma_start3A_5 = arith.constant 0 : i32
    %dma_start3A_6 = tpu.memref_slice %arg7[%dma_start3A, %dma_start3A_5] : memref<160x128xi32, #tpu.memory_space<vmem>> -> memref<1x128xi32, #tpu.memory_space<vmem>>
    %dma_start3A_7 = tpu.memref_squeeze %dma_start3A_6 : memref<1x128xi32, #tpu.memory_space<vmem>> -> memref<128xi32, #tpu.memory_space<vmem>>
    %dma_start3A_8 = arith.constant 0 : i32
    %dma_start3A_9 = arith.constant 0 : i32
    %dma_start3A_10 = tpu.memref_slice %arg2[%arg0, %dma_start3A_8, %dma_start3A_9] : memref<2x10000x64xf32, #tpu.memory_space<hbm>> -> memref<1x10000x64xf32, #tpu.memory_space<hbm>>
    %dma_start3A_11 = tpu.memref_squeeze %dma_start3A_10 : memref<1x10000x64xf32, #tpu.memory_space<hbm>> -> memref<10000x64xf32, #tpu.memory_space<hbm>>
    %dma_start3A_12 = arith.constant 0 : i32
    %dma_start3A_13 = arith.constant 0 : i32
    %dma_start3A_14 = tpu.memref_slice %dma_start3A_11[%dma_start3A_12, %dma_start3A_13] : memref<10000x64xf32, #tpu.memory_space<hbm>> -> memref<10000x64xf32, #tpu.memory_space<hbm>>
    %dma_start3A_15 = tpu.memref_slice %arg11[%dma_start3A_1] : memref<4x!tpu.dma_semaphore, #tpu.memory_space<semaphore_mem>> -> memref<1x!tpu.dma_semaphore, #tpu.memory_space<semaphore_mem>>
    %dma_start3A_16 = tpu.memref_squeeze %dma_start3A_15 : memref<1x!tpu.dma_semaphore, #tpu.memory_space<semaphore_mem>> -> memref<!tpu.dma_semaphore, #tpu.memory_space<semaphore_mem>>
    tpu.enqueue_indirect_dma source(%dma_start3A_14 : memref<10000x64xf32, #tpu.memory_space<hbm>>) target(%dma_start3A_4 : memref<128x64xf32, #tpu.memory_space<vmem>>) offsets(%dma_start3A_7 : memref<128xi32, #tpu.memory_space<vmem>>) semaphore(%dma_start3A_16 : memref<!tpu.dma_semaphore, #tpu.memory_space<semaphore_mem>>)
    %dma_start3A_17 = arith.constant 1 : i32
    %dma_start3A_18 = arith.constant 1 : i32
    %dma_start3A_19 = arith.constant 128 : i32
    %dma_start3A_20 = arith.constant 0 : i32
    %dma_start3A_21 = tpu.memref_slice %arg9[%dma_start3A_19, %dma_start3A_20] : memref<512x64xf32, #tpu.memory_space<vmem>> -> memref<128x64xf32, #tpu.memory_space<vmem>>
    %dma_start3A_22 = arith.constant 0 : i32
    %dma_start3A_23 = tpu.memref_slice %arg7[%dma_start3A_17, %dma_start3A_22] : memref<160x128xi32, #tpu.memory_space<vmem>> -> memref<1x128xi32, #tpu.memory_space<vmem>>
    %dma_start3A_24 = tpu.memref_squeeze %dma_start3A_23 : memref<1x128xi32, #tpu.memory_space<vmem>> -> memref<128xi32, #tpu.memory_space<vmem>>
    %dma_start3A_25 = arith.constant 0 : i32
    %dma_start3A_26 = arith.constant 0 : i32
    %dma_start3A_27 = tpu.memref_slice %arg2[%arg0, %dma_start3A_25, %dma_start3A_26] : memref<2x10000x64xf32, #tpu.memory_space<hbm>> -> memref<1x10000x64xf32, #tpu.memory_space<hbm>>
    %dma_start3A_28 = tpu.memref_squeeze %dma_start3A_27 : memref<1x10000x64xf32, #tpu.memory_space<hbm>> -> memref<10000x64xf32, #tpu.memory_space<hbm>>
    %dma_start3A_29 = arith.constant 0 : i32
    %dma_start3A_30 = arith.constant 0 : i32
    %dma_start3A_31 = tpu.memref_slice %dma_start3A_28[%dma_start3A_29, %dma_start3A_30] : memref<10000x64xf32, #tpu.memory_space<hbm>> -> memref<10000x64xf32, #tpu.memory_space<hbm>>
    %dma_start3A_32 = tpu.memref_slice %arg11[%dma_start3A_18] : memref<4x!tpu.dma_semaphore, #tpu.memory_space<semaphore_mem>> -> memref<1x!tpu.dma_semaphore, #tpu.memory_space<semaphore_mem>>
    %dma_start3A_33 = tpu.memref_squeeze %dma_start3A_32 : memref<1x!tpu.dma_semaphore, #tpu.memory_space<semaphore_mem>> -> memref<!tpu.dma_semaphore, #tpu.memory_space<semaphore_mem>>
    tpu.enqueue_indirect_dma source(%dma_start3A_31 : memref<10000x64xf32, #tpu.memory_space<hbm>>) target(%dma_start3A_21 : memref<128x64xf32, #tpu.memory_space<vmem>>) offsets(%dma_start3A_24 : memref<128xi32, #tpu.memory_space<vmem>>) semaphore(%dma_start3A_33 : memref<!tpu.dma_semaphore, #tpu.memory_space<semaphore_mem>>)
    %dma_start3A_34 = arith.constant 2 : i32
    %dma_start3A_35 = arith.constant 2 : i32
    %dma_start3A_36 = arith.constant 256 : i32
    %dma_start3A_37 = arith.constant 0 : i32
    %dma_start3A_38 = tpu.memref_slice %arg9[%dma_start3A_36, %dma_start3A_37] : memref<512x64xf32, #tpu.memory_space<vmem>> -> memref<128x64xf32, #tpu.memory_space<vmem>>
    %dma_start3A_39 = arith.constant 0 : i32
    %dma_start3A_40 = tpu.memref_slice %arg7[%dma_start3A_34, %dma_start3A_39] : memref<160x128xi32, #tpu.memory_space<vmem>> -> memref<1x128xi32, #tpu.memory_space<vmem>>
    %dma_start3A_41 = tpu.memref_squeeze %dma_start3A_40 : memref<1x128xi32, #tpu.memory_space<vmem>> -> memref<128xi32, #tpu.memory_space<vmem>>
    %dma_start3A_42 = arith.constant 0 : i32
    %dma_start3A_43 = arith.constant 0 : i32
    %dma_start3A_44 = tpu.memref_slice %arg2[%arg0, %dma_start3A_42, %dma_start3A_43] : memref<2x10000x64xf32, #tpu.memory_space<hbm>> -> memref<1x10000x64xf32, #tpu.memory_space<hbm>>
    %dma_start3A_45 = tpu.memref_squeeze %dma_start3A_44 : memref<1x10000x64xf32, #tpu.memory_space<hbm>> -> memref<10000x64xf32, #tpu.memory_space<hbm>>
    %dma_start3A_46 = arith.constant 0 : i32
    %dma_start3A_47 = arith.constant 0 : i32
    %dma_start3A_48 = tpu.memref_slice %dma_start3A_45[%dma_start3A_46, %dma_start3A_47] : memref<10000x64xf32, #tpu.memory_space<hbm>> -> memref<10000x64xf32, #tpu.memory_space<hbm>>
    %dma_start3A_49 = tpu.memref_slice %arg11[%dma_start3A_35] : memref<4x!tpu.dma_semaphore, #tpu.memory_space<semaphore_mem>> -> memref<1x!tpu.dma_semaphore, #tpu.memory_space<semaphore_mem>>
    %dma_start3A_50 = tpu.memref_squeeze %dma_start3A_49 : memref<1x!tpu.dma_semaphore, #tpu.memory_space<semaphore_mem>> -> memref<!tpu.dma_semaphore, #tpu.memory_space<semaphore_mem>>
    tpu.enqueue_indirect_dma source(%dma_start3A_48 : memref<10000x64xf32, #tpu.memory_space<hbm>>) target(%dma_start3A_38 : memref<128x64xf32, #tpu.memory_space<vmem>>) offsets(%dma_start3A_41 : memref<128xi32, #tpu.memory_space<vmem>>) semaphore(%dma_start3A_50 : memref<!tpu.dma_semaphore, #tpu.memory_space<semaphore_mem>>)
    %dma_start3A_51 = arith.constant 3 : i32
    %dma_start3A_52 = arith.constant 3 : i32
    %dma_start3A_53 = arith.constant 384 : i32
    %dma_start3A_54 = arith.constant 0 : i32
    %dma_start3A_55 = tpu.memref_slice %arg9[%dma_start3A_53, %dma_start3A_54] : memref<512x64xf32, #tpu.memory_space<vmem>> -> memref<128x64xf32, #tpu.memory_space<vmem>>
    %dma_start3A_56 = arith.constant 0 : i32
    %dma_start3A_57 = tpu.memref_slice %arg7[%dma_start3A_51, %dma_start3A_56] : memref<160x128xi32, #tpu.memory_space<vmem>> -> memref<1x128xi32, #tpu.memory_space<vmem>>
    %dma_start3A_58 = tpu.memref_squeeze %dma_start3A_57 : memref<1x128xi32, #tpu.memory_space<vmem>> -> memref<128xi32, #tpu.memory_space<vmem>>
    %dma_start3A_59 = arith.constant 0 : i32
    %dma_start3A_60 = arith.constant 0 : i32
    %dma_start3A_61 = tpu.memref_slice %arg2[%arg0, %dma_start3A_59, %dma_start3A_60] : memref<2x10000x64xf32, #tpu.memory_space<hbm>> -> memref<1x10000x64xf32, #tpu.memory_space<hbm>>
    %dma_start3A_62 = tpu.memref_squeeze %dma_start3A_61 : memref<1x10000x64xf32, #tpu.memory_space<hbm>> -> memref<10000x64xf32, #tpu.memory_space<hbm>>
    %dma_start3A_63 = arith.constant 0 : i32
    %dma_start3A_64 = arith.constant 0 : i32
    %dma_start3A_65 = tpu.memref_slice %dma_start3A_62[%dma_start3A_63, %dma_start3A_64] : memref<10000x64xf32, #tpu.memory_space<hbm>> -> memref<10000x64xf32, #tpu.memory_space<hbm>>
    %dma_start3A_66 = tpu.memref_slice %arg11[%dma_start3A_52] : memref<4x!tpu.dma_semaphore, #tpu.memory_space<semaphore_mem>> -> memref<1x!tpu.dma_semaphore, #tpu.memory_space<semaphore_mem>>
    %dma_start3A_67 = tpu.memref_squeeze %dma_start3A_66 : memref<1x!tpu.dma_semaphore, #tpu.memory_space<semaphore_mem>> -> memref<!tpu.dma_semaphore, #tpu.memory_space<semaphore_mem>>
    tpu.enqueue_indirect_dma source(%dma_start3A_65 : memref<10000x64xf32, #tpu.memory_space<hbm>>) target(%dma_start3A_55 : memref<128x64xf32, #tpu.memory_space<vmem>>) offsets(%dma_start3A_58 : memref<128xi32, #tpu.memory_space<vmem>>) semaphore(%dma_start3A_67 : memref<!tpu.dma_semaphore, #tpu.memory_space<semaphore_mem>>)
    %scan3A = arith.constant 0 : i32
    %scan3A_68 = arith.constant 40 : i32
    %scan3A_69 = arith.addi %scan3A, %scan3A_68 : i32
    %scan3A_70 = arith.constant 1 : i32
    scf.for %scan3A_75 = %scan3A to %scan3A_69 step %scan3A_70  : i32 {
      %mul3A_76 = arith.constant 4 : i32
      %mul3A_77 = arith.muli %scan3A_75, %mul3A_76 : i32
      %add3A = arith.constant 0 : i32
      %add3A_78 = arith.addi %add3A, %mul3A_77 : i32
      %add3A_79 = arith.constant 0 : i32
      %add3A_80 = arith.addi %add3A_78, %add3A_79 : i32
      %dma_wait3A = arith.constant 0 : i32
      %dma_wait3A_81 = arith.constant 0 : i32
      %dma_wait3A_82 = arith.constant 0 : i32
      %dma_wait3A_83 = tpu.memref_slice %arg9[%dma_wait3A_81, %dma_wait3A_82] : memref<512x64xf32, #tpu.memory_space<vmem>> -> memref<128x64xf32, #tpu.memory_space<vmem>>
      %dma_wait3A_84 = arith.constant 0 : i32
      %dma_wait3A_85 = tpu.memref_slice %arg7[%add3A_80, %dma_wait3A_84] : memref<160x128xi32, #tpu.memory_space<vmem>> -> memref<1x128xi32, #tpu.memory_space<vmem>>
      %dma_wait3A_86 = tpu.memref_squeeze %dma_wait3A_85 : memref<1x128xi32, #tpu.memory_space<vmem>> -> memref<128xi32, #tpu.memory_space<vmem>>
      %dma_wait3A_87 = arith.constant 0 : i32
      %dma_wait3A_88 = arith.constant 0 : i32
      %dma_wait3A_89 = tpu.memref_slice %arg2[%arg0, %dma_wait3A_87, %dma_wait3A_88] : memref<2x10000x64xf32, #tpu.memory_space<hbm>> -> memref<1x10000x64xf32, #tpu.memory_space<hbm>>
      %dma_wait3A_90 = tpu.memref_squeeze %dma_wait3A_89 : memref<1x10000x64xf32, #tpu.memory_space<hbm>> -> memref<10000x64xf32, #tpu.memory_space<hbm>>
      %dma_wait3A_91 = arith.constant 0 : i32
      %dma_wait3A_92 = arith.constant 0 : i32
      %dma_wait3A_93 = tpu.memref_slice %dma_wait3A_90[%dma_wait3A_91, %dma_wait3A_92] : memref<10000x64xf32, #tpu.memory_space<hbm>> -> memref<10000x64xf32, #tpu.memory_space<hbm>>
      %dma_wait3A_94 = tpu.memref_slice %arg11[%dma_wait3A] : memref<4x!tpu.dma_semaphore, #tpu.memory_space<semaphore_mem>> -> memref<1x!tpu.dma_semaphore, #tpu.memory_space<semaphore_mem>>
      %dma_wait3A_95 = tpu.memref_squeeze %dma_wait3A_94 : memref<1x!tpu.dma_semaphore, #tpu.memory_space<semaphore_mem>> -> memref<!tpu.dma_semaphore, #tpu.memory_space<semaphore_mem>>
      tpu.wait_indirect_dma semaphore(%dma_wait3A_95 : memref<!tpu.dma_semaphore, #tpu.memory_space<semaphore_mem>>) src(%dma_wait3A_93 : memref<10000x64xf32, #tpu.memory_space<hbm>>) dst(%dma_wait3A_83 : memref<128x64xf32, #tpu.memory_space<vmem>>)
      "tpu.region"() ({
        %run_scoped3A = tpu.sem_alloc : memref<!tpu.dma_semaphore, #tpu.memory_space<semaphore_mem>>
        %dma_start3A_175 = arith.constant 0 : i32
        %dma_start3A_176 = arith.constant 0 : i32
        %dma_start3A_177 = tpu.memref_slice %arg9[%dma_start3A_175, %dma_start3A_176] : memref<512x64xf32, #tpu.memory_space<vmem>> -> memref<128x64xf32, #tpu.memory_space<vmem>>
        %dma_start3A_178 = arith.constant 0 : i32
        %dma_start3A_179 = tpu.memref_slice %arg8[%add3A_80, %dma_start3A_178] : memref<160x128xi32, #tpu.memory_space<vmem>> -> memref<1x128xi32, #tpu.memory_space<vmem>>
        %dma_start3A_180 = tpu.memref_squeeze %dma_start3A_179 : memref<1x128xi32, #tpu.memory_space<vmem>> -> memref<128xi32, #tpu.memory_space<vmem>>
        %dma_start3A_181 = arith.constant 0 : i32
        %dma_start3A_182 = arith.constant 0 : i32
        %dma_start3A_183 = tpu.memref_slice %arg10[%dma_start3A_181, %dma_start3A_182] : memref<10112x64xf32, #tpu.memory_space<vmem_shared>> -> memref<10112x64xf32, #tpu.memory_space<vmem_shared>>
        tpu.enqueue_indirect_dma source(%dma_start3A_177 : memref<128x64xf32, #tpu.memory_space<vmem>>) target(%dma_start3A_183 : memref<10112x64xf32, #tpu.memory_space<vmem_shared>>) offsets(%dma_start3A_180 : memref<128xi32, #tpu.memory_space<vmem>>) semaphore(%run_scoped3A : memref<!tpu.dma_semaphore, #tpu.memory_space<semaphore_mem>>) {add = true}
        %dma_wait3A_184 = arith.constant 0 : i32
        %dma_wait3A_185 = arith.constant 0 : i32
        %dma_wait3A_186 = tpu.memref_slice %arg9[%dma_wait3A_184, %dma_wait3A_185] : memref<512x64xf32, #tpu.memory_space<vmem>> -> memref<128x64xf32, #tpu.memory_space<vmem>>
        %dma_wait3A_187 = arith.constant 0 : i32
        %dma_wait3A_188 = tpu.memref_slice %arg8[%add3A_80, %dma_wait3A_187] : memref<160x128xi32, #tpu.memory_space<vmem>> -> memref<1x128xi32, #tpu.memory_space<vmem>>
        %dma_wait3A_189 = tpu.memref_squeeze %dma_wait3A_188 : memref<1x128xi32, #tpu.memory_space<vmem>> -> memref<128xi32, #tpu.memory_space<vmem>>
        %dma_wait3A_190 = arith.constant 0 : i32
        %dma_wait3A_191 = arith.constant 0 : i32
        %dma_wait3A_192 = tpu.memref_slice %arg10[%dma_wait3A_190, %dma_wait3A_191] : memref<10112x64xf32, #tpu.memory_space<vmem_shared>> -> memref<10112x64xf32, #tpu.memory_space<vmem_shared>>
        tpu.wait_indirect_dma semaphore(%run_scoped3A : memref<!tpu.dma_semaphore, #tpu.memory_space<semaphore_mem>>) src(%dma_wait3A_186 : memref<128x64xf32, #tpu.memory_space<vmem>>) dst(%dma_wait3A_192 : memref<10112x64xf32, #tpu.memory_space<vmem_shared>>)
        tpu.yield
      }) : () -> ()
      %add3A_96 = arith.constant 4 : i32
      %add3A_97 = arith.addi %add3A_80, %add3A_96 : i32
      %lt3A = arith.constant 160 : i32
      %lt3A_98 = arith.cmpi slt, %add3A_97, %lt3A : i32
      %convert_element_type3A = arith.extui %lt3A_98 : i1 to i32
      %cond3A = arith.constant 0 : i32
      %cond3A_99 = arith.cmpi ne, %convert_element_type3A, %cond3A : i32
      scf.if %cond3A_99 {
        %add3A_175 = arith.constant 4 : i32
        %add3A_176 = arith.addi %add3A_80, %add3A_175 : i32
        %dma_start3A_177 = arith.constant 0 : i32
        %dma_start3A_178 = arith.constant 0 : i32
        %dma_start3A_179 = arith.constant 0 : i32
        %dma_start3A_180 = tpu.memref_slice %arg9[%dma_start3A_178, %dma_start3A_179] : memref<512x64xf32, #tpu.memory_space<vmem>> -> memref<128x64xf32, #tpu.memory_space<vmem>>
        %dma_start3A_181 = arith.constant 0 : i32
        %dma_start3A_182 = tpu.memref_slice %arg7[%add3A_176, %dma_start3A_181] : memref<160x128xi32, #tpu.memory_space<vmem>> -> memref<1x128xi32, #tpu.memory_space<vmem>>
        %dma_start3A_183 = tpu.memref_squeeze %dma_start3A_182 : memref<1x128xi32, #tpu.memory_space<vmem>> -> memref<128xi32, #tpu.memory_space<vmem>>
        %dma_start3A_184 = arith.constant 0 : i32
        %dma_start3A_185 = arith.constant 0 : i32
        %dma_start3A_186 = tpu.memref_slice %arg2[%arg0, %dma_start3A_184, %dma_start3A_185] : memref<2x10000x64xf32, #tpu.memory_space<hbm>> -> memref<1x10000x64xf32, #tpu.memory_space<hbm>>
        %dma_start3A_187 = tpu.memref_squeeze %dma_start3A_186 : memref<1x10000x64xf32, #tpu.memory_space<hbm>> -> memref<10000x64xf32, #tpu.memory_space<hbm>>
        %dma_start3A_188 = arith.constant 0 : i32
        %dma_start3A_189 = arith.constant 0 : i32
        %dma_start3A_190 = tpu.memref_slice %dma_start3A_187[%dma_start3A_188, %dma_start3A_189] : memref<10000x64xf32, #tpu.memory_space<hbm>> -> memref<10000x64xf32, #tpu.memory_space<hbm>>
        %dma_start3A_191 = tpu.memref_slice %arg11[%dma_start3A_177] : memref<4x!tpu.dma_semaphore, #tpu.memory_space<semaphore_mem>> -> memref<1x!tpu.dma_semaphore, #tpu.memory_space<semaphore_mem>>
        %dma_start3A_192 = tpu.memref_squeeze %dma_start3A_191 : memref<1x!tpu.dma_semaphore, #tpu.memory_space<semaphore_mem>> -> memref<!tpu.dma_semaphore, #tpu.memory_space<semaphore_mem>>
        tpu.enqueue_indirect_dma source(%dma_start3A_190 : memref<10000x64xf32, #tpu.memory_space<hbm>>) target(%dma_start3A_180 : memref<128x64xf32, #tpu.memory_space<vmem>>) offsets(%dma_start3A_183 : memref<128xi32, #tpu.memory_space<vmem>>) semaphore(%dma_start3A_192 : memref<!tpu.dma_semaphore, #tpu.memory_space<semaphore_mem>>)
      } else {
      }
      %add3A_100 = arith.constant 1 : i32
      %add3A_101 = arith.addi %add3A_78, %add3A_100 : i32
      %dma_wait3A_102 = arith.constant 1 : i32
      %dma_wait3A_103 = arith.constant 128 : i32
      %dma_wait3A_104 = arith.constant 0 : i32
      %dma_wait3A_105 = tpu.memref_slice %arg9[%dma_wait3A_103, %dma_wait3A_104] : memref<512x64xf32, #tpu.memory_space<vmem>> -> memref<128x64xf32, #tpu.memory_space<vmem>>
      %dma_wait3A_106 = arith.constant 0 : i32
      %dma_wait3A_107 = tpu.memref_slice %arg7[%add3A_101, %dma_wait3A_106] : memref<160x128xi32, #tpu.memory_space<vmem>> -> memref<1x128xi32, #tpu.memory_space<vmem>>
      %dma_wait3A_108 = tpu.memref_squeeze %dma_wait3A_107 : memref<1x128xi32, #tpu.memory_space<vmem>> -> memref<128xi32, #tpu.memory_space<vmem>>
      %dma_wait3A_109 = arith.constant 0 : i32
      %dma_wait3A_110 = arith.constant 0 : i32
      %dma_wait3A_111 = tpu.memref_slice %arg2[%arg0, %dma_wait3A_109, %dma_wait3A_110] : memref<2x10000x64xf32, #tpu.memory_space<hbm>> -> memref<1x10000x64xf32, #tpu.memory_space<hbm>>
      %dma_wait3A_112 = tpu.memref_squeeze %dma_wait3A_111 : memref<1x10000x64xf32, #tpu.memory_space<hbm>> -> memref<10000x64xf32, #tpu.memory_space<hbm>>
      %dma_wait3A_113 = arith.constant 0 : i32
      %dma_wait3A_114 = arith.constant 0 : i32
      %dma_wait3A_115 = tpu.memref_slice %dma_wait3A_112[%dma_wait3A_113, %dma_wait3A_114] : memref<10000x64xf32, #tpu.memory_space<hbm>> -> memref<10000x64xf32, #tpu.memory_space<hbm>>
      %dma_wait3A_116 = tpu.memref_slice %arg11[%dma_wait3A_102] : memref<4x!tpu.dma_semaphore, #tpu.memory_space<semaphore_mem>> -> memref<1x!tpu.dma_semaphore, #tpu.memory_space<semaphore_mem>>
      %dma_wait3A_117 = tpu.memref_squeeze %dma_wait3A_116 : memref<1x!tpu.dma_semaphore, #tpu.memory_space<semaphore_mem>> -> memref<!tpu.dma_semaphore, #tpu.memory_space<semaphore_mem>>
      tpu.wait_indirect_dma semaphore(%dma_wait3A_117 : memref<!tpu.dma_semaphore, #tpu.memory_space<semaphore_mem>>) src(%dma_wait3A_115 : memref<10000x64xf32, #tpu.memory_space<hbm>>) dst(%dma_wait3A_105 : memref<128x64xf32, #tpu.memory_space<vmem>>)
      "tpu.region"() ({
        %run_scoped3A = tpu.sem_alloc : memref<!tpu.dma_semaphore, #tpu.memory_space<semaphore_mem>>
        %dma_start3A_175 = arith.constant 128 : i32
        %dma_start3A_176 = arith.constant 0 : i32
        %dma_start3A_177 = tpu.memref_slice %arg9[%dma_start3A_175, %dma_start3A_176] : memref<512x64xf32, #tpu.memory_space<vmem>> -> memref<128x64xf32, #tpu.memory_space<vmem>>
        %dma_start3A_178 = arith.constant 0 : i32
        %dma_start3A_179 = tpu.memref_slice %arg8[%add3A_101, %dma_start3A_178] : memref<160x128xi32, #tpu.memory_space<vmem>> -> memref<1x128xi32, #tpu.memory_space<vmem>>
        %dma_start3A_180 = tpu.memref_squeeze %dma_start3A_179 : memref<1x128xi32, #tpu.memory_space<vmem>> -> memref<128xi32, #tpu.memory_space<vmem>>
        %dma_start3A_181 = arith.constant 0 : i32
        %dma_start3A_182 = arith.constant 0 : i32
        %dma_start3A_183 = tpu.memref_slice %arg10[%dma_start3A_181, %dma_start3A_182] : memref<10112x64xf32, #tpu.memory_space<vmem_shared>> -> memref<10112x64xf32, #tpu.memory_space<vmem_shared>>
        tpu.enqueue_indirect_dma source(%dma_start3A_177 : memref<128x64xf32, #tpu.memory_space<vmem>>) target(%dma_start3A_183 : memref<10112x64xf32, #tpu.memory_space<vmem_shared>>) offsets(%dma_start3A_180 : memref<128xi32, #tpu.memory_space<vmem>>) semaphore(%run_scoped3A : memref<!tpu.dma_semaphore, #tpu.memory_space<semaphore_mem>>) {add = true}
        %dma_wait3A_184 = arith.constant 128 : i32
        %dma_wait3A_185 = arith.constant 0 : i32
        %dma_wait3A_186 = tpu.memref_slice %arg9[%dma_wait3A_184, %dma_wait3A_185] : memref<512x64xf32, #tpu.memory_space<vmem>> -> memref<128x64xf32, #tpu.memory_space<vmem>>
        %dma_wait3A_187 = arith.constant 0 : i32
        %dma_wait3A_188 = tpu.memref_slice %arg8[%add3A_101, %dma_wait3A_187] : memref<160x128xi32, #tpu.memory_space<vmem>> -> memref<1x128xi32, #tpu.memory_space<vmem>>
        %dma_wait3A_189 = tpu.memref_squeeze %dma_wait3A_188 : memref<1x128xi32, #tpu.memory_space<vmem>> -> memref<128xi32, #tpu.memory_space<vmem>>
        %dma_wait3A_190 = arith.constant 0 : i32
        %dma_wait3A_191 = arith.constant 0 : i32
        %dma_wait3A_192 = tpu.memref_slice %arg10[%dma_wait3A_190, %dma_wait3A_191] : memref<10112x64xf32, #tpu.memory_space<vmem_shared>> -> memref<10112x64xf32, #tpu.memory_space<vmem_shared>>
        tpu.wait_indirect_dma semaphore(%run_scoped3A : memref<!tpu.dma_semaphore, #tpu.memory_space<semaphore_mem>>) src(%dma_wait3A_186 : memref<128x64xf32, #tpu.memory_space<vmem>>) dst(%dma_wait3A_192 : memref<10112x64xf32, #tpu.memory_space<vmem_shared>>)
        tpu.yield
      }) : () -> ()
      %add3A_118 = arith.constant 4 : i32
      %add3A_119 = arith.addi %add3A_101, %add3A_118 : i32
      %lt3A_120 = arith.constant 160 : i32
      %lt3A_121 = arith.cmpi slt, %add3A_119, %lt3A_120 : i32
      %convert_element_type3A_122 = arith.extui %lt3A_121 : i1 to i32
      %cond3A_123 = arith.constant 0 : i32
      %cond3A_124 = arith.cmpi ne, %convert_element_type3A_122, %cond3A_123 : i32
      scf.if %cond3A_124 {
        %add3A_175 = arith.constant 4 : i32
        %add3A_176 = arith.addi %add3A_101, %add3A_175 : i32
        %dma_start3A_177 = arith.constant 1 : i32
        %dma_start3A_178 = arith.constant 128 : i32
        %dma_start3A_179 = arith.constant 0 : i32
        %dma_start3A_180 = tpu.memref_slice %arg9[%dma_start3A_178, %dma_start3A_179] : memref<512x64xf32, #tpu.memory_space<vmem>> -> memref<128x64xf32, #tpu.memory_space<vmem>>
        %dma_start3A_181 = arith.constant 0 : i32
        %dma_start3A_182 = tpu.memref_slice %arg7[%add3A_176, %dma_start3A_181] : memref<160x128xi32, #tpu.memory_space<vmem>> -> memref<1x128xi32, #tpu.memory_space<vmem>>
        %dma_start3A_183 = tpu.memref_squeeze %dma_start3A_182 : memref<1x128xi32, #tpu.memory_space<vmem>> -> memref<128xi32, #tpu.memory_space<vmem>>
        %dma_start3A_184 = arith.constant 0 : i32
        %dma_start3A_185 = arith.constant 0 : i32
        %dma_start3A_186 = tpu.memref_slice %arg2[%arg0, %dma_start3A_184, %dma_start3A_185] : memref<2x10000x64xf32, #tpu.memory_space<hbm>> -> memref<1x10000x64xf32, #tpu.memory_space<hbm>>
        %dma_start3A_187 = tpu.memref_squeeze %dma_start3A_186 : memref<1x10000x64xf32, #tpu.memory_space<hbm>> -> memref<10000x64xf32, #tpu.memory_space<hbm>>
        %dma_start3A_188 = arith.constant 0 : i32
        %dma_start3A_189 = arith.constant 0 : i32
        %dma_start3A_190 = tpu.memref_slice %dma_start3A_187[%dma_start3A_188, %dma_start3A_189] : memref<10000x64xf32, #tpu.memory_space<hbm>> -> memref<10000x64xf32, #tpu.memory_space<hbm>>
        %dma_start3A_191 = tpu.memref_slice %arg11[%dma_start3A_177] : memref<4x!tpu.dma_semaphore, #tpu.memory_space<semaphore_mem>> -> memref<1x!tpu.dma_semaphore, #tpu.memory_space<semaphore_mem>>
        %dma_start3A_192 = tpu.memref_squeeze %dma_start3A_191 : memref<1x!tpu.dma_semaphore, #tpu.memory_space<semaphore_mem>> -> memref<!tpu.dma_semaphore, #tpu.memory_space<semaphore_mem>>
        tpu.enqueue_indirect_dma source(%dma_start3A_190 : memref<10000x64xf32, #tpu.memory_space<hbm>>) target(%dma_start3A_180 : memref<128x64xf32, #tpu.memory_space<vmem>>) offsets(%dma_start3A_183 : memref<128xi32, #tpu.memory_space<vmem>>) semaphore(%dma_start3A_192 : memref<!tpu.dma_semaphore, #tpu.memory_space<semaphore_mem>>)
      } else {
      }
      %add3A_125 = arith.constant 2 : i32
      %add3A_126 = arith.addi %add3A_78, %add3A_125 : i32
      %dma_wait3A_127 = arith.constant 2 : i32
      %dma_wait3A_128 = arith.constant 256 : i32
      %dma_wait3A_129 = arith.constant 0 : i32
      %dma_wait3A_130 = tpu.memref_slice %arg9[%dma_wait3A_128, %dma_wait3A_129] : memref<512x64xf32, #tpu.memory_space<vmem>> -> memref<128x64xf32, #tpu.memory_space<vmem>>
      %dma_wait3A_131 = arith.constant 0 : i32
      %dma_wait3A_132 = tpu.memref_slice %arg7[%add3A_126, %dma_wait3A_131] : memref<160x128xi32, #tpu.memory_space<vmem>> -> memref<1x128xi32, #tpu.memory_space<vmem>>
      %dma_wait3A_133 = tpu.memref_squeeze %dma_wait3A_132 : memref<1x128xi32, #tpu.memory_space<vmem>> -> memref<128xi32, #tpu.memory_space<vmem>>
      %dma_wait3A_134 = arith.constant 0 : i32
      %dma_wait3A_135 = arith.constant 0 : i32
      %dma_wait3A_136 = tpu.memref_slice %arg2[%arg0, %dma_wait3A_134, %dma_wait3A_135] : memref<2x10000x64xf32, #tpu.memory_space<hbm>> -> memref<1x10000x64xf32, #tpu.memory_space<hbm>>
      %dma_wait3A_137 = tpu.memref_squeeze %dma_wait3A_136 : memref<1x10000x64xf32, #tpu.memory_space<hbm>> -> memref<10000x64xf32, #tpu.memory_space<hbm>>
      %dma_wait3A_138 = arith.constant 0 : i32
      %dma_wait3A_139 = arith.constant 0 : i32
      %dma_wait3A_140 = tpu.memref_slice %dma_wait3A_137[%dma_wait3A_138, %dma_wait3A_139] : memref<10000x64xf32, #tpu.memory_space<hbm>> -> memref<10000x64xf32, #tpu.memory_space<hbm>>
      %dma_wait3A_141 = tpu.memref_slice %arg11[%dma_wait3A_127] : memref<4x!tpu.dma_semaphore, #tpu.memory_space<semaphore_mem>> -> memref<1x!tpu.dma_semaphore, #tpu.memory_space<semaphore_mem>>
      %dma_wait3A_142 = tpu.memref_squeeze %dma_wait3A_141 : memref<1x!tpu.dma_semaphore, #tpu.memory_space<semaphore_mem>> -> memref<!tpu.dma_semaphore, #tpu.memory_space<semaphore_mem>>
      tpu.wait_indirect_dma semaphore(%dma_wait3A_142 : memref<!tpu.dma_semaphore, #tpu.memory_space<semaphore_mem>>) src(%dma_wait3A_140 : memref<10000x64xf32, #tpu.memory_space<hbm>>) dst(%dma_wait3A_130 : memref<128x64xf32, #tpu.memory_space<vmem>>)
      "tpu.region"() ({
        %run_scoped3A = tpu.sem_alloc : memref<!tpu.dma_semaphore, #tpu.memory_space<semaphore_mem>>
        %dma_start3A_175 = arith.constant 256 : i32
        %dma_start3A_176 = arith.constant 0 : i32
        %dma_start3A_177 = tpu.memref_slice %arg9[%dma_start3A_175, %dma_start3A_176] : memref<512x64xf32, #tpu.memory_space<vmem>> -> memref<128x64xf32, #tpu.memory_space<vmem>>
        %dma_start3A_178 = arith.constant 0 : i32
        %dma_start3A_179 = tpu.memref_slice %arg8[%add3A_126, %dma_start3A_178] : memref<160x128xi32, #tpu.memory_space<vmem>> -> memref<1x128xi32, #tpu.memory_space<vmem>>
        %dma_start3A_180 = tpu.memref_squeeze %dma_start3A_179 : memref<1x128xi32, #tpu.memory_space<vmem>> -> memref<128xi32, #tpu.memory_space<vmem>>
        %dma_start3A_181 = arith.constant 0 : i32
        %dma_start3A_182 = arith.constant 0 : i32
        %dma_start3A_183 = tpu.memref_slice %arg10[%dma_start3A_181, %dma_start3A_182] : memref<10112x64xf32, #tpu.memory_space<vmem_shared>> -> memref<10112x64xf32, #tpu.memory_space<vmem_shared>>
        tpu.enqueue_indirect_dma source(%dma_start3A_177 : memref<128x64xf32, #tpu.memory_space<vmem>>) target(%dma_start3A_183 : memref<10112x64xf32, #tpu.memory_space<vmem_shared>>) offsets(%dma_start3A_180 : memref<128xi32, #tpu.memory_space<vmem>>) semaphore(%run_scoped3A : memref<!tpu.dma_semaphore, #tpu.memory_space<semaphore_mem>>) {add = true}
        %dma_wait3A_184 = arith.constant 256 : i32
        %dma_wait3A_185 = arith.constant 0 : i32
        %dma_wait3A_186 = tpu.memref_slice %arg9[%dma_wait3A_184, %dma_wait3A_185] : memref<512x64xf32, #tpu.memory_space<vmem>> -> memref<128x64xf32, #tpu.memory_space<vmem>>
        %dma_wait3A_187 = arith.constant 0 : i32
        %dma_wait3A_188 = tpu.memref_slice %arg8[%add3A_126, %dma_wait3A_187] : memref<160x128xi32, #tpu.memory_space<vmem>> -> memref<1x128xi32, #tpu.memory_space<vmem>>
        %dma_wait3A_189 = tpu.memref_squeeze %dma_wait3A_188 : memref<1x128xi32, #tpu.memory_space<vmem>> -> memref<128xi32, #tpu.memory_space<vmem>>
        %dma_wait3A_190 = arith.constant 0 : i32
        %dma_wait3A_191 = arith.constant 0 : i32
        %dma_wait3A_192 = tpu.memref_slice %arg10[%dma_wait3A_190, %dma_wait3A_191] : memref<10112x64xf32, #tpu.memory_space<vmem_shared>> -> memref<10112x64xf32, #tpu.memory_space<vmem_shared>>
        tpu.wait_indirect_dma semaphore(%run_scoped3A : memref<!tpu.dma_semaphore, #tpu.memory_space<semaphore_mem>>) src(%dma_wait3A_186 : memref<128x64xf32, #tpu.memory_space<vmem>>) dst(%dma_wait3A_192 : memref<10112x64xf32, #tpu.memory_space<vmem_shared>>)
        tpu.yield
      }) : () -> ()
      %add3A_143 = arith.constant 4 : i32
      %add3A_144 = arith.addi %add3A_126, %add3A_143 : i32
      %lt3A_145 = arith.constant 160 : i32
      %lt3A_146 = arith.cmpi slt, %add3A_144, %lt3A_145 : i32
      %convert_element_type3A_147 = arith.extui %lt3A_146 : i1 to i32
      %cond3A_148 = arith.constant 0 : i32
      %cond3A_149 = arith.cmpi ne, %convert_element_type3A_147, %cond3A_148 : i32
      scf.if %cond3A_149 {
        %add3A_175 = arith.constant 4 : i32
        %add3A_176 = arith.addi %add3A_126, %add3A_175 : i32
        %dma_start3A_177 = arith.constant 2 : i32
        %dma_start3A_178 = arith.constant 256 : i32
        %dma_start3A_179 = arith.constant 0 : i32
        %dma_start3A_180 = tpu.memref_slice %arg9[%dma_start3A_178, %dma_start3A_179] : memref<512x64xf32, #tpu.memory_space<vmem>> -> memref<128x64xf32, #tpu.memory_space<vmem>>
        %dma_start3A_181 = arith.constant 0 : i32
        %dma_start3A_182 = tpu.memref_slice %arg7[%add3A_176, %dma_start3A_181] : memref<160x128xi32, #tpu.memory_space<vmem>> -> memref<1x128xi32, #tpu.memory_space<vmem>>
        %dma_start3A_183 = tpu.memref_squeeze %dma_start3A_182 : memref<1x128xi32, #tpu.memory_space<vmem>> -> memref<128xi32, #tpu.memory_space<vmem>>
        %dma_start3A_184 = arith.constant 0 : i32
        %dma_start3A_185 = arith.constant 0 : i32
        %dma_start3A_186 = tpu.memref_slice %arg2[%arg0, %dma_start3A_184, %dma_start3A_185] : memref<2x10000x64xf32, #tpu.memory_space<hbm>> -> memref<1x10000x64xf32, #tpu.memory_space<hbm>>
        %dma_start3A_187 = tpu.memref_squeeze %dma_start3A_186 : memref<1x10000x64xf32, #tpu.memory_space<hbm>> -> memref<10000x64xf32, #tpu.memory_space<hbm>>
        %dma_start3A_188 = arith.constant 0 : i32
        %dma_start3A_189 = arith.constant 0 : i32
        %dma_start3A_190 = tpu.memref_slice %dma_start3A_187[%dma_start3A_188, %dma_start3A_189] : memref<10000x64xf32, #tpu.memory_space<hbm>> -> memref<10000x64xf32, #tpu.memory_space<hbm>>
        %dma_start3A_191 = tpu.memref_slice %arg11[%dma_start3A_177] : memref<4x!tpu.dma_semaphore, #tpu.memory_space<semaphore_mem>> -> memref<1x!tpu.dma_semaphore, #tpu.memory_space<semaphore_mem>>
        %dma_start3A_192 = tpu.memref_squeeze %dma_start3A_191 : memref<1x!tpu.dma_semaphore, #tpu.memory_space<semaphore_mem>> -> memref<!tpu.dma_semaphore, #tpu.memory_space<semaphore_mem>>
        tpu.enqueue_indirect_dma source(%dma_start3A_190 : memref<10000x64xf32, #tpu.memory_space<hbm>>) target(%dma_start3A_180 : memref<128x64xf32, #tpu.memory_space<vmem>>) offsets(%dma_start3A_183 : memref<128xi32, #tpu.memory_space<vmem>>) semaphore(%dma_start3A_192 : memref<!tpu.dma_semaphore, #tpu.memory_space<semaphore_mem>>)
      } else {
      }
      %add3A_150 = arith.constant 3 : i32
      %add3A_151 = arith.addi %add3A_78, %add3A_150 : i32
      %dma_wait3A_152 = arith.constant 3 : i32
      %dma_wait3A_153 = arith.constant 384 : i32
      %dma_wait3A_154 = arith.constant 0 : i32
      %dma_wait3A_155 = tpu.memref_slice %arg9[%dma_wait3A_153, %dma_wait3A_154] : memref<512x64xf32, #tpu.memory_space<vmem>> -> memref<128x64xf32, #tpu.memory_space<vmem>>
      %dma_wait3A_156 = arith.constant 0 : i32
      %dma_wait3A_157 = tpu.memref_slice %arg7[%add3A_151, %dma_wait3A_156] : memref<160x128xi32, #tpu.memory_space<vmem>> -> memref<1x128xi32, #tpu.memory_space<vmem>>
      %dma_wait3A_158 = tpu.memref_squeeze %dma_wait3A_157 : memref<1x128xi32, #tpu.memory_space<vmem>> -> memref<128xi32, #tpu.memory_space<vmem>>
      %dma_wait3A_159 = arith.constant 0 : i32
      %dma_wait3A_160 = arith.constant 0 : i32
      %dma_wait3A_161 = tpu.memref_slice %arg2[%arg0, %dma_wait3A_159, %dma_wait3A_160] : memref<2x10000x64xf32, #tpu.memory_space<hbm>> -> memref<1x10000x64xf32, #tpu.memory_space<hbm>>
      %dma_wait3A_162 = tpu.memref_squeeze %dma_wait3A_161 : memref<1x10000x64xf32, #tpu.memory_space<hbm>> -> memref<10000x64xf32, #tpu.memory_space<hbm>>
      %dma_wait3A_163 = arith.constant 0 : i32
      %dma_wait3A_164 = arith.constant 0 : i32
      %dma_wait3A_165 = tpu.memref_slice %dma_wait3A_162[%dma_wait3A_163, %dma_wait3A_164] : memref<10000x64xf32, #tpu.memory_space<hbm>> -> memref<10000x64xf32, #tpu.memory_space<hbm>>
      %dma_wait3A_166 = tpu.memref_slice %arg11[%dma_wait3A_152] : memref<4x!tpu.dma_semaphore, #tpu.memory_space<semaphore_mem>> -> memref<1x!tpu.dma_semaphore, #tpu.memory_space<semaphore_mem>>
      %dma_wait3A_167 = tpu.memref_squeeze %dma_wait3A_166 : memref<1x!tpu.dma_semaphore, #tpu.memory_space<semaphore_mem>> -> memref<!tpu.dma_semaphore, #tpu.memory_space<semaphore_mem>>
      tpu.wait_indirect_dma semaphore(%dma_wait3A_167 : memref<!tpu.dma_semaphore, #tpu.memory_space<semaphore_mem>>) src(%dma_wait3A_165 : memref<10000x64xf32, #tpu.memory_space<hbm>>) dst(%dma_wait3A_155 : memref<128x64xf32, #tpu.memory_space<vmem>>)
      "tpu.region"() ({
        %run_scoped3A = tpu.sem_alloc : memref<!tpu.dma_semaphore, #tpu.memory_space<semaphore_mem>>
        %dma_start3A_175 = arith.constant 384 : i32
        %dma_start3A_176 = arith.constant 0 : i32
        %dma_start3A_177 = tpu.memref_slice %arg9[%dma_start3A_175, %dma_start3A_176] : memref<512x64xf32, #tpu.memory_space<vmem>> -> memref<128x64xf32, #tpu.memory_space<vmem>>
        %dma_start3A_178 = arith.constant 0 : i32
        %dma_start3A_179 = tpu.memref_slice %arg8[%add3A_151, %dma_start3A_178] : memref<160x128xi32, #tpu.memory_space<vmem>> -> memref<1x128xi32, #tpu.memory_space<vmem>>
        %dma_start3A_180 = tpu.memref_squeeze %dma_start3A_179 : memref<1x128xi32, #tpu.memory_space<vmem>> -> memref<128xi32, #tpu.memory_space<vmem>>
        %dma_start3A_181 = arith.constant 0 : i32
        %dma_start3A_182 = arith.constant 0 : i32
        %dma_start3A_183 = tpu.memref_slice %arg10[%dma_start3A_181, %dma_start3A_182] : memref<10112x64xf32, #tpu.memory_space<vmem_shared>> -> memref<10112x64xf32, #tpu.memory_space<vmem_shared>>
        tpu.enqueue_indirect_dma source(%dma_start3A_177 : memref<128x64xf32, #tpu.memory_space<vmem>>) target(%dma_start3A_183 : memref<10112x64xf32, #tpu.memory_space<vmem_shared>>) offsets(%dma_start3A_180 : memref<128xi32, #tpu.memory_space<vmem>>) semaphore(%run_scoped3A : memref<!tpu.dma_semaphore, #tpu.memory_space<semaphore_mem>>) {add = true}
        %dma_wait3A_184 = arith.constant 384 : i32
        %dma_wait3A_185 = arith.constant 0 : i32
        %dma_wait3A_186 = tpu.memref_slice %arg9[%dma_wait3A_184, %dma_wait3A_185] : memref<512x64xf32, #tpu.memory_space<vmem>> -> memref<128x64xf32, #tpu.memory_space<vmem>>
        %dma_wait3A_187 = arith.constant 0 : i32
        %dma_wait3A_188 = tpu.memref_slice %arg8[%add3A_151, %dma_wait3A_187] : memref<160x128xi32, #tpu.memory_space<vmem>> -> memref<1x128xi32, #tpu.memory_space<vmem>>
        %dma_wait3A_189 = tpu.memref_squeeze %dma_wait3A_188 : memref<1x128xi32, #tpu.memory_space<vmem>> -> memref<128xi32, #tpu.memory_space<vmem>>
        %dma_wait3A_190 = arith.constant 0 : i32
        %dma_wait3A_191 = arith.constant 0 : i32
        %dma_wait3A_192 = tpu.memref_slice %arg10[%dma_wait3A_190, %dma_wait3A_191] : memref<10112x64xf32, #tpu.memory_space<vmem_shared>> -> memref<10112x64xf32, #tpu.memory_space<vmem_shared>>
        tpu.wait_indirect_dma semaphore(%run_scoped3A : memref<!tpu.dma_semaphore, #tpu.memory_space<semaphore_mem>>) src(%dma_wait3A_186 : memref<128x64xf32, #tpu.memory_space<vmem>>) dst(%dma_wait3A_192 : memref<10112x64xf32, #tpu.memory_space<vmem_shared>>)
        tpu.yield
      }) : () -> ()
      %add3A_168 = arith.constant 4 : i32
      %add3A_169 = arith.addi %add3A_151, %add3A_168 : i32
      %lt3A_170 = arith.constant 160 : i32
      %lt3A_171 = arith.cmpi slt, %add3A_169, %lt3A_170 : i32
      %convert_element_type3A_172 = arith.extui %lt3A_171 : i1 to i32
      %cond3A_173 = arith.constant 0 : i32
      %cond3A_174 = arith.cmpi ne, %convert_element_type3A_172, %cond3A_173 : i32
      scf.if %cond3A_174 {
        %add3A_175 = arith.constant 4 : i32
        %add3A_176 = arith.addi %add3A_151, %add3A_175 : i32
        %dma_start3A_177 = arith.constant 3 : i32
        %dma_start3A_178 = arith.constant 384 : i32
        %dma_start3A_179 = arith.constant 0 : i32
        %dma_start3A_180 = tpu.memref_slice %arg9[%dma_start3A_178, %dma_start3A_179] : memref<512x64xf32, #tpu.memory_space<vmem>> -> memref<128x64xf32, #tpu.memory_space<vmem>>
        %dma_start3A_181 = arith.constant 0 : i32
        %dma_start3A_182 = tpu.memref_slice %arg7[%add3A_176, %dma_start3A_181] : memref<160x128xi32, #tpu.memory_space<vmem>> -> memref<1x128xi32, #tpu.memory_space<vmem>>
        %dma_start3A_183 = tpu.memref_squeeze %dma_start3A_182 : memref<1x128xi32, #tpu.memory_space<vmem>> -> memref<128xi32, #tpu.memory_space<vmem>>
        %dma_start3A_184 = arith.constant 0 : i32
        %dma_start3A_185 = arith.constant 0 : i32
        %dma_start3A_186 = tpu.memref_slice %arg2[%arg0, %dma_start3A_184, %dma_start3A_185] : memref<2x10000x64xf32, #tpu.memory_space<hbm>> -> memref<1x10000x64xf32, #tpu.memory_space<hbm>>
        %dma_start3A_187 = tpu.memref_squeeze %dma_start3A_186 : memref<1x10000x64xf32, #tpu.memory_space<hbm>> -> memref<10000x64xf32, #tpu.memory_space<hbm>>
        %dma_start3A_188 = arith.constant 0 : i32
        %dma_start3A_189 = arith.constant 0 : i32
        %dma_start3A_190 = tpu.memref_slice %dma_start3A_187[%dma_start3A_188, %dma_start3A_189] : memref<10000x64xf32, #tpu.memory_space<hbm>> -> memref<10000x64xf32, #tpu.memory_space<hbm>>
        %dma_start3A_191 = tpu.memref_slice %arg11[%dma_start3A_177] : memref<4x!tpu.dma_semaphore, #tpu.memory_space<semaphore_mem>> -> memref<1x!tpu.dma_semaphore, #tpu.memory_space<semaphore_mem>>
        %dma_start3A_192 = tpu.memref_squeeze %dma_start3A_191 : memref<1x!tpu.dma_semaphore, #tpu.memory_space<semaphore_mem>> -> memref<!tpu.dma_semaphore, #tpu.memory_space<semaphore_mem>>
        tpu.enqueue_indirect_dma source(%dma_start3A_190 : memref<10000x64xf32, #tpu.memory_space<hbm>>) target(%dma_start3A_180 : memref<128x64xf32, #tpu.memory_space<vmem>>) offsets(%dma_start3A_183 : memref<128xi32, #tpu.memory_space<vmem>>) semaphore(%dma_start3A_192 : memref<!tpu.dma_semaphore, #tpu.memory_space<semaphore_mem>>)
      } else {
      }
    }
    %scan3A_71 = arith.constant 40 : i32
    %barrier3A_72 = arith.constant 0 : index
    tpu.barrier barrier_id(%barrier3A_72)
    %mul3A_73 = arith.constant 64 : i32
    %mul3A_74 = arith.muli %arg0, %mul3A_73 : i32
    "tpu.region"() ({
      %run_scoped3A = tpu.sem_alloc : memref<!tpu.dma_semaphore, #tpu.memory_space<semaphore_mem>>
      %dma_start3A_75 = tpu.memref_slice %arg6[%mul3A_0, %mul3A_74] : memref<10112x128xf32, #tpu.memory_space<hbm>> -> memref<632x64xf32, #tpu.memory_space<hbm>>
      %dma_start3A_76 = arith.constant 0 : i32
      %dma_start3A_77 = tpu.memref_slice %arg10[%mul3A_0, %dma_start3A_76] : memref<10112x64xf32, #tpu.memory_space<vmem_shared>> -> memref<632x64xf32, #tpu.memory_space<vmem_shared>>
      tpu.enqueue_dma source(%dma_start3A_77 : memref<632x64xf32, #tpu.memory_space<vmem_shared>>) target(%dma_start3A_75 : memref<632x64xf32, #tpu.memory_space<hbm>>) target_semaphore(%run_scoped3A : memref<!tpu.dma_semaphore, #tpu.memory_space<semaphore_mem>>)
      %dma_wait3A = tpu.memref_slice %arg6[%mul3A_0, %mul3A_74] : memref<10112x128xf32, #tpu.memory_space<hbm>> -> memref<632x64xf32, #tpu.memory_space<hbm>>
      %dma_wait3A_78 = arith.constant 0 : i32
      %dma_wait3A_79 = tpu.memref_slice %arg10[%mul3A_0, %dma_wait3A_78] : memref<10112x64xf32, #tpu.memory_space<vmem_shared>> -> memref<632x64xf32, #tpu.memory_space<vmem_shared>>
      tpu.wait_dma2 semaphore(%run_scoped3A : memref<!tpu.dma_semaphore, #tpu.memory_space<semaphore_mem>>) src(%dma_wait3A_79 : memref<632x64xf32, #tpu.memory_space<vmem_shared>>) dst(%dma_wait3A : memref<632x64xf32, #tpu.memory_space<hbm>>)
      tpu.yield
    }) : () -> ()
    return
  }
}

#map = affine_map<(d0, d1) -> (0, 0, 0)>
#map1 = affine_map<(d0, d1) -> (0, 0)>
module attributes {stable_mosaic.version = 14 : i64} {
  func.func @_deg_kernel_body(%arg0: i32, %arg1: i32, %arg2: memref<16x160x128xi32, #tpu.memory_space<hbm>>, %arg3: memref<128x16xf32, #tpu.memory_space<hbm>>, %arg4: memref<16x632x16xf32, #tpu.memory_space<hbm>>, %arg5: memref<2x10112x16xf32, #tpu.memory_space<hbm>>, %arg6: memref<160x128xi32, #tpu.memory_space<vmem>>, %arg7: memref<128x16xf32, #tpu.memory_space<vmem>>, %arg8: memref<10112x16xf32, #tpu.memory_space<vmem_shared>>, %arg9: memref<!tpu.dma_semaphore, #tpu.memory_space<semaphore_mem>>) attributes {dimension_semantics = [#tpu.dimension_semantics<core_parallel>, #tpu.dimension_semantics<subcore_parallel>], iteration_bounds = array<i64: 2, 16>, scalar_prefetch = 0 : i64, scratch_operands = 4 : i64, tpu.core_type = #tpu.core_type<sc_vector_subcore>, window_params = [{transform_indices = #map}, {transform_indices = #map1}, {transform_indices = #map}, {transform_indices = #map}]} {
    %mul3A = arith.constant 632 : i32
    %mul3A_0 = arith.muli %arg1, %mul3A : i32
    "tpu.region"() ({
      %run_scoped3A = tpu.sem_alloc : memref<!tpu.dma_semaphore, #tpu.memory_space<semaphore_mem>>
      %dma_start3A = arith.constant 0 : i32
      %dma_start3A_6 = tpu.memref_slice %arg8[%mul3A_0, %dma_start3A] : memref<10112x16xf32, #tpu.memory_space<vmem_shared>> -> memref<632x16xf32, #tpu.memory_space<vmem_shared>>
      %dma_start3A_7 = arith.constant 0 : i32
      %dma_start3A_8 = arith.constant 0 : i32
      %dma_start3A_9 = tpu.memref_slice %arg4[%arg1, %dma_start3A_7, %dma_start3A_8] : memref<16x632x16xf32, #tpu.memory_space<hbm>> -> memref<1x632x16xf32, #tpu.memory_space<hbm>>
      %dma_start3A_10 = tpu.memref_squeeze %dma_start3A_9 : memref<1x632x16xf32, #tpu.memory_space<hbm>> -> memref<632x16xf32, #tpu.memory_space<hbm>>
      tpu.enqueue_dma source(%dma_start3A_10 : memref<632x16xf32, #tpu.memory_space<hbm>>) target(%dma_start3A_6 : memref<632x16xf32, #tpu.memory_space<vmem_shared>>) target_semaphore(%run_scoped3A : memref<!tpu.dma_semaphore, #tpu.memory_space<semaphore_mem>>)
      %dma_wait3A = arith.constant 0 : i32
      %dma_wait3A_11 = tpu.memref_slice %arg8[%mul3A_0, %dma_wait3A] : memref<10112x16xf32, #tpu.memory_space<vmem_shared>> -> memref<632x16xf32, #tpu.memory_space<vmem_shared>>
      %dma_wait3A_12 = arith.constant 0 : i32
      %dma_wait3A_13 = arith.constant 0 : i32
      %dma_wait3A_14 = tpu.memref_slice %arg4[%arg1, %dma_wait3A_12, %dma_wait3A_13] : memref<16x632x16xf32, #tpu.memory_space<hbm>> -> memref<1x632x16xf32, #tpu.memory_space<hbm>>
      %dma_wait3A_15 = tpu.memref_squeeze %dma_wait3A_14 : memref<1x632x16xf32, #tpu.memory_space<hbm>> -> memref<632x16xf32, #tpu.memory_space<hbm>>
      tpu.wait_dma2 semaphore(%run_scoped3A : memref<!tpu.dma_semaphore, #tpu.memory_space<semaphore_mem>>) src(%dma_wait3A_15 : memref<632x16xf32, #tpu.memory_space<hbm>>) dst(%dma_wait3A_11 : memref<632x16xf32, #tpu.memory_space<vmem_shared>>)
      tpu.yield
    }) : () -> ()
    "tpu.region"() ({
      %run_scoped3A = tpu.sem_alloc : memref<!tpu.dma_semaphore, #tpu.memory_space<semaphore_mem>>
      tpu.enqueue_dma source(%arg3 : memref<128x16xf32, #tpu.memory_space<hbm>>) target(%arg7 : memref<128x16xf32, #tpu.memory_space<vmem>>) target_semaphore(%run_scoped3A : memref<!tpu.dma_semaphore, #tpu.memory_space<semaphore_mem>>)
      tpu.wait_dma2 semaphore(%run_scoped3A : memref<!tpu.dma_semaphore, #tpu.memory_space<semaphore_mem>>) src(%arg3 : memref<128x16xf32, #tpu.memory_space<hbm>>) dst(%arg7 : memref<128x16xf32, #tpu.memory_space<vmem>>)
      tpu.yield
    }) : () -> ()
    "tpu.region"() ({
      %run_scoped3A = tpu.sem_alloc : memref<!tpu.dma_semaphore, #tpu.memory_space<semaphore_mem>>
      %dma_start3A = arith.constant 0 : i32
      %dma_start3A_6 = arith.constant 0 : i32
      %dma_start3A_7 = tpu.memref_slice %arg2[%arg1, %dma_start3A, %dma_start3A_6] : memref<16x160x128xi32, #tpu.memory_space<hbm>> -> memref<1x160x128xi32, #tpu.memory_space<hbm>>
      %dma_start3A_8 = tpu.memref_squeeze %dma_start3A_7 : memref<1x160x128xi32, #tpu.memory_space<hbm>> -> memref<160x128xi32, #tpu.memory_space<hbm>>
      %dma_start3A_9 = arith.constant 0 : i32
      %dma_start3A_10 = arith.constant 0 : i32
      %dma_start3A_11 = tpu.memref_slice %arg2[%arg1, %dma_start3A_9, %dma_start3A_10] : memref<16x160x128xi32, #tpu.memory_space<hbm>> -> memref<1x160x128xi32, #tpu.memory_space<hbm>>
      %dma_start3A_12 = tpu.memref_squeeze %dma_start3A_11 : memref<1x160x128xi32, #tpu.memory_space<hbm>> -> memref<160x128xi32, #tpu.memory_space<hbm>>
      tpu.enqueue_dma source(%dma_start3A_12 : memref<160x128xi32, #tpu.memory_space<hbm>>) target(%arg6 : memref<160x128xi32, #tpu.memory_space<vmem>>) target_semaphore(%run_scoped3A : memref<!tpu.dma_semaphore, #tpu.memory_space<semaphore_mem>>)
      %dma_wait3A = arith.constant 0 : i32
      %dma_wait3A_13 = arith.constant 0 : i32
      %dma_wait3A_14 = tpu.memref_slice %arg2[%arg1, %dma_wait3A, %dma_wait3A_13] : memref<16x160x128xi32, #tpu.memory_space<hbm>> -> memref<1x160x128xi32, #tpu.memory_space<hbm>>
      %dma_wait3A_15 = tpu.memref_squeeze %dma_wait3A_14 : memref<1x160x128xi32, #tpu.memory_space<hbm>> -> memref<160x128xi32, #tpu.memory_space<hbm>>
      %dma_wait3A_16 = arith.constant 0 : i32
      %dma_wait3A_17 = arith.constant 0 : i32
      %dma_wait3A_18 = tpu.memref_slice %arg2[%arg1, %dma_wait3A_16, %dma_wait3A_17] : memref<16x160x128xi32, #tpu.memory_space<hbm>> -> memref<1x160x128xi32, #tpu.memory_space<hbm>>
      %dma_wait3A_19 = tpu.memref_squeeze %dma_wait3A_18 : memref<1x160x128xi32, #tpu.memory_space<hbm>> -> memref<160x128xi32, #tpu.memory_space<hbm>>
      tpu.wait_dma2 semaphore(%run_scoped3A : memref<!tpu.dma_semaphore, #tpu.memory_space<semaphore_mem>>) src(%dma_wait3A_19 : memref<160x128xi32, #tpu.memory_space<hbm>>) dst(%arg6 : memref<160x128xi32, #tpu.memory_space<vmem>>)
      tpu.yield
    }) : () -> ()
    %barrier3A = arith.constant 0 : index
    tpu.barrier barrier_id(%barrier3A)
    %scan3A = arith.constant 0 : i32
    %scan3A_1 = arith.constant 160 : i32
    %scan3A_2 = arith.addi %scan3A, %scan3A_1 : i32
    %scan3A_3 = arith.constant 1 : i32
    scf.for %scan3A_6 = %scan3A to %scan3A_2 step %scan3A_3  : i32 {
      %mul3A_7 = arith.constant 1 : i32
      %mul3A_8 = arith.muli %scan3A_6, %mul3A_7 : i32
      %add3A = arith.constant 0 : i32
      %add3A_9 = arith.addi %add3A, %mul3A_8 : i32
      "tpu.region"() ({
        %run_scoped3A = tpu.sem_alloc : memref<!tpu.dma_semaphore, #tpu.memory_space<semaphore_mem>>
        %dma_start3A = arith.constant 0 : i32
        %dma_start3A_10 = tpu.memref_slice %arg6[%add3A_9, %dma_start3A] : memref<160x128xi32, #tpu.memory_space<vmem>> -> memref<1x128xi32, #tpu.memory_space<vmem>>
        %dma_start3A_11 = tpu.memref_squeeze %dma_start3A_10 : memref<1x128xi32, #tpu.memory_space<vmem>> -> memref<128xi32, #tpu.memory_space<vmem>>
        %dma_start3A_12 = arith.constant 0 : i32
        %dma_start3A_13 = arith.constant 0 : i32
        %dma_start3A_14 = tpu.memref_slice %arg8[%dma_start3A_12, %dma_start3A_13] : memref<10112x16xf32, #tpu.memory_space<vmem_shared>> -> memref<10112x16xf32, #tpu.memory_space<vmem_shared>>
        tpu.enqueue_indirect_dma source(%arg7 : memref<128x16xf32, #tpu.memory_space<vmem>>) target(%dma_start3A_14 : memref<10112x16xf32, #tpu.memory_space<vmem_shared>>) offsets(%dma_start3A_11 : memref<128xi32, #tpu.memory_space<vmem>>) semaphore(%run_scoped3A : memref<!tpu.dma_semaphore, #tpu.memory_space<semaphore_mem>>) {add = true}
        %dma_wait3A = arith.constant 0 : i32
        %dma_wait3A_15 = tpu.memref_slice %arg6[%add3A_9, %dma_wait3A] : memref<160x128xi32, #tpu.memory_space<vmem>> -> memref<1x128xi32, #tpu.memory_space<vmem>>
        %dma_wait3A_16 = tpu.memref_squeeze %dma_wait3A_15 : memref<1x128xi32, #tpu.memory_space<vmem>> -> memref<128xi32, #tpu.memory_space<vmem>>
        %dma_wait3A_17 = arith.constant 0 : i32
        %dma_wait3A_18 = arith.constant 0 : i32
        %dma_wait3A_19 = tpu.memref_slice %arg8[%dma_wait3A_17, %dma_wait3A_18] : memref<10112x16xf32, #tpu.memory_space<vmem_shared>> -> memref<10112x16xf32, #tpu.memory_space<vmem_shared>>
        tpu.wait_indirect_dma semaphore(%run_scoped3A : memref<!tpu.dma_semaphore, #tpu.memory_space<semaphore_mem>>) src(%arg7 : memref<128x16xf32, #tpu.memory_space<vmem>>) dst(%dma_wait3A_19 : memref<10112x16xf32, #tpu.memory_space<vmem_shared>>)
        tpu.yield
      }) : () -> ()
    }
    %scan3A_4 = arith.constant 160 : i32
    %barrier3A_5 = arith.constant 0 : index
    tpu.barrier barrier_id(%barrier3A_5)
    "tpu.region"() ({
      %run_scoped3A = tpu.sem_alloc : memref<!tpu.dma_semaphore, #tpu.memory_space<semaphore_mem>>
      %dma_start3A = arith.constant 0 : i32
      %dma_start3A_6 = tpu.memref_slice %arg5[%arg0, %mul3A_0, %dma_start3A] : memref<2x10112x16xf32, #tpu.memory_space<hbm>> -> memref<1x632x16xf32, #tpu.memory_space<hbm>>
      %dma_start3A_7 = tpu.memref_squeeze %dma_start3A_6 : memref<1x632x16xf32, #tpu.memory_space<hbm>> -> memref<632x16xf32, #tpu.memory_space<hbm>>
      %dma_start3A_8 = arith.constant 0 : i32
      %dma_start3A_9 = tpu.memref_slice %arg8[%mul3A_0, %dma_start3A_8] : memref<10112x16xf32, #tpu.memory_space<vmem_shared>> -> memref<632x16xf32, #tpu.memory_space<vmem_shared>>
      tpu.enqueue_dma source(%dma_start3A_9 : memref<632x16xf32, #tpu.memory_space<vmem_shared>>) target(%dma_start3A_7 : memref<632x16xf32, #tpu.memory_space<hbm>>) target_semaphore(%run_scoped3A : memref<!tpu.dma_semaphore, #tpu.memory_space<semaphore_mem>>)
      %dma_wait3A = arith.constant 0 : i32
      %dma_wait3A_10 = tpu.memref_slice %arg5[%arg0, %mul3A_0, %dma_wait3A] : memref<2x10112x16xf32, #tpu.memory_space<hbm>> -> memref<1x632x16xf32, #tpu.memory_space<hbm>>
      %dma_wait3A_11 = tpu.memref_squeeze %dma_wait3A_10 : memref<1x632x16xf32, #tpu.memory_space<hbm>> -> memref<632x16xf32, #tpu.memory_space<hbm>>
      %dma_wait3A_12 = arith.constant 0 : i32
      %dma_wait3A_13 = tpu.memref_slice %arg8[%mul3A_0, %dma_wait3A_12] : memref<10112x16xf32, #tpu.memory_space<vmem_shared>> -> memref<632x16xf32, #tpu.memory_space<vmem_shared>>
      tpu.wait_dma2 semaphore(%run_scoped3A : memref<!tpu.dma_semaphore, #tpu.memory_space<semaphore_mem>>) src(%dma_wait3A_13 : memref<632x16xf32, #tpu.memory_space<vmem_shared>>) dst(%dma_wait3A_11 : memref<632x16xf32, #tpu.memory_space<hbm>>)
      tpu.yield
    }) : () -> ()
    return
  }
}

#map = affine_map<(d0, d1) -> (0, 0, 0)>
#map1 = affine_map<(d0, d1) -> (0, 0)>
module attributes {stable_mosaic.version = 14 : i64} {
  func.func @_agg_kernel_body(%arg0: i32, %arg1: i32, %arg2: memref<2x10000x64xf32, #tpu.memory_space<hbm>>, %arg3: memref<16x160x128xi32, #tpu.memory_space<hbm>>, %arg4: memref<16x160x128xi32, #tpu.memory_space<hbm>>, %arg5: memref<16x632x64xf32, #tpu.memory_space<hbm>>, %arg6: memref<10112x128xf32, #tpu.memory_space<hbm>>, %arg7: memref<160x128xi32, #tpu.memory_space<vmem>>, %arg8: memref<160x128xi32, #tpu.memory_space<vmem>>, %arg9: memref<512x64xf32, #tpu.memory_space<vmem>>, %arg10: memref<10112x64xf32, #tpu.memory_space<vmem_shared>>, %arg11: memref<4x!tpu.dma_semaphore, #tpu.memory_space<semaphore_mem>>) attributes {dimension_semantics = [#tpu.dimension_semantics<core_parallel>, #tpu.dimension_semantics<subcore_parallel>], iteration_bounds = array<i64: 2, 16>, scalar_prefetch = 0 : i64, scratch_operands = 5 : i64, tpu.core_type = #tpu.core_type<sc_vector_subcore>, window_params = [{transform_indices = #map}, {transform_indices = #map}, {transform_indices = #map}, {transform_indices = #map}, {transform_indices = #map1}]} {
    %mul3A = arith.constant 632 : i32
    %mul3A_0 = arith.muli %arg1, %mul3A : i32
    "tpu.region"() ({
      %run_scoped3A = tpu.sem_alloc : memref<!tpu.dma_semaphore, #tpu.memory_space<semaphore_mem>>
      %dma_start3A_75 = arith.constant 0 : i32
      %dma_start3A_76 = tpu.memref_slice %arg10[%mul3A_0, %dma_start3A_75] : memref<10112x64xf32, #tpu.memory_space<vmem_shared>> -> memref<632x64xf32, #tpu.memory_space<vmem_shared>>
      %dma_start3A_77 = arith.constant 0 : i32
      %dma_start3A_78 = arith.constant 0 : i32
      %dma_start3A_79 = tpu.memref_slice %arg5[%arg1, %dma_start3A_77, %dma_start3A_78] : memref<16x632x64xf32, #tpu.memory_space<hbm>> -> memref<1x632x64xf32, #tpu.memory_space<hbm>>
      %dma_start3A_80 = tpu.memref_squeeze %dma_start3A_79 : memref<1x632x64xf32, #tpu.memory_space<hbm>> -> memref<632x64xf32, #tpu.memory_space<hbm>>
      tpu.enqueue_dma source(%dma_start3A_80 : memref<632x64xf32, #tpu.memory_space<hbm>>) target(%dma_start3A_76 : memref<632x64xf32, #tpu.memory_space<vmem_shared>>) target_semaphore(%run_scoped3A : memref<!tpu.dma_semaphore, #tpu.memory_space<semaphore_mem>>)
      %dma_wait3A = arith.constant 0 : i32
      %dma_wait3A_81 = tpu.memref_slice %arg10[%mul3A_0, %dma_wait3A] : memref<10112x64xf32, #tpu.memory_space<vmem_shared>> -> memref<632x64xf32, #tpu.memory_space<vmem_shared>>
      %dma_wait3A_82 = arith.constant 0 : i32
      %dma_wait3A_83 = arith.constant 0 : i32
      %dma_wait3A_84 = tpu.memref_slice %arg5[%arg1, %dma_wait3A_82, %dma_wait3A_83] : memref<16x632x64xf32, #tpu.memory_space<hbm>> -> memref<1x632x64xf32, #tpu.memory_space<hbm>>
      %dma_wait3A_85 = tpu.memref_squeeze %dma_wait3A_84 : memref<1x632x64xf32, #tpu.memory_space<hbm>> -> memref<632x64xf32, #tpu.memory_space<hbm>>
      tpu.wait_dma2 semaphore(%run_scoped3A : memref<!tpu.dma_semaphore, #tpu.memory_space<semaphore_mem>>) src(%dma_wait3A_85 : memref<632x64xf32, #tpu.memory_space<hbm>>) dst(%dma_wait3A_81 : memref<632x64xf32, #tpu.memory_space<vmem_shared>>)
      tpu.yield
    }) : () -> ()
    "tpu.region"() ({
      %run_scoped3A = tpu.sem_alloc : memref<!tpu.dma_semaphore, #tpu.memory_space<semaphore_mem>>
      %dma_start3A_75 = arith.constant 0 : i32
      %dma_start3A_76 = arith.constant 0 : i32
      %dma_start3A_77 = tpu.memref_slice %arg3[%arg1, %dma_start3A_75, %dma_start3A_76] : memref<16x160x128xi32, #tpu.memory_space<hbm>> -> memref<1x160x128xi32, #tpu.memory_space<hbm>>
      %dma_start3A_78 = tpu.memref_squeeze %dma_start3A_77 : memref<1x160x128xi32, #tpu.memory_space<hbm>> -> memref<160x128xi32, #tpu.memory_space<hbm>>
      %dma_start3A_79 = arith.constant 0 : i32
      %dma_start3A_80 = arith.constant 0 : i32
      %dma_start3A_81 = tpu.memref_slice %arg3[%arg1, %dma_start3A_79, %dma_start3A_80] : memref<16x160x128xi32, #tpu.memory_space<hbm>> -> memref<1x160x128xi32, #tpu.memory_space<hbm>>
      %dma_start3A_82 = tpu.memref_squeeze %dma_start3A_81 : memref<1x160x128xi32, #tpu.memory_space<hbm>> -> memref<160x128xi32, #tpu.memory_space<hbm>>
      tpu.enqueue_dma source(%dma_start3A_82 : memref<160x128xi32, #tpu.memory_space<hbm>>) target(%arg7 : memref<160x128xi32, #tpu.memory_space<vmem>>) target_semaphore(%run_scoped3A : memref<!tpu.dma_semaphore, #tpu.memory_space<semaphore_mem>>)
      %dma_wait3A = arith.constant 0 : i32
      %dma_wait3A_83 = arith.constant 0 : i32
      %dma_wait3A_84 = tpu.memref_slice %arg3[%arg1, %dma_wait3A, %dma_wait3A_83] : memref<16x160x128xi32, #tpu.memory_space<hbm>> -> memref<1x160x128xi32, #tpu.memory_space<hbm>>
      %dma_wait3A_85 = tpu.memref_squeeze %dma_wait3A_84 : memref<1x160x128xi32, #tpu.memory_space<hbm>> -> memref<160x128xi32, #tpu.memory_space<hbm>>
      %dma_wait3A_86 = arith.constant 0 : i32
      %dma_wait3A_87 = arith.constant 0 : i32
      %dma_wait3A_88 = tpu.memref_slice %arg3[%arg1, %dma_wait3A_86, %dma_wait3A_87] : memref<16x160x128xi32, #tpu.memory_space<hbm>> -> memref<1x160x128xi32, #tpu.memory_space<hbm>>
      %dma_wait3A_89 = tpu.memref_squeeze %dma_wait3A_88 : memref<1x160x128xi32, #tpu.memory_space<hbm>> -> memref<160x128xi32, #tpu.memory_space<hbm>>
      tpu.wait_dma2 semaphore(%run_scoped3A : memref<!tpu.dma_semaphore, #tpu.memory_space<semaphore_mem>>) src(%dma_wait3A_89 : memref<160x128xi32, #tpu.memory_space<hbm>>) dst(%arg7 : memref<160x128xi32, #tpu.memory_space<vmem>>)
      tpu.yield
    }) : () -> ()
    "tpu.region"() ({
      %run_scoped3A = tpu.sem_alloc : memref<!tpu.dma_semaphore, #tpu.memory_space<semaphore_mem>>
      %dma_start3A_75 = arith.constant 0 : i32
      %dma_start3A_76 = arith.constant 0 : i32
      %dma_start3A_77 = tpu.memref_slice %arg4[%arg1, %dma_start3A_75, %dma_start3A_76] : memref<16x160x128xi32, #tpu.memory_space<hbm>> -> memref<1x160x128xi32, #tpu.memory_space<hbm>>
      %dma_start3A_78 = tpu.memref_squeeze %dma_start3A_77 : memref<1x160x128xi32, #tpu.memory_space<hbm>> -> memref<160x128xi32, #tpu.memory_space<hbm>>
      %dma_start3A_79 = arith.constant 0 : i32
      %dma_start3A_80 = arith.constant 0 : i32
      %dma_start3A_81 = tpu.memref_slice %arg4[%arg1, %dma_start3A_79, %dma_start3A_80] : memref<16x160x128xi32, #tpu.memory_space<hbm>> -> memref<1x160x128xi32, #tpu.memory_space<hbm>>
      %dma_start3A_82 = tpu.memref_squeeze %dma_start3A_81 : memref<1x160x128xi32, #tpu.memory_space<hbm>> -> memref<160x128xi32, #tpu.memory_space<hbm>>
      tpu.enqueue_dma source(%dma_start3A_82 : memref<160x128xi32, #tpu.memory_space<hbm>>) target(%arg8 : memref<160x128xi32, #tpu.memory_space<vmem>>) target_semaphore(%run_scoped3A : memref<!tpu.dma_semaphore, #tpu.memory_space<semaphore_mem>>)
      %dma_wait3A = arith.constant 0 : i32
      %dma_wait3A_83 = arith.constant 0 : i32
      %dma_wait3A_84 = tpu.memref_slice %arg4[%arg1, %dma_wait3A, %dma_wait3A_83] : memref<16x160x128xi32, #tpu.memory_space<hbm>> -> memref<1x160x128xi32, #tpu.memory_space<hbm>>
      %dma_wait3A_85 = tpu.memref_squeeze %dma_wait3A_84 : memref<1x160x128xi32, #tpu.memory_space<hbm>> -> memref<160x128xi32, #tpu.memory_space<hbm>>
      %dma_wait3A_86 = arith.constant 0 : i32
      %dma_wait3A_87 = arith.constant 0 : i32
      %dma_wait3A_88 = tpu.memref_slice %arg4[%arg1, %dma_wait3A_86, %dma_wait3A_87] : memref<16x160x128xi32, #tpu.memory_space<hbm>> -> memref<1x160x128xi32, #tpu.memory_space<hbm>>
      %dma_wait3A_89 = tpu.memref_squeeze %dma_wait3A_88 : memref<1x160x128xi32, #tpu.memory_space<hbm>> -> memref<160x128xi32, #tpu.memory_space<hbm>>
      tpu.wait_dma2 semaphore(%run_scoped3A : memref<!tpu.dma_semaphore, #tpu.memory_space<semaphore_mem>>) src(%dma_wait3A_89 : memref<160x128xi32, #tpu.memory_space<hbm>>) dst(%arg8 : memref<160x128xi32, #tpu.memory_space<vmem>>)
      tpu.yield
    }) : () -> ()
    %barrier3A = arith.constant 0 : index
    tpu.barrier barrier_id(%barrier3A)
    %dma_start3A = arith.constant 0 : i32
    %dma_start3A_1 = arith.constant 0 : i32
    %dma_start3A_2 = arith.constant 0 : i32
    %dma_start3A_3 = arith.constant 0 : i32
    %dma_start3A_4 = tpu.memref_slice %arg9[%dma_start3A_2, %dma_start3A_3] : memref<512x64xf32, #tpu.memory_space<vmem>> -> memref<128x64xf32, #tpu.memory_space<vmem>>
    %dma_start3A_5 = arith.constant 0 : i32
    %dma_start3A_6 = tpu.memref_slice %arg7[%dma_start3A, %dma_start3A_5] : memref<160x128xi32, #tpu.memory_space<vmem>> -> memref<1x128xi32, #tpu.memory_space<vmem>>
    %dma_start3A_7 = tpu.memref_squeeze %dma_start3A_6 : memref<1x128xi32, #tpu.memory_space<vmem>> -> memref<128xi32, #tpu.memory_space<vmem>>
    %dma_start3A_8 = arith.constant 0 : i32
    %dma_start3A_9 = arith.constant 0 : i32
    %dma_start3A_10 = tpu.memref_slice %arg2[%arg0, %dma_start3A_8, %dma_start3A_9] : memref<2x10000x64xf32, #tpu.memory_space<hbm>> -> memref<1x10000x64xf32, #tpu.memory_space<hbm>>
    %dma_start3A_11 = tpu.memref_squeeze %dma_start3A_10 : memref<1x10000x64xf32, #tpu.memory_space<hbm>> -> memref<10000x64xf32, #tpu.memory_space<hbm>>
    %dma_start3A_12 = arith.constant 0 : i32
    %dma_start3A_13 = arith.constant 0 : i32
    %dma_start3A_14 = tpu.memref_slice %dma_start3A_11[%dma_start3A_12, %dma_start3A_13] : memref<10000x64xf32, #tpu.memory_space<hbm>> -> memref<10000x64xf32, #tpu.memory_space<hbm>>
    %dma_start3A_15 = tpu.memref_slice %arg11[%dma_start3A_1] : memref<4x!tpu.dma_semaphore, #tpu.memory_space<semaphore_mem>> -> memref<1x!tpu.dma_semaphore, #tpu.memory_space<semaphore_mem>>
    %dma_start3A_16 = tpu.memref_squeeze %dma_start3A_15 : memref<1x!tpu.dma_semaphore, #tpu.memory_space<semaphore_mem>> -> memref<!tpu.dma_semaphore, #tpu.memory_space<semaphore_mem>>
    tpu.enqueue_indirect_dma source(%dma_start3A_14 : memref<10000x64xf32, #tpu.memory_space<hbm>>) target(%dma_start3A_4 : memref<128x64xf32, #tpu.memory_space<vmem>>) offsets(%dma_start3A_7 : memref<128xi32, #tpu.memory_space<vmem>>) semaphore(%dma_start3A_16 : memref<!tpu.dma_semaphore, #tpu.memory_space<semaphore_mem>>)
    %dma_start3A_17 = arith.constant 1 : i32
    %dma_start3A_18 = arith.constant 1 : i32
    %dma_start3A_19 = arith.constant 128 : i32
    %dma_start3A_20 = arith.constant 0 : i32
    %dma_start3A_21 = tpu.memref_slice %arg9[%dma_start3A_19, %dma_start3A_20] : memref<512x64xf32, #tpu.memory_space<vmem>> -> memref<128x64xf32, #tpu.memory_space<vmem>>
    %dma_start3A_22 = arith.constant 0 : i32
    %dma_start3A_23 = tpu.memref_slice %arg7[%dma_start3A_17, %dma_start3A_22] : memref<160x128xi32, #tpu.memory_space<vmem>> -> memref<1x128xi32, #tpu.memory_space<vmem>>
    %dma_start3A_24 = tpu.memref_squeeze %dma_start3A_23 : memref<1x128xi32, #tpu.memory_space<vmem>> -> memref<128xi32, #tpu.memory_space<vmem>>
    %dma_start3A_25 = arith.constant 0 : i32
    %dma_start3A_26 = arith.constant 0 : i32
    %dma_start3A_27 = tpu.memref_slice %arg2[%arg0, %dma_start3A_25, %dma_start3A_26] : memref<2x10000x64xf32, #tpu.memory_space<hbm>> -> memref<1x10000x64xf32, #tpu.memory_space<hbm>>
    %dma_start3A_28 = tpu.memref_squeeze %dma_start3A_27 : memref<1x10000x64xf32, #tpu.memory_space<hbm>> -> memref<10000x64xf32, #tpu.memory_space<hbm>>
    %dma_start3A_29 = arith.constant 0 : i32
    %dma_start3A_30 = arith.constant 0 : i32
    %dma_start3A_31 = tpu.memref_slice %dma_start3A_28[%dma_start3A_29, %dma_start3A_30] : memref<10000x64xf32, #tpu.memory_space<hbm>> -> memref<10000x64xf32, #tpu.memory_space<hbm>>
    %dma_start3A_32 = tpu.memref_slice %arg11[%dma_start3A_18] : memref<4x!tpu.dma_semaphore, #tpu.memory_space<semaphore_mem>> -> memref<1x!tpu.dma_semaphore, #tpu.memory_space<semaphore_mem>>
    %dma_start3A_33 = tpu.memref_squeeze %dma_start3A_32 : memref<1x!tpu.dma_semaphore, #tpu.memory_space<semaphore_mem>> -> memref<!tpu.dma_semaphore, #tpu.memory_space<semaphore_mem>>
    tpu.enqueue_indirect_dma source(%dma_start3A_31 : memref<10000x64xf32, #tpu.memory_space<hbm>>) target(%dma_start3A_21 : memref<128x64xf32, #tpu.memory_space<vmem>>) offsets(%dma_start3A_24 : memref<128xi32, #tpu.memory_space<vmem>>) semaphore(%dma_start3A_33 : memref<!tpu.dma_semaphore, #tpu.memory_space<semaphore_mem>>)
    %dma_start3A_34 = arith.constant 2 : i32
    %dma_start3A_35 = arith.constant 2 : i32
    %dma_start3A_36 = arith.constant 256 : i32
    %dma_start3A_37 = arith.constant 0 : i32
    %dma_start3A_38 = tpu.memref_slice %arg9[%dma_start3A_36, %dma_start3A_37] : memref<512x64xf32, #tpu.memory_space<vmem>> -> memref<128x64xf32, #tpu.memory_space<vmem>>
    %dma_start3A_39 = arith.constant 0 : i32
    %dma_start3A_40 = tpu.memref_slice %arg7[%dma_start3A_34, %dma_start3A_39] : memref<160x128xi32, #tpu.memory_space<vmem>> -> memref<1x128xi32, #tpu.memory_space<vmem>>
    %dma_start3A_41 = tpu.memref_squeeze %dma_start3A_40 : memref<1x128xi32, #tpu.memory_space<vmem>> -> memref<128xi32, #tpu.memory_space<vmem>>
    %dma_start3A_42 = arith.constant 0 : i32
    %dma_start3A_43 = arith.constant 0 : i32
    %dma_start3A_44 = tpu.memref_slice %arg2[%arg0, %dma_start3A_42, %dma_start3A_43] : memref<2x10000x64xf32, #tpu.memory_space<hbm>> -> memref<1x10000x64xf32, #tpu.memory_space<hbm>>
    %dma_start3A_45 = tpu.memref_squeeze %dma_start3A_44 : memref<1x10000x64xf32, #tpu.memory_space<hbm>> -> memref<10000x64xf32, #tpu.memory_space<hbm>>
    %dma_start3A_46 = arith.constant 0 : i32
    %dma_start3A_47 = arith.constant 0 : i32
    %dma_start3A_48 = tpu.memref_slice %dma_start3A_45[%dma_start3A_46, %dma_start3A_47] : memref<10000x64xf32, #tpu.memory_space<hbm>> -> memref<10000x64xf32, #tpu.memory_space<hbm>>
    %dma_start3A_49 = tpu.memref_slice %arg11[%dma_start3A_35] : memref<4x!tpu.dma_semaphore, #tpu.memory_space<semaphore_mem>> -> memref<1x!tpu.dma_semaphore, #tpu.memory_space<semaphore_mem>>
    %dma_start3A_50 = tpu.memref_squeeze %dma_start3A_49 : memref<1x!tpu.dma_semaphore, #tpu.memory_space<semaphore_mem>> -> memref<!tpu.dma_semaphore, #tpu.memory_space<semaphore_mem>>
    tpu.enqueue_indirect_dma source(%dma_start3A_48 : memref<10000x64xf32, #tpu.memory_space<hbm>>) target(%dma_start3A_38 : memref<128x64xf32, #tpu.memory_space<vmem>>) offsets(%dma_start3A_41 : memref<128xi32, #tpu.memory_space<vmem>>) semaphore(%dma_start3A_50 : memref<!tpu.dma_semaphore, #tpu.memory_space<semaphore_mem>>)
    %dma_start3A_51 = arith.constant 3 : i32
    %dma_start3A_52 = arith.constant 3 : i32
    %dma_start3A_53 = arith.constant 384 : i32
    %dma_start3A_54 = arith.constant 0 : i32
    %dma_start3A_55 = tpu.memref_slice %arg9[%dma_start3A_53, %dma_start3A_54] : memref<512x64xf32, #tpu.memory_space<vmem>> -> memref<128x64xf32, #tpu.memory_space<vmem>>
    %dma_start3A_56 = arith.constant 0 : i32
    %dma_start3A_57 = tpu.memref_slice %arg7[%dma_start3A_51, %dma_start3A_56] : memref<160x128xi32, #tpu.memory_space<vmem>> -> memref<1x128xi32, #tpu.memory_space<vmem>>
    %dma_start3A_58 = tpu.memref_squeeze %dma_start3A_57 : memref<1x128xi32, #tpu.memory_space<vmem>> -> memref<128xi32, #tpu.memory_space<vmem>>
    %dma_start3A_59 = arith.constant 0 : i32
    %dma_start3A_60 = arith.constant 0 : i32
    %dma_start3A_61 = tpu.memref_slice %arg2[%arg0, %dma_start3A_59, %dma_start3A_60] : memref<2x10000x64xf32, #tpu.memory_space<hbm>> -> memref<1x10000x64xf32, #tpu.memory_space<hbm>>
    %dma_start3A_62 = tpu.memref_squeeze %dma_start3A_61 : memref<1x10000x64xf32, #tpu.memory_space<hbm>> -> memref<10000x64xf32, #tpu.memory_space<hbm>>
    %dma_start3A_63 = arith.constant 0 : i32
    %dma_start3A_64 = arith.constant 0 : i32
    %dma_start3A_65 = tpu.memref_slice %dma_start3A_62[%dma_start3A_63, %dma_start3A_64] : memref<10000x64xf32, #tpu.memory_space<hbm>> -> memref<10000x64xf32, #tpu.memory_space<hbm>>
    %dma_start3A_66 = tpu.memref_slice %arg11[%dma_start3A_52] : memref<4x!tpu.dma_semaphore, #tpu.memory_space<semaphore_mem>> -> memref<1x!tpu.dma_semaphore, #tpu.memory_space<semaphore_mem>>
    %dma_start3A_67 = tpu.memref_squeeze %dma_start3A_66 : memref<1x!tpu.dma_semaphore, #tpu.memory_space<semaphore_mem>> -> memref<!tpu.dma_semaphore, #tpu.memory_space<semaphore_mem>>
    tpu.enqueue_indirect_dma source(%dma_start3A_65 : memref<10000x64xf32, #tpu.memory_space<hbm>>) target(%dma_start3A_55 : memref<128x64xf32, #tpu.memory_space<vmem>>) offsets(%dma_start3A_58 : memref<128xi32, #tpu.memory_space<vmem>>) semaphore(%dma_start3A_67 : memref<!tpu.dma_semaphore, #tpu.memory_space<semaphore_mem>>)
    %scan3A = arith.constant 0 : i32
    %scan3A_68 = arith.constant 40 : i32
    %scan3A_69 = arith.addi %scan3A, %scan3A_68 : i32
    %scan3A_70 = arith.constant 1 : i32
    scf.for %scan3A_75 = %scan3A to %scan3A_69 step %scan3A_70  : i32 {
      %mul3A_76 = arith.constant 4 : i32
      %mul3A_77 = arith.muli %scan3A_75, %mul3A_76 : i32
      %add3A = arith.constant 0 : i32
      %add3A_78 = arith.addi %add3A, %mul3A_77 : i32
      %add3A_79 = arith.constant 0 : i32
      %add3A_80 = arith.addi %add3A_78, %add3A_79 : i32
      %dma_wait3A = arith.constant 0 : i32
      %dma_wait3A_81 = arith.constant 0 : i32
      %dma_wait3A_82 = arith.constant 0 : i32
      %dma_wait3A_83 = tpu.memref_slice %arg9[%dma_wait3A_81, %dma_wait3A_82] : memref<512x64xf32, #tpu.memory_space<vmem>> -> memref<128x64xf32, #tpu.memory_space<vmem>>
      %dma_wait3A_84 = arith.constant 0 : i32
      %dma_wait3A_85 = tpu.memref_slice %arg7[%add3A_80, %dma_wait3A_84] : memref<160x128xi32, #tpu.memory_space<vmem>> -> memref<1x128xi32, #tpu.memory_space<vmem>>
      %dma_wait3A_86 = tpu.memref_squeeze %dma_wait3A_85 : memref<1x128xi32, #tpu.memory_space<vmem>> -> memref<128xi32, #tpu.memory_space<vmem>>
      %dma_wait3A_87 = arith.constant 0 : i32
      %dma_wait3A_88 = arith.constant 0 : i32
      %dma_wait3A_89 = tpu.memref_slice %arg2[%arg0, %dma_wait3A_87, %dma_wait3A_88] : memref<2x10000x64xf32, #tpu.memory_space<hbm>> -> memref<1x10000x64xf32, #tpu.memory_space<hbm>>
      %dma_wait3A_90 = tpu.memref_squeeze %dma_wait3A_89 : memref<1x10000x64xf32, #tpu.memory_space<hbm>> -> memref<10000x64xf32, #tpu.memory_space<hbm>>
      %dma_wait3A_91 = arith.constant 0 : i32
      %dma_wait3A_92 = arith.constant 0 : i32
      %dma_wait3A_93 = tpu.memref_slice %dma_wait3A_90[%dma_wait3A_91, %dma_wait3A_92] : memref<10000x64xf32, #tpu.memory_space<hbm>> -> memref<10000x64xf32, #tpu.memory_space<hbm>>
      %dma_wait3A_94 = tpu.memref_slice %arg11[%dma_wait3A] : memref<4x!tpu.dma_semaphore, #tpu.memory_space<semaphore_mem>> -> memref<1x!tpu.dma_semaphore, #tpu.memory_space<semaphore_mem>>
      %dma_wait3A_95 = tpu.memref_squeeze %dma_wait3A_94 : memref<1x!tpu.dma_semaphore, #tpu.memory_space<semaphore_mem>> -> memref<!tpu.dma_semaphore, #tpu.memory_space<semaphore_mem>>
      tpu.wait_indirect_dma semaphore(%dma_wait3A_95 : memref<!tpu.dma_semaphore, #tpu.memory_space<semaphore_mem>>) src(%dma_wait3A_93 : memref<10000x64xf32, #tpu.memory_space<hbm>>) dst(%dma_wait3A_83 : memref<128x64xf32, #tpu.memory_space<vmem>>)
      "tpu.region"() ({
        %run_scoped3A = tpu.sem_alloc : memref<!tpu.dma_semaphore, #tpu.memory_space<semaphore_mem>>
        %dma_start3A_175 = arith.constant 0 : i32
        %dma_start3A_176 = arith.constant 0 : i32
        %dma_start3A_177 = tpu.memref_slice %arg9[%dma_start3A_175, %dma_start3A_176] : memref<512x64xf32, #tpu.memory_space<vmem>> -> memref<128x64xf32, #tpu.memory_space<vmem>>
        %dma_start3A_178 = arith.constant 0 : i32
        %dma_start3A_179 = tpu.memref_slice %arg8[%add3A_80, %dma_start3A_178] : memref<160x128xi32, #tpu.memory_space<vmem>> -> memref<1x128xi32, #tpu.memory_space<vmem>>
        %dma_start3A_180 = tpu.memref_squeeze %dma_start3A_179 : memref<1x128xi32, #tpu.memory_space<vmem>> -> memref<128xi32, #tpu.memory_space<vmem>>
        %dma_start3A_181 = arith.constant 0 : i32
        %dma_start3A_182 = arith.constant 0 : i32
        %dma_start3A_183 = tpu.memref_slice %arg10[%dma_start3A_181, %dma_start3A_182] : memref<10112x64xf32, #tpu.memory_space<vmem_shared>> -> memref<10112x64xf32, #tpu.memory_space<vmem_shared>>
        tpu.enqueue_indirect_dma source(%dma_start3A_177 : memref<128x64xf32, #tpu.memory_space<vmem>>) target(%dma_start3A_183 : memref<10112x64xf32, #tpu.memory_space<vmem_shared>>) offsets(%dma_start3A_180 : memref<128xi32, #tpu.memory_space<vmem>>) semaphore(%run_scoped3A : memref<!tpu.dma_semaphore, #tpu.memory_space<semaphore_mem>>) {add = true}
        %dma_wait3A_184 = arith.constant 0 : i32
        %dma_wait3A_185 = arith.constant 0 : i32
        %dma_wait3A_186 = tpu.memref_slice %arg9[%dma_wait3A_184, %dma_wait3A_185] : memref<512x64xf32, #tpu.memory_space<vmem>> -> memref<128x64xf32, #tpu.memory_space<vmem>>
        %dma_wait3A_187 = arith.constant 0 : i32
        %dma_wait3A_188 = tpu.memref_slice %arg8[%add3A_80, %dma_wait3A_187] : memref<160x128xi32, #tpu.memory_space<vmem>> -> memref<1x128xi32, #tpu.memory_space<vmem>>
        %dma_wait3A_189 = tpu.memref_squeeze %dma_wait3A_188 : memref<1x128xi32, #tpu.memory_space<vmem>> -> memref<128xi32, #tpu.memory_space<vmem>>
        %dma_wait3A_190 = arith.constant 0 : i32
        %dma_wait3A_191 = arith.constant 0 : i32
        %dma_wait3A_192 = tpu.memref_slice %arg10[%dma_wait3A_190, %dma_wait3A_191] : memref<10112x64xf32, #tpu.memory_space<vmem_shared>> -> memref<10112x64xf32, #tpu.memory_space<vmem_shared>>
        tpu.wait_indirect_dma semaphore(%run_scoped3A : memref<!tpu.dma_semaphore, #tpu.memory_space<semaphore_mem>>) src(%dma_wait3A_186 : memref<128x64xf32, #tpu.memory_space<vmem>>) dst(%dma_wait3A_192 : memref<10112x64xf32, #tpu.memory_space<vmem_shared>>)
        tpu.yield
      }) : () -> ()
      %add3A_96 = arith.constant 4 : i32
      %add3A_97 = arith.addi %add3A_80, %add3A_96 : i32
      %lt3A = arith.constant 160 : i32
      %lt3A_98 = arith.cmpi slt, %add3A_97, %lt3A : i32
      %convert_element_type3A = arith.extui %lt3A_98 : i1 to i32
      %cond3A = arith.constant 0 : i32
      %cond3A_99 = arith.cmpi ne, %convert_element_type3A, %cond3A : i32
      scf.if %cond3A_99 {
        %add3A_175 = arith.constant 4 : i32
        %add3A_176 = arith.addi %add3A_80, %add3A_175 : i32
        %dma_start3A_177 = arith.constant 0 : i32
        %dma_start3A_178 = arith.constant 0 : i32
        %dma_start3A_179 = arith.constant 0 : i32
        %dma_start3A_180 = tpu.memref_slice %arg9[%dma_start3A_178, %dma_start3A_179] : memref<512x64xf32, #tpu.memory_space<vmem>> -> memref<128x64xf32, #tpu.memory_space<vmem>>
        %dma_start3A_181 = arith.constant 0 : i32
        %dma_start3A_182 = tpu.memref_slice %arg7[%add3A_176, %dma_start3A_181] : memref<160x128xi32, #tpu.memory_space<vmem>> -> memref<1x128xi32, #tpu.memory_space<vmem>>
        %dma_start3A_183 = tpu.memref_squeeze %dma_start3A_182 : memref<1x128xi32, #tpu.memory_space<vmem>> -> memref<128xi32, #tpu.memory_space<vmem>>
        %dma_start3A_184 = arith.constant 0 : i32
        %dma_start3A_185 = arith.constant 0 : i32
        %dma_start3A_186 = tpu.memref_slice %arg2[%arg0, %dma_start3A_184, %dma_start3A_185] : memref<2x10000x64xf32, #tpu.memory_space<hbm>> -> memref<1x10000x64xf32, #tpu.memory_space<hbm>>
        %dma_start3A_187 = tpu.memref_squeeze %dma_start3A_186 : memref<1x10000x64xf32, #tpu.memory_space<hbm>> -> memref<10000x64xf32, #tpu.memory_space<hbm>>
        %dma_start3A_188 = arith.constant 0 : i32
        %dma_start3A_189 = arith.constant 0 : i32
        %dma_start3A_190 = tpu.memref_slice %dma_start3A_187[%dma_start3A_188, %dma_start3A_189] : memref<10000x64xf32, #tpu.memory_space<hbm>> -> memref<10000x64xf32, #tpu.memory_space<hbm>>
        %dma_start3A_191 = tpu.memref_slice %arg11[%dma_start3A_177] : memref<4x!tpu.dma_semaphore, #tpu.memory_space<semaphore_mem>> -> memref<1x!tpu.dma_semaphore, #tpu.memory_space<semaphore_mem>>
        %dma_start3A_192 = tpu.memref_squeeze %dma_start3A_191 : memref<1x!tpu.dma_semaphore, #tpu.memory_space<semaphore_mem>> -> memref<!tpu.dma_semaphore, #tpu.memory_space<semaphore_mem>>
        tpu.enqueue_indirect_dma source(%dma_start3A_190 : memref<10000x64xf32, #tpu.memory_space<hbm>>) target(%dma_start3A_180 : memref<128x64xf32, #tpu.memory_space<vmem>>) offsets(%dma_start3A_183 : memref<128xi32, #tpu.memory_space<vmem>>) semaphore(%dma_start3A_192 : memref<!tpu.dma_semaphore, #tpu.memory_space<semaphore_mem>>)
      } else {
      }
      %add3A_100 = arith.constant 1 : i32
      %add3A_101 = arith.addi %add3A_78, %add3A_100 : i32
      %dma_wait3A_102 = arith.constant 1 : i32
      %dma_wait3A_103 = arith.constant 128 : i32
      %dma_wait3A_104 = arith.constant 0 : i32
      %dma_wait3A_105 = tpu.memref_slice %arg9[%dma_wait3A_103, %dma_wait3A_104] : memref<512x64xf32, #tpu.memory_space<vmem>> -> memref<128x64xf32, #tpu.memory_space<vmem>>
      %dma_wait3A_106 = arith.constant 0 : i32
      %dma_wait3A_107 = tpu.memref_slice %arg7[%add3A_101, %dma_wait3A_106] : memref<160x128xi32, #tpu.memory_space<vmem>> -> memref<1x128xi32, #tpu.memory_space<vmem>>
      %dma_wait3A_108 = tpu.memref_squeeze %dma_wait3A_107 : memref<1x128xi32, #tpu.memory_space<vmem>> -> memref<128xi32, #tpu.memory_space<vmem>>
      %dma_wait3A_109 = arith.constant 0 : i32
      %dma_wait3A_110 = arith.constant 0 : i32
      %dma_wait3A_111 = tpu.memref_slice %arg2[%arg0, %dma_wait3A_109, %dma_wait3A_110] : memref<2x10000x64xf32, #tpu.memory_space<hbm>> -> memref<1x10000x64xf32, #tpu.memory_space<hbm>>
      %dma_wait3A_112 = tpu.memref_squeeze %dma_wait3A_111 : memref<1x10000x64xf32, #tpu.memory_space<hbm>> -> memref<10000x64xf32, #tpu.memory_space<hbm>>
      %dma_wait3A_113 = arith.constant 0 : i32
      %dma_wait3A_114 = arith.constant 0 : i32
      %dma_wait3A_115 = tpu.memref_slice %dma_wait3A_112[%dma_wait3A_113, %dma_wait3A_114] : memref<10000x64xf32, #tpu.memory_space<hbm>> -> memref<10000x64xf32, #tpu.memory_space<hbm>>
      %dma_wait3A_116 = tpu.memref_slice %arg11[%dma_wait3A_102] : memref<4x!tpu.dma_semaphore, #tpu.memory_space<semaphore_mem>> -> memref<1x!tpu.dma_semaphore, #tpu.memory_space<semaphore_mem>>
      %dma_wait3A_117 = tpu.memref_squeeze %dma_wait3A_116 : memref<1x!tpu.dma_semaphore, #tpu.memory_space<semaphore_mem>> -> memref<!tpu.dma_semaphore, #tpu.memory_space<semaphore_mem>>
      tpu.wait_indirect_dma semaphore(%dma_wait3A_117 : memref<!tpu.dma_semaphore, #tpu.memory_space<semaphore_mem>>) src(%dma_wait3A_115 : memref<10000x64xf32, #tpu.memory_space<hbm>>) dst(%dma_wait3A_105 : memref<128x64xf32, #tpu.memory_space<vmem>>)
      "tpu.region"() ({
        %run_scoped3A = tpu.sem_alloc : memref<!tpu.dma_semaphore, #tpu.memory_space<semaphore_mem>>
        %dma_start3A_175 = arith.constant 128 : i32
        %dma_start3A_176 = arith.constant 0 : i32
        %dma_start3A_177 = tpu.memref_slice %arg9[%dma_start3A_175, %dma_start3A_176] : memref<512x64xf32, #tpu.memory_space<vmem>> -> memref<128x64xf32, #tpu.memory_space<vmem>>
        %dma_start3A_178 = arith.constant 0 : i32
        %dma_start3A_179 = tpu.memref_slice %arg8[%add3A_101, %dma_start3A_178] : memref<160x128xi32, #tpu.memory_space<vmem>> -> memref<1x128xi32, #tpu.memory_space<vmem>>
        %dma_start3A_180 = tpu.memref_squeeze %dma_start3A_179 : memref<1x128xi32, #tpu.memory_space<vmem>> -> memref<128xi32, #tpu.memory_space<vmem>>
        %dma_start3A_181 = arith.constant 0 : i32
        %dma_start3A_182 = arith.constant 0 : i32
        %dma_start3A_183 = tpu.memref_slice %arg10[%dma_start3A_181, %dma_start3A_182] : memref<10112x64xf32, #tpu.memory_space<vmem_shared>> -> memref<10112x64xf32, #tpu.memory_space<vmem_shared>>
        tpu.enqueue_indirect_dma source(%dma_start3A_177 : memref<128x64xf32, #tpu.memory_space<vmem>>) target(%dma_start3A_183 : memref<10112x64xf32, #tpu.memory_space<vmem_shared>>) offsets(%dma_start3A_180 : memref<128xi32, #tpu.memory_space<vmem>>) semaphore(%run_scoped3A : memref<!tpu.dma_semaphore, #tpu.memory_space<semaphore_mem>>) {add = true}
        %dma_wait3A_184 = arith.constant 128 : i32
        %dma_wait3A_185 = arith.constant 0 : i32
        %dma_wait3A_186 = tpu.memref_slice %arg9[%dma_wait3A_184, %dma_wait3A_185] : memref<512x64xf32, #tpu.memory_space<vmem>> -> memref<128x64xf32, #tpu.memory_space<vmem>>
        %dma_wait3A_187 = arith.constant 0 : i32
        %dma_wait3A_188 = tpu.memref_slice %arg8[%add3A_101, %dma_wait3A_187] : memref<160x128xi32, #tpu.memory_space<vmem>> -> memref<1x128xi32, #tpu.memory_space<vmem>>
        %dma_wait3A_189 = tpu.memref_squeeze %dma_wait3A_188 : memref<1x128xi32, #tpu.memory_space<vmem>> -> memref<128xi32, #tpu.memory_space<vmem>>
        %dma_wait3A_190 = arith.constant 0 : i32
        %dma_wait3A_191 = arith.constant 0 : i32
        %dma_wait3A_192 = tpu.memref_slice %arg10[%dma_wait3A_190, %dma_wait3A_191] : memref<10112x64xf32, #tpu.memory_space<vmem_shared>> -> memref<10112x64xf32, #tpu.memory_space<vmem_shared>>
        tpu.wait_indirect_dma semaphore(%run_scoped3A : memref<!tpu.dma_semaphore, #tpu.memory_space<semaphore_mem>>) src(%dma_wait3A_186 : memref<128x64xf32, #tpu.memory_space<vmem>>) dst(%dma_wait3A_192 : memref<10112x64xf32, #tpu.memory_space<vmem_shared>>)
        tpu.yield
      }) : () -> ()
      %add3A_118 = arith.constant 4 : i32
      %add3A_119 = arith.addi %add3A_101, %add3A_118 : i32
      %lt3A_120 = arith.constant 160 : i32
      %lt3A_121 = arith.cmpi slt, %add3A_119, %lt3A_120 : i32
      %convert_element_type3A_122 = arith.extui %lt3A_121 : i1 to i32
      %cond3A_123 = arith.constant 0 : i32
      %cond3A_124 = arith.cmpi ne, %convert_element_type3A_122, %cond3A_123 : i32
      scf.if %cond3A_124 {
        %add3A_175 = arith.constant 4 : i32
        %add3A_176 = arith.addi %add3A_101, %add3A_175 : i32
        %dma_start3A_177 = arith.constant 1 : i32
        %dma_start3A_178 = arith.constant 128 : i32
        %dma_start3A_179 = arith.constant 0 : i32
        %dma_start3A_180 = tpu.memref_slice %arg9[%dma_start3A_178, %dma_start3A_179] : memref<512x64xf32, #tpu.memory_space<vmem>> -> memref<128x64xf32, #tpu.memory_space<vmem>>
        %dma_start3A_181 = arith.constant 0 : i32
        %dma_start3A_182 = tpu.memref_slice %arg7[%add3A_176, %dma_start3A_181] : memref<160x128xi32, #tpu.memory_space<vmem>> -> memref<1x128xi32, #tpu.memory_space<vmem>>
        %dma_start3A_183 = tpu.memref_squeeze %dma_start3A_182 : memref<1x128xi32, #tpu.memory_space<vmem>> -> memref<128xi32, #tpu.memory_space<vmem>>
        %dma_start3A_184 = arith.constant 0 : i32
        %dma_start3A_185 = arith.constant 0 : i32
        %dma_start3A_186 = tpu.memref_slice %arg2[%arg0, %dma_start3A_184, %dma_start3A_185] : memref<2x10000x64xf32, #tpu.memory_space<hbm>> -> memref<1x10000x64xf32, #tpu.memory_space<hbm>>
        %dma_start3A_187 = tpu.memref_squeeze %dma_start3A_186 : memref<1x10000x64xf32, #tpu.memory_space<hbm>> -> memref<10000x64xf32, #tpu.memory_space<hbm>>
        %dma_start3A_188 = arith.constant 0 : i32
        %dma_start3A_189 = arith.constant 0 : i32
        %dma_start3A_190 = tpu.memref_slice %dma_start3A_187[%dma_start3A_188, %dma_start3A_189] : memref<10000x64xf32, #tpu.memory_space<hbm>> -> memref<10000x64xf32, #tpu.memory_space<hbm>>
        %dma_start3A_191 = tpu.memref_slice %arg11[%dma_start3A_177] : memref<4x!tpu.dma_semaphore, #tpu.memory_space<semaphore_mem>> -> memref<1x!tpu.dma_semaphore, #tpu.memory_space<semaphore_mem>>
        %dma_start3A_192 = tpu.memref_squeeze %dma_start3A_191 : memref<1x!tpu.dma_semaphore, #tpu.memory_space<semaphore_mem>> -> memref<!tpu.dma_semaphore, #tpu.memory_space<semaphore_mem>>
        tpu.enqueue_indirect_dma source(%dma_start3A_190 : memref<10000x64xf32, #tpu.memory_space<hbm>>) target(%dma_start3A_180 : memref<128x64xf32, #tpu.memory_space<vmem>>) offsets(%dma_start3A_183 : memref<128xi32, #tpu.memory_space<vmem>>) semaphore(%dma_start3A_192 : memref<!tpu.dma_semaphore, #tpu.memory_space<semaphore_mem>>)
      } else {
      }
      %add3A_125 = arith.constant 2 : i32
      %add3A_126 = arith.addi %add3A_78, %add3A_125 : i32
      %dma_wait3A_127 = arith.constant 2 : i32
      %dma_wait3A_128 = arith.constant 256 : i32
      %dma_wait3A_129 = arith.constant 0 : i32
      %dma_wait3A_130 = tpu.memref_slice %arg9[%dma_wait3A_128, %dma_wait3A_129] : memref<512x64xf32, #tpu.memory_space<vmem>> -> memref<128x64xf32, #tpu.memory_space<vmem>>
      %dma_wait3A_131 = arith.constant 0 : i32
      %dma_wait3A_132 = tpu.memref_slice %arg7[%add3A_126, %dma_wait3A_131] : memref<160x128xi32, #tpu.memory_space<vmem>> -> memref<1x128xi32, #tpu.memory_space<vmem>>
      %dma_wait3A_133 = tpu.memref_squeeze %dma_wait3A_132 : memref<1x128xi32, #tpu.memory_space<vmem>> -> memref<128xi32, #tpu.memory_space<vmem>>
      %dma_wait3A_134 = arith.constant 0 : i32
      %dma_wait3A_135 = arith.constant 0 : i32
      %dma_wait3A_136 = tpu.memref_slice %arg2[%arg0, %dma_wait3A_134, %dma_wait3A_135] : memref<2x10000x64xf32, #tpu.memory_space<hbm>> -> memref<1x10000x64xf32, #tpu.memory_space<hbm>>
      %dma_wait3A_137 = tpu.memref_squeeze %dma_wait3A_136 : memref<1x10000x64xf32, #tpu.memory_space<hbm>> -> memref<10000x64xf32, #tpu.memory_space<hbm>>
      %dma_wait3A_138 = arith.constant 0 : i32
      %dma_wait3A_139 = arith.constant 0 : i32
      %dma_wait3A_140 = tpu.memref_slice %dma_wait3A_137[%dma_wait3A_138, %dma_wait3A_139] : memref<10000x64xf32, #tpu.memory_space<hbm>> -> memref<10000x64xf32, #tpu.memory_space<hbm>>
      %dma_wait3A_141 = tpu.memref_slice %arg11[%dma_wait3A_127] : memref<4x!tpu.dma_semaphore, #tpu.memory_space<semaphore_mem>> -> memref<1x!tpu.dma_semaphore, #tpu.memory_space<semaphore_mem>>
      %dma_wait3A_142 = tpu.memref_squeeze %dma_wait3A_141 : memref<1x!tpu.dma_semaphore, #tpu.memory_space<semaphore_mem>> -> memref<!tpu.dma_semaphore, #tpu.memory_space<semaphore_mem>>
      tpu.wait_indirect_dma semaphore(%dma_wait3A_142 : memref<!tpu.dma_semaphore, #tpu.memory_space<semaphore_mem>>) src(%dma_wait3A_140 : memref<10000x64xf32, #tpu.memory_space<hbm>>) dst(%dma_wait3A_130 : memref<128x64xf32, #tpu.memory_space<vmem>>)
      "tpu.region"() ({
        %run_scoped3A = tpu.sem_alloc : memref<!tpu.dma_semaphore, #tpu.memory_space<semaphore_mem>>
        %dma_start3A_175 = arith.constant 256 : i32
        %dma_start3A_176 = arith.constant 0 : i32
        %dma_start3A_177 = tpu.memref_slice %arg9[%dma_start3A_175, %dma_start3A_176] : memref<512x64xf32, #tpu.memory_space<vmem>> -> memref<128x64xf32, #tpu.memory_space<vmem>>
        %dma_start3A_178 = arith.constant 0 : i32
        %dma_start3A_179 = tpu.memref_slice %arg8[%add3A_126, %dma_start3A_178] : memref<160x128xi32, #tpu.memory_space<vmem>> -> memref<1x128xi32, #tpu.memory_space<vmem>>
        %dma_start3A_180 = tpu.memref_squeeze %dma_start3A_179 : memref<1x128xi32, #tpu.memory_space<vmem>> -> memref<128xi32, #tpu.memory_space<vmem>>
        %dma_start3A_181 = arith.constant 0 : i32
        %dma_start3A_182 = arith.constant 0 : i32
        %dma_start3A_183 = tpu.memref_slice %arg10[%dma_start3A_181, %dma_start3A_182] : memref<10112x64xf32, #tpu.memory_space<vmem_shared>> -> memref<10112x64xf32, #tpu.memory_space<vmem_shared>>
        tpu.enqueue_indirect_dma source(%dma_start3A_177 : memref<128x64xf32, #tpu.memory_space<vmem>>) target(%dma_start3A_183 : memref<10112x64xf32, #tpu.memory_space<vmem_shared>>) offsets(%dma_start3A_180 : memref<128xi32, #tpu.memory_space<vmem>>) semaphore(%run_scoped3A : memref<!tpu.dma_semaphore, #tpu.memory_space<semaphore_mem>>) {add = true}
        %dma_wait3A_184 = arith.constant 256 : i32
        %dma_wait3A_185 = arith.constant 0 : i32
        %dma_wait3A_186 = tpu.memref_slice %arg9[%dma_wait3A_184, %dma_wait3A_185] : memref<512x64xf32, #tpu.memory_space<vmem>> -> memref<128x64xf32, #tpu.memory_space<vmem>>
        %dma_wait3A_187 = arith.constant 0 : i32
        %dma_wait3A_188 = tpu.memref_slice %arg8[%add3A_126, %dma_wait3A_187] : memref<160x128xi32, #tpu.memory_space<vmem>> -> memref<1x128xi32, #tpu.memory_space<vmem>>
        %dma_wait3A_189 = tpu.memref_squeeze %dma_wait3A_188 : memref<1x128xi32, #tpu.memory_space<vmem>> -> memref<128xi32, #tpu.memory_space<vmem>>
        %dma_wait3A_190 = arith.constant 0 : i32
        %dma_wait3A_191 = arith.constant 0 : i32
        %dma_wait3A_192 = tpu.memref_slice %arg10[%dma_wait3A_190, %dma_wait3A_191] : memref<10112x64xf32, #tpu.memory_space<vmem_shared>> -> memref<10112x64xf32, #tpu.memory_space<vmem_shared>>
        tpu.wait_indirect_dma semaphore(%run_scoped3A : memref<!tpu.dma_semaphore, #tpu.memory_space<semaphore_mem>>) src(%dma_wait3A_186 : memref<128x64xf32, #tpu.memory_space<vmem>>) dst(%dma_wait3A_192 : memref<10112x64xf32, #tpu.memory_space<vmem_shared>>)
        tpu.yield
      }) : () -> ()
      %add3A_143 = arith.constant 4 : i32
      %add3A_144 = arith.addi %add3A_126, %add3A_143 : i32
      %lt3A_145 = arith.constant 160 : i32
      %lt3A_146 = arith.cmpi slt, %add3A_144, %lt3A_145 : i32
      %convert_element_type3A_147 = arith.extui %lt3A_146 : i1 to i32
      %cond3A_148 = arith.constant 0 : i32
      %cond3A_149 = arith.cmpi ne, %convert_element_type3A_147, %cond3A_148 : i32
      scf.if %cond3A_149 {
        %add3A_175 = arith.constant 4 : i32
        %add3A_176 = arith.addi %add3A_126, %add3A_175 : i32
        %dma_start3A_177 = arith.constant 2 : i32
        %dma_start3A_178 = arith.constant 256 : i32
        %dma_start3A_179 = arith.constant 0 : i32
        %dma_start3A_180 = tpu.memref_slice %arg9[%dma_start3A_178, %dma_start3A_179] : memref<512x64xf32, #tpu.memory_space<vmem>> -> memref<128x64xf32, #tpu.memory_space<vmem>>
        %dma_start3A_181 = arith.constant 0 : i32
        %dma_start3A_182 = tpu.memref_slice %arg7[%add3A_176, %dma_start3A_181] : memref<160x128xi32, #tpu.memory_space<vmem>> -> memref<1x128xi32, #tpu.memory_space<vmem>>
        %dma_start3A_183 = tpu.memref_squeeze %dma_start3A_182 : memref<1x128xi32, #tpu.memory_space<vmem>> -> memref<128xi32, #tpu.memory_space<vmem>>
        %dma_start3A_184 = arith.constant 0 : i32
        %dma_start3A_185 = arith.constant 0 : i32
        %dma_start3A_186 = tpu.memref_slice %arg2[%arg0, %dma_start3A_184, %dma_start3A_185] : memref<2x10000x64xf32, #tpu.memory_space<hbm>> -> memref<1x10000x64xf32, #tpu.memory_space<hbm>>
        %dma_start3A_187 = tpu.memref_squeeze %dma_start3A_186 : memref<1x10000x64xf32, #tpu.memory_space<hbm>> -> memref<10000x64xf32, #tpu.memory_space<hbm>>
        %dma_start3A_188 = arith.constant 0 : i32
        %dma_start3A_189 = arith.constant 0 : i32
        %dma_start3A_190 = tpu.memref_slice %dma_start3A_187[%dma_start3A_188, %dma_start3A_189] : memref<10000x64xf32, #tpu.memory_space<hbm>> -> memref<10000x64xf32, #tpu.memory_space<hbm>>
        %dma_start3A_191 = tpu.memref_slice %arg11[%dma_start3A_177] : memref<4x!tpu.dma_semaphore, #tpu.memory_space<semaphore_mem>> -> memref<1x!tpu.dma_semaphore, #tpu.memory_space<semaphore_mem>>
        %dma_start3A_192 = tpu.memref_squeeze %dma_start3A_191 : memref<1x!tpu.dma_semaphore, #tpu.memory_space<semaphore_mem>> -> memref<!tpu.dma_semaphore, #tpu.memory_space<semaphore_mem>>
        tpu.enqueue_indirect_dma source(%dma_start3A_190 : memref<10000x64xf32, #tpu.memory_space<hbm>>) target(%dma_start3A_180 : memref<128x64xf32, #tpu.memory_space<vmem>>) offsets(%dma_start3A_183 : memref<128xi32, #tpu.memory_space<vmem>>) semaphore(%dma_start3A_192 : memref<!tpu.dma_semaphore, #tpu.memory_space<semaphore_mem>>)
      } else {
      }
      %add3A_150 = arith.constant 3 : i32
      %add3A_151 = arith.addi %add3A_78, %add3A_150 : i32
      %dma_wait3A_152 = arith.constant 3 : i32
      %dma_wait3A_153 = arith.constant 384 : i32
      %dma_wait3A_154 = arith.constant 0 : i32
      %dma_wait3A_155 = tpu.memref_slice %arg9[%dma_wait3A_153, %dma_wait3A_154] : memref<512x64xf32, #tpu.memory_space<vmem>> -> memref<128x64xf32, #tpu.memory_space<vmem>>
      %dma_wait3A_156 = arith.constant 0 : i32
      %dma_wait3A_157 = tpu.memref_slice %arg7[%add3A_151, %dma_wait3A_156] : memref<160x128xi32, #tpu.memory_space<vmem>> -> memref<1x128xi32, #tpu.memory_space<vmem>>
      %dma_wait3A_158 = tpu.memref_squeeze %dma_wait3A_157 : memref<1x128xi32, #tpu.memory_space<vmem>> -> memref<128xi32, #tpu.memory_space<vmem>>
      %dma_wait3A_159 = arith.constant 0 : i32
      %dma_wait3A_160 = arith.constant 0 : i32
      %dma_wait3A_161 = tpu.memref_slice %arg2[%arg0, %dma_wait3A_159, %dma_wait3A_160] : memref<2x10000x64xf32, #tpu.memory_space<hbm>> -> memref<1x10000x64xf32, #tpu.memory_space<hbm>>
      %dma_wait3A_162 = tpu.memref_squeeze %dma_wait3A_161 : memref<1x10000x64xf32, #tpu.memory_space<hbm>> -> memref<10000x64xf32, #tpu.memory_space<hbm>>
      %dma_wait3A_163 = arith.constant 0 : i32
      %dma_wait3A_164 = arith.constant 0 : i32
      %dma_wait3A_165 = tpu.memref_slice %dma_wait3A_162[%dma_wait3A_163, %dma_wait3A_164] : memref<10000x64xf32, #tpu.memory_space<hbm>> -> memref<10000x64xf32, #tpu.memory_space<hbm>>
      %dma_wait3A_166 = tpu.memref_slice %arg11[%dma_wait3A_152] : memref<4x!tpu.dma_semaphore, #tpu.memory_space<semaphore_mem>> -> memref<1x!tpu.dma_semaphore, #tpu.memory_space<semaphore_mem>>
      %dma_wait3A_167 = tpu.memref_squeeze %dma_wait3A_166 : memref<1x!tpu.dma_semaphore, #tpu.memory_space<semaphore_mem>> -> memref<!tpu.dma_semaphore, #tpu.memory_space<semaphore_mem>>
      tpu.wait_indirect_dma semaphore(%dma_wait3A_167 : memref<!tpu.dma_semaphore, #tpu.memory_space<semaphore_mem>>) src(%dma_wait3A_165 : memref<10000x64xf32, #tpu.memory_space<hbm>>) dst(%dma_wait3A_155 : memref<128x64xf32, #tpu.memory_space<vmem>>)
      "tpu.region"() ({
        %run_scoped3A = tpu.sem_alloc : memref<!tpu.dma_semaphore, #tpu.memory_space<semaphore_mem>>
        %dma_start3A_175 = arith.constant 384 : i32
        %dma_start3A_176 = arith.constant 0 : i32
        %dma_start3A_177 = tpu.memref_slice %arg9[%dma_start3A_175, %dma_start3A_176] : memref<512x64xf32, #tpu.memory_space<vmem>> -> memref<128x64xf32, #tpu.memory_space<vmem>>
        %dma_start3A_178 = arith.constant 0 : i32
        %dma_start3A_179 = tpu.memref_slice %arg8[%add3A_151, %dma_start3A_178] : memref<160x128xi32, #tpu.memory_space<vmem>> -> memref<1x128xi32, #tpu.memory_space<vmem>>
        %dma_start3A_180 = tpu.memref_squeeze %dma_start3A_179 : memref<1x128xi32, #tpu.memory_space<vmem>> -> memref<128xi32, #tpu.memory_space<vmem>>
        %dma_start3A_181 = arith.constant 0 : i32
        %dma_start3A_182 = arith.constant 0 : i32
        %dma_start3A_183 = tpu.memref_slice %arg10[%dma_start3A_181, %dma_start3A_182] : memref<10112x64xf32, #tpu.memory_space<vmem_shared>> -> memref<10112x64xf32, #tpu.memory_space<vmem_shared>>
        tpu.enqueue_indirect_dma source(%dma_start3A_177 : memref<128x64xf32, #tpu.memory_space<vmem>>) target(%dma_start3A_183 : memref<10112x64xf32, #tpu.memory_space<vmem_shared>>) offsets(%dma_start3A_180 : memref<128xi32, #tpu.memory_space<vmem>>) semaphore(%run_scoped3A : memref<!tpu.dma_semaphore, #tpu.memory_space<semaphore_mem>>) {add = true}
        %dma_wait3A_184 = arith.constant 384 : i32
        %dma_wait3A_185 = arith.constant 0 : i32
        %dma_wait3A_186 = tpu.memref_slice %arg9[%dma_wait3A_184, %dma_wait3A_185] : memref<512x64xf32, #tpu.memory_space<vmem>> -> memref<128x64xf32, #tpu.memory_space<vmem>>
        %dma_wait3A_187 = arith.constant 0 : i32
        %dma_wait3A_188 = tpu.memref_slice %arg8[%add3A_151, %dma_wait3A_187] : memref<160x128xi32, #tpu.memory_space<vmem>> -> memref<1x128xi32, #tpu.memory_space<vmem>>
        %dma_wait3A_189 = tpu.memref_squeeze %dma_wait3A_188 : memref<1x128xi32, #tpu.memory_space<vmem>> -> memref<128xi32, #tpu.memory_space<vmem>>
        %dma_wait3A_190 = arith.constant 0 : i32
        %dma_wait3A_191 = arith.constant 0 : i32
        %dma_wait3A_192 = tpu.memref_slice %arg10[%dma_wait3A_190, %dma_wait3A_191] : memref<10112x64xf32, #tpu.memory_space<vmem_shared>> -> memref<10112x64xf32, #tpu.memory_space<vmem_shared>>
        tpu.wait_indirect_dma semaphore(%run_scoped3A : memref<!tpu.dma_semaphore, #tpu.memory_space<semaphore_mem>>) src(%dma_wait3A_186 : memref<128x64xf32, #tpu.memory_space<vmem>>) dst(%dma_wait3A_192 : memref<10112x64xf32, #tpu.memory_space<vmem_shared>>)
        tpu.yield
      }) : () -> ()
      %add3A_168 = arith.constant 4 : i32
      %add3A_169 = arith.addi %add3A_151, %add3A_168 : i32
      %lt3A_170 = arith.constant 160 : i32
      %lt3A_171 = arith.cmpi slt, %add3A_169, %lt3A_170 : i32
      %convert_element_type3A_172 = arith.extui %lt3A_171 : i1 to i32
      %cond3A_173 = arith.constant 0 : i32
      %cond3A_174 = arith.cmpi ne, %convert_element_type3A_172, %cond3A_173 : i32
      scf.if %cond3A_174 {
        %add3A_175 = arith.constant 4 : i32
        %add3A_176 = arith.addi %add3A_151, %add3A_175 : i32
        %dma_start3A_177 = arith.constant 3 : i32
        %dma_start3A_178 = arith.constant 384 : i32
        %dma_start3A_179 = arith.constant 0 : i32
        %dma_start3A_180 = tpu.memref_slice %arg9[%dma_start3A_178, %dma_start3A_179] : memref<512x64xf32, #tpu.memory_space<vmem>> -> memref<128x64xf32, #tpu.memory_space<vmem>>
        %dma_start3A_181 = arith.constant 0 : i32
        %dma_start3A_182 = tpu.memref_slice %arg7[%add3A_176, %dma_start3A_181] : memref<160x128xi32, #tpu.memory_space<vmem>> -> memref<1x128xi32, #tpu.memory_space<vmem>>
        %dma_start3A_183 = tpu.memref_squeeze %dma_start3A_182 : memref<1x128xi32, #tpu.memory_space<vmem>> -> memref<128xi32, #tpu.memory_space<vmem>>
        %dma_start3A_184 = arith.constant 0 : i32
        %dma_start3A_185 = arith.constant 0 : i32
        %dma_start3A_186 = tpu.memref_slice %arg2[%arg0, %dma_start3A_184, %dma_start3A_185] : memref<2x10000x64xf32, #tpu.memory_space<hbm>> -> memref<1x10000x64xf32, #tpu.memory_space<hbm>>
        %dma_start3A_187 = tpu.memref_squeeze %dma_start3A_186 : memref<1x10000x64xf32, #tpu.memory_space<hbm>> -> memref<10000x64xf32, #tpu.memory_space<hbm>>
        %dma_start3A_188 = arith.constant 0 : i32
        %dma_start3A_189 = arith.constant 0 : i32
        %dma_start3A_190 = tpu.memref_slice %dma_start3A_187[%dma_start3A_188, %dma_start3A_189] : memref<10000x64xf32, #tpu.memory_space<hbm>> -> memref<10000x64xf32, #tpu.memory_space<hbm>>
        %dma_start3A_191 = tpu.memref_slice %arg11[%dma_start3A_177] : memref<4x!tpu.dma_semaphore, #tpu.memory_space<semaphore_mem>> -> memref<1x!tpu.dma_semaphore, #tpu.memory_space<semaphore_mem>>
        %dma_start3A_192 = tpu.memref_squeeze %dma_start3A_191 : memref<1x!tpu.dma_semaphore, #tpu.memory_space<semaphore_mem>> -> memref<!tpu.dma_semaphore, #tpu.memory_space<semaphore_mem>>
        tpu.enqueue_indirect_dma source(%dma_start3A_190 : memref<10000x64xf32, #tpu.memory_space<hbm>>) target(%dma_start3A_180 : memref<128x64xf32, #tpu.memory_space<vmem>>) offsets(%dma_start3A_183 : memref<128xi32, #tpu.memory_space<vmem>>) semaphore(%dma_start3A_192 : memref<!tpu.dma_semaphore, #tpu.memory_space<semaphore_mem>>)
      } else {
      }
    }
    %scan3A_71 = arith.constant 40 : i32
    %barrier3A_72 = arith.constant 0 : index
    tpu.barrier barrier_id(%barrier3A_72)
    %mul3A_73 = arith.constant 64 : i32
    %mul3A_74 = arith.muli %arg0, %mul3A_73 : i32
    "tpu.region"() ({
      %run_scoped3A = tpu.sem_alloc : memref<!tpu.dma_semaphore, #tpu.memory_space<semaphore_mem>>
      %dma_start3A_75 = tpu.memref_slice %arg6[%mul3A_0, %mul3A_74] : memref<10112x128xf32, #tpu.memory_space<hbm>> -> memref<632x64xf32, #tpu.memory_space<hbm>>
      %dma_start3A_76 = arith.constant 0 : i32
      %dma_start3A_77 = tpu.memref_slice %arg10[%mul3A_0, %dma_start3A_76] : memref<10112x64xf32, #tpu.memory_space<vmem_shared>> -> memref<632x64xf32, #tpu.memory_space<vmem_shared>>
      tpu.enqueue_dma source(%dma_start3A_77 : memref<632x64xf32, #tpu.memory_space<vmem_shared>>) target(%dma_start3A_75 : memref<632x64xf32, #tpu.memory_space<hbm>>) target_semaphore(%run_scoped3A : memref<!tpu.dma_semaphore, #tpu.memory_space<semaphore_mem>>)
      %dma_wait3A = tpu.memref_slice %arg6[%mul3A_0, %mul3A_74] : memref<10112x128xf32, #tpu.memory_space<hbm>> -> memref<632x64xf32, #tpu.memory_space<hbm>>
      %dma_wait3A_78 = arith.constant 0 : i32
      %dma_wait3A_79 = tpu.memref_slice %arg10[%mul3A_0, %dma_wait3A_78] : memref<10112x64xf32, #tpu.memory_space<vmem_shared>> -> memref<632x64xf32, #tpu.memory_space<vmem_shared>>
      tpu.wait_dma2 semaphore(%run_scoped3A : memref<!tpu.dma_semaphore, #tpu.memory_space<semaphore_mem>>) src(%dma_wait3A_79 : memref<632x64xf32, #tpu.memory_space<vmem_shared>>) dst(%dma_wait3A : memref<632x64xf32, #tpu.memory_space<hbm>>)
      tpu.yield
    }) : () -> ()
    return
  }
}

#map = affine_map<(d0, d1) -> (0, 0, 0)>
#map1 = affine_map<(d0, d1) -> (0, 0)>
module attributes {stable_mosaic.version = 14 : i64} {
  func.func @_agg_kernel_body(%arg0: i32, %arg1: i32, %arg2: memref<2x10000x64xf32, #tpu.memory_space<hbm>>, %arg3: memref<16x160x128xi32, #tpu.memory_space<hbm>>, %arg4: memref<16x160x128xi32, #tpu.memory_space<hbm>>, %arg5: memref<16x632x64xf32, #tpu.memory_space<hbm>>, %arg6: memref<10112x128xf32, #tpu.memory_space<hbm>>, %arg7: memref<160x128xi32, #tpu.memory_space<vmem>>, %arg8: memref<160x128xi32, #tpu.memory_space<vmem>>, %arg9: memref<512x64xf32, #tpu.memory_space<vmem>>, %arg10: memref<10112x64xf32, #tpu.memory_space<vmem_shared>>, %arg11: memref<4x!tpu.dma_semaphore, #tpu.memory_space<semaphore_mem>>) attributes {dimension_semantics = [#tpu.dimension_semantics<core_parallel>, #tpu.dimension_semantics<subcore_parallel>], iteration_bounds = array<i64: 2, 16>, scalar_prefetch = 0 : i64, scratch_operands = 5 : i64, tpu.core_type = #tpu.core_type<sc_vector_subcore>, window_params = [{transform_indices = #map}, {transform_indices = #map}, {transform_indices = #map}, {transform_indices = #map}, {transform_indices = #map1}]} {
    %mul3A = arith.constant 632 : i32
    %mul3A_0 = arith.muli %arg1, %mul3A : i32
    "tpu.region"() ({
      %run_scoped3A = tpu.sem_alloc : memref<!tpu.dma_semaphore, #tpu.memory_space<semaphore_mem>>
      %dma_start3A_75 = arith.constant 0 : i32
      %dma_start3A_76 = tpu.memref_slice %arg10[%mul3A_0, %dma_start3A_75] : memref<10112x64xf32, #tpu.memory_space<vmem_shared>> -> memref<632x64xf32, #tpu.memory_space<vmem_shared>>
      %dma_start3A_77 = arith.constant 0 : i32
      %dma_start3A_78 = arith.constant 0 : i32
      %dma_start3A_79 = tpu.memref_slice %arg5[%arg1, %dma_start3A_77, %dma_start3A_78] : memref<16x632x64xf32, #tpu.memory_space<hbm>> -> memref<1x632x64xf32, #tpu.memory_space<hbm>>
      %dma_start3A_80 = tpu.memref_squeeze %dma_start3A_79 : memref<1x632x64xf32, #tpu.memory_space<hbm>> -> memref<632x64xf32, #tpu.memory_space<hbm>>
      tpu.enqueue_dma source(%dma_start3A_80 : memref<632x64xf32, #tpu.memory_space<hbm>>) target(%dma_start3A_76 : memref<632x64xf32, #tpu.memory_space<vmem_shared>>) target_semaphore(%run_scoped3A : memref<!tpu.dma_semaphore, #tpu.memory_space<semaphore_mem>>)
      %dma_wait3A = arith.constant 0 : i32
      %dma_wait3A_81 = tpu.memref_slice %arg10[%mul3A_0, %dma_wait3A] : memref<10112x64xf32, #tpu.memory_space<vmem_shared>> -> memref<632x64xf32, #tpu.memory_space<vmem_shared>>
      %dma_wait3A_82 = arith.constant 0 : i32
      %dma_wait3A_83 = arith.constant 0 : i32
      %dma_wait3A_84 = tpu.memref_slice %arg5[%arg1, %dma_wait3A_82, %dma_wait3A_83] : memref<16x632x64xf32, #tpu.memory_space<hbm>> -> memref<1x632x64xf32, #tpu.memory_space<hbm>>
      %dma_wait3A_85 = tpu.memref_squeeze %dma_wait3A_84 : memref<1x632x64xf32, #tpu.memory_space<hbm>> -> memref<632x64xf32, #tpu.memory_space<hbm>>
      tpu.wait_dma2 semaphore(%run_scoped3A : memref<!tpu.dma_semaphore, #tpu.memory_space<semaphore_mem>>) src(%dma_wait3A_85 : memref<632x64xf32, #tpu.memory_space<hbm>>) dst(%dma_wait3A_81 : memref<632x64xf32, #tpu.memory_space<vmem_shared>>)
      tpu.yield
    }) : () -> ()
    "tpu.region"() ({
      %run_scoped3A = tpu.sem_alloc : memref<!tpu.dma_semaphore, #tpu.memory_space<semaphore_mem>>
      %dma_start3A_75 = arith.constant 0 : i32
      %dma_start3A_76 = arith.constant 0 : i32
      %dma_start3A_77 = tpu.memref_slice %arg3[%arg1, %dma_start3A_75, %dma_start3A_76] : memref<16x160x128xi32, #tpu.memory_space<hbm>> -> memref<1x160x128xi32, #tpu.memory_space<hbm>>
      %dma_start3A_78 = tpu.memref_squeeze %dma_start3A_77 : memref<1x160x128xi32, #tpu.memory_space<hbm>> -> memref<160x128xi32, #tpu.memory_space<hbm>>
      %dma_start3A_79 = arith.constant 0 : i32
      %dma_start3A_80 = arith.constant 0 : i32
      %dma_start3A_81 = tpu.memref_slice %arg3[%arg1, %dma_start3A_79, %dma_start3A_80] : memref<16x160x128xi32, #tpu.memory_space<hbm>> -> memref<1x160x128xi32, #tpu.memory_space<hbm>>
      %dma_start3A_82 = tpu.memref_squeeze %dma_start3A_81 : memref<1x160x128xi32, #tpu.memory_space<hbm>> -> memref<160x128xi32, #tpu.memory_space<hbm>>
      tpu.enqueue_dma source(%dma_start3A_82 : memref<160x128xi32, #tpu.memory_space<hbm>>) target(%arg7 : memref<160x128xi32, #tpu.memory_space<vmem>>) target_semaphore(%run_scoped3A : memref<!tpu.dma_semaphore, #tpu.memory_space<semaphore_mem>>)
      %dma_wait3A = arith.constant 0 : i32
      %dma_wait3A_83 = arith.constant 0 : i32
      %dma_wait3A_84 = tpu.memref_slice %arg3[%arg1, %dma_wait3A, %dma_wait3A_83] : memref<16x160x128xi32, #tpu.memory_space<hbm>> -> memref<1x160x128xi32, #tpu.memory_space<hbm>>
      %dma_wait3A_85 = tpu.memref_squeeze %dma_wait3A_84 : memref<1x160x128xi32, #tpu.memory_space<hbm>> -> memref<160x128xi32, #tpu.memory_space<hbm>>
      %dma_wait3A_86 = arith.constant 0 : i32
      %dma_wait3A_87 = arith.constant 0 : i32
      %dma_wait3A_88 = tpu.memref_slice %arg3[%arg1, %dma_wait3A_86, %dma_wait3A_87] : memref<16x160x128xi32, #tpu.memory_space<hbm>> -> memref<1x160x128xi32, #tpu.memory_space<hbm>>
      %dma_wait3A_89 = tpu.memref_squeeze %dma_wait3A_88 : memref<1x160x128xi32, #tpu.memory_space<hbm>> -> memref<160x128xi32, #tpu.memory_space<hbm>>
      tpu.wait_dma2 semaphore(%run_scoped3A : memref<!tpu.dma_semaphore, #tpu.memory_space<semaphore_mem>>) src(%dma_wait3A_89 : memref<160x128xi32, #tpu.memory_space<hbm>>) dst(%arg7 : memref<160x128xi32, #tpu.memory_space<vmem>>)
      tpu.yield
    }) : () -> ()
    "tpu.region"() ({
      %run_scoped3A = tpu.sem_alloc : memref<!tpu.dma_semaphore, #tpu.memory_space<semaphore_mem>>
      %dma_start3A_75 = arith.constant 0 : i32
      %dma_start3A_76 = arith.constant 0 : i32
      %dma_start3A_77 = tpu.memref_slice %arg4[%arg1, %dma_start3A_75, %dma_start3A_76] : memref<16x160x128xi32, #tpu.memory_space<hbm>> -> memref<1x160x128xi32, #tpu.memory_space<hbm>>
      %dma_start3A_78 = tpu.memref_squeeze %dma_start3A_77 : memref<1x160x128xi32, #tpu.memory_space<hbm>> -> memref<160x128xi32, #tpu.memory_space<hbm>>
      %dma_start3A_79 = arith.constant 0 : i32
      %dma_start3A_80 = arith.constant 0 : i32
      %dma_start3A_81 = tpu.memref_slice %arg4[%arg1, %dma_start3A_79, %dma_start3A_80] : memref<16x160x128xi32, #tpu.memory_space<hbm>> -> memref<1x160x128xi32, #tpu.memory_space<hbm>>
      %dma_start3A_82 = tpu.memref_squeeze %dma_start3A_81 : memref<1x160x128xi32, #tpu.memory_space<hbm>> -> memref<160x128xi32, #tpu.memory_space<hbm>>
      tpu.enqueue_dma source(%dma_start3A_82 : memref<160x128xi32, #tpu.memory_space<hbm>>) target(%arg8 : memref<160x128xi32, #tpu.memory_space<vmem>>) target_semaphore(%run_scoped3A : memref<!tpu.dma_semaphore, #tpu.memory_space<semaphore_mem>>)
      %dma_wait3A = arith.constant 0 : i32
      %dma_wait3A_83 = arith.constant 0 : i32
      %dma_wait3A_84 = tpu.memref_slice %arg4[%arg1, %dma_wait3A, %dma_wait3A_83] : memref<16x160x128xi32, #tpu.memory_space<hbm>> -> memref<1x160x128xi32, #tpu.memory_space<hbm>>
      %dma_wait3A_85 = tpu.memref_squeeze %dma_wait3A_84 : memref<1x160x128xi32, #tpu.memory_space<hbm>> -> memref<160x128xi32, #tpu.memory_space<hbm>>
      %dma_wait3A_86 = arith.constant 0 : i32
      %dma_wait3A_87 = arith.constant 0 : i32
      %dma_wait3A_88 = tpu.memref_slice %arg4[%arg1, %dma_wait3A_86, %dma_wait3A_87] : memref<16x160x128xi32, #tpu.memory_space<hbm>> -> memref<1x160x128xi32, #tpu.memory_space<hbm>>
      %dma_wait3A_89 = tpu.memref_squeeze %dma_wait3A_88 : memref<1x160x128xi32, #tpu.memory_space<hbm>> -> memref<160x128xi32, #tpu.memory_space<hbm>>
      tpu.wait_dma2 semaphore(%run_scoped3A : memref<!tpu.dma_semaphore, #tpu.memory_space<semaphore_mem>>) src(%dma_wait3A_89 : memref<160x128xi32, #tpu.memory_space<hbm>>) dst(%arg8 : memref<160x128xi32, #tpu.memory_space<vmem>>)
      tpu.yield
    }) : () -> ()
    %barrier3A = arith.constant 0 : index
    tpu.barrier barrier_id(%barrier3A)
    %dma_start3A = arith.constant 0 : i32
    %dma_start3A_1 = arith.constant 0 : i32
    %dma_start3A_2 = arith.constant 0 : i32
    %dma_start3A_3 = arith.constant 0 : i32
    %dma_start3A_4 = tpu.memref_slice %arg9[%dma_start3A_2, %dma_start3A_3] : memref<512x64xf32, #tpu.memory_space<vmem>> -> memref<128x64xf32, #tpu.memory_space<vmem>>
    %dma_start3A_5 = arith.constant 0 : i32
    %dma_start3A_6 = tpu.memref_slice %arg7[%dma_start3A, %dma_start3A_5] : memref<160x128xi32, #tpu.memory_space<vmem>> -> memref<1x128xi32, #tpu.memory_space<vmem>>
    %dma_start3A_7 = tpu.memref_squeeze %dma_start3A_6 : memref<1x128xi32, #tpu.memory_space<vmem>> -> memref<128xi32, #tpu.memory_space<vmem>>
    %dma_start3A_8 = arith.constant 0 : i32
    %dma_start3A_9 = arith.constant 0 : i32
    %dma_start3A_10 = tpu.memref_slice %arg2[%arg0, %dma_start3A_8, %dma_start3A_9] : memref<2x10000x64xf32, #tpu.memory_space<hbm>> -> memref<1x10000x64xf32, #tpu.memory_space<hbm>>
    %dma_start3A_11 = tpu.memref_squeeze %dma_start3A_10 : memref<1x10000x64xf32, #tpu.memory_space<hbm>> -> memref<10000x64xf32, #tpu.memory_space<hbm>>
    %dma_start3A_12 = arith.constant 0 : i32
    %dma_start3A_13 = arith.constant 0 : i32
    %dma_start3A_14 = tpu.memref_slice %dma_start3A_11[%dma_start3A_12, %dma_start3A_13] : memref<10000x64xf32, #tpu.memory_space<hbm>> -> memref<10000x64xf32, #tpu.memory_space<hbm>>
    %dma_start3A_15 = tpu.memref_slice %arg11[%dma_start3A_1] : memref<4x!tpu.dma_semaphore, #tpu.memory_space<semaphore_mem>> -> memref<1x!tpu.dma_semaphore, #tpu.memory_space<semaphore_mem>>
    %dma_start3A_16 = tpu.memref_squeeze %dma_start3A_15 : memref<1x!tpu.dma_semaphore, #tpu.memory_space<semaphore_mem>> -> memref<!tpu.dma_semaphore, #tpu.memory_space<semaphore_mem>>
    tpu.enqueue_indirect_dma source(%dma_start3A_14 : memref<10000x64xf32, #tpu.memory_space<hbm>>) target(%dma_start3A_4 : memref<128x64xf32, #tpu.memory_space<vmem>>) offsets(%dma_start3A_7 : memref<128xi32, #tpu.memory_space<vmem>>) semaphore(%dma_start3A_16 : memref<!tpu.dma_semaphore, #tpu.memory_space<semaphore_mem>>)
    %dma_start3A_17 = arith.constant 1 : i32
    %dma_start3A_18 = arith.constant 1 : i32
    %dma_start3A_19 = arith.constant 128 : i32
    %dma_start3A_20 = arith.constant 0 : i32
    %dma_start3A_21 = tpu.memref_slice %arg9[%dma_start3A_19, %dma_start3A_20] : memref<512x64xf32, #tpu.memory_space<vmem>> -> memref<128x64xf32, #tpu.memory_space<vmem>>
    %dma_start3A_22 = arith.constant 0 : i32
    %dma_start3A_23 = tpu.memref_slice %arg7[%dma_start3A_17, %dma_start3A_22] : memref<160x128xi32, #tpu.memory_space<vmem>> -> memref<1x128xi32, #tpu.memory_space<vmem>>
    %dma_start3A_24 = tpu.memref_squeeze %dma_start3A_23 : memref<1x128xi32, #tpu.memory_space<vmem>> -> memref<128xi32, #tpu.memory_space<vmem>>
    %dma_start3A_25 = arith.constant 0 : i32
    %dma_start3A_26 = arith.constant 0 : i32
    %dma_start3A_27 = tpu.memref_slice %arg2[%arg0, %dma_start3A_25, %dma_start3A_26] : memref<2x10000x64xf32, #tpu.memory_space<hbm>> -> memref<1x10000x64xf32, #tpu.memory_space<hbm>>
    %dma_start3A_28 = tpu.memref_squeeze %dma_start3A_27 : memref<1x10000x64xf32, #tpu.memory_space<hbm>> -> memref<10000x64xf32, #tpu.memory_space<hbm>>
    %dma_start3A_29 = arith.constant 0 : i32
    %dma_start3A_30 = arith.constant 0 : i32
    %dma_start3A_31 = tpu.memref_slice %dma_start3A_28[%dma_start3A_29, %dma_start3A_30] : memref<10000x64xf32, #tpu.memory_space<hbm>> -> memref<10000x64xf32, #tpu.memory_space<hbm>>
    %dma_start3A_32 = tpu.memref_slice %arg11[%dma_start3A_18] : memref<4x!tpu.dma_semaphore, #tpu.memory_space<semaphore_mem>> -> memref<1x!tpu.dma_semaphore, #tpu.memory_space<semaphore_mem>>
    %dma_start3A_33 = tpu.memref_squeeze %dma_start3A_32 : memref<1x!tpu.dma_semaphore, #tpu.memory_space<semaphore_mem>> -> memref<!tpu.dma_semaphore, #tpu.memory_space<semaphore_mem>>
    tpu.enqueue_indirect_dma source(%dma_start3A_31 : memref<10000x64xf32, #tpu.memory_space<hbm>>) target(%dma_start3A_21 : memref<128x64xf32, #tpu.memory_space<vmem>>) offsets(%dma_start3A_24 : memref<128xi32, #tpu.memory_space<vmem>>) semaphore(%dma_start3A_33 : memref<!tpu.dma_semaphore, #tpu.memory_space<semaphore_mem>>)
    %dma_start3A_34 = arith.constant 2 : i32
    %dma_start3A_35 = arith.constant 2 : i32
    %dma_start3A_36 = arith.constant 256 : i32
    %dma_start3A_37 = arith.constant 0 : i32
    %dma_start3A_38 = tpu.memref_slice %arg9[%dma_start3A_36, %dma_start3A_37] : memref<512x64xf32, #tpu.memory_space<vmem>> -> memref<128x64xf32, #tpu.memory_space<vmem>>
    %dma_start3A_39 = arith.constant 0 : i32
    %dma_start3A_40 = tpu.memref_slice %arg7[%dma_start3A_34, %dma_start3A_39] : memref<160x128xi32, #tpu.memory_space<vmem>> -> memref<1x128xi32, #tpu.memory_space<vmem>>
    %dma_start3A_41 = tpu.memref_squeeze %dma_start3A_40 : memref<1x128xi32, #tpu.memory_space<vmem>> -> memref<128xi32, #tpu.memory_space<vmem>>
    %dma_start3A_42 = arith.constant 0 : i32
    %dma_start3A_43 = arith.constant 0 : i32
    %dma_start3A_44 = tpu.memref_slice %arg2[%arg0, %dma_start3A_42, %dma_start3A_43] : memref<2x10000x64xf32, #tpu.memory_space<hbm>> -> memref<1x10000x64xf32, #tpu.memory_space<hbm>>
    %dma_start3A_45 = tpu.memref_squeeze %dma_start3A_44 : memref<1x10000x64xf32, #tpu.memory_space<hbm>> -> memref<10000x64xf32, #tpu.memory_space<hbm>>
    %dma_start3A_46 = arith.constant 0 : i32
    %dma_start3A_47 = arith.constant 0 : i32
    %dma_start3A_48 = tpu.memref_slice %dma_start3A_45[%dma_start3A_46, %dma_start3A_47] : memref<10000x64xf32, #tpu.memory_space<hbm>> -> memref<10000x64xf32, #tpu.memory_space<hbm>>
    %dma_start3A_49 = tpu.memref_slice %arg11[%dma_start3A_35] : memref<4x!tpu.dma_semaphore, #tpu.memory_space<semaphore_mem>> -> memref<1x!tpu.dma_semaphore, #tpu.memory_space<semaphore_mem>>
    %dma_start3A_50 = tpu.memref_squeeze %dma_start3A_49 : memref<1x!tpu.dma_semaphore, #tpu.memory_space<semaphore_mem>> -> memref<!tpu.dma_semaphore, #tpu.memory_space<semaphore_mem>>
    tpu.enqueue_indirect_dma source(%dma_start3A_48 : memref<10000x64xf32, #tpu.memory_space<hbm>>) target(%dma_start3A_38 : memref<128x64xf32, #tpu.memory_space<vmem>>) offsets(%dma_start3A_41 : memref<128xi32, #tpu.memory_space<vmem>>) semaphore(%dma_start3A_50 : memref<!tpu.dma_semaphore, #tpu.memory_space<semaphore_mem>>)
    %dma_start3A_51 = arith.constant 3 : i32
    %dma_start3A_52 = arith.constant 3 : i32
    %dma_start3A_53 = arith.constant 384 : i32
    %dma_start3A_54 = arith.constant 0 : i32
    %dma_start3A_55 = tpu.memref_slice %arg9[%dma_start3A_53, %dma_start3A_54] : memref<512x64xf32, #tpu.memory_space<vmem>> -> memref<128x64xf32, #tpu.memory_space<vmem>>
    %dma_start3A_56 = arith.constant 0 : i32
    %dma_start3A_57 = tpu.memref_slice %arg7[%dma_start3A_51, %dma_start3A_56] : memref<160x128xi32, #tpu.memory_space<vmem>> -> memref<1x128xi32, #tpu.memory_space<vmem>>
    %dma_start3A_58 = tpu.memref_squeeze %dma_start3A_57 : memref<1x128xi32, #tpu.memory_space<vmem>> -> memref<128xi32, #tpu.memory_space<vmem>>
    %dma_start3A_59 = arith.constant 0 : i32
    %dma_start3A_60 = arith.constant 0 : i32
    %dma_start3A_61 = tpu.memref_slice %arg2[%arg0, %dma_start3A_59, %dma_start3A_60] : memref<2x10000x64xf32, #tpu.memory_space<hbm>> -> memref<1x10000x64xf32, #tpu.memory_space<hbm>>
    %dma_start3A_62 = tpu.memref_squeeze %dma_start3A_61 : memref<1x10000x64xf32, #tpu.memory_space<hbm>> -> memref<10000x64xf32, #tpu.memory_space<hbm>>
    %dma_start3A_63 = arith.constant 0 : i32
    %dma_start3A_64 = arith.constant 0 : i32
    %dma_start3A_65 = tpu.memref_slice %dma_start3A_62[%dma_start3A_63, %dma_start3A_64] : memref<10000x64xf32, #tpu.memory_space<hbm>> -> memref<10000x64xf32, #tpu.memory_space<hbm>>
    %dma_start3A_66 = tpu.memref_slice %arg11[%dma_start3A_52] : memref<4x!tpu.dma_semaphore, #tpu.memory_space<semaphore_mem>> -> memref<1x!tpu.dma_semaphore, #tpu.memory_space<semaphore_mem>>
    %dma_start3A_67 = tpu.memref_squeeze %dma_start3A_66 : memref<1x!tpu.dma_semaphore, #tpu.memory_space<semaphore_mem>> -> memref<!tpu.dma_semaphore, #tpu.memory_space<semaphore_mem>>
    tpu.enqueue_indirect_dma source(%dma_start3A_65 : memref<10000x64xf32, #tpu.memory_space<hbm>>) target(%dma_start3A_55 : memref<128x64xf32, #tpu.memory_space<vmem>>) offsets(%dma_start3A_58 : memref<128xi32, #tpu.memory_space<vmem>>) semaphore(%dma_start3A_67 : memref<!tpu.dma_semaphore, #tpu.memory_space<semaphore_mem>>)
    %scan3A = arith.constant 0 : i32
    %scan3A_68 = arith.constant 40 : i32
    %scan3A_69 = arith.addi %scan3A, %scan3A_68 : i32
    %scan3A_70 = arith.constant 1 : i32
    scf.for %scan3A_75 = %scan3A to %scan3A_69 step %scan3A_70  : i32 {
      %mul3A_76 = arith.constant 4 : i32
      %mul3A_77 = arith.muli %scan3A_75, %mul3A_76 : i32
      %add3A = arith.constant 0 : i32
      %add3A_78 = arith.addi %add3A, %mul3A_77 : i32
      %add3A_79 = arith.constant 0 : i32
      %add3A_80 = arith.addi %add3A_78, %add3A_79 : i32
      %dma_wait3A = arith.constant 0 : i32
      %dma_wait3A_81 = arith.constant 0 : i32
      %dma_wait3A_82 = arith.constant 0 : i32
      %dma_wait3A_83 = tpu.memref_slice %arg9[%dma_wait3A_81, %dma_wait3A_82] : memref<512x64xf32, #tpu.memory_space<vmem>> -> memref<128x64xf32, #tpu.memory_space<vmem>>
      %dma_wait3A_84 = arith.constant 0 : i32
      %dma_wait3A_85 = tpu.memref_slice %arg7[%add3A_80, %dma_wait3A_84] : memref<160x128xi32, #tpu.memory_space<vmem>> -> memref<1x128xi32, #tpu.memory_space<vmem>>
      %dma_wait3A_86 = tpu.memref_squeeze %dma_wait3A_85 : memref<1x128xi32, #tpu.memory_space<vmem>> -> memref<128xi32, #tpu.memory_space<vmem>>
      %dma_wait3A_87 = arith.constant 0 : i32
      %dma_wait3A_88 = arith.constant 0 : i32
      %dma_wait3A_89 = tpu.memref_slice %arg2[%arg0, %dma_wait3A_87, %dma_wait3A_88] : memref<2x10000x64xf32, #tpu.memory_space<hbm>> -> memref<1x10000x64xf32, #tpu.memory_space<hbm>>
      %dma_wait3A_90 = tpu.memref_squeeze %dma_wait3A_89 : memref<1x10000x64xf32, #tpu.memory_space<hbm>> -> memref<10000x64xf32, #tpu.memory_space<hbm>>
      %dma_wait3A_91 = arith.constant 0 : i32
      %dma_wait3A_92 = arith.constant 0 : i32
      %dma_wait3A_93 = tpu.memref_slice %dma_wait3A_90[%dma_wait3A_91, %dma_wait3A_92] : memref<10000x64xf32, #tpu.memory_space<hbm>> -> memref<10000x64xf32, #tpu.memory_space<hbm>>
      %dma_wait3A_94 = tpu.memref_slice %arg11[%dma_wait3A] : memref<4x!tpu.dma_semaphore, #tpu.memory_space<semaphore_mem>> -> memref<1x!tpu.dma_semaphore, #tpu.memory_space<semaphore_mem>>
      %dma_wait3A_95 = tpu.memref_squeeze %dma_wait3A_94 : memref<1x!tpu.dma_semaphore, #tpu.memory_space<semaphore_mem>> -> memref<!tpu.dma_semaphore, #tpu.memory_space<semaphore_mem>>
      tpu.wait_indirect_dma semaphore(%dma_wait3A_95 : memref<!tpu.dma_semaphore, #tpu.memory_space<semaphore_mem>>) src(%dma_wait3A_93 : memref<10000x64xf32, #tpu.memory_space<hbm>>) dst(%dma_wait3A_83 : memref<128x64xf32, #tpu.memory_space<vmem>>)
      "tpu.region"() ({
        %run_scoped3A = tpu.sem_alloc : memref<!tpu.dma_semaphore, #tpu.memory_space<semaphore_mem>>
        %dma_start3A_175 = arith.constant 0 : i32
        %dma_start3A_176 = arith.constant 0 : i32
        %dma_start3A_177 = tpu.memref_slice %arg9[%dma_start3A_175, %dma_start3A_176] : memref<512x64xf32, #tpu.memory_space<vmem>> -> memref<128x64xf32, #tpu.memory_space<vmem>>
        %dma_start3A_178 = arith.constant 0 : i32
        %dma_start3A_179 = tpu.memref_slice %arg8[%add3A_80, %dma_start3A_178] : memref<160x128xi32, #tpu.memory_space<vmem>> -> memref<1x128xi32, #tpu.memory_space<vmem>>
        %dma_start3A_180 = tpu.memref_squeeze %dma_start3A_179 : memref<1x128xi32, #tpu.memory_space<vmem>> -> memref<128xi32, #tpu.memory_space<vmem>>
        %dma_start3A_181 = arith.constant 0 : i32
        %dma_start3A_182 = arith.constant 0 : i32
        %dma_start3A_183 = tpu.memref_slice %arg10[%dma_start3A_181, %dma_start3A_182] : memref<10112x64xf32, #tpu.memory_space<vmem_shared>> -> memref<10112x64xf32, #tpu.memory_space<vmem_shared>>
        tpu.enqueue_indirect_dma source(%dma_start3A_177 : memref<128x64xf32, #tpu.memory_space<vmem>>) target(%dma_start3A_183 : memref<10112x64xf32, #tpu.memory_space<vmem_shared>>) offsets(%dma_start3A_180 : memref<128xi32, #tpu.memory_space<vmem>>) semaphore(%run_scoped3A : memref<!tpu.dma_semaphore, #tpu.memory_space<semaphore_mem>>) {add = true}
        %dma_wait3A_184 = arith.constant 0 : i32
        %dma_wait3A_185 = arith.constant 0 : i32
        %dma_wait3A_186 = tpu.memref_slice %arg9[%dma_wait3A_184, %dma_wait3A_185] : memref<512x64xf32, #tpu.memory_space<vmem>> -> memref<128x64xf32, #tpu.memory_space<vmem>>
        %dma_wait3A_187 = arith.constant 0 : i32
        %dma_wait3A_188 = tpu.memref_slice %arg8[%add3A_80, %dma_wait3A_187] : memref<160x128xi32, #tpu.memory_space<vmem>> -> memref<1x128xi32, #tpu.memory_space<vmem>>
        %dma_wait3A_189 = tpu.memref_squeeze %dma_wait3A_188 : memref<1x128xi32, #tpu.memory_space<vmem>> -> memref<128xi32, #tpu.memory_space<vmem>>
        %dma_wait3A_190 = arith.constant 0 : i32
        %dma_wait3A_191 = arith.constant 0 : i32
        %dma_wait3A_192 = tpu.memref_slice %arg10[%dma_wait3A_190, %dma_wait3A_191] : memref<10112x64xf32, #tpu.memory_space<vmem_shared>> -> memref<10112x64xf32, #tpu.memory_space<vmem_shared>>
        tpu.wait_indirect_dma semaphore(%run_scoped3A : memref<!tpu.dma_semaphore, #tpu.memory_space<semaphore_mem>>) src(%dma_wait3A_186 : memref<128x64xf32, #tpu.memory_space<vmem>>) dst(%dma_wait3A_192 : memref<10112x64xf32, #tpu.memory_space<vmem_shared>>)
        tpu.yield
      }) : () -> ()
      %add3A_96 = arith.constant 4 : i32
      %add3A_97 = arith.addi %add3A_80, %add3A_96 : i32
      %lt3A = arith.constant 160 : i32
      %lt3A_98 = arith.cmpi slt, %add3A_97, %lt3A : i32
      %convert_element_type3A = arith.extui %lt3A_98 : i1 to i32
      %cond3A = arith.constant 0 : i32
      %cond3A_99 = arith.cmpi ne, %convert_element_type3A, %cond3A : i32
      scf.if %cond3A_99 {
        %add3A_175 = arith.constant 4 : i32
        %add3A_176 = arith.addi %add3A_80, %add3A_175 : i32
        %dma_start3A_177 = arith.constant 0 : i32
        %dma_start3A_178 = arith.constant 0 : i32
        %dma_start3A_179 = arith.constant 0 : i32
        %dma_start3A_180 = tpu.memref_slice %arg9[%dma_start3A_178, %dma_start3A_179] : memref<512x64xf32, #tpu.memory_space<vmem>> -> memref<128x64xf32, #tpu.memory_space<vmem>>
        %dma_start3A_181 = arith.constant 0 : i32
        %dma_start3A_182 = tpu.memref_slice %arg7[%add3A_176, %dma_start3A_181] : memref<160x128xi32, #tpu.memory_space<vmem>> -> memref<1x128xi32, #tpu.memory_space<vmem>>
        %dma_start3A_183 = tpu.memref_squeeze %dma_start3A_182 : memref<1x128xi32, #tpu.memory_space<vmem>> -> memref<128xi32, #tpu.memory_space<vmem>>
        %dma_start3A_184 = arith.constant 0 : i32
        %dma_start3A_185 = arith.constant 0 : i32
        %dma_start3A_186 = tpu.memref_slice %arg2[%arg0, %dma_start3A_184, %dma_start3A_185] : memref<2x10000x64xf32, #tpu.memory_space<hbm>> -> memref<1x10000x64xf32, #tpu.memory_space<hbm>>
        %dma_start3A_187 = tpu.memref_squeeze %dma_start3A_186 : memref<1x10000x64xf32, #tpu.memory_space<hbm>> -> memref<10000x64xf32, #tpu.memory_space<hbm>>
        %dma_start3A_188 = arith.constant 0 : i32
        %dma_start3A_189 = arith.constant 0 : i32
        %dma_start3A_190 = tpu.memref_slice %dma_start3A_187[%dma_start3A_188, %dma_start3A_189] : memref<10000x64xf32, #tpu.memory_space<hbm>> -> memref<10000x64xf32, #tpu.memory_space<hbm>>
        %dma_start3A_191 = tpu.memref_slice %arg11[%dma_start3A_177] : memref<4x!tpu.dma_semaphore, #tpu.memory_space<semaphore_mem>> -> memref<1x!tpu.dma_semaphore, #tpu.memory_space<semaphore_mem>>
        %dma_start3A_192 = tpu.memref_squeeze %dma_start3A_191 : memref<1x!tpu.dma_semaphore, #tpu.memory_space<semaphore_mem>> -> memref<!tpu.dma_semaphore, #tpu.memory_space<semaphore_mem>>
        tpu.enqueue_indirect_dma source(%dma_start3A_190 : memref<10000x64xf32, #tpu.memory_space<hbm>>) target(%dma_start3A_180 : memref<128x64xf32, #tpu.memory_space<vmem>>) offsets(%dma_start3A_183 : memref<128xi32, #tpu.memory_space<vmem>>) semaphore(%dma_start3A_192 : memref<!tpu.dma_semaphore, #tpu.memory_space<semaphore_mem>>)
      } else {
      }
      %add3A_100 = arith.constant 1 : i32
      %add3A_101 = arith.addi %add3A_78, %add3A_100 : i32
      %dma_wait3A_102 = arith.constant 1 : i32
      %dma_wait3A_103 = arith.constant 128 : i32
      %dma_wait3A_104 = arith.constant 0 : i32
      %dma_wait3A_105 = tpu.memref_slice %arg9[%dma_wait3A_103, %dma_wait3A_104] : memref<512x64xf32, #tpu.memory_space<vmem>> -> memref<128x64xf32, #tpu.memory_space<vmem>>
      %dma_wait3A_106 = arith.constant 0 : i32
      %dma_wait3A_107 = tpu.memref_slice %arg7[%add3A_101, %dma_wait3A_106] : memref<160x128xi32, #tpu.memory_space<vmem>> -> memref<1x128xi32, #tpu.memory_space<vmem>>
      %dma_wait3A_108 = tpu.memref_squeeze %dma_wait3A_107 : memref<1x128xi32, #tpu.memory_space<vmem>> -> memref<128xi32, #tpu.memory_space<vmem>>
      %dma_wait3A_109 = arith.constant 0 : i32
      %dma_wait3A_110 = arith.constant 0 : i32
      %dma_wait3A_111 = tpu.memref_slice %arg2[%arg0, %dma_wait3A_109, %dma_wait3A_110] : memref<2x10000x64xf32, #tpu.memory_space<hbm>> -> memref<1x10000x64xf32, #tpu.memory_space<hbm>>
      %dma_wait3A_112 = tpu.memref_squeeze %dma_wait3A_111 : memref<1x10000x64xf32, #tpu.memory_space<hbm>> -> memref<10000x64xf32, #tpu.memory_space<hbm>>
      %dma_wait3A_113 = arith.constant 0 : i32
      %dma_wait3A_114 = arith.constant 0 : i32
      %dma_wait3A_115 = tpu.memref_slice %dma_wait3A_112[%dma_wait3A_113, %dma_wait3A_114] : memref<10000x64xf32, #tpu.memory_space<hbm>> -> memref<10000x64xf32, #tpu.memory_space<hbm>>
      %dma_wait3A_116 = tpu.memref_slice %arg11[%dma_wait3A_102] : memref<4x!tpu.dma_semaphore, #tpu.memory_space<semaphore_mem>> -> memref<1x!tpu.dma_semaphore, #tpu.memory_space<semaphore_mem>>
      %dma_wait3A_117 = tpu.memref_squeeze %dma_wait3A_116 : memref<1x!tpu.dma_semaphore, #tpu.memory_space<semaphore_mem>> -> memref<!tpu.dma_semaphore, #tpu.memory_space<semaphore_mem>>
      tpu.wait_indirect_dma semaphore(%dma_wait3A_117 : memref<!tpu.dma_semaphore, #tpu.memory_space<semaphore_mem>>) src(%dma_wait3A_115 : memref<10000x64xf32, #tpu.memory_space<hbm>>) dst(%dma_wait3A_105 : memref<128x64xf32, #tpu.memory_space<vmem>>)
      "tpu.region"() ({
        %run_scoped3A = tpu.sem_alloc : memref<!tpu.dma_semaphore, #tpu.memory_space<semaphore_mem>>
        %dma_start3A_175 = arith.constant 128 : i32
        %dma_start3A_176 = arith.constant 0 : i32
        %dma_start3A_177 = tpu.memref_slice %arg9[%dma_start3A_175, %dma_start3A_176] : memref<512x64xf32, #tpu.memory_space<vmem>> -> memref<128x64xf32, #tpu.memory_space<vmem>>
        %dma_start3A_178 = arith.constant 0 : i32
        %dma_start3A_179 = tpu.memref_slice %arg8[%add3A_101, %dma_start3A_178] : memref<160x128xi32, #tpu.memory_space<vmem>> -> memref<1x128xi32, #tpu.memory_space<vmem>>
        %dma_start3A_180 = tpu.memref_squeeze %dma_start3A_179 : memref<1x128xi32, #tpu.memory_space<vmem>> -> memref<128xi32, #tpu.memory_space<vmem>>
        %dma_start3A_181 = arith.constant 0 : i32
        %dma_start3A_182 = arith.constant 0 : i32
        %dma_start3A_183 = tpu.memref_slice %arg10[%dma_start3A_181, %dma_start3A_182] : memref<10112x64xf32, #tpu.memory_space<vmem_shared>> -> memref<10112x64xf32, #tpu.memory_space<vmem_shared>>
        tpu.enqueue_indirect_dma source(%dma_start3A_177 : memref<128x64xf32, #tpu.memory_space<vmem>>) target(%dma_start3A_183 : memref<10112x64xf32, #tpu.memory_space<vmem_shared>>) offsets(%dma_start3A_180 : memref<128xi32, #tpu.memory_space<vmem>>) semaphore(%run_scoped3A : memref<!tpu.dma_semaphore, #tpu.memory_space<semaphore_mem>>) {add = true}
        %dma_wait3A_184 = arith.constant 128 : i32
        %dma_wait3A_185 = arith.constant 0 : i32
        %dma_wait3A_186 = tpu.memref_slice %arg9[%dma_wait3A_184, %dma_wait3A_185] : memref<512x64xf32, #tpu.memory_space<vmem>> -> memref<128x64xf32, #tpu.memory_space<vmem>>
        %dma_wait3A_187 = arith.constant 0 : i32
        %dma_wait3A_188 = tpu.memref_slice %arg8[%add3A_101, %dma_wait3A_187] : memref<160x128xi32, #tpu.memory_space<vmem>> -> memref<1x128xi32, #tpu.memory_space<vmem>>
        %dma_wait3A_189 = tpu.memref_squeeze %dma_wait3A_188 : memref<1x128xi32, #tpu.memory_space<vmem>> -> memref<128xi32, #tpu.memory_space<vmem>>
        %dma_wait3A_190 = arith.constant 0 : i32
        %dma_wait3A_191 = arith.constant 0 : i32
        %dma_wait3A_192 = tpu.memref_slice %arg10[%dma_wait3A_190, %dma_wait3A_191] : memref<10112x64xf32, #tpu.memory_space<vmem_shared>> -> memref<10112x64xf32, #tpu.memory_space<vmem_shared>>
        tpu.wait_indirect_dma semaphore(%run_scoped3A : memref<!tpu.dma_semaphore, #tpu.memory_space<semaphore_mem>>) src(%dma_wait3A_186 : memref<128x64xf32, #tpu.memory_space<vmem>>) dst(%dma_wait3A_192 : memref<10112x64xf32, #tpu.memory_space<vmem_shared>>)
        tpu.yield
      }) : () -> ()
      %add3A_118 = arith.constant 4 : i32
      %add3A_119 = arith.addi %add3A_101, %add3A_118 : i32
      %lt3A_120 = arith.constant 160 : i32
      %lt3A_121 = arith.cmpi slt, %add3A_119, %lt3A_120 : i32
      %convert_element_type3A_122 = arith.extui %lt3A_121 : i1 to i32
      %cond3A_123 = arith.constant 0 : i32
      %cond3A_124 = arith.cmpi ne, %convert_element_type3A_122, %cond3A_123 : i32
      scf.if %cond3A_124 {
        %add3A_175 = arith.constant 4 : i32
        %add3A_176 = arith.addi %add3A_101, %add3A_175 : i32
        %dma_start3A_177 = arith.constant 1 : i32
        %dma_start3A_178 = arith.constant 128 : i32
        %dma_start3A_179 = arith.constant 0 : i32
        %dma_start3A_180 = tpu.memref_slice %arg9[%dma_start3A_178, %dma_start3A_179] : memref<512x64xf32, #tpu.memory_space<vmem>> -> memref<128x64xf32, #tpu.memory_space<vmem>>
        %dma_start3A_181 = arith.constant 0 : i32
        %dma_start3A_182 = tpu.memref_slice %arg7[%add3A_176, %dma_start3A_181] : memref<160x128xi32, #tpu.memory_space<vmem>> -> memref<1x128xi32, #tpu.memory_space<vmem>>
        %dma_start3A_183 = tpu.memref_squeeze %dma_start3A_182 : memref<1x128xi32, #tpu.memory_space<vmem>> -> memref<128xi32, #tpu.memory_space<vmem>>
        %dma_start3A_184 = arith.constant 0 : i32
        %dma_start3A_185 = arith.constant 0 : i32
        %dma_start3A_186 = tpu.memref_slice %arg2[%arg0, %dma_start3A_184, %dma_start3A_185] : memref<2x10000x64xf32, #tpu.memory_space<hbm>> -> memref<1x10000x64xf32, #tpu.memory_space<hbm>>
        %dma_start3A_187 = tpu.memref_squeeze %dma_start3A_186 : memref<1x10000x64xf32, #tpu.memory_space<hbm>> -> memref<10000x64xf32, #tpu.memory_space<hbm>>
        %dma_start3A_188 = arith.constant 0 : i32
        %dma_start3A_189 = arith.constant 0 : i32
        %dma_start3A_190 = tpu.memref_slice %dma_start3A_187[%dma_start3A_188, %dma_start3A_189] : memref<10000x64xf32, #tpu.memory_space<hbm>> -> memref<10000x64xf32, #tpu.memory_space<hbm>>
        %dma_start3A_191 = tpu.memref_slice %arg11[%dma_start3A_177] : memref<4x!tpu.dma_semaphore, #tpu.memory_space<semaphore_mem>> -> memref<1x!tpu.dma_semaphore, #tpu.memory_space<semaphore_mem>>
        %dma_start3A_192 = tpu.memref_squeeze %dma_start3A_191 : memref<1x!tpu.dma_semaphore, #tpu.memory_space<semaphore_mem>> -> memref<!tpu.dma_semaphore, #tpu.memory_space<semaphore_mem>>
        tpu.enqueue_indirect_dma source(%dma_start3A_190 : memref<10000x64xf32, #tpu.memory_space<hbm>>) target(%dma_start3A_180 : memref<128x64xf32, #tpu.memory_space<vmem>>) offsets(%dma_start3A_183 : memref<128xi32, #tpu.memory_space<vmem>>) semaphore(%dma_start3A_192 : memref<!tpu.dma_semaphore, #tpu.memory_space<semaphore_mem>>)
      } else {
      }
      %add3A_125 = arith.constant 2 : i32
      %add3A_126 = arith.addi %add3A_78, %add3A_125 : i32
      %dma_wait3A_127 = arith.constant 2 : i32
      %dma_wait3A_128 = arith.constant 256 : i32
      %dma_wait3A_129 = arith.constant 0 : i32
      %dma_wait3A_130 = tpu.memref_slice %arg9[%dma_wait3A_128, %dma_wait3A_129] : memref<512x64xf32, #tpu.memory_space<vmem>> -> memref<128x64xf32, #tpu.memory_space<vmem>>
      %dma_wait3A_131 = arith.constant 0 : i32
      %dma_wait3A_132 = tpu.memref_slice %arg7[%add3A_126, %dma_wait3A_131] : memref<160x128xi32, #tpu.memory_space<vmem>> -> memref<1x128xi32, #tpu.memory_space<vmem>>
      %dma_wait3A_133 = tpu.memref_squeeze %dma_wait3A_132 : memref<1x128xi32, #tpu.memory_space<vmem>> -> memref<128xi32, #tpu.memory_space<vmem>>
      %dma_wait3A_134 = arith.constant 0 : i32
      %dma_wait3A_135 = arith.constant 0 : i32
      %dma_wait3A_136 = tpu.memref_slice %arg2[%arg0, %dma_wait3A_134, %dma_wait3A_135] : memref<2x10000x64xf32, #tpu.memory_space<hbm>> -> memref<1x10000x64xf32, #tpu.memory_space<hbm>>
      %dma_wait3A_137 = tpu.memref_squeeze %dma_wait3A_136 : memref<1x10000x64xf32, #tpu.memory_space<hbm>> -> memref<10000x64xf32, #tpu.memory_space<hbm>>
      %dma_wait3A_138 = arith.constant 0 : i32
      %dma_wait3A_139 = arith.constant 0 : i32
      %dma_wait3A_140 = tpu.memref_slice %dma_wait3A_137[%dma_wait3A_138, %dma_wait3A_139] : memref<10000x64xf32, #tpu.memory_space<hbm>> -> memref<10000x64xf32, #tpu.memory_space<hbm>>
      %dma_wait3A_141 = tpu.memref_slice %arg11[%dma_wait3A_127] : memref<4x!tpu.dma_semaphore, #tpu.memory_space<semaphore_mem>> -> memref<1x!tpu.dma_semaphore, #tpu.memory_space<semaphore_mem>>
      %dma_wait3A_142 = tpu.memref_squeeze %dma_wait3A_141 : memref<1x!tpu.dma_semaphore, #tpu.memory_space<semaphore_mem>> -> memref<!tpu.dma_semaphore, #tpu.memory_space<semaphore_mem>>
      tpu.wait_indirect_dma semaphore(%dma_wait3A_142 : memref<!tpu.dma_semaphore, #tpu.memory_space<semaphore_mem>>) src(%dma_wait3A_140 : memref<10000x64xf32, #tpu.memory_space<hbm>>) dst(%dma_wait3A_130 : memref<128x64xf32, #tpu.memory_space<vmem>>)
      "tpu.region"() ({
        %run_scoped3A = tpu.sem_alloc : memref<!tpu.dma_semaphore, #tpu.memory_space<semaphore_mem>>
        %dma_start3A_175 = arith.constant 256 : i32
        %dma_start3A_176 = arith.constant 0 : i32
        %dma_start3A_177 = tpu.memref_slice %arg9[%dma_start3A_175, %dma_start3A_176] : memref<512x64xf32, #tpu.memory_space<vmem>> -> memref<128x64xf32, #tpu.memory_space<vmem>>
        %dma_start3A_178 = arith.constant 0 : i32
        %dma_start3A_179 = tpu.memref_slice %arg8[%add3A_126, %dma_start3A_178] : memref<160x128xi32, #tpu.memory_space<vmem>> -> memref<1x128xi32, #tpu.memory_space<vmem>>
        %dma_start3A_180 = tpu.memref_squeeze %dma_start3A_179 : memref<1x128xi32, #tpu.memory_space<vmem>> -> memref<128xi32, #tpu.memory_space<vmem>>
        %dma_start3A_181 = arith.constant 0 : i32
        %dma_start3A_182 = arith.constant 0 : i32
        %dma_start3A_183 = tpu.memref_slice %arg10[%dma_start3A_181, %dma_start3A_182] : memref<10112x64xf32, #tpu.memory_space<vmem_shared>> -> memref<10112x64xf32, #tpu.memory_space<vmem_shared>>
        tpu.enqueue_indirect_dma source(%dma_start3A_177 : memref<128x64xf32, #tpu.memory_space<vmem>>) target(%dma_start3A_183 : memref<10112x64xf32, #tpu.memory_space<vmem_shared>>) offsets(%dma_start3A_180 : memref<128xi32, #tpu.memory_space<vmem>>) semaphore(%run_scoped3A : memref<!tpu.dma_semaphore, #tpu.memory_space<semaphore_mem>>) {add = true}
        %dma_wait3A_184 = arith.constant 256 : i32
        %dma_wait3A_185 = arith.constant 0 : i32
        %dma_wait3A_186 = tpu.memref_slice %arg9[%dma_wait3A_184, %dma_wait3A_185] : memref<512x64xf32, #tpu.memory_space<vmem>> -> memref<128x64xf32, #tpu.memory_space<vmem>>
        %dma_wait3A_187 = arith.constant 0 : i32
        %dma_wait3A_188 = tpu.memref_slice %arg8[%add3A_126, %dma_wait3A_187] : memref<160x128xi32, #tpu.memory_space<vmem>> -> memref<1x128xi32, #tpu.memory_space<vmem>>
        %dma_wait3A_189 = tpu.memref_squeeze %dma_wait3A_188 : memref<1x128xi32, #tpu.memory_space<vmem>> -> memref<128xi32, #tpu.memory_space<vmem>>
        %dma_wait3A_190 = arith.constant 0 : i32
        %dma_wait3A_191 = arith.constant 0 : i32
        %dma_wait3A_192 = tpu.memref_slice %arg10[%dma_wait3A_190, %dma_wait3A_191] : memref<10112x64xf32, #tpu.memory_space<vmem_shared>> -> memref<10112x64xf32, #tpu.memory_space<vmem_shared>>
        tpu.wait_indirect_dma semaphore(%run_scoped3A : memref<!tpu.dma_semaphore, #tpu.memory_space<semaphore_mem>>) src(%dma_wait3A_186 : memref<128x64xf32, #tpu.memory_space<vmem>>) dst(%dma_wait3A_192 : memref<10112x64xf32, #tpu.memory_space<vmem_shared>>)
        tpu.yield
      }) : () -> ()
      %add3A_143 = arith.constant 4 : i32
      %add3A_144 = arith.addi %add3A_126, %add3A_143 : i32
      %lt3A_145 = arith.constant 160 : i32
      %lt3A_146 = arith.cmpi slt, %add3A_144, %lt3A_145 : i32
      %convert_element_type3A_147 = arith.extui %lt3A_146 : i1 to i32
      %cond3A_148 = arith.constant 0 : i32
      %cond3A_149 = arith.cmpi ne, %convert_element_type3A_147, %cond3A_148 : i32
      scf.if %cond3A_149 {
        %add3A_175 = arith.constant 4 : i32
        %add3A_176 = arith.addi %add3A_126, %add3A_175 : i32
        %dma_start3A_177 = arith.constant 2 : i32
        %dma_start3A_178 = arith.constant 256 : i32
        %dma_start3A_179 = arith.constant 0 : i32
        %dma_start3A_180 = tpu.memref_slice %arg9[%dma_start3A_178, %dma_start3A_179] : memref<512x64xf32, #tpu.memory_space<vmem>> -> memref<128x64xf32, #tpu.memory_space<vmem>>
        %dma_start3A_181 = arith.constant 0 : i32
        %dma_start3A_182 = tpu.memref_slice %arg7[%add3A_176, %dma_start3A_181] : memref<160x128xi32, #tpu.memory_space<vmem>> -> memref<1x128xi32, #tpu.memory_space<vmem>>
        %dma_start3A_183 = tpu.memref_squeeze %dma_start3A_182 : memref<1x128xi32, #tpu.memory_space<vmem>> -> memref<128xi32, #tpu.memory_space<vmem>>
        %dma_start3A_184 = arith.constant 0 : i32
        %dma_start3A_185 = arith.constant 0 : i32
        %dma_start3A_186 = tpu.memref_slice %arg2[%arg0, %dma_start3A_184, %dma_start3A_185] : memref<2x10000x64xf32, #tpu.memory_space<hbm>> -> memref<1x10000x64xf32, #tpu.memory_space<hbm>>
        %dma_start3A_187 = tpu.memref_squeeze %dma_start3A_186 : memref<1x10000x64xf32, #tpu.memory_space<hbm>> -> memref<10000x64xf32, #tpu.memory_space<hbm>>
        %dma_start3A_188 = arith.constant 0 : i32
        %dma_start3A_189 = arith.constant 0 : i32
        %dma_start3A_190 = tpu.memref_slice %dma_start3A_187[%dma_start3A_188, %dma_start3A_189] : memref<10000x64xf32, #tpu.memory_space<hbm>> -> memref<10000x64xf32, #tpu.memory_space<hbm>>
        %dma_start3A_191 = tpu.memref_slice %arg11[%dma_start3A_177] : memref<4x!tpu.dma_semaphore, #tpu.memory_space<semaphore_mem>> -> memref<1x!tpu.dma_semaphore, #tpu.memory_space<semaphore_mem>>
        %dma_start3A_192 = tpu.memref_squeeze %dma_start3A_191 : memref<1x!tpu.dma_semaphore, #tpu.memory_space<semaphore_mem>> -> memref<!tpu.dma_semaphore, #tpu.memory_space<semaphore_mem>>
        tpu.enqueue_indirect_dma source(%dma_start3A_190 : memref<10000x64xf32, #tpu.memory_space<hbm>>) target(%dma_start3A_180 : memref<128x64xf32, #tpu.memory_space<vmem>>) offsets(%dma_start3A_183 : memref<128xi32, #tpu.memory_space<vmem>>) semaphore(%dma_start3A_192 : memref<!tpu.dma_semaphore, #tpu.memory_space<semaphore_mem>>)
      } else {
      }
      %add3A_150 = arith.constant 3 : i32
      %add3A_151 = arith.addi %add3A_78, %add3A_150 : i32
      %dma_wait3A_152 = arith.constant 3 : i32
      %dma_wait3A_153 = arith.constant 384 : i32
      %dma_wait3A_154 = arith.constant 0 : i32
      %dma_wait3A_155 = tpu.memref_slice %arg9[%dma_wait3A_153, %dma_wait3A_154] : memref<512x64xf32, #tpu.memory_space<vmem>> -> memref<128x64xf32, #tpu.memory_space<vmem>>
      %dma_wait3A_156 = arith.constant 0 : i32
      %dma_wait3A_157 = tpu.memref_slice %arg7[%add3A_151, %dma_wait3A_156] : memref<160x128xi32, #tpu.memory_space<vmem>> -> memref<1x128xi32, #tpu.memory_space<vmem>>
      %dma_wait3A_158 = tpu.memref_squeeze %dma_wait3A_157 : memref<1x128xi32, #tpu.memory_space<vmem>> -> memref<128xi32, #tpu.memory_space<vmem>>
      %dma_wait3A_159 = arith.constant 0 : i32
      %dma_wait3A_160 = arith.constant 0 : i32
      %dma_wait3A_161 = tpu.memref_slice %arg2[%arg0, %dma_wait3A_159, %dma_wait3A_160] : memref<2x10000x64xf32, #tpu.memory_space<hbm>> -> memref<1x10000x64xf32, #tpu.memory_space<hbm>>
      %dma_wait3A_162 = tpu.memref_squeeze %dma_wait3A_161 : memref<1x10000x64xf32, #tpu.memory_space<hbm>> -> memref<10000x64xf32, #tpu.memory_space<hbm>>
      %dma_wait3A_163 = arith.constant 0 : i32
      %dma_wait3A_164 = arith.constant 0 : i32
      %dma_wait3A_165 = tpu.memref_slice %dma_wait3A_162[%dma_wait3A_163, %dma_wait3A_164] : memref<10000x64xf32, #tpu.memory_space<hbm>> -> memref<10000x64xf32, #tpu.memory_space<hbm>>
      %dma_wait3A_166 = tpu.memref_slice %arg11[%dma_wait3A_152] : memref<4x!tpu.dma_semaphore, #tpu.memory_space<semaphore_mem>> -> memref<1x!tpu.dma_semaphore, #tpu.memory_space<semaphore_mem>>
      %dma_wait3A_167 = tpu.memref_squeeze %dma_wait3A_166 : memref<1x!tpu.dma_semaphore, #tpu.memory_space<semaphore_mem>> -> memref<!tpu.dma_semaphore, #tpu.memory_space<semaphore_mem>>
      tpu.wait_indirect_dma semaphore(%dma_wait3A_167 : memref<!tpu.dma_semaphore, #tpu.memory_space<semaphore_mem>>) src(%dma_wait3A_165 : memref<10000x64xf32, #tpu.memory_space<hbm>>) dst(%dma_wait3A_155 : memref<128x64xf32, #tpu.memory_space<vmem>>)
      "tpu.region"() ({
        %run_scoped3A = tpu.sem_alloc : memref<!tpu.dma_semaphore, #tpu.memory_space<semaphore_mem>>
        %dma_start3A_175 = arith.constant 384 : i32
        %dma_start3A_176 = arith.constant 0 : i32
        %dma_start3A_177 = tpu.memref_slice %arg9[%dma_start3A_175, %dma_start3A_176] : memref<512x64xf32, #tpu.memory_space<vmem>> -> memref<128x64xf32, #tpu.memory_space<vmem>>
        %dma_start3A_178 = arith.constant 0 : i32
        %dma_start3A_179 = tpu.memref_slice %arg8[%add3A_151, %dma_start3A_178] : memref<160x128xi32, #tpu.memory_space<vmem>> -> memref<1x128xi32, #tpu.memory_space<vmem>>
        %dma_start3A_180 = tpu.memref_squeeze %dma_start3A_179 : memref<1x128xi32, #tpu.memory_space<vmem>> -> memref<128xi32, #tpu.memory_space<vmem>>
        %dma_start3A_181 = arith.constant 0 : i32
        %dma_start3A_182 = arith.constant 0 : i32
        %dma_start3A_183 = tpu.memref_slice %arg10[%dma_start3A_181, %dma_start3A_182] : memref<10112x64xf32, #tpu.memory_space<vmem_shared>> -> memref<10112x64xf32, #tpu.memory_space<vmem_shared>>
        tpu.enqueue_indirect_dma source(%dma_start3A_177 : memref<128x64xf32, #tpu.memory_space<vmem>>) target(%dma_start3A_183 : memref<10112x64xf32, #tpu.memory_space<vmem_shared>>) offsets(%dma_start3A_180 : memref<128xi32, #tpu.memory_space<vmem>>) semaphore(%run_scoped3A : memref<!tpu.dma_semaphore, #tpu.memory_space<semaphore_mem>>) {add = true}
        %dma_wait3A_184 = arith.constant 384 : i32
        %dma_wait3A_185 = arith.constant 0 : i32
        %dma_wait3A_186 = tpu.memref_slice %arg9[%dma_wait3A_184, %dma_wait3A_185] : memref<512x64xf32, #tpu.memory_space<vmem>> -> memref<128x64xf32, #tpu.memory_space<vmem>>
        %dma_wait3A_187 = arith.constant 0 : i32
        %dma_wait3A_188 = tpu.memref_slice %arg8[%add3A_151, %dma_wait3A_187] : memref<160x128xi32, #tpu.memory_space<vmem>> -> memref<1x128xi32, #tpu.memory_space<vmem>>
        %dma_wait3A_189 = tpu.memref_squeeze %dma_wait3A_188 : memref<1x128xi32, #tpu.memory_space<vmem>> -> memref<128xi32, #tpu.memory_space<vmem>>
        %dma_wait3A_190 = arith.constant 0 : i32
        %dma_wait3A_191 = arith.constant 0 : i32
        %dma_wait3A_192 = tpu.memref_slice %arg10[%dma_wait3A_190, %dma_wait3A_191] : memref<10112x64xf32, #tpu.memory_space<vmem_shared>> -> memref<10112x64xf32, #tpu.memory_space<vmem_shared>>
        tpu.wait_indirect_dma semaphore(%run_scoped3A : memref<!tpu.dma_semaphore, #tpu.memory_space<semaphore_mem>>) src(%dma_wait3A_186 : memref<128x64xf32, #tpu.memory_space<vmem>>) dst(%dma_wait3A_192 : memref<10112x64xf32, #tpu.memory_space<vmem_shared>>)
        tpu.yield
      }) : () -> ()
      %add3A_168 = arith.constant 4 : i32
      %add3A_169 = arith.addi %add3A_151, %add3A_168 : i32
      %lt3A_170 = arith.constant 160 : i32
      %lt3A_171 = arith.cmpi slt, %add3A_169, %lt3A_170 : i32
      %convert_element_type3A_172 = arith.extui %lt3A_171 : i1 to i32
      %cond3A_173 = arith.constant 0 : i32
      %cond3A_174 = arith.cmpi ne, %convert_element_type3A_172, %cond3A_173 : i32
      scf.if %cond3A_174 {
        %add3A_175 = arith.constant 4 : i32
        %add3A_176 = arith.addi %add3A_151, %add3A_175 : i32
        %dma_start3A_177 = arith.constant 3 : i32
        %dma_start3A_178 = arith.constant 384 : i32
        %dma_start3A_179 = arith.constant 0 : i32
        %dma_start3A_180 = tpu.memref_slice %arg9[%dma_start3A_178, %dma_start3A_179] : memref<512x64xf32, #tpu.memory_space<vmem>> -> memref<128x64xf32, #tpu.memory_space<vmem>>
        %dma_start3A_181 = arith.constant 0 : i32
        %dma_start3A_182 = tpu.memref_slice %arg7[%add3A_176, %dma_start3A_181] : memref<160x128xi32, #tpu.memory_space<vmem>> -> memref<1x128xi32, #tpu.memory_space<vmem>>
        %dma_start3A_183 = tpu.memref_squeeze %dma_start3A_182 : memref<1x128xi32, #tpu.memory_space<vmem>> -> memref<128xi32, #tpu.memory_space<vmem>>
        %dma_start3A_184 = arith.constant 0 : i32
        %dma_start3A_185 = arith.constant 0 : i32
        %dma_start3A_186 = tpu.memref_slice %arg2[%arg0, %dma_start3A_184, %dma_start3A_185] : memref<2x10000x64xf32, #tpu.memory_space<hbm>> -> memref<1x10000x64xf32, #tpu.memory_space<hbm>>
        %dma_start3A_187 = tpu.memref_squeeze %dma_start3A_186 : memref<1x10000x64xf32, #tpu.memory_space<hbm>> -> memref<10000x64xf32, #tpu.memory_space<hbm>>
        %dma_start3A_188 = arith.constant 0 : i32
        %dma_start3A_189 = arith.constant 0 : i32
        %dma_start3A_190 = tpu.memref_slice %dma_start3A_187[%dma_start3A_188, %dma_start3A_189] : memref<10000x64xf32, #tpu.memory_space<hbm>> -> memref<10000x64xf32, #tpu.memory_space<hbm>>
        %dma_start3A_191 = tpu.memref_slice %arg11[%dma_start3A_177] : memref<4x!tpu.dma_semaphore, #tpu.memory_space<semaphore_mem>> -> memref<1x!tpu.dma_semaphore, #tpu.memory_space<semaphore_mem>>
        %dma_start3A_192 = tpu.memref_squeeze %dma_start3A_191 : memref<1x!tpu.dma_semaphore, #tpu.memory_space<semaphore_mem>> -> memref<!tpu.dma_semaphore, #tpu.memory_space<semaphore_mem>>
        tpu.enqueue_indirect_dma source(%dma_start3A_190 : memref<10000x64xf32, #tpu.memory_space<hbm>>) target(%dma_start3A_180 : memref<128x64xf32, #tpu.memory_space<vmem>>) offsets(%dma_start3A_183 : memref<128xi32, #tpu.memory_space<vmem>>) semaphore(%dma_start3A_192 : memref<!tpu.dma_semaphore, #tpu.memory_space<semaphore_mem>>)
      } else {
      }
    }
    %scan3A_71 = arith.constant 40 : i32
    %barrier3A_72 = arith.constant 0 : index
    tpu.barrier barrier_id(%barrier3A_72)
    %mul3A_73 = arith.constant 64 : i32
    %mul3A_74 = arith.muli %arg0, %mul3A_73 : i32
    "tpu.region"() ({
      %run_scoped3A = tpu.sem_alloc : memref<!tpu.dma_semaphore, #tpu.memory_space<semaphore_mem>>
      %dma_start3A_75 = tpu.memref_slice %arg6[%mul3A_0, %mul3A_74] : memref<10112x128xf32, #tpu.memory_space<hbm>> -> memref<632x64xf32, #tpu.memory_space<hbm>>
      %dma_start3A_76 = arith.constant 0 : i32
      %dma_start3A_77 = tpu.memref_slice %arg10[%mul3A_0, %dma_start3A_76] : memref<10112x64xf32, #tpu.memory_space<vmem_shared>> -> memref<632x64xf32, #tpu.memory_space<vmem_shared>>
      tpu.enqueue_dma source(%dma_start3A_77 : memref<632x64xf32, #tpu.memory_space<vmem_shared>>) target(%dma_start3A_75 : memref<632x64xf32, #tpu.memory_space<hbm>>) target_semaphore(%run_scoped3A : memref<!tpu.dma_semaphore, #tpu.memory_space<semaphore_mem>>)
      %dma_wait3A = tpu.memref_slice %arg6[%mul3A_0, %mul3A_74] : memref<10112x128xf32, #tpu.memory_space<hbm>> -> memref<632x64xf32, #tpu.memory_space<hbm>>
      %dma_wait3A_78 = arith.constant 0 : i32
      %dma_wait3A_79 = tpu.memref_slice %arg10[%mul3A_0, %dma_wait3A_78] : memref<10112x64xf32, #tpu.memory_space<vmem_shared>> -> memref<632x64xf32, #tpu.memory_space<vmem_shared>>
      tpu.wait_dma2 semaphore(%run_scoped3A : memref<!tpu.dma_semaphore, #tpu.memory_space<semaphore_mem>>) src(%dma_wait3A_79 : memref<632x64xf32, #tpu.memory_space<vmem_shared>>) dst(%dma_wait3A : memref<632x64xf32, #tpu.memory_space<hbm>>)
      tpu.yield
    }) : () -> ()
    return
  }
}

#map = affine_map<(d0, d1) -> (0, 0, 0)>
#map1 = affine_map<(d0, d1) -> (0, 0)>
module attributes {stable_mosaic.version = 14 : i64} {
  func.func @_agg_kernel_body(%arg0: i32, %arg1: i32, %arg2: memref<2x10000x64xf32, #tpu.memory_space<hbm>>, %arg3: memref<16x160x128xi32, #tpu.memory_space<hbm>>, %arg4: memref<16x160x128xi32, #tpu.memory_space<hbm>>, %arg5: memref<16x632x64xf32, #tpu.memory_space<hbm>>, %arg6: memref<10112x128xf32, #tpu.memory_space<hbm>>, %arg7: memref<160x128xi32, #tpu.memory_space<vmem>>, %arg8: memref<160x128xi32, #tpu.memory_space<vmem>>, %arg9: memref<512x64xf32, #tpu.memory_space<vmem>>, %arg10: memref<10112x64xf32, #tpu.memory_space<vmem_shared>>, %arg11: memref<4x!tpu.dma_semaphore, #tpu.memory_space<semaphore_mem>>) attributes {dimension_semantics = [#tpu.dimension_semantics<core_parallel>, #tpu.dimension_semantics<subcore_parallel>], iteration_bounds = array<i64: 2, 16>, scalar_prefetch = 0 : i64, scratch_operands = 5 : i64, tpu.core_type = #tpu.core_type<sc_vector_subcore>, window_params = [{transform_indices = #map}, {transform_indices = #map}, {transform_indices = #map}, {transform_indices = #map}, {transform_indices = #map1}]} {
    %mul3A = arith.constant 632 : i32
    %mul3A_0 = arith.muli %arg1, %mul3A : i32
    "tpu.region"() ({
      %run_scoped3A = tpu.sem_alloc : memref<!tpu.dma_semaphore, #tpu.memory_space<semaphore_mem>>
      %dma_start3A_75 = arith.constant 0 : i32
      %dma_start3A_76 = tpu.memref_slice %arg10[%mul3A_0, %dma_start3A_75] : memref<10112x64xf32, #tpu.memory_space<vmem_shared>> -> memref<632x64xf32, #tpu.memory_space<vmem_shared>>
      %dma_start3A_77 = arith.constant 0 : i32
      %dma_start3A_78 = arith.constant 0 : i32
      %dma_start3A_79 = tpu.memref_slice %arg5[%arg1, %dma_start3A_77, %dma_start3A_78] : memref<16x632x64xf32, #tpu.memory_space<hbm>> -> memref<1x632x64xf32, #tpu.memory_space<hbm>>
      %dma_start3A_80 = tpu.memref_squeeze %dma_start3A_79 : memref<1x632x64xf32, #tpu.memory_space<hbm>> -> memref<632x64xf32, #tpu.memory_space<hbm>>
      tpu.enqueue_dma source(%dma_start3A_80 : memref<632x64xf32, #tpu.memory_space<hbm>>) target(%dma_start3A_76 : memref<632x64xf32, #tpu.memory_space<vmem_shared>>) target_semaphore(%run_scoped3A : memref<!tpu.dma_semaphore, #tpu.memory_space<semaphore_mem>>)
      %dma_wait3A = arith.constant 0 : i32
      %dma_wait3A_81 = tpu.memref_slice %arg10[%mul3A_0, %dma_wait3A] : memref<10112x64xf32, #tpu.memory_space<vmem_shared>> -> memref<632x64xf32, #tpu.memory_space<vmem_shared>>
      %dma_wait3A_82 = arith.constant 0 : i32
      %dma_wait3A_83 = arith.constant 0 : i32
      %dma_wait3A_84 = tpu.memref_slice %arg5[%arg1, %dma_wait3A_82, %dma_wait3A_83] : memref<16x632x64xf32, #tpu.memory_space<hbm>> -> memref<1x632x64xf32, #tpu.memory_space<hbm>>
      %dma_wait3A_85 = tpu.memref_squeeze %dma_wait3A_84 : memref<1x632x64xf32, #tpu.memory_space<hbm>> -> memref<632x64xf32, #tpu.memory_space<hbm>>
      tpu.wait_dma2 semaphore(%run_scoped3A : memref<!tpu.dma_semaphore, #tpu.memory_space<semaphore_mem>>) src(%dma_wait3A_85 : memref<632x64xf32, #tpu.memory_space<hbm>>) dst(%dma_wait3A_81 : memref<632x64xf32, #tpu.memory_space<vmem_shared>>)
      tpu.yield
    }) : () -> ()
    "tpu.region"() ({
      %run_scoped3A = tpu.sem_alloc : memref<!tpu.dma_semaphore, #tpu.memory_space<semaphore_mem>>
      %dma_start3A_75 = arith.constant 0 : i32
      %dma_start3A_76 = arith.constant 0 : i32
      %dma_start3A_77 = tpu.memref_slice %arg3[%arg1, %dma_start3A_75, %dma_start3A_76] : memref<16x160x128xi32, #tpu.memory_space<hbm>> -> memref<1x160x128xi32, #tpu.memory_space<hbm>>
      %dma_start3A_78 = tpu.memref_squeeze %dma_start3A_77 : memref<1x160x128xi32, #tpu.memory_space<hbm>> -> memref<160x128xi32, #tpu.memory_space<hbm>>
      %dma_start3A_79 = arith.constant 0 : i32
      %dma_start3A_80 = arith.constant 0 : i32
      %dma_start3A_81 = tpu.memref_slice %arg3[%arg1, %dma_start3A_79, %dma_start3A_80] : memref<16x160x128xi32, #tpu.memory_space<hbm>> -> memref<1x160x128xi32, #tpu.memory_space<hbm>>
      %dma_start3A_82 = tpu.memref_squeeze %dma_start3A_81 : memref<1x160x128xi32, #tpu.memory_space<hbm>> -> memref<160x128xi32, #tpu.memory_space<hbm>>
      tpu.enqueue_dma source(%dma_start3A_82 : memref<160x128xi32, #tpu.memory_space<hbm>>) target(%arg7 : memref<160x128xi32, #tpu.memory_space<vmem>>) target_semaphore(%run_scoped3A : memref<!tpu.dma_semaphore, #tpu.memory_space<semaphore_mem>>)
      %dma_wait3A = arith.constant 0 : i32
      %dma_wait3A_83 = arith.constant 0 : i32
      %dma_wait3A_84 = tpu.memref_slice %arg3[%arg1, %dma_wait3A, %dma_wait3A_83] : memref<16x160x128xi32, #tpu.memory_space<hbm>> -> memref<1x160x128xi32, #tpu.memory_space<hbm>>
      %dma_wait3A_85 = tpu.memref_squeeze %dma_wait3A_84 : memref<1x160x128xi32, #tpu.memory_space<hbm>> -> memref<160x128xi32, #tpu.memory_space<hbm>>
      %dma_wait3A_86 = arith.constant 0 : i32
      %dma_wait3A_87 = arith.constant 0 : i32
      %dma_wait3A_88 = tpu.memref_slice %arg3[%arg1, %dma_wait3A_86, %dma_wait3A_87] : memref<16x160x128xi32, #tpu.memory_space<hbm>> -> memref<1x160x128xi32, #tpu.memory_space<hbm>>
      %dma_wait3A_89 = tpu.memref_squeeze %dma_wait3A_88 : memref<1x160x128xi32, #tpu.memory_space<hbm>> -> memref<160x128xi32, #tpu.memory_space<hbm>>
      tpu.wait_dma2 semaphore(%run_scoped3A : memref<!tpu.dma_semaphore, #tpu.memory_space<semaphore_mem>>) src(%dma_wait3A_89 : memref<160x128xi32, #tpu.memory_space<hbm>>) dst(%arg7 : memref<160x128xi32, #tpu.memory_space<vmem>>)
      tpu.yield
    }) : () -> ()
    "tpu.region"() ({
      %run_scoped3A = tpu.sem_alloc : memref<!tpu.dma_semaphore, #tpu.memory_space<semaphore_mem>>
      %dma_start3A_75 = arith.constant 0 : i32
      %dma_start3A_76 = arith.constant 0 : i32
      %dma_start3A_77 = tpu.memref_slice %arg4[%arg1, %dma_start3A_75, %dma_start3A_76] : memref<16x160x128xi32, #tpu.memory_space<hbm>> -> memref<1x160x128xi32, #tpu.memory_space<hbm>>
      %dma_start3A_78 = tpu.memref_squeeze %dma_start3A_77 : memref<1x160x128xi32, #tpu.memory_space<hbm>> -> memref<160x128xi32, #tpu.memory_space<hbm>>
      %dma_start3A_79 = arith.constant 0 : i32
      %dma_start3A_80 = arith.constant 0 : i32
      %dma_start3A_81 = tpu.memref_slice %arg4[%arg1, %dma_start3A_79, %dma_start3A_80] : memref<16x160x128xi32, #tpu.memory_space<hbm>> -> memref<1x160x128xi32, #tpu.memory_space<hbm>>
      %dma_start3A_82 = tpu.memref_squeeze %dma_start3A_81 : memref<1x160x128xi32, #tpu.memory_space<hbm>> -> memref<160x128xi32, #tpu.memory_space<hbm>>
      tpu.enqueue_dma source(%dma_start3A_82 : memref<160x128xi32, #tpu.memory_space<hbm>>) target(%arg8 : memref<160x128xi32, #tpu.memory_space<vmem>>) target_semaphore(%run_scoped3A : memref<!tpu.dma_semaphore, #tpu.memory_space<semaphore_mem>>)
      %dma_wait3A = arith.constant 0 : i32
      %dma_wait3A_83 = arith.constant 0 : i32
      %dma_wait3A_84 = tpu.memref_slice %arg4[%arg1, %dma_wait3A, %dma_wait3A_83] : memref<16x160x128xi32, #tpu.memory_space<hbm>> -> memref<1x160x128xi32, #tpu.memory_space<hbm>>
      %dma_wait3A_85 = tpu.memref_squeeze %dma_wait3A_84 : memref<1x160x128xi32, #tpu.memory_space<hbm>> -> memref<160x128xi32, #tpu.memory_space<hbm>>
      %dma_wait3A_86 = arith.constant 0 : i32
      %dma_wait3A_87 = arith.constant 0 : i32
      %dma_wait3A_88 = tpu.memref_slice %arg4[%arg1, %dma_wait3A_86, %dma_wait3A_87] : memref<16x160x128xi32, #tpu.memory_space<hbm>> -> memref<1x160x128xi32, #tpu.memory_space<hbm>>
      %dma_wait3A_89 = tpu.memref_squeeze %dma_wait3A_88 : memref<1x160x128xi32, #tpu.memory_space<hbm>> -> memref<160x128xi32, #tpu.memory_space<hbm>>
      tpu.wait_dma2 semaphore(%run_scoped3A : memref<!tpu.dma_semaphore, #tpu.memory_space<semaphore_mem>>) src(%dma_wait3A_89 : memref<160x128xi32, #tpu.memory_space<hbm>>) dst(%arg8 : memref<160x128xi32, #tpu.memory_space<vmem>>)
      tpu.yield
    }) : () -> ()
    %barrier3A = arith.constant 0 : index
    tpu.barrier barrier_id(%barrier3A)
    %dma_start3A = arith.constant 0 : i32
    %dma_start3A_1 = arith.constant 0 : i32
    %dma_start3A_2 = arith.constant 0 : i32
    %dma_start3A_3 = arith.constant 0 : i32
    %dma_start3A_4 = tpu.memref_slice %arg9[%dma_start3A_2, %dma_start3A_3] : memref<512x64xf32, #tpu.memory_space<vmem>> -> memref<128x64xf32, #tpu.memory_space<vmem>>
    %dma_start3A_5 = arith.constant 0 : i32
    %dma_start3A_6 = tpu.memref_slice %arg7[%dma_start3A, %dma_start3A_5] : memref<160x128xi32, #tpu.memory_space<vmem>> -> memref<1x128xi32, #tpu.memory_space<vmem>>
    %dma_start3A_7 = tpu.memref_squeeze %dma_start3A_6 : memref<1x128xi32, #tpu.memory_space<vmem>> -> memref<128xi32, #tpu.memory_space<vmem>>
    %dma_start3A_8 = arith.constant 0 : i32
    %dma_start3A_9 = arith.constant 0 : i32
    %dma_start3A_10 = tpu.memref_slice %arg2[%arg0, %dma_start3A_8, %dma_start3A_9] : memref<2x10000x64xf32, #tpu.memory_space<hbm>> -> memref<1x10000x64xf32, #tpu.memory_space<hbm>>
    %dma_start3A_11 = tpu.memref_squeeze %dma_start3A_10 : memref<1x10000x64xf32, #tpu.memory_space<hbm>> -> memref<10000x64xf32, #tpu.memory_space<hbm>>
    %dma_start3A_12 = arith.constant 0 : i32
    %dma_start3A_13 = arith.constant 0 : i32
    %dma_start3A_14 = tpu.memref_slice %dma_start3A_11[%dma_start3A_12, %dma_start3A_13] : memref<10000x64xf32, #tpu.memory_space<hbm>> -> memref<10000x64xf32, #tpu.memory_space<hbm>>
    %dma_start3A_15 = tpu.memref_slice %arg11[%dma_start3A_1] : memref<4x!tpu.dma_semaphore, #tpu.memory_space<semaphore_mem>> -> memref<1x!tpu.dma_semaphore, #tpu.memory_space<semaphore_mem>>
    %dma_start3A_16 = tpu.memref_squeeze %dma_start3A_15 : memref<1x!tpu.dma_semaphore, #tpu.memory_space<semaphore_mem>> -> memref<!tpu.dma_semaphore, #tpu.memory_space<semaphore_mem>>
    tpu.enqueue_indirect_dma source(%dma_start3A_14 : memref<10000x64xf32, #tpu.memory_space<hbm>>) target(%dma_start3A_4 : memref<128x64xf32, #tpu.memory_space<vmem>>) offsets(%dma_start3A_7 : memref<128xi32, #tpu.memory_space<vmem>>) semaphore(%dma_start3A_16 : memref<!tpu.dma_semaphore, #tpu.memory_space<semaphore_mem>>)
    %dma_start3A_17 = arith.constant 1 : i32
    %dma_start3A_18 = arith.constant 1 : i32
    %dma_start3A_19 = arith.constant 128 : i32
    %dma_start3A_20 = arith.constant 0 : i32
    %dma_start3A_21 = tpu.memref_slice %arg9[%dma_start3A_19, %dma_start3A_20] : memref<512x64xf32, #tpu.memory_space<vmem>> -> memref<128x64xf32, #tpu.memory_space<vmem>>
    %dma_start3A_22 = arith.constant 0 : i32
    %dma_start3A_23 = tpu.memref_slice %arg7[%dma_start3A_17, %dma_start3A_22] : memref<160x128xi32, #tpu.memory_space<vmem>> -> memref<1x128xi32, #tpu.memory_space<vmem>>
    %dma_start3A_24 = tpu.memref_squeeze %dma_start3A_23 : memref<1x128xi32, #tpu.memory_space<vmem>> -> memref<128xi32, #tpu.memory_space<vmem>>
    %dma_start3A_25 = arith.constant 0 : i32
    %dma_start3A_26 = arith.constant 0 : i32
    %dma_start3A_27 = tpu.memref_slice %arg2[%arg0, %dma_start3A_25, %dma_start3A_26] : memref<2x10000x64xf32, #tpu.memory_space<hbm>> -> memref<1x10000x64xf32, #tpu.memory_space<hbm>>
    %dma_start3A_28 = tpu.memref_squeeze %dma_start3A_27 : memref<1x10000x64xf32, #tpu.memory_space<hbm>> -> memref<10000x64xf32, #tpu.memory_space<hbm>>
    %dma_start3A_29 = arith.constant 0 : i32
    %dma_start3A_30 = arith.constant 0 : i32
    %dma_start3A_31 = tpu.memref_slice %dma_start3A_28[%dma_start3A_29, %dma_start3A_30] : memref<10000x64xf32, #tpu.memory_space<hbm>> -> memref<10000x64xf32, #tpu.memory_space<hbm>>
    %dma_start3A_32 = tpu.memref_slice %arg11[%dma_start3A_18] : memref<4x!tpu.dma_semaphore, #tpu.memory_space<semaphore_mem>> -> memref<1x!tpu.dma_semaphore, #tpu.memory_space<semaphore_mem>>
    %dma_start3A_33 = tpu.memref_squeeze %dma_start3A_32 : memref<1x!tpu.dma_semaphore, #tpu.memory_space<semaphore_mem>> -> memref<!tpu.dma_semaphore, #tpu.memory_space<semaphore_mem>>
    tpu.enqueue_indirect_dma source(%dma_start3A_31 : memref<10000x64xf32, #tpu.memory_space<hbm>>) target(%dma_start3A_21 : memref<128x64xf32, #tpu.memory_space<vmem>>) offsets(%dma_start3A_24 : memref<128xi32, #tpu.memory_space<vmem>>) semaphore(%dma_start3A_33 : memref<!tpu.dma_semaphore, #tpu.memory_space<semaphore_mem>>)
    %dma_start3A_34 = arith.constant 2 : i32
    %dma_start3A_35 = arith.constant 2 : i32
    %dma_start3A_36 = arith.constant 256 : i32
    %dma_start3A_37 = arith.constant 0 : i32
    %dma_start3A_38 = tpu.memref_slice %arg9[%dma_start3A_36, %dma_start3A_37] : memref<512x64xf32, #tpu.memory_space<vmem>> -> memref<128x64xf32, #tpu.memory_space<vmem>>
    %dma_start3A_39 = arith.constant 0 : i32
    %dma_start3A_40 = tpu.memref_slice %arg7[%dma_start3A_34, %dma_start3A_39] : memref<160x128xi32, #tpu.memory_space<vmem>> -> memref<1x128xi32, #tpu.memory_space<vmem>>
    %dma_start3A_41 = tpu.memref_squeeze %dma_start3A_40 : memref<1x128xi32, #tpu.memory_space<vmem>> -> memref<128xi32, #tpu.memory_space<vmem>>
    %dma_start3A_42 = arith.constant 0 : i32
    %dma_start3A_43 = arith.constant 0 : i32
    %dma_start3A_44 = tpu.memref_slice %arg2[%arg0, %dma_start3A_42, %dma_start3A_43] : memref<2x10000x64xf32, #tpu.memory_space<hbm>> -> memref<1x10000x64xf32, #tpu.memory_space<hbm>>
    %dma_start3A_45 = tpu.memref_squeeze %dma_start3A_44 : memref<1x10000x64xf32, #tpu.memory_space<hbm>> -> memref<10000x64xf32, #tpu.memory_space<hbm>>
    %dma_start3A_46 = arith.constant 0 : i32
    %dma_start3A_47 = arith.constant 0 : i32
    %dma_start3A_48 = tpu.memref_slice %dma_start3A_45[%dma_start3A_46, %dma_start3A_47] : memref<10000x64xf32, #tpu.memory_space<hbm>> -> memref<10000x64xf32, #tpu.memory_space<hbm>>
    %dma_start3A_49 = tpu.memref_slice %arg11[%dma_start3A_35] : memref<4x!tpu.dma_semaphore, #tpu.memory_space<semaphore_mem>> -> memref<1x!tpu.dma_semaphore, #tpu.memory_space<semaphore_mem>>
    %dma_start3A_50 = tpu.memref_squeeze %dma_start3A_49 : memref<1x!tpu.dma_semaphore, #tpu.memory_space<semaphore_mem>> -> memref<!tpu.dma_semaphore, #tpu.memory_space<semaphore_mem>>
    tpu.enqueue_indirect_dma source(%dma_start3A_48 : memref<10000x64xf32, #tpu.memory_space<hbm>>) target(%dma_start3A_38 : memref<128x64xf32, #tpu.memory_space<vmem>>) offsets(%dma_start3A_41 : memref<128xi32, #tpu.memory_space<vmem>>) semaphore(%dma_start3A_50 : memref<!tpu.dma_semaphore, #tpu.memory_space<semaphore_mem>>)
    %dma_start3A_51 = arith.constant 3 : i32
    %dma_start3A_52 = arith.constant 3 : i32
    %dma_start3A_53 = arith.constant 384 : i32
    %dma_start3A_54 = arith.constant 0 : i32
    %dma_start3A_55 = tpu.memref_slice %arg9[%dma_start3A_53, %dma_start3A_54] : memref<512x64xf32, #tpu.memory_space<vmem>> -> memref<128x64xf32, #tpu.memory_space<vmem>>
    %dma_start3A_56 = arith.constant 0 : i32
    %dma_start3A_57 = tpu.memref_slice %arg7[%dma_start3A_51, %dma_start3A_56] : memref<160x128xi32, #tpu.memory_space<vmem>> -> memref<1x128xi32, #tpu.memory_space<vmem>>
    %dma_start3A_58 = tpu.memref_squeeze %dma_start3A_57 : memref<1x128xi32, #tpu.memory_space<vmem>> -> memref<128xi32, #tpu.memory_space<vmem>>
    %dma_start3A_59 = arith.constant 0 : i32
    %dma_start3A_60 = arith.constant 0 : i32
    %dma_start3A_61 = tpu.memref_slice %arg2[%arg0, %dma_start3A_59, %dma_start3A_60] : memref<2x10000x64xf32, #tpu.memory_space<hbm>> -> memref<1x10000x64xf32, #tpu.memory_space<hbm>>
    %dma_start3A_62 = tpu.memref_squeeze %dma_start3A_61 : memref<1x10000x64xf32, #tpu.memory_space<hbm>> -> memref<10000x64xf32, #tpu.memory_space<hbm>>
    %dma_start3A_63 = arith.constant 0 : i32
    %dma_start3A_64 = arith.constant 0 : i32
    %dma_start3A_65 = tpu.memref_slice %dma_start3A_62[%dma_start3A_63, %dma_start3A_64] : memref<10000x64xf32, #tpu.memory_space<hbm>> -> memref<10000x64xf32, #tpu.memory_space<hbm>>
    %dma_start3A_66 = tpu.memref_slice %arg11[%dma_start3A_52] : memref<4x!tpu.dma_semaphore, #tpu.memory_space<semaphore_mem>> -> memref<1x!tpu.dma_semaphore, #tpu.memory_space<semaphore_mem>>
    %dma_start3A_67 = tpu.memref_squeeze %dma_start3A_66 : memref<1x!tpu.dma_semaphore, #tpu.memory_space<semaphore_mem>> -> memref<!tpu.dma_semaphore, #tpu.memory_space<semaphore_mem>>
    tpu.enqueue_indirect_dma source(%dma_start3A_65 : memref<10000x64xf32, #tpu.memory_space<hbm>>) target(%dma_start3A_55 : memref<128x64xf32, #tpu.memory_space<vmem>>) offsets(%dma_start3A_58 : memref<128xi32, #tpu.memory_space<vmem>>) semaphore(%dma_start3A_67 : memref<!tpu.dma_semaphore, #tpu.memory_space<semaphore_mem>>)
    %scan3A = arith.constant 0 : i32
    %scan3A_68 = arith.constant 40 : i32
    %scan3A_69 = arith.addi %scan3A, %scan3A_68 : i32
    %scan3A_70 = arith.constant 1 : i32
    scf.for %scan3A_75 = %scan3A to %scan3A_69 step %scan3A_70  : i32 {
      %mul3A_76 = arith.constant 4 : i32
      %mul3A_77 = arith.muli %scan3A_75, %mul3A_76 : i32
      %add3A = arith.constant 0 : i32
      %add3A_78 = arith.addi %add3A, %mul3A_77 : i32
      %add3A_79 = arith.constant 0 : i32
      %add3A_80 = arith.addi %add3A_78, %add3A_79 : i32
      %dma_wait3A = arith.constant 0 : i32
      %dma_wait3A_81 = arith.constant 0 : i32
      %dma_wait3A_82 = arith.constant 0 : i32
      %dma_wait3A_83 = tpu.memref_slice %arg9[%dma_wait3A_81, %dma_wait3A_82] : memref<512x64xf32, #tpu.memory_space<vmem>> -> memref<128x64xf32, #tpu.memory_space<vmem>>
      %dma_wait3A_84 = arith.constant 0 : i32
      %dma_wait3A_85 = tpu.memref_slice %arg7[%add3A_80, %dma_wait3A_84] : memref<160x128xi32, #tpu.memory_space<vmem>> -> memref<1x128xi32, #tpu.memory_space<vmem>>
      %dma_wait3A_86 = tpu.memref_squeeze %dma_wait3A_85 : memref<1x128xi32, #tpu.memory_space<vmem>> -> memref<128xi32, #tpu.memory_space<vmem>>
      %dma_wait3A_87 = arith.constant 0 : i32
      %dma_wait3A_88 = arith.constant 0 : i32
      %dma_wait3A_89 = tpu.memref_slice %arg2[%arg0, %dma_wait3A_87, %dma_wait3A_88] : memref<2x10000x64xf32, #tpu.memory_space<hbm>> -> memref<1x10000x64xf32, #tpu.memory_space<hbm>>
      %dma_wait3A_90 = tpu.memref_squeeze %dma_wait3A_89 : memref<1x10000x64xf32, #tpu.memory_space<hbm>> -> memref<10000x64xf32, #tpu.memory_space<hbm>>
      %dma_wait3A_91 = arith.constant 0 : i32
      %dma_wait3A_92 = arith.constant 0 : i32
      %dma_wait3A_93 = tpu.memref_slice %dma_wait3A_90[%dma_wait3A_91, %dma_wait3A_92] : memref<10000x64xf32, #tpu.memory_space<hbm>> -> memref<10000x64xf32, #tpu.memory_space<hbm>>
      %dma_wait3A_94 = tpu.memref_slice %arg11[%dma_wait3A] : memref<4x!tpu.dma_semaphore, #tpu.memory_space<semaphore_mem>> -> memref<1x!tpu.dma_semaphore, #tpu.memory_space<semaphore_mem>>
      %dma_wait3A_95 = tpu.memref_squeeze %dma_wait3A_94 : memref<1x!tpu.dma_semaphore, #tpu.memory_space<semaphore_mem>> -> memref<!tpu.dma_semaphore, #tpu.memory_space<semaphore_mem>>
      tpu.wait_indirect_dma semaphore(%dma_wait3A_95 : memref<!tpu.dma_semaphore, #tpu.memory_space<semaphore_mem>>) src(%dma_wait3A_93 : memref<10000x64xf32, #tpu.memory_space<hbm>>) dst(%dma_wait3A_83 : memref<128x64xf32, #tpu.memory_space<vmem>>)
      "tpu.region"() ({
        %run_scoped3A = tpu.sem_alloc : memref<!tpu.dma_semaphore, #tpu.memory_space<semaphore_mem>>
        %dma_start3A_175 = arith.constant 0 : i32
        %dma_start3A_176 = arith.constant 0 : i32
        %dma_start3A_177 = tpu.memref_slice %arg9[%dma_start3A_175, %dma_start3A_176] : memref<512x64xf32, #tpu.memory_space<vmem>> -> memref<128x64xf32, #tpu.memory_space<vmem>>
        %dma_start3A_178 = arith.constant 0 : i32
        %dma_start3A_179 = tpu.memref_slice %arg8[%add3A_80, %dma_start3A_178] : memref<160x128xi32, #tpu.memory_space<vmem>> -> memref<1x128xi32, #tpu.memory_space<vmem>>
        %dma_start3A_180 = tpu.memref_squeeze %dma_start3A_179 : memref<1x128xi32, #tpu.memory_space<vmem>> -> memref<128xi32, #tpu.memory_space<vmem>>
        %dma_start3A_181 = arith.constant 0 : i32
        %dma_start3A_182 = arith.constant 0 : i32
        %dma_start3A_183 = tpu.memref_slice %arg10[%dma_start3A_181, %dma_start3A_182] : memref<10112x64xf32, #tpu.memory_space<vmem_shared>> -> memref<10112x64xf32, #tpu.memory_space<vmem_shared>>
        tpu.enqueue_indirect_dma source(%dma_start3A_177 : memref<128x64xf32, #tpu.memory_space<vmem>>) target(%dma_start3A_183 : memref<10112x64xf32, #tpu.memory_space<vmem_shared>>) offsets(%dma_start3A_180 : memref<128xi32, #tpu.memory_space<vmem>>) semaphore(%run_scoped3A : memref<!tpu.dma_semaphore, #tpu.memory_space<semaphore_mem>>) {add = true}
        %dma_wait3A_184 = arith.constant 0 : i32
        %dma_wait3A_185 = arith.constant 0 : i32
        %dma_wait3A_186 = tpu.memref_slice %arg9[%dma_wait3A_184, %dma_wait3A_185] : memref<512x64xf32, #tpu.memory_space<vmem>> -> memref<128x64xf32, #tpu.memory_space<vmem>>
        %dma_wait3A_187 = arith.constant 0 : i32
        %dma_wait3A_188 = tpu.memref_slice %arg8[%add3A_80, %dma_wait3A_187] : memref<160x128xi32, #tpu.memory_space<vmem>> -> memref<1x128xi32, #tpu.memory_space<vmem>>
        %dma_wait3A_189 = tpu.memref_squeeze %dma_wait3A_188 : memref<1x128xi32, #tpu.memory_space<vmem>> -> memref<128xi32, #tpu.memory_space<vmem>>
        %dma_wait3A_190 = arith.constant 0 : i32
        %dma_wait3A_191 = arith.constant 0 : i32
        %dma_wait3A_192 = tpu.memref_slice %arg10[%dma_wait3A_190, %dma_wait3A_191] : memref<10112x64xf32, #tpu.memory_space<vmem_shared>> -> memref<10112x64xf32, #tpu.memory_space<vmem_shared>>
        tpu.wait_indirect_dma semaphore(%run_scoped3A : memref<!tpu.dma_semaphore, #tpu.memory_space<semaphore_mem>>) src(%dma_wait3A_186 : memref<128x64xf32, #tpu.memory_space<vmem>>) dst(%dma_wait3A_192 : memref<10112x64xf32, #tpu.memory_space<vmem_shared>>)
        tpu.yield
      }) : () -> ()
      %add3A_96 = arith.constant 4 : i32
      %add3A_97 = arith.addi %add3A_80, %add3A_96 : i32
      %lt3A = arith.constant 160 : i32
      %lt3A_98 = arith.cmpi slt, %add3A_97, %lt3A : i32
      %convert_element_type3A = arith.extui %lt3A_98 : i1 to i32
      %cond3A = arith.constant 0 : i32
      %cond3A_99 = arith.cmpi ne, %convert_element_type3A, %cond3A : i32
      scf.if %cond3A_99 {
        %add3A_175 = arith.constant 4 : i32
        %add3A_176 = arith.addi %add3A_80, %add3A_175 : i32
        %dma_start3A_177 = arith.constant 0 : i32
        %dma_start3A_178 = arith.constant 0 : i32
        %dma_start3A_179 = arith.constant 0 : i32
        %dma_start3A_180 = tpu.memref_slice %arg9[%dma_start3A_178, %dma_start3A_179] : memref<512x64xf32, #tpu.memory_space<vmem>> -> memref<128x64xf32, #tpu.memory_space<vmem>>
        %dma_start3A_181 = arith.constant 0 : i32
        %dma_start3A_182 = tpu.memref_slice %arg7[%add3A_176, %dma_start3A_181] : memref<160x128xi32, #tpu.memory_space<vmem>> -> memref<1x128xi32, #tpu.memory_space<vmem>>
        %dma_start3A_183 = tpu.memref_squeeze %dma_start3A_182 : memref<1x128xi32, #tpu.memory_space<vmem>> -> memref<128xi32, #tpu.memory_space<vmem>>
        %dma_start3A_184 = arith.constant 0 : i32
        %dma_start3A_185 = arith.constant 0 : i32
        %dma_start3A_186 = tpu.memref_slice %arg2[%arg0, %dma_start3A_184, %dma_start3A_185] : memref<2x10000x64xf32, #tpu.memory_space<hbm>> -> memref<1x10000x64xf32, #tpu.memory_space<hbm>>
        %dma_start3A_187 = tpu.memref_squeeze %dma_start3A_186 : memref<1x10000x64xf32, #tpu.memory_space<hbm>> -> memref<10000x64xf32, #tpu.memory_space<hbm>>
        %dma_start3A_188 = arith.constant 0 : i32
        %dma_start3A_189 = arith.constant 0 : i32
        %dma_start3A_190 = tpu.memref_slice %dma_start3A_187[%dma_start3A_188, %dma_start3A_189] : memref<10000x64xf32, #tpu.memory_space<hbm>> -> memref<10000x64xf32, #tpu.memory_space<hbm>>
        %dma_start3A_191 = tpu.memref_slice %arg11[%dma_start3A_177] : memref<4x!tpu.dma_semaphore, #tpu.memory_space<semaphore_mem>> -> memref<1x!tpu.dma_semaphore, #tpu.memory_space<semaphore_mem>>
        %dma_start3A_192 = tpu.memref_squeeze %dma_start3A_191 : memref<1x!tpu.dma_semaphore, #tpu.memory_space<semaphore_mem>> -> memref<!tpu.dma_semaphore, #tpu.memory_space<semaphore_mem>>
        tpu.enqueue_indirect_dma source(%dma_start3A_190 : memref<10000x64xf32, #tpu.memory_space<hbm>>) target(%dma_start3A_180 : memref<128x64xf32, #tpu.memory_space<vmem>>) offsets(%dma_start3A_183 : memref<128xi32, #tpu.memory_space<vmem>>) semaphore(%dma_start3A_192 : memref<!tpu.dma_semaphore, #tpu.memory_space<semaphore_mem>>)
      } else {
      }
      %add3A_100 = arith.constant 1 : i32
      %add3A_101 = arith.addi %add3A_78, %add3A_100 : i32
      %dma_wait3A_102 = arith.constant 1 : i32
      %dma_wait3A_103 = arith.constant 128 : i32
      %dma_wait3A_104 = arith.constant 0 : i32
      %dma_wait3A_105 = tpu.memref_slice %arg9[%dma_wait3A_103, %dma_wait3A_104] : memref<512x64xf32, #tpu.memory_space<vmem>> -> memref<128x64xf32, #tpu.memory_space<vmem>>
      %dma_wait3A_106 = arith.constant 0 : i32
      %dma_wait3A_107 = tpu.memref_slice %arg7[%add3A_101, %dma_wait3A_106] : memref<160x128xi32, #tpu.memory_space<vmem>> -> memref<1x128xi32, #tpu.memory_space<vmem>>
      %dma_wait3A_108 = tpu.memref_squeeze %dma_wait3A_107 : memref<1x128xi32, #tpu.memory_space<vmem>> -> memref<128xi32, #tpu.memory_space<vmem>>
      %dma_wait3A_109 = arith.constant 0 : i32
      %dma_wait3A_110 = arith.constant 0 : i32
      %dma_wait3A_111 = tpu.memref_slice %arg2[%arg0, %dma_wait3A_109, %dma_wait3A_110] : memref<2x10000x64xf32, #tpu.memory_space<hbm>> -> memref<1x10000x64xf32, #tpu.memory_space<hbm>>
      %dma_wait3A_112 = tpu.memref_squeeze %dma_wait3A_111 : memref<1x10000x64xf32, #tpu.memory_space<hbm>> -> memref<10000x64xf32, #tpu.memory_space<hbm>>
      %dma_wait3A_113 = arith.constant 0 : i32
      %dma_wait3A_114 = arith.constant 0 : i32
      %dma_wait3A_115 = tpu.memref_slice %dma_wait3A_112[%dma_wait3A_113, %dma_wait3A_114] : memref<10000x64xf32, #tpu.memory_space<hbm>> -> memref<10000x64xf32, #tpu.memory_space<hbm>>
      %dma_wait3A_116 = tpu.memref_slice %arg11[%dma_wait3A_102] : memref<4x!tpu.dma_semaphore, #tpu.memory_space<semaphore_mem>> -> memref<1x!tpu.dma_semaphore, #tpu.memory_space<semaphore_mem>>
      %dma_wait3A_117 = tpu.memref_squeeze %dma_wait3A_116 : memref<1x!tpu.dma_semaphore, #tpu.memory_space<semaphore_mem>> -> memref<!tpu.dma_semaphore, #tpu.memory_space<semaphore_mem>>
      tpu.wait_indirect_dma semaphore(%dma_wait3A_117 : memref<!tpu.dma_semaphore, #tpu.memory_space<semaphore_mem>>) src(%dma_wait3A_115 : memref<10000x64xf32, #tpu.memory_space<hbm>>) dst(%dma_wait3A_105 : memref<128x64xf32, #tpu.memory_space<vmem>>)
      "tpu.region"() ({
        %run_scoped3A = tpu.sem_alloc : memref<!tpu.dma_semaphore, #tpu.memory_space<semaphore_mem>>
        %dma_start3A_175 = arith.constant 128 : i32
        %dma_start3A_176 = arith.constant 0 : i32
        %dma_start3A_177 = tpu.memref_slice %arg9[%dma_start3A_175, %dma_start3A_176] : memref<512x64xf32, #tpu.memory_space<vmem>> -> memref<128x64xf32, #tpu.memory_space<vmem>>
        %dma_start3A_178 = arith.constant 0 : i32
        %dma_start3A_179 = tpu.memref_slice %arg8[%add3A_101, %dma_start3A_178] : memref<160x128xi32, #tpu.memory_space<vmem>> -> memref<1x128xi32, #tpu.memory_space<vmem>>
        %dma_start3A_180 = tpu.memref_squeeze %dma_start3A_179 : memref<1x128xi32, #tpu.memory_space<vmem>> -> memref<128xi32, #tpu.memory_space<vmem>>
        %dma_start3A_181 = arith.constant 0 : i32
        %dma_start3A_182 = arith.constant 0 : i32
        %dma_start3A_183 = tpu.memref_slice %arg10[%dma_start3A_181, %dma_start3A_182] : memref<10112x64xf32, #tpu.memory_space<vmem_shared>> -> memref<10112x64xf32, #tpu.memory_space<vmem_shared>>
        tpu.enqueue_indirect_dma source(%dma_start3A_177 : memref<128x64xf32, #tpu.memory_space<vmem>>) target(%dma_start3A_183 : memref<10112x64xf32, #tpu.memory_space<vmem_shared>>) offsets(%dma_start3A_180 : memref<128xi32, #tpu.memory_space<vmem>>) semaphore(%run_scoped3A : memref<!tpu.dma_semaphore, #tpu.memory_space<semaphore_mem>>) {add = true}
        %dma_wait3A_184 = arith.constant 128 : i32
        %dma_wait3A_185 = arith.constant 0 : i32
        %dma_wait3A_186 = tpu.memref_slice %arg9[%dma_wait3A_184, %dma_wait3A_185] : memref<512x64xf32, #tpu.memory_space<vmem>> -> memref<128x64xf32, #tpu.memory_space<vmem>>
        %dma_wait3A_187 = arith.constant 0 : i32
        %dma_wait3A_188 = tpu.memref_slice %arg8[%add3A_101, %dma_wait3A_187] : memref<160x128xi32, #tpu.memory_space<vmem>> -> memref<1x128xi32, #tpu.memory_space<vmem>>
        %dma_wait3A_189 = tpu.memref_squeeze %dma_wait3A_188 : memref<1x128xi32, #tpu.memory_space<vmem>> -> memref<128xi32, #tpu.memory_space<vmem>>
        %dma_wait3A_190 = arith.constant 0 : i32
        %dma_wait3A_191 = arith.constant 0 : i32
        %dma_wait3A_192 = tpu.memref_slice %arg10[%dma_wait3A_190, %dma_wait3A_191] : memref<10112x64xf32, #tpu.memory_space<vmem_shared>> -> memref<10112x64xf32, #tpu.memory_space<vmem_shared>>
        tpu.wait_indirect_dma semaphore(%run_scoped3A : memref<!tpu.dma_semaphore, #tpu.memory_space<semaphore_mem>>) src(%dma_wait3A_186 : memref<128x64xf32, #tpu.memory_space<vmem>>) dst(%dma_wait3A_192 : memref<10112x64xf32, #tpu.memory_space<vmem_shared>>)
        tpu.yield
      }) : () -> ()
      %add3A_118 = arith.constant 4 : i32
      %add3A_119 = arith.addi %add3A_101, %add3A_118 : i32
      %lt3A_120 = arith.constant 160 : i32
      %lt3A_121 = arith.cmpi slt, %add3A_119, %lt3A_120 : i32
      %convert_element_type3A_122 = arith.extui %lt3A_121 : i1 to i32
      %cond3A_123 = arith.constant 0 : i32
      %cond3A_124 = arith.cmpi ne, %convert_element_type3A_122, %cond3A_123 : i32
      scf.if %cond3A_124 {
        %add3A_175 = arith.constant 4 : i32
        %add3A_176 = arith.addi %add3A_101, %add3A_175 : i32
        %dma_start3A_177 = arith.constant 1 : i32
        %dma_start3A_178 = arith.constant 128 : i32
        %dma_start3A_179 = arith.constant 0 : i32
        %dma_start3A_180 = tpu.memref_slice %arg9[%dma_start3A_178, %dma_start3A_179] : memref<512x64xf32, #tpu.memory_space<vmem>> -> memref<128x64xf32, #tpu.memory_space<vmem>>
        %dma_start3A_181 = arith.constant 0 : i32
        %dma_start3A_182 = tpu.memref_slice %arg7[%add3A_176, %dma_start3A_181] : memref<160x128xi32, #tpu.memory_space<vmem>> -> memref<1x128xi32, #tpu.memory_space<vmem>>
        %dma_start3A_183 = tpu.memref_squeeze %dma_start3A_182 : memref<1x128xi32, #tpu.memory_space<vmem>> -> memref<128xi32, #tpu.memory_space<vmem>>
        %dma_start3A_184 = arith.constant 0 : i32
        %dma_start3A_185 = arith.constant 0 : i32
        %dma_start3A_186 = tpu.memref_slice %arg2[%arg0, %dma_start3A_184, %dma_start3A_185] : memref<2x10000x64xf32, #tpu.memory_space<hbm>> -> memref<1x10000x64xf32, #tpu.memory_space<hbm>>
        %dma_start3A_187 = tpu.memref_squeeze %dma_start3A_186 : memref<1x10000x64xf32, #tpu.memory_space<hbm>> -> memref<10000x64xf32, #tpu.memory_space<hbm>>
        %dma_start3A_188 = arith.constant 0 : i32
        %dma_start3A_189 = arith.constant 0 : i32
        %dma_start3A_190 = tpu.memref_slice %dma_start3A_187[%dma_start3A_188, %dma_start3A_189] : memref<10000x64xf32, #tpu.memory_space<hbm>> -> memref<10000x64xf32, #tpu.memory_space<hbm>>
        %dma_start3A_191 = tpu.memref_slice %arg11[%dma_start3A_177] : memref<4x!tpu.dma_semaphore, #tpu.memory_space<semaphore_mem>> -> memref<1x!tpu.dma_semaphore, #tpu.memory_space<semaphore_mem>>
        %dma_start3A_192 = tpu.memref_squeeze %dma_start3A_191 : memref<1x!tpu.dma_semaphore, #tpu.memory_space<semaphore_mem>> -> memref<!tpu.dma_semaphore, #tpu.memory_space<semaphore_mem>>
        tpu.enqueue_indirect_dma source(%dma_start3A_190 : memref<10000x64xf32, #tpu.memory_space<hbm>>) target(%dma_start3A_180 : memref<128x64xf32, #tpu.memory_space<vmem>>) offsets(%dma_start3A_183 : memref<128xi32, #tpu.memory_space<vmem>>) semaphore(%dma_start3A_192 : memref<!tpu.dma_semaphore, #tpu.memory_space<semaphore_mem>>)
      } else {
      }
      %add3A_125 = arith.constant 2 : i32
      %add3A_126 = arith.addi %add3A_78, %add3A_125 : i32
      %dma_wait3A_127 = arith.constant 2 : i32
      %dma_wait3A_128 = arith.constant 256 : i32
      %dma_wait3A_129 = arith.constant 0 : i32
      %dma_wait3A_130 = tpu.memref_slice %arg9[%dma_wait3A_128, %dma_wait3A_129] : memref<512x64xf32, #tpu.memory_space<vmem>> -> memref<128x64xf32, #tpu.memory_space<vmem>>
      %dma_wait3A_131 = arith.constant 0 : i32
      %dma_wait3A_132 = tpu.memref_slice %arg7[%add3A_126, %dma_wait3A_131] : memref<160x128xi32, #tpu.memory_space<vmem>> -> memref<1x128xi32, #tpu.memory_space<vmem>>
      %dma_wait3A_133 = tpu.memref_squeeze %dma_wait3A_132 : memref<1x128xi32, #tpu.memory_space<vmem>> -> memref<128xi32, #tpu.memory_space<vmem>>
      %dma_wait3A_134 = arith.constant 0 : i32
      %dma_wait3A_135 = arith.constant 0 : i32
      %dma_wait3A_136 = tpu.memref_slice %arg2[%arg0, %dma_wait3A_134, %dma_wait3A_135] : memref<2x10000x64xf32, #tpu.memory_space<hbm>> -> memref<1x10000x64xf32, #tpu.memory_space<hbm>>
      %dma_wait3A_137 = tpu.memref_squeeze %dma_wait3A_136 : memref<1x10000x64xf32, #tpu.memory_space<hbm>> -> memref<10000x64xf32, #tpu.memory_space<hbm>>
      %dma_wait3A_138 = arith.constant 0 : i32
      %dma_wait3A_139 = arith.constant 0 : i32
      %dma_wait3A_140 = tpu.memref_slice %dma_wait3A_137[%dma_wait3A_138, %dma_wait3A_139] : memref<10000x64xf32, #tpu.memory_space<hbm>> -> memref<10000x64xf32, #tpu.memory_space<hbm>>
      %dma_wait3A_141 = tpu.memref_slice %arg11[%dma_wait3A_127] : memref<4x!tpu.dma_semaphore, #tpu.memory_space<semaphore_mem>> -> memref<1x!tpu.dma_semaphore, #tpu.memory_space<semaphore_mem>>
      %dma_wait3A_142 = tpu.memref_squeeze %dma_wait3A_141 : memref<1x!tpu.dma_semaphore, #tpu.memory_space<semaphore_mem>> -> memref<!tpu.dma_semaphore, #tpu.memory_space<semaphore_mem>>
      tpu.wait_indirect_dma semaphore(%dma_wait3A_142 : memref<!tpu.dma_semaphore, #tpu.memory_space<semaphore_mem>>) src(%dma_wait3A_140 : memref<10000x64xf32, #tpu.memory_space<hbm>>) dst(%dma_wait3A_130 : memref<128x64xf32, #tpu.memory_space<vmem>>)
      "tpu.region"() ({
        %run_scoped3A = tpu.sem_alloc : memref<!tpu.dma_semaphore, #tpu.memory_space<semaphore_mem>>
        %dma_start3A_175 = arith.constant 256 : i32
        %dma_start3A_176 = arith.constant 0 : i32
        %dma_start3A_177 = tpu.memref_slice %arg9[%dma_start3A_175, %dma_start3A_176] : memref<512x64xf32, #tpu.memory_space<vmem>> -> memref<128x64xf32, #tpu.memory_space<vmem>>
        %dma_start3A_178 = arith.constant 0 : i32
        %dma_start3A_179 = tpu.memref_slice %arg8[%add3A_126, %dma_start3A_178] : memref<160x128xi32, #tpu.memory_space<vmem>> -> memref<1x128xi32, #tpu.memory_space<vmem>>
        %dma_start3A_180 = tpu.memref_squeeze %dma_start3A_179 : memref<1x128xi32, #tpu.memory_space<vmem>> -> memref<128xi32, #tpu.memory_space<vmem>>
        %dma_start3A_181 = arith.constant 0 : i32
        %dma_start3A_182 = arith.constant 0 : i32
        %dma_start3A_183 = tpu.memref_slice %arg10[%dma_start3A_181, %dma_start3A_182] : memref<10112x64xf32, #tpu.memory_space<vmem_shared>> -> memref<10112x64xf32, #tpu.memory_space<vmem_shared>>
        tpu.enqueue_indirect_dma source(%dma_start3A_177 : memref<128x64xf32, #tpu.memory_space<vmem>>) target(%dma_start3A_183 : memref<10112x64xf32, #tpu.memory_space<vmem_shared>>) offsets(%dma_start3A_180 : memref<128xi32, #tpu.memory_space<vmem>>) semaphore(%run_scoped3A : memref<!tpu.dma_semaphore, #tpu.memory_space<semaphore_mem>>) {add = true}
        %dma_wait3A_184 = arith.constant 256 : i32
        %dma_wait3A_185 = arith.constant 0 : i32
        %dma_wait3A_186 = tpu.memref_slice %arg9[%dma_wait3A_184, %dma_wait3A_185] : memref<512x64xf32, #tpu.memory_space<vmem>> -> memref<128x64xf32, #tpu.memory_space<vmem>>
        %dma_wait3A_187 = arith.constant 0 : i32
        %dma_wait3A_188 = tpu.memref_slice %arg8[%add3A_126, %dma_wait3A_187] : memref<160x128xi32, #tpu.memory_space<vmem>> -> memref<1x128xi32, #tpu.memory_space<vmem>>
        %dma_wait3A_189 = tpu.memref_squeeze %dma_wait3A_188 : memref<1x128xi32, #tpu.memory_space<vmem>> -> memref<128xi32, #tpu.memory_space<vmem>>
        %dma_wait3A_190 = arith.constant 0 : i32
        %dma_wait3A_191 = arith.constant 0 : i32
        %dma_wait3A_192 = tpu.memref_slice %arg10[%dma_wait3A_190, %dma_wait3A_191] : memref<10112x64xf32, #tpu.memory_space<vmem_shared>> -> memref<10112x64xf32, #tpu.memory_space<vmem_shared>>
        tpu.wait_indirect_dma semaphore(%run_scoped3A : memref<!tpu.dma_semaphore, #tpu.memory_space<semaphore_mem>>) src(%dma_wait3A_186 : memref<128x64xf32, #tpu.memory_space<vmem>>) dst(%dma_wait3A_192 : memref<10112x64xf32, #tpu.memory_space<vmem_shared>>)
        tpu.yield
      }) : () -> ()
      %add3A_143 = arith.constant 4 : i32
      %add3A_144 = arith.addi %add3A_126, %add3A_143 : i32
      %lt3A_145 = arith.constant 160 : i32
      %lt3A_146 = arith.cmpi slt, %add3A_144, %lt3A_145 : i32
      %convert_element_type3A_147 = arith.extui %lt3A_146 : i1 to i32
      %cond3A_148 = arith.constant 0 : i32
      %cond3A_149 = arith.cmpi ne, %convert_element_type3A_147, %cond3A_148 : i32
      scf.if %cond3A_149 {
        %add3A_175 = arith.constant 4 : i32
        %add3A_176 = arith.addi %add3A_126, %add3A_175 : i32
        %dma_start3A_177 = arith.constant 2 : i32
        %dma_start3A_178 = arith.constant 256 : i32
        %dma_start3A_179 = arith.constant 0 : i32
        %dma_start3A_180 = tpu.memref_slice %arg9[%dma_start3A_178, %dma_start3A_179] : memref<512x64xf32, #tpu.memory_space<vmem>> -> memref<128x64xf32, #tpu.memory_space<vmem>>
        %dma_start3A_181 = arith.constant 0 : i32
        %dma_start3A_182 = tpu.memref_slice %arg7[%add3A_176, %dma_start3A_181] : memref<160x128xi32, #tpu.memory_space<vmem>> -> memref<1x128xi32, #tpu.memory_space<vmem>>
        %dma_start3A_183 = tpu.memref_squeeze %dma_start3A_182 : memref<1x128xi32, #tpu.memory_space<vmem>> -> memref<128xi32, #tpu.memory_space<vmem>>
        %dma_start3A_184 = arith.constant 0 : i32
        %dma_start3A_185 = arith.constant 0 : i32
        %dma_start3A_186 = tpu.memref_slice %arg2[%arg0, %dma_start3A_184, %dma_start3A_185] : memref<2x10000x64xf32, #tpu.memory_space<hbm>> -> memref<1x10000x64xf32, #tpu.memory_space<hbm>>
        %dma_start3A_187 = tpu.memref_squeeze %dma_start3A_186 : memref<1x10000x64xf32, #tpu.memory_space<hbm>> -> memref<10000x64xf32, #tpu.memory_space<hbm>>
        %dma_start3A_188 = arith.constant 0 : i32
        %dma_start3A_189 = arith.constant 0 : i32
        %dma_start3A_190 = tpu.memref_slice %dma_start3A_187[%dma_start3A_188, %dma_start3A_189] : memref<10000x64xf32, #tpu.memory_space<hbm>> -> memref<10000x64xf32, #tpu.memory_space<hbm>>
        %dma_start3A_191 = tpu.memref_slice %arg11[%dma_start3A_177] : memref<4x!tpu.dma_semaphore, #tpu.memory_space<semaphore_mem>> -> memref<1x!tpu.dma_semaphore, #tpu.memory_space<semaphore_mem>>
        %dma_start3A_192 = tpu.memref_squeeze %dma_start3A_191 : memref<1x!tpu.dma_semaphore, #tpu.memory_space<semaphore_mem>> -> memref<!tpu.dma_semaphore, #tpu.memory_space<semaphore_mem>>
        tpu.enqueue_indirect_dma source(%dma_start3A_190 : memref<10000x64xf32, #tpu.memory_space<hbm>>) target(%dma_start3A_180 : memref<128x64xf32, #tpu.memory_space<vmem>>) offsets(%dma_start3A_183 : memref<128xi32, #tpu.memory_space<vmem>>) semaphore(%dma_start3A_192 : memref<!tpu.dma_semaphore, #tpu.memory_space<semaphore_mem>>)
      } else {
      }
      %add3A_150 = arith.constant 3 : i32
      %add3A_151 = arith.addi %add3A_78, %add3A_150 : i32
      %dma_wait3A_152 = arith.constant 3 : i32
      %dma_wait3A_153 = arith.constant 384 : i32
      %dma_wait3A_154 = arith.constant 0 : i32
      %dma_wait3A_155 = tpu.memref_slice %arg9[%dma_wait3A_153, %dma_wait3A_154] : memref<512x64xf32, #tpu.memory_space<vmem>> -> memref<128x64xf32, #tpu.memory_space<vmem>>
      %dma_wait3A_156 = arith.constant 0 : i32
      %dma_wait3A_157 = tpu.memref_slice %arg7[%add3A_151, %dma_wait3A_156] : memref<160x128xi32, #tpu.memory_space<vmem>> -> memref<1x128xi32, #tpu.memory_space<vmem>>
      %dma_wait3A_158 = tpu.memref_squeeze %dma_wait3A_157 : memref<1x128xi32, #tpu.memory_space<vmem>> -> memref<128xi32, #tpu.memory_space<vmem>>
      %dma_wait3A_159 = arith.constant 0 : i32
      %dma_wait3A_160 = arith.constant 0 : i32
      %dma_wait3A_161 = tpu.memref_slice %arg2[%arg0, %dma_wait3A_159, %dma_wait3A_160] : memref<2x10000x64xf32, #tpu.memory_space<hbm>> -> memref<1x10000x64xf32, #tpu.memory_space<hbm>>
      %dma_wait3A_162 = tpu.memref_squeeze %dma_wait3A_161 : memref<1x10000x64xf32, #tpu.memory_space<hbm>> -> memref<10000x64xf32, #tpu.memory_space<hbm>>
      %dma_wait3A_163 = arith.constant 0 : i32
      %dma_wait3A_164 = arith.constant 0 : i32
      %dma_wait3A_165 = tpu.memref_slice %dma_wait3A_162[%dma_wait3A_163, %dma_wait3A_164] : memref<10000x64xf32, #tpu.memory_space<hbm>> -> memref<10000x64xf32, #tpu.memory_space<hbm>>
      %dma_wait3A_166 = tpu.memref_slice %arg11[%dma_wait3A_152] : memref<4x!tpu.dma_semaphore, #tpu.memory_space<semaphore_mem>> -> memref<1x!tpu.dma_semaphore, #tpu.memory_space<semaphore_mem>>
      %dma_wait3A_167 = tpu.memref_squeeze %dma_wait3A_166 : memref<1x!tpu.dma_semaphore, #tpu.memory_space<semaphore_mem>> -> memref<!tpu.dma_semaphore, #tpu.memory_space<semaphore_mem>>
      tpu.wait_indirect_dma semaphore(%dma_wait3A_167 : memref<!tpu.dma_semaphore, #tpu.memory_space<semaphore_mem>>) src(%dma_wait3A_165 : memref<10000x64xf32, #tpu.memory_space<hbm>>) dst(%dma_wait3A_155 : memref<128x64xf32, #tpu.memory_space<vmem>>)
      "tpu.region"() ({
        %run_scoped3A = tpu.sem_alloc : memref<!tpu.dma_semaphore, #tpu.memory_space<semaphore_mem>>
        %dma_start3A_175 = arith.constant 384 : i32
        %dma_start3A_176 = arith.constant 0 : i32
        %dma_start3A_177 = tpu.memref_slice %arg9[%dma_start3A_175, %dma_start3A_176] : memref<512x64xf32, #tpu.memory_space<vmem>> -> memref<128x64xf32, #tpu.memory_space<vmem>>
        %dma_start3A_178 = arith.constant 0 : i32
        %dma_start3A_179 = tpu.memref_slice %arg8[%add3A_151, %dma_start3A_178] : memref<160x128xi32, #tpu.memory_space<vmem>> -> memref<1x128xi32, #tpu.memory_space<vmem>>
        %dma_start3A_180 = tpu.memref_squeeze %dma_start3A_179 : memref<1x128xi32, #tpu.memory_space<vmem>> -> memref<128xi32, #tpu.memory_space<vmem>>
        %dma_start3A_181 = arith.constant 0 : i32
        %dma_start3A_182 = arith.constant 0 : i32
        %dma_start3A_183 = tpu.memref_slice %arg10[%dma_start3A_181, %dma_start3A_182] : memref<10112x64xf32, #tpu.memory_space<vmem_shared>> -> memref<10112x64xf32, #tpu.memory_space<vmem_shared>>
        tpu.enqueue_indirect_dma source(%dma_start3A_177 : memref<128x64xf32, #tpu.memory_space<vmem>>) target(%dma_start3A_183 : memref<10112x64xf32, #tpu.memory_space<vmem_shared>>) offsets(%dma_start3A_180 : memref<128xi32, #tpu.memory_space<vmem>>) semaphore(%run_scoped3A : memref<!tpu.dma_semaphore, #tpu.memory_space<semaphore_mem>>) {add = true}
        %dma_wait3A_184 = arith.constant 384 : i32
        %dma_wait3A_185 = arith.constant 0 : i32
        %dma_wait3A_186 = tpu.memref_slice %arg9[%dma_wait3A_184, %dma_wait3A_185] : memref<512x64xf32, #tpu.memory_space<vmem>> -> memref<128x64xf32, #tpu.memory_space<vmem>>
        %dma_wait3A_187 = arith.constant 0 : i32
        %dma_wait3A_188 = tpu.memref_slice %arg8[%add3A_151, %dma_wait3A_187] : memref<160x128xi32, #tpu.memory_space<vmem>> -> memref<1x128xi32, #tpu.memory_space<vmem>>
        %dma_wait3A_189 = tpu.memref_squeeze %dma_wait3A_188 : memref<1x128xi32, #tpu.memory_space<vmem>> -> memref<128xi32, #tpu.memory_space<vmem>>
        %dma_wait3A_190 = arith.constant 0 : i32
        %dma_wait3A_191 = arith.constant 0 : i32
        %dma_wait3A_192 = tpu.memref_slice %arg10[%dma_wait3A_190, %dma_wait3A_191] : memref<10112x64xf32, #tpu.memory_space<vmem_shared>> -> memref<10112x64xf32, #tpu.memory_space<vmem_shared>>
        tpu.wait_indirect_dma semaphore(%run_scoped3A : memref<!tpu.dma_semaphore, #tpu.memory_space<semaphore_mem>>) src(%dma_wait3A_186 : memref<128x64xf32, #tpu.memory_space<vmem>>) dst(%dma_wait3A_192 : memref<10112x64xf32, #tpu.memory_space<vmem_shared>>)
        tpu.yield
      }) : () -> ()
      %add3A_168 = arith.constant 4 : i32
      %add3A_169 = arith.addi %add3A_151, %add3A_168 : i32
      %lt3A_170 = arith.constant 160 : i32
      %lt3A_171 = arith.cmpi slt, %add3A_169, %lt3A_170 : i32
      %convert_element_type3A_172 = arith.extui %lt3A_171 : i1 to i32
      %cond3A_173 = arith.constant 0 : i32
      %cond3A_174 = arith.cmpi ne, %convert_element_type3A_172, %cond3A_173 : i32
      scf.if %cond3A_174 {
        %add3A_175 = arith.constant 4 : i32
        %add3A_176 = arith.addi %add3A_151, %add3A_175 : i32
        %dma_start3A_177 = arith.constant 3 : i32
        %dma_start3A_178 = arith.constant 384 : i32
        %dma_start3A_179 = arith.constant 0 : i32
        %dma_start3A_180 = tpu.memref_slice %arg9[%dma_start3A_178, %dma_start3A_179] : memref<512x64xf32, #tpu.memory_space<vmem>> -> memref<128x64xf32, #tpu.memory_space<vmem>>
        %dma_start3A_181 = arith.constant 0 : i32
        %dma_start3A_182 = tpu.memref_slice %arg7[%add3A_176, %dma_start3A_181] : memref<160x128xi32, #tpu.memory_space<vmem>> -> memref<1x128xi32, #tpu.memory_space<vmem>>
        %dma_start3A_183 = tpu.memref_squeeze %dma_start3A_182 : memref<1x128xi32, #tpu.memory_space<vmem>> -> memref<128xi32, #tpu.memory_space<vmem>>
        %dma_start3A_184 = arith.constant 0 : i32
        %dma_start3A_185 = arith.constant 0 : i32
        %dma_start3A_186 = tpu.memref_slice %arg2[%arg0, %dma_start3A_184, %dma_start3A_185] : memref<2x10000x64xf32, #tpu.memory_space<hbm>> -> memref<1x10000x64xf32, #tpu.memory_space<hbm>>
        %dma_start3A_187 = tpu.memref_squeeze %dma_start3A_186 : memref<1x10000x64xf32, #tpu.memory_space<hbm>> -> memref<10000x64xf32, #tpu.memory_space<hbm>>
        %dma_start3A_188 = arith.constant 0 : i32
        %dma_start3A_189 = arith.constant 0 : i32
        %dma_start3A_190 = tpu.memref_slice %dma_start3A_187[%dma_start3A_188, %dma_start3A_189] : memref<10000x64xf32, #tpu.memory_space<hbm>> -> memref<10000x64xf32, #tpu.memory_space<hbm>>
        %dma_start3A_191 = tpu.memref_slice %arg11[%dma_start3A_177] : memref<4x!tpu.dma_semaphore, #tpu.memory_space<semaphore_mem>> -> memref<1x!tpu.dma_semaphore, #tpu.memory_space<semaphore_mem>>
        %dma_start3A_192 = tpu.memref_squeeze %dma_start3A_191 : memref<1x!tpu.dma_semaphore, #tpu.memory_space<semaphore_mem>> -> memref<!tpu.dma_semaphore, #tpu.memory_space<semaphore_mem>>
        tpu.enqueue_indirect_dma source(%dma_start3A_190 : memref<10000x64xf32, #tpu.memory_space<hbm>>) target(%dma_start3A_180 : memref<128x64xf32, #tpu.memory_space<vmem>>) offsets(%dma_start3A_183 : memref<128xi32, #tpu.memory_space<vmem>>) semaphore(%dma_start3A_192 : memref<!tpu.dma_semaphore, #tpu.memory_space<semaphore_mem>>)
      } else {
      }
    }
    %scan3A_71 = arith.constant 40 : i32
    %barrier3A_72 = arith.constant 0 : index
    tpu.barrier barrier_id(%barrier3A_72)
    %mul3A_73 = arith.constant 64 : i32
    %mul3A_74 = arith.muli %arg0, %mul3A_73 : i32
    "tpu.region"() ({
      %run_scoped3A = tpu.sem_alloc : memref<!tpu.dma_semaphore, #tpu.memory_space<semaphore_mem>>
      %dma_start3A_75 = tpu.memref_slice %arg6[%mul3A_0, %mul3A_74] : memref<10112x128xf32, #tpu.memory_space<hbm>> -> memref<632x64xf32, #tpu.memory_space<hbm>>
      %dma_start3A_76 = arith.constant 0 : i32
      %dma_start3A_77 = tpu.memref_slice %arg10[%mul3A_0, %dma_start3A_76] : memref<10112x64xf32, #tpu.memory_space<vmem_shared>> -> memref<632x64xf32, #tpu.memory_space<vmem_shared>>
      tpu.enqueue_dma source(%dma_start3A_77 : memref<632x64xf32, #tpu.memory_space<vmem_shared>>) target(%dma_start3A_75 : memref<632x64xf32, #tpu.memory_space<hbm>>) target_semaphore(%run_scoped3A : memref<!tpu.dma_semaphore, #tpu.memory_space<semaphore_mem>>)
      %dma_wait3A = tpu.memref_slice %arg6[%mul3A_0, %mul3A_74] : memref<10112x128xf32, #tpu.memory_space<hbm>> -> memref<632x64xf32, #tpu.memory_space<hbm>>
      %dma_wait3A_78 = arith.constant 0 : i32
      %dma_wait3A_79 = tpu.memref_slice %arg10[%mul3A_0, %dma_wait3A_78] : memref<10112x64xf32, #tpu.memory_space<vmem_shared>> -> memref<632x64xf32, #tpu.memory_space<vmem_shared>>
      tpu.wait_dma2 semaphore(%run_scoped3A : memref<!tpu.dma_semaphore, #tpu.memory_space<semaphore_mem>>) src(%dma_wait3A_79 : memref<632x64xf32, #tpu.memory_space<vmem_shared>>) dst(%dma_wait3A : memref<632x64xf32, #tpu.memory_space<hbm>>)
      tpu.yield
    }) : () -> ()
    return
  }
}

module attributes {stable_mosaic.version = 14 : i64} {
  func.func @_dis_hs_body(%arg0: i32, %arg1: memref<2x2000x16xf32, #tpu.memory_space<vmem>>, %arg2: memref<2000x128xf32, #tpu.memory_space<vmem>>, %arg3: memref<128x128xf32, #tpu.memory_space<vmem>>, %arg4: memref<2000x128xf32, #tpu.memory_space<vmem>>, %arg5: memref<2x2000x64xf32, #tpu.memory_space<vmem>>) attributes {dimension_semantics = [#tpu.dimension_semantics<arbitrary>], iteration_bounds = array<i64: 5>, scalar_prefetch = 0 : i64, scratch_operands = 0 : i64, tpu.core_type = #tpu.core_type<tc>, window_params = [{transform_indices = @transform_0, window_bounds = array<i64: 2, 2000, 16>}, {transform_indices = @transform_1, window_bounds = array<i64: 2000, 128>}, {pipeline_mode = #tpu.pipeline_mode<synchronous>, transform_indices = @transform_2, window_bounds = array<i64: 128, 128>}, {transform_indices = @transform_3, window_bounds = array<i64: 2000, 128>}, {transform_indices = @transform_4, window_bounds = array<i64: 2, 2000, 64>}]} {
    %get3A = arith.constant 0 : index
    %get3A_0 = arith.constant 0 : index
    %get3A_1 = arith.constant 0 : index
    %get3A_2 = vector.load %arg1[%get3A, %get3A_0, %get3A_1] : memref<2x2000x16xf32, #tpu.memory_space<vmem>>, vector<1x2000x1xf32>
    %get3A_3 = vector.shape_cast %get3A_2 : vector<1x2000x1xf32> to vector<2000x1xf32>
    %add3A = arith.constant 1.000000e+00 : f32
    %add3A_4 = vector.broadcast %add3A : f32 to vector<2000x1xf32>
    %add3A_5 = arith.addf %get3A_3, %add3A_4 : vector<2000x1xf32>
    %rsqrt3A = math.rsqrt %add3A_5 : vector<2000x1xf32>
    %get3A_6 = arith.constant 0 : index
    %get3A_7 = arith.constant 0 : index
    %get3A_8 = vector.load %arg2[%get3A_6, %get3A_7] : memref<2000x128xf32, #tpu.memory_space<vmem>>, vector<2000x128xf32>
    %get3A_9 = arith.constant 0 : index
    %get3A_10 = arith.constant 0 : index
    %get3A_11 = vector.load %arg3[%get3A_9, %get3A_10] : memref<128x128xf32, #tpu.memory_space<vmem>>, vector<128x128xf32>
    %dot_general3A = arith.constant dense<0.000000e+00> : vector<2000x128xf32>
    %dot_general3A_12 = tpu.matmul %get3A_8, %get3A_11, %dot_general3A {dimension_numbers = #tpu.dot_dimension_numbers<[1], [0], [0], [1], [0, 0, 1, 1], [], []>, transpose_lhs_hint = false} : vector<2000x128xf32>, vector<128x128xf32>, vector<2000x128xf32> -> vector<2000x128xf32>
    %broadcast_in_dim3A = vector.shape_cast %rsqrt3A : vector<2000x1xf32> to vector<2000x1xf32>
    %broadcast_in_dim3A_13 = vector.broadcast %broadcast_in_dim3A : vector<2000x1xf32> to vector<2000x128xf32>
    %swap3A = arith.constant 0 : index
    %swap3A_14 = arith.constant 0 : index
    %swap3A_15 = vector.load %arg4[%swap3A, %swap3A_14] : memref<2000x128xf32, #tpu.memory_space<vmem>>, vector<2000x128xf32>
    tpu.vector_store %arg4[%swap3A, %swap3A_14], %broadcast_in_dim3A_13 {strides = array<i32>} : memref<2000x128xf32, #tpu.memory_space<vmem>>, vector<2000x128xf32>,
    %mul3A = arith.mulf %broadcast_in_dim3A_13, %dot_general3A_12 : vector<2000x128xf32>
    %slice3A = vector.extract_strided_slice %mul3A {offsets = [0, 0], sizes = [2000, 64], strides = [1, 1]} : vector<2000x128xf32> to vector<2000x64xf32>
    %swap3A_16 = arith.constant 0 : index
    %swap3A_17 = arith.constant 0 : index
    %swap3A_18 = arith.constant 0 : index
    %swap3A_19 = vector.load %arg5[%swap3A_16, %swap3A_17, %swap3A_18] : memref<2x2000x64xf32, #tpu.memory_space<vmem>>, vector<1x2000x64xf32>
    %swap3A_20 = vector.shape_cast %swap3A_19 : vector<1x2000x64xf32> to vector<2000x64xf32>
    %swap3A_21 = vector.shape_cast %slice3A : vector<2000x64xf32> to vector<1x2000x64xf32>
    tpu.vector_store %arg5[%swap3A_16, %swap3A_17, %swap3A_18], %swap3A_21 {strides = array<i32>} : memref<2x2000x64xf32, #tpu.memory_space<vmem>>, vector<1x2000x64xf32>,
    %slice3A_22 = vector.extract_strided_slice %mul3A {offsets = [0, 64], sizes = [2000, 64], strides = [1, 1]} : vector<2000x128xf32> to vector<2000x64xf32>
    %swap3A_23 = arith.constant 1 : index
    %swap3A_24 = arith.constant 0 : index
    %swap3A_25 = arith.constant 0 : index
    %swap3A_26 = vector.load %arg5[%swap3A_23, %swap3A_24, %swap3A_25] : memref<2x2000x64xf32, #tpu.memory_space<vmem>>, vector<1x2000x64xf32>
    %swap3A_27 = vector.shape_cast %swap3A_26 : vector<1x2000x64xf32> to vector<2000x64xf32>
    %swap3A_28 = vector.shape_cast %slice3A_22 : vector<2000x64xf32> to vector<1x2000x64xf32>
    tpu.vector_store %arg5[%swap3A_23, %swap3A_24, %swap3A_25], %swap3A_28 {strides = array<i32>} : memref<2x2000x64xf32, #tpu.memory_space<vmem>>, vector<1x2000x64xf32>,
    return
  }
  func.func @transform_0(%arg0: i32) -> (i32, i32, i32) {
    %c0_i32 = arith.constant 0 : i32
    %c0_i32_0 = arith.constant 0 : i32
    %c0_i32_1 = arith.constant 0 : i32
    return %c0_i32, %arg0, %c0_i32_0 : i32, i32, i32
  }
  func.func @transform_1(%arg0: i32) -> (i32, i32) {
    %c0_i32 = arith.constant 0 : i32
    %c0_i32_0 = arith.constant 0 : i32
    return %arg0, %c0_i32 : i32, i32
  }
  func.func @transform_2(%arg0: i32) -> (i32, i32) {
    %c0_i32 = arith.constant 0 : i32
    %c0_i32_0 = arith.constant 0 : i32
    %c0_i32_1 = arith.constant 0 : i32
    return %c0_i32, %c0_i32_0 : i32, i32
  }
  func.func @transform_3(%arg0: i32) -> (i32, i32) {
    %c0_i32 = arith.constant 0 : i32
    %c0_i32_0 = arith.constant 0 : i32
    return %arg0, %c0_i32 : i32, i32
  }
  func.func @transform_4(%arg0: i32) -> (i32, i32, i32) {
    %c0_i32 = arith.constant 0 : i32
    %c0_i32_0 = arith.constant 0 : i32
    %c0_i32_1 = arith.constant 0 : i32
    return %c0_i32, %arg0, %c0_i32_0 : i32, i32, i32
  }
}

module attributes {stable_mosaic.version = 14 : i64} {
  func.func @_mid_body(%arg0: i32, %arg1: memref<2000x128xf32, #tpu.memory_space<vmem>>, %arg2: memref<2x2000x64xf32, #tpu.memory_space<vmem>>, %arg3: memref<2000x128xf32, #tpu.memory_space<vmem>>, %arg4: memref<1x128xf32, #tpu.memory_space<vmem>>, %arg5: memref<128x128xf32, #tpu.memory_space<vmem>>, %arg6: memref<2x2000x64xf32, #tpu.memory_space<vmem>>) attributes {dimension_semantics = [#tpu.dimension_semantics<arbitrary>], iteration_bounds = array<i64: 5>, scalar_prefetch = 0 : i64, scratch_operands = 0 : i64, tpu.core_type = #tpu.core_type<tc>, window_params = [{transform_indices = @transform_0, window_bounds = array<i64: 2000, 128>}, {transform_indices = @transform_1, window_bounds = array<i64: 2, 2000, 64>}, {transform_indices = @transform_2, window_bounds = array<i64: 2000, 128>}, {pipeline_mode = #tpu.pipeline_mode<synchronous>, transform_indices = @transform_3, window_bounds = array<i64: 1, 128>}, {pipeline_mode = #tpu.pipeline_mode<synchronous>, transform_indices = @transform_4, window_bounds = array<i64: 128, 128>}, {transform_indices = @transform_5, window_bounds = array<i64: 2, 2000, 64>}]} {
    %get3A = arith.constant 0 : index
    %get3A_0 = arith.constant 0 : index
    %get3A_1 = vector.load %arg3[%get3A, %get3A_0] : memref<2000x128xf32, #tpu.memory_space<vmem>>, vector<2000x128xf32>
    %get3A_2 = arith.constant 0 : index
    %get3A_3 = arith.constant 0 : index
    %get3A_4 = vector.load %arg1[%get3A_2, %get3A_3] : memref<2000x128xf32, #tpu.memory_space<vmem>>, vector<2000x128xf32>
    %get3A_5 = arith.constant 0 : index
    %get3A_6 = arith.constant 0 : index
    %get3A_7 = arith.constant 0 : index
    %get3A_8 = vector.load %arg2[%get3A_5, %get3A_6, %get3A_7] : memref<2x2000x64xf32, #tpu.memory_space<vmem>>, vector<1x2000x64xf32>
    %get3A_9 = vector.shape_cast %get3A_8 : vector<1x2000x64xf32> to vector<2000x64xf32>
    %get3A_10 = arith.constant 1 : index
    %get3A_11 = arith.constant 0 : index
    %get3A_12 = arith.constant 0 : index
    %get3A_13 = vector.load %arg2[%get3A_10, %get3A_11, %get3A_12] : memref<2x2000x64xf32, #tpu.memory_space<vmem>>, vector<1x2000x64xf32>
    %get3A_14 = vector.shape_cast %get3A_13 : vector<1x2000x64xf32> to vector<2000x64xf32>
    %concatenate3A = tpu.concatenate %get3A_9, %get3A_14 in 1 : vector<2000x64xf32>, vector<2000x64xf32> -> vector<2000x128xf32>
    %add3A = arith.addf %get3A_4, %concatenate3A : vector<2000x128xf32>
    %mul3A = arith.mulf %get3A_1, %add3A : vector<2000x128xf32>
    %get3A_15 = arith.constant 0 : index
    %get3A_16 = arith.constant 0 : index
    %get3A_17 = vector.load %arg4[%get3A_15, %get3A_16] : memref<1x128xf32, #tpu.memory_space<vmem>>, vector<1x128xf32>
    %add3A_18 = vector.broadcast %get3A_17 : vector<1x128xf32> to vector<2000x128xf32>
    %add3A_19 = arith.addf %mul3A, %add3A_18 : vector<2000x128xf32>
    %max3A = arith.constant 0.000000e+00 : f32
    %max3A_20 = vector.broadcast %max3A : f32 to vector<2000x128xf32>
    %max3A_21 = arith.maximumf %add3A_19, %max3A_20 : vector<2000x128xf32>
    %get3A_22 = arith.constant 0 : index
    %get3A_23 = arith.constant 0 : index
    %get3A_24 = vector.load %arg5[%get3A_22, %get3A_23] : memref<128x128xf32, #tpu.memory_space<vmem>>, vector<128x128xf32>
    %dot_general3A = arith.constant dense<0.000000e+00> : vector<2000x128xf32>
    %dot_general3A_25 = tpu.matmul %max3A_21, %get3A_24, %dot_general3A {dimension_numbers = #tpu.dot_dimension_numbers<[1], [0], [0], [1], [0, 0, 1, 1], [], []>, transpose_lhs_hint = false} : vector<2000x128xf32>, vector<128x128xf32>, vector<2000x128xf32> -> vector<2000x128xf32>
    %get3A_26 = arith.constant 0 : index
    %get3A_27 = arith.constant 0 : index
    %get3A_28 = vector.load %arg3[%get3A_26, %get3A_27] : memref<2000x128xf32, #tpu.memory_space<vmem>>, vector<2000x128xf32>
    %mul3A_29 = arith.mulf %get3A_28, %dot_general3A_25 : vector<2000x128xf32>
    %slice3A = vector.extract_strided_slice %mul3A_29 {offsets = [0, 0], sizes = [2000, 64], strides = [1, 1]} : vector<2000x128xf32> to vector<2000x64xf32>
    %swap3A = arith.constant 0 : index
    %swap3A_30 = arith.constant 0 : index
    %swap3A_31 = arith.constant 0 : index
    %swap3A_32 = vector.load %arg6[%swap3A, %swap3A_30, %swap3A_31] : memref<2x2000x64xf32, #tpu.memory_space<vmem>>, vector<1x2000x64xf32>
    %swap3A_33 = vector.shape_cast %swap3A_32 : vector<1x2000x64xf32> to vector<2000x64xf32>
    %swap3A_34 = vector.shape_cast %slice3A : vector<2000x64xf32> to vector<1x2000x64xf32>
    tpu.vector_store %arg6[%swap3A, %swap3A_30, %swap3A_31], %swap3A_34 {strides = array<i32>} : memref<2x2000x64xf32, #tpu.memory_space<vmem>>, vector<1x2000x64xf32>,
    %slice3A_35 = vector.extract_strided_slice %mul3A_29 {offsets = [0, 64], sizes = [2000, 64], strides = [1, 1]} : vector<2000x128xf32> to vector<2000x64xf32>
    %swap3A_36 = arith.constant 1 : index
    %swap3A_37 = arith.constant 0 : index
    %swap3A_38 = arith.constant 0 : index
    %swap3A_39 = vector.load %arg6[%swap3A_36, %swap3A_37, %swap3A_38] : memref<2x2000x64xf32, #tpu.memory_space<vmem>>, vector<1x2000x64xf32>
    %swap3A_40 = vector.shape_cast %swap3A_39 : vector<1x2000x64xf32> to vector<2000x64xf32>
    %swap3A_41 = vector.shape_cast %slice3A_35 : vector<2000x64xf32> to vector<1x2000x64xf32>
    tpu.vector_store %arg6[%swap3A_36, %swap3A_37, %swap3A_38], %swap3A_41 {strides = array<i32>} : memref<2x2000x64xf32, #tpu.memory_space<vmem>>, vector<1x2000x64xf32>,
    return
  }
  func.func @transform_0(%arg0: i32) -> (i32, i32) {
    %c0_i32 = arith.constant 0 : i32
    %c0_i32_0 = arith.constant 0 : i32
    return %arg0, %c0_i32 : i32, i32
  }
  func.func @transform_1(%arg0: i32) -> (i32, i32, i32) {
    %c0_i32 = arith.constant 0 : i32
    %c0_i32_0 = arith.constant 0 : i32
    %c0_i32_1 = arith.constant 0 : i32
    return %c0_i32, %arg0, %c0_i32_0 : i32, i32, i32
  }
  func.func @transform_2(%arg0: i32) -> (i32, i32) {
    %c0_i32 = arith.constant 0 : i32
    %c0_i32_0 = arith.constant 0 : i32
    return %arg0, %c0_i32 : i32, i32
  }
  func.func @transform_3(%arg0: i32) -> (i32, i32) {
    %c0_i32 = arith.constant 0 : i32
    %c0_i32_0 = arith.constant 0 : i32
    %c0_i32_1 = arith.constant 0 : i32
    return %c0_i32, %c0_i32_0 : i32, i32
  }
  func.func @transform_4(%arg0: i32) -> (i32, i32) {
    %c0_i32 = arith.constant 0 : i32
    %c0_i32_0 = arith.constant 0 : i32
    %c0_i32_1 = arith.constant 0 : i32
    return %c0_i32, %c0_i32_0 : i32, i32
  }
  func.func @transform_5(%arg0: i32) -> (i32, i32, i32) {
    %c0_i32 = arith.constant 0 : i32
    %c0_i32_0 = arith.constant 0 : i32
    %c0_i32_1 = arith.constant 0 : i32
    return %c0_i32, %arg0, %c0_i32_0 : i32, i32, i32
  }
}

module attributes {stable_mosaic.version = 14 : i64} {
  func.func @_fin_body(%arg0: i32, %arg1: memref<2000x128xf32, #tpu.memory_space<vmem>>, %arg2: memref<2x2000x64xf32, #tpu.memory_space<vmem>>, %arg3: memref<2000x128xf32, #tpu.memory_space<vmem>>, %arg4: memref<1x128xf32, #tpu.memory_space<vmem>>, %arg5: memref<2000x128xf32, #tpu.memory_space<vmem>>) attributes {dimension_semantics = [#tpu.dimension_semantics<arbitrary>], iteration_bounds = array<i64: 5>, scalar_prefetch = 0 : i64, scratch_operands = 0 : i64, tpu.core_type = #tpu.core_type<tc>, window_params = [{transform_indices = @transform_0, window_bounds = array<i64: 2000, 128>}, {transform_indices = @transform_1, window_bounds = array<i64: 2, 2000, 64>}, {transform_indices = @transform_2, window_bounds = array<i64: 2000, 128>}, {pipeline_mode = #tpu.pipeline_mode<synchronous>, transform_indices = @transform_3, window_bounds = array<i64: 1, 128>}, {transform_indices = @transform_4, window_bounds = array<i64: 2000, 128>}]} {
    %get3A = arith.constant 0 : index
    %get3A_0 = arith.constant 0 : index
    %get3A_1 = vector.load %arg3[%get3A, %get3A_0] : memref<2000x128xf32, #tpu.memory_space<vmem>>, vector<2000x128xf32>
    %get3A_2 = arith.constant 0 : index
    %get3A_3 = arith.constant 0 : index
    %get3A_4 = vector.load %arg1[%get3A_2, %get3A_3] : memref<2000x128xf32, #tpu.memory_space<vmem>>, vector<2000x128xf32>
    %get3A_5 = arith.constant 0 : index
    %get3A_6 = arith.constant 0 : index
    %get3A_7 = arith.constant 0 : index
    %get3A_8 = vector.load %arg2[%get3A_5, %get3A_6, %get3A_7] : memref<2x2000x64xf32, #tpu.memory_space<vmem>>, vector<1x2000x64xf32>
    %get3A_9 = vector.shape_cast %get3A_8 : vector<1x2000x64xf32> to vector<2000x64xf32>
    %get3A_10 = arith.constant 1 : index
    %get3A_11 = arith.constant 0 : index
    %get3A_12 = arith.constant 0 : index
    %get3A_13 = vector.load %arg2[%get3A_10, %get3A_11, %get3A_12] : memref<2x2000x64xf32, #tpu.memory_space<vmem>>, vector<1x2000x64xf32>
    %get3A_14 = vector.shape_cast %get3A_13 : vector<1x2000x64xf32> to vector<2000x64xf32>
    %concatenate3A = tpu.concatenate %get3A_9, %get3A_14 in 1 : vector<2000x64xf32>, vector<2000x64xf32> -> vector<2000x128xf32>
    %add3A = arith.addf %get3A_4, %concatenate3A : vector<2000x128xf32>
    %mul3A = arith.mulf %get3A_1, %add3A : vector<2000x128xf32>
    %get3A_15 = arith.constant 0 : index
    %get3A_16 = arith.constant 0 : index
    %get3A_17 = vector.load %arg4[%get3A_15, %get3A_16] : memref<1x128xf32, #tpu.memory_space<vmem>>, vector<1x128xf32>
    %add3A_18 = vector.broadcast %get3A_17 : vector<1x128xf32> to vector<2000x128xf32>
    %add3A_19 = arith.addf %mul3A, %add3A_18 : vector<2000x128xf32>
    %swap3A = arith.constant 0 : index
    %swap3A_20 = arith.constant 0 : index
    %swap3A_21 = vector.load %arg5[%swap3A, %swap3A_20] : memref<2000x128xf32, #tpu.memory_space<vmem>>, vector<2000x128xf32>
    tpu.vector_store %arg5[%swap3A, %swap3A_20], %add3A_19 {strides = array<i32>} : memref<2000x128xf32, #tpu.memory_space<vmem>>, vector<2000x128xf32>,
    return
  }
  func.func @transform_0(%arg0: i32) -> (i32, i32) {
    %c0_i32 = arith.constant 0 : i32
    %c0_i32_0 = arith.constant 0 : i32
    return %arg0, %c0_i32 : i32, i32
  }
  func.func @transform_1(%arg0: i32) -> (i32, i32, i32) {
    %c0_i32 = arith.constant 0 : i32
    %c0_i32_0 = arith.constant 0 : i32
    %c0_i32_1 = arith.constant 0 : i32
    return %c0_i32, %arg0, %c0_i32_0 : i32, i32, i32
  }
  func.func @transform_2(%arg0: i32) -> (i32, i32) {
    %c0_i32 = arith.constant 0 : i32
    %c0_i32_0 = arith.constant 0 : i32
    return %arg0, %c0_i32 : i32, i32
  }
  func.func @transform_3(%arg0: i32) -> (i32, i32) {
    %c0_i32 = arith.constant 0 : i32
    %c0_i32_0 = arith.constant 0 : i32
    %c0_i32_1 = arith.constant 0 : i32
    return %c0_i32, %c0_i32_0 : i32, i32
  }
  func.func @transform_4(%arg0: i32) -> (i32, i32) {
    %c0_i32 = arith.constant 0 : i32
    %c0_i32_0 = arith.constant 0 : i32
    return %arg0, %c0_i32 : i32, i32
  }
}

</mosaic_0001>

<sc_bundles>
// kernel: kernel.12.cloned.1.call-start
scs
__scs_entry_jumppad:
0x0: {  	(pc) =	sbr.rel $0x88, $3  }
0x1: {  	(tag) =	ssettag $0x0;
	lr =	simm.s32 $0x1  }
0x2: {  	[smem:$0x3F97] =	sst lr;
	_ =	strace $0xD0000000  }
0x3: {  	_ = 	snop  }
0x4: {  	_ = 	snop  }
0x5: {  	_ = 	snop  }
0x6: {  	_ = 	snop  }
0x7: {  	_ = 	snop  }
__scs_overlays_trampoline_lowered:
0x8: {  	[smem:$0x3FA6] =	sst s0  }
0x9: {  	[smem:$0x3FA7] =	sst s1  }
0xa: {  	[smem:$0x3FA8] =	sst s2  }
0xb: {  	[smem:$0x3FA9] =	sst s3  }
0xc: {  	[smem:$0x3FAA] =	sst s4  }
0xd: {  	[smem:$0x3FAB] =	sst s5  }
0xe: {  	[smem:$0x3FAC] =	sst s6  }
0xf: {  	[smem:$0x3FAD] =	sst s7  }
0x10: {  	[smem:$0x3FAE] =	sst s8  }
0x11: {  	[smem:$0x3FAF] =	sst s9;
	s0 =	simm.s32 @!p0 $0x0  }
0x12: {  	s1 =	sld [smem:$0x3F95];
	s0 =	simm.s32 @p0 $0x1  }
0x13: {  	[smem:$0x3FB0] =	sst s0;
	s0 =	simm.s32 @!p1 $0x0  }
0x14: {  	s2 =	sld [smem:$0x3F94];
	s0 =	simm.s32 @p1 $0x1  }
0x15: {  	[smem:$0x3FB1] =	sst s0;
	s0 =	simm.s32 @!p2 $0x0  }
0x16: {  	s3 =	sld [smem:$0x3FDB];
	s0 =	simm.s32 @p2 $0x1  }
0x17: {  	s4 =	simm.s32 $0x1BF5;
	[smem:$0x3FB3] =	sst s0  }
0x18: {  	s0 =	sld [smem:$0x3F96];
	_ =	swait.ge [sflag:s4], $0x0  }
0x19: {  	s7 =	sld [smem:$0x3F97]  }
0x1a: {  	s8 =	sadd.s32 $0xFFFFE003, lr  }
0x1b: {  	s9 =	sadd.s32 $0xFFFFFEF7, lr;
	s5 =	simm.s32 $0xFFFFFFFF;
	p2 =	slt.u32 s8, $0xFFFFF086  }
0x1c: {  	p1 =	slt.u32 s9, $0xF7A;
	s5 =	simm.s32 @!p2 $0x0  }
0x1d: {  	s5 =	simm.s32 @p1 $0x1;
	p0 =	seq.s32 s7, s2  }
0x1e: {  	s7 =	smul.u32 @!p0 $0xF7A, s2;
	p2 =	seq.s32 @!p0 s5, $0x0  }
0x1f: {  	s9 =	smul.u32 $0xF7A, s1;
	s8 =	simm.s32 @!p0 $0x1BF5;
	p2 =	por !p2, p0  }
0x20: {  	[sflag:s8] =	ssyncset.s32 @!p0 $0xFFFFF086;
	s6 =	sadd.s32 @!p0 s3, s7;
	s7 =	simm.s32 @!p0 $0x108  }
0x21: {  	s3 =	sadd.s32 s3, s9;
	s6 =	sadd.s32 @!p0 $0x88, s6;
	s7 =	simm.s32 @p2 $0x1082  }
0x22: {  	[simem:s7], [sflag:s8] =	dma.local @!p0 [hbm:s6], $0xF7A  }
0x23: {  	s9 =	sor.u32 $0xD0000000, s2;
	s6 =	simm.s32 $0x108;
	_ =	swait.ge @!p0 [sflag:s8], $0x0  }
0x24: {  	s3 =	sadd.s32 $0x88, s3;
	s6 =	simm.s32 @!p1 $0x1082;
	[sflag:s4] =	ssyncset.s32 $0xFFFFF086  }
0x25: {  	[simem:s6], [sflag:s4] =	dma.local [hbm:s3], $0xF7A  }
0x26: {  	[smem:$0x3F97] =	sst s1;
	(tag) =	ssettag s2;
	_ =	strace s9  }
0x27: {  	s1 =	sld [smem:$0x3FA7]  }
0x28: {  	s2 =	sld [smem:$0x3FA8]  }
0x29: {  	s4 =	sld [smem:$0x3FAA]  }
0x2a: {  	p0 =	seq.s32 s5, $0x0;
	s5 =	sld [smem:$0x3FAB]  }
0x2b: {  	s6 =	sld [smem:$0x3FAC]  }
0x2c: {  	s7 =	sld [smem:$0x3FAD]  }
0x2d: {  	s3 =	simm.s32 $0x108;
	s8 =	sld [smem:$0x3FAE]  }
0x2e: {  	s3 =	simm.s32 @!p0 $0x1082;
	s9 =	sld [smem:$0x3FAF]  }
0x2f: {  	lr =	sadd.s32 s0, s3;
	s0 =	sld [smem:$0x3FA6]  }
0x30: {  	s3 =	sld [smem:$0x3FA9]  }
0x31: {  	[smem:$0x3FB2] =	sst s10  }
0x32: {  	s10 =	sld [smem:$0x3FB0];
	_ =	sdelay $0x3  }
0x33: {  	p0 =	seq.s32 s10, $0x1;
	s10 =	sld [smem:$0x3FB2];
	_ =	sdelay $0x3  }
0x34: {  	[smem:$0x3FB2] =	sst s10  }
0x35: {  	s10 =	sld [smem:$0x3FB1];
	_ =	sdelay $0x3  }
0x36: {  	p1 =	seq.s32 s10, $0x1;
	s10 =	sld [smem:$0x3FB2];
	_ =	sdelay $0x3  }
0x37: {  	[smem:$0x3FB2] =	sst s10  }
0x38: {  	s10 =	sld [smem:$0x3FB3]  }
0x39: {  	_ = 	snop;
	(pc) =	sbr.ind lr, $3  }
0x3a: {  	_ = 	snop  }
0x3b: {  	_ = 	snop  }
0x3c: {  	p2 =	seq.s32 s10, $0x1;
	s10 =	sld [smem:$0x3FB2]  }
0x3d: {  	_ =	shalt  }
0x3e: {  	_ =	shalt  }
0x3f: {  	_ =	shalt  }
0x40: {  	_ =	shalt  }
0x41: {  	_ =	shalt  }
0x42: {  	_ =	shalt  }
0x43: {  	_ =	shalt  }
0x44: {  	_ =	shalt  }
0x45: {  	_ =	shalt  }
0x46: {  	_ =	shalt  }
0x47: {  	_ =	shalt  }
0x48: {  	_ =	shalt  }
0x49: {  	_ =	shalt  }
0x4a: {  	_ =	shalt  }
0x4b: {  	_ =	shalt  }
0x4c: {  	_ =	shalt  }
0x4d: {  	_ =	shalt  }
0x4e: {  	_ =	shalt  }
0x4f: {  	_ =	shalt  }
0x50: {  	_ =	shalt  }
0x51: {  	_ =	shalt  }
0x52: {  	_ =	shalt  }
0x53: {  	_ =	shalt  }
0x54: {  	_ =	shalt  }
0x55: {  	_ =	shalt  }
0x56: {  	_ =	shalt  }
0x57: {  	_ =	shalt  }
0x58: {  	_ =	shalt  }
0x59: {  	_ =	shalt  }
0x5a: {  	_ =	shalt  }
0x5b: {  	_ =	shalt  }
0x5c: {  	_ =	shalt  }
0x5d: {  	_ =	shalt  }
0x5e: {  	_ =	shalt  }
0x5f: {  	_ =	shalt  }
0x60: {  	_ =	shalt  }
0x61: {  	_ =	shalt  }
0x62: {  	_ =	shalt  }
0x63: {  	_ =	shalt  }
0x64: {  	_ =	shalt  }
0x65: {  	_ =	shalt  }
0x66: {  	_ =	shalt  }
0x67: {  	_ =	shalt  }
0x68: {  	_ =	shalt  }
0x69: {  	_ =	shalt  }
0x6a: {  	_ =	shalt  }
0x6b: {  	_ =	shalt  }
0x6c: {  	_ =	shalt  }
0x6d: {  	_ =	shalt  }
0x6e: {  	_ =	shalt  }
0x6f: {  	_ =	shalt  }
0x70: {  	_ =	shalt  }
0x71: {  	_ =	shalt  }
0x72: {  	_ =	shalt  }
0x73: {  	_ =	shalt  }
0x74: {  	_ =	shalt  }
0x75: {  	_ =	shalt  }
0x76: {  	_ =	shalt  }
0x77: {  	_ =	shalt  }
0x78: {  	_ =	shalt  }
0x79: {  	_ =	shalt  }
0x7a: {  	_ =	shalt  }
0x7b: {  	_ =	shalt  }
0x7c: {  	_ =	shalt  }
0x7d: {  	_ =	shalt  }
0x7e: {  	_ =	shalt  }
0x7f: {  	_ =	shalt  }
0x80: {  	_ =	shalt  }
0x81: {  	_ =	shalt  }
0x82: {  	_ =	shalt  }
0x83: {  	_ =	shalt  }
0x84: {  	_ =	shalt  }
0x85: {  	_ =	shalt  }
0x86: {  	_ =	shalt  }
0x87: {  	_ =	shalt  }
.Lfunc_end0:
.L_simem_size_0:
called_computation_lowered:
.L_overlay_start_0:
0x88: {  	s2 =	sld [smem:$0x3FD9]  }
0x89: {  	s3 =	sld [smem:$0x3FFE];
	_ =	sdelay $0x1  }
0x8a: {  	s1 =	srdreg.scid  }
0x8b: {  	s0 =	sand.u32 $0x1, s1  }
0x8c: {  	s17 =	sshll.u32 s0, $0xA;
	s2 =	sadd.s32 s3, s2  }
0x8d: {  	s2 =	sadd.s32 s2, s17  }
0x8e: {  	[smem:$0x3FBE] =	sst s2  }
0x8f: {  	_ = 	snop  }
0x90: {  	s2 =	sld [smem:$0x3FD0];
	(tm) =	ssettm $0x1  }
0x91: {  	s18 =	sld [smem:$0x3FFB];
	_ =	sdelay $0x3  }
0x92: {  	_ =	strace s18  }
0x93: {  	s3 =	sld [smem:$0x3FFC];
	_ =	sdelay $0x3  }
0x94: {  	_ =	strace s3  }
0x95: {  	s3 =	sld [smem:$0x3FFD];
	_ =	sdelay $0x3  }
0x96: {  	_ =	strace s3  }
0x97: {  	_ =	strace $0x8FFFFFFF  }
0x98: {  	s19 =	sld [smem:$0x3FDB];
	_ =	sdelay $0x1  }
0x99: {  	s4 =	simm.s32 $_scs_section_size  }
0x9a: {  	s5 =	simm.s32 $_size__tile_overlayer_lowered;
	s6 =	simm.s32 $_tile_overlayer_lowered  }
0x9b: {  	s22 =	simm.s32 $0x1BFF;
	s21 =	sshll.u32 s6, $0x1;
	s3 =	sadd.s32 s4, s19  }
0x9c: {  	s7 =	simm.s32 $0x0;
	s20 =	sshll.u32 s5, $0x1;
	s5 =	sadd.s32 s21, s3  }
0x9d: {  	[timem:s7], [sflag:s22] =	dma.local [hbm:s5], s20  }
0x9e: {  	_ =	swait.ge [sflag:s22], s20  }
0x9f: {  	s4 =	ssub.s32 $0x0, s20;
	[sflag:s22] =	ssyncset.done $0x0  }
0xa0: {  	[sflag:s22] =	ssyncadd.s32 s4;
	_ =	sdelay $0x1  }
0xa1: {  	s23 =	simm.s32 $0x1B8B  }
0xa2: {  	_ =	swait.ge [sflag:s23], $0x1  }
0xa3: {  	[sflag:s23] =	ssyncset.done $0x0  }
0xa4: {  	s25 =	simm.s32 $0x1B8E;
	s24 =	sld [smem:$0x3FFE];
	[sflag:s23] =	ssyncadd.s32 $0xFFFFFFFF  }
0xa5: {  	s26 =	simm.s32 $execute0_lowered;
	[smem:$0x3FD2] =	sst s25  }
0xa6: {  	s5 =	sshll.u32 s26, $0x1;
	_ =	strace $0x80000046;
	[dreg:$0x1] =	wrdreg $0xFFFFFFFF  }
0xa7: {  	s28 =	simm.s32 $_size_execute0_lowered;
	s3 =	sadd.s32 s3, s5;
	[dreg:$0x0] =	wrdreg $0x0  }
0xa8: {  	s5 =	sshll.u32 s28, $0x1;
	[dreg:$0x2] =	wrdreg s3  }
0xa9: {  	[dreg:$0x3] =	wrdreg s5  }
0xaa: {  	[dreg:$0x4] =	wrdreg $0xC0  }
0xab: {  	_ =	task [dreg:s7], $0x5FFFF  }
0xac: {  	[dreg:$0x1] =	wrdreg $0xFFFFFFFF  }
0xad: {  	[dreg:$0x0] =	wrdreg $0x60  }
0xae: {  	[dreg:$0x2] =	wrdreg s24  }
0xaf: {  	[dreg:$0x3] =	wrdreg s2  }
0xb0: {  	[dreg:$0x4] =	wrdreg $0x58000  }
0xb1: {  	[dreg:$0x5] =	wrdreg $0x9  }
0xb2: {  	_ =	task.clear_ibuf [dreg:s7], $0x6FFFF;
	_ =	strace $0x90000046  }
0xb3: {  	s29 =	simm.s32 $0x9;
	_ =	strace $0x80000048  }
0xb4: {  	_ =	swait.ge [sflag:s29], $0x1  }
0xb5: {  	[sflag:s29] =	ssyncadd.s32 $0xFFFFFFFF  }
0xb6: {  	_ =	strace $0x90000048  }
0xb7: {  	_ =	sfence  }
0xb8: {  	s30 =	sld [smem:$0x0];
	_ =	sdelay $0x2  }
0xb9: {  	s31 =	sshll.u32 s1, $0xD;
	s1 =	sshrl.u32 s1, $0x2  }
0xba: {  	s3 =	sand.u32 $0x4000, s31;
	s1 =	sadd.s32 s1, s30  }
0xbb: {  	s0 =	sor.u32 s3, s0;
	s1 =	sshll.u32 s1, $0x11  }
0xbc: {  	s0 =	sor.u32 s1, s0  }
0xbd: {  	s0 =	sadd.s32 $0x8F2B, s0  }
0xbe: {  	[sflag:s0] =	ssyncadd.remote.s32 $0x1  }
0xbf: {  	_ =	sfence.sel $0xFFFF  }
0xc0: {  	[dreg:$0x0] =	wrdreg $0xFFFFFFFF;
	(pc) =	sbr.abs _section_cstart, $3  }
0xc1: {  	[dreg:$0x1] =	wrdreg $0xFFFFFFFF  }
0xc2: {  	_ =	task.clear_ibuf [dreg:s7], $0x2FFFF;
	_ =	strace $0x9FFFFFFF  }
0xc3: {  	(tm) =	ssettm $0x7FFFFFFF  }
tec
execute0_lowered:
.L_overlay_start_1:
0x0: {  	(tag) =	ssettag $0x1  }
0x1: {  	s5 =	rddreg [dreg:$0x0]  }
0x2: {  	s8 =	rddreg [dreg:$0x1]  }
0x3: {  	s2 =	rddreg [dreg:$0x2]  }
0x4: {  	s0 =	rddreg [dreg:$0x3]  }
0x5: {  	s3 =	simm.s32 $0x0;
	s1 =	stileid.u32;
	s7 =	srdreg.scid  }
0x6: {  	s13 =	simm.s32 $0x80;
	s14 =	simm.s32 $0x0;
	s4 =	smul.u32 $0xA00, s1  }
0x7: {  	[smem:$0x7FF] =	sst s3;
	s6 =	smul.u32 $0x4F0, s1;
	s7 =	sand.u32 $0x1, s7  }
0x8: {  	s9 =	smul.u32 $0x2780, s1;
	s31 =	sshll.u32 s1, $0x6;
	_ =	strace $0x80000047  }
0x9: {  	s11 =	ssub.s32 $0x2, s7;
	s7 =	smul.u32 $0x27800, s7;
	s10 =	sadd.s32 s4, s5  }
0xa: {  	s4 =	sadd.s32 $0x18000, s5;
	s5 =	sadd.s32 s6, s5;
	s29 =	sshrl.u32 s11, $0x1  }
0xb: {  	s12 =	sadd.s32 s9, s2;
	s6 =	sor.u32 $0x1C01, s31;
	s11 =	ssub.s32 s11, s29  }
0xc: {  	s30 =	sadd.s32 s9, s7;
	s5 =	sadd.s32 $0x18200, s5;
	s7 =	sadd.s32 $0x4000, s10  }
0xd: {  	s10 =	sshrl.u32 s12, $0x3;
	s12 =	simm.s32 $0x5000;
	s9 =	sshrl.u32 s30, $0x3  }
0xe: {  	s8 =	sadd.s32 s8, s9;
	s9 =	smax.u32 s11, $0x1;
	s11 =	simm.s32 $0x1  }
.LBB2_1:
0xf: {  	[spmem:s10], [sflag:s6] =	dma.local [hbm:s5], $0x4F0  }
0x10: {  	_ =	swait.ge [sflag:s11], $0x4F0  }
0x11: {  	[sflag:s11] =	ssyncset.done $0x0  }
0x12: {  	[sflag:s11] =	ssyncadd.s32 $0xFFFFFB10  }
0x13: {  	[tilespmem:s12], [sflag:$0x1] =	stream.linear.gather [hbm4b:s4+s3], $0x800, $0x38;
	[tilespmem:$0x7F80] =	vst v63  }
0x14: {  	_ =	swait.ge [sflag:s11], $0x800  }
0x15: {  	[sflag:s11] =	ssyncset.done $0x0  }
0x16: {  	[sflag:s11] =	ssyncadd.s32 $0xFFFFF800  }
0x17: {  	[tilespmem:s3], [sflag:$0x1] =	stream.linear.gather [hbm4b:s7+s3], $0x5000, $0x38;
	[tilespmem:$0x7F80] =	vst v63  }
0x18: {  	_ =	swait.ge [sflag:s11], $0x5000  }
0x19: {  	[sflag:s11] =	ssyncset.done $0x0  }
0x1a: {  	[sflag:s11] =	ssyncadd.s32 $0xFFFFB000  }
0x1b: {  	s15 =	simm.s32 $0x0;
	[bflag:$0x0] =	sbarrier.arrive $0xFFFF  }
0x1c: {  	[spmem:s2] =	stream.indirect.scatter.add.f32 [tilespmem:s12], [sflag:$0x1], $0x10, s15, s13, $0xb8;
	[tilespmem:$0x7F80] =	vst v63  }
0x1d: {  	_ =	swait.ge [sflag:s11], $0x800  }
0x1e: {  	s15 =	simm.s32 $0x200;
	[sflag:s11] =	ssyncset.done $0x0  }
.LBB2_2:
0x1f: {  	s16 =	sshra.s32 s15, $0x2;
	[sflag:s11] =	ssyncadd.s32 $0xFFFFF800;
	p0 =	sne.s32 s15, $0x13E00  }
0x20: {  	[spmem:s2] =	stream.indirect.scatter.add.f32 [tilespmem:s12], [sflag:$0x1], $0x10, s16, s13, $0xb8;
	[tilespmem:$0x7F80] =	vst v63  }
.Ltmp0:
0x21: {  	_ = 	snop;
	(pc) =	sbr.rel @p0 .LBB2_2-.Ltmp0, $4  }
0x22: {  	_ = 	snop  }
0x23: {  	s15 =	sadd.s32 $0x200, s15  }
0x24: {  	_ =	swait.ge [sflag:s11], $0x800  }
0x25: {  	[sflag:s11] =	ssyncset.done $0x0  }
0x26: {  	s14 =	sadd.s32 $0x1, s14  }
0x27: {  	[sflag:s11] =	ssyncadd.s32 $0xFFFFF800;
	p0 =	sne.s32 s14, s9  }
.Ltmp1:
0x28: {  	[bflag:$0x0] =	sbarrier.arrive $0xFFFF;
	(pc) =	sbr.rel @p0 .LBB2_1-.Ltmp1, $4  }
0x29: {  	[hbm:s8], [sflag:s6] =	dma.local [spmem:s10], $0x4F0  }
0x2a: {  	_ =	swait.ge [sflag:s11], $0x4F0  }
0x2b: {  	[sflag:s11] =	ssyncset.done $0x0  }
0x2c: {  	[sflag:s11] =	ssyncadd.s32 $0xFFFFFB10  }
0x2d: {  	_ =	sfence.sel $0x180000  }
0x2e: {  	[bflag:$0x0] =	sbarrier.arrive $0xFFFF  }
0x2f: {  	p0 =	sne.s32 s1, $0x0;
	_ =	strace $0x90000047  }
0x30: {  	s0 =	sadd.s32 @!p0 $0x100000, s0;
	[bflag:$0x2] =	sbarrier.arrive $0xFFFF  }
0x31: {  	[sflag:s0] =	ssyncadd.tile.s32 @!p0 $0x1;
	_ =	shalt  }
.Lfunc_end2:
_tile_overlayer_lowered:
.L_overlay_start_2:
0x32: {  	(tag) =	ssettag $0x2  }
0x33: {  	s0 =	rddreg [dreg:$0x0];
	s2 =	stileid.u32  }
0x34: {  	s1 =	rddreg [dreg:$0x1];
	p0 =	sne.s32 s2, $0x0  }
0x35: {  	s3 =	rddreg [dreg:$0x2];
	[bflag:$0x3] =	sbarrier.arrive $0xFFFF;
	s2 =	simm.s32 @!p0 $0x1C01  }
0x36: {  	[timem:s3], [sflag:s2] =	dma.local @!p0 [hbm:s0], s1  }
0x37: {  	s0 =	simm.s32 @!p0 $0x1  }
0x38: {  	_ =	swait.ge @!p0 [sflag:s0], s1  }
0x39: {  	s1 =	ssub.s32 @!p0 $0x0, s1;
	[sflag:s0] =	ssyncset.done @!p0 $0x0  }
0x3a: {  	[sflag:s0] =	ssyncadd.s32 @!p0 s1  }
0x3b: {  	[bflag:$0x3] =	sbarrier.arrive $0xFFFF  }
0x3c: {  	_ =	shalt  }

// kernel: kernel.15.cloned.1.call-start
scs
__scs_entry_jumppad:
0x0: {  	(pc) =	sbr.rel $0x88, $3  }
0x1: {  	(tag) =	ssettag $0x0;
	lr =	simm.s32 $0x1  }
0x2: {  	[smem:$0x3F97] =	sst lr;
	_ =	strace $0xD0000000  }
0x3: {  	_ = 	snop  }
0x4: {  	_ = 	snop  }
0x5: {  	_ = 	snop  }
0x6: {  	_ = 	snop  }
0x7: {  	_ = 	snop  }
__scs_overlays_trampoline_lowered:
0x8: {  	[smem:$0x3FA6] =	sst s0  }
0x9: {  	[smem:$0x3FA7] =	sst s1  }
0xa: {  	[smem:$0x3FA8] =	sst s2  }
0xb: {  	[smem:$0x3FA9] =	sst s3  }
0xc: {  	[smem:$0x3FAA] =	sst s4  }
0xd: {  	[smem:$0x3FAB] =	sst s5  }
0xe: {  	[smem:$0x3FAC] =	sst s6  }
0xf: {  	[smem:$0x3FAD] =	sst s7  }
0x10: {  	[smem:$0x3FAE] =	sst s8  }
0x11: {  	[smem:$0x3FAF] =	sst s9;
	s0 =	simm.s32 @!p0 $0x0  }
0x12: {  	s1 =	sld [smem:$0x3F95];
	s0 =	simm.s32 @p0 $0x1  }
0x13: {  	[smem:$0x3FB0] =	sst s0;
	s0 =	simm.s32 @!p1 $0x0  }
0x14: {  	s2 =	sld [smem:$0x3F94];
	s0 =	simm.s32 @p1 $0x1  }
0x15: {  	[smem:$0x3FB1] =	sst s0;
	s0 =	simm.s32 @!p2 $0x0  }
0x16: {  	s3 =	sld [smem:$0x3FDB];
	s0 =	simm.s32 @p2 $0x1  }
0x17: {  	s4 =	simm.s32 $0x1BF5;
	[smem:$0x3FB3] =	sst s0  }
0x18: {  	s0 =	sld [smem:$0x3F96];
	_ =	swait.ge [sflag:s4], $0x0  }
0x19: {  	s7 =	sld [smem:$0x3F97]  }
0x1a: {  	s8 =	sadd.s32 $0xFFFFE003, lr  }
0x1b: {  	s9 =	sadd.s32 $0xFFFFFEF7, lr;
	s5 =	simm.s32 $0xFFFFFFFF;
	p2 =	slt.u32 s8, $0xFFFFF086  }
0x1c: {  	p1 =	slt.u32 s9, $0xF7A;
	s5 =	simm.s32 @!p2 $0x0  }
0x1d: {  	s5 =	simm.s32 @p1 $0x1;
	p0 =	seq.s32 s7, s2  }
0x1e: {  	s7 =	smul.u32 @!p0 $0xF7A, s2;
	p2 =	seq.s32 @!p0 s5, $0x0  }
0x1f: {  	s9 =	smul.u32 $0xF7A, s1;
	s8 =	simm.s32 @!p0 $0x1BF5;
	p2 =	por !p2, p0  }
0x20: {  	[sflag:s8] =	ssyncset.s32 @!p0 $0xFFFFF086;
	s6 =	sadd.s32 @!p0 s3, s7;
	s7 =	simm.s32 @!p0 $0x108  }
0x21: {  	s3 =	sadd.s32 s3, s9;
	s6 =	sadd.s32 @!p0 $0x88, s6;
	s7 =	simm.s32 @p2 $0x1082  }
0x22: {  	[simem:s7], [sflag:s8] =	dma.local @!p0 [hbm:s6], $0xF7A  }
0x23: {  	s9 =	sor.u32 $0xD0000000, s2;
	s6 =	simm.s32 $0x108;
	_ =	swait.ge @!p0 [sflag:s8], $0x0  }
0x24: {  	s3 =	sadd.s32 $0x88, s3;
	s6 =	simm.s32 @!p1 $0x1082;
	[sflag:s4] =	ssyncset.s32 $0xFFFFF086  }
0x25: {  	[simem:s6], [sflag:s4] =	dma.local [hbm:s3], $0xF7A  }
0x26: {  	[smem:$0x3F97] =	sst s1;
	(tag) =	ssettag s2;
	_ =	strace s9  }
0x27: {  	s1 =	sld [smem:$0x3FA7]  }
0x28: {  	s2 =	sld [smem:$0x3FA8]  }
0x29: {  	s4 =	sld [smem:$0x3FAA]  }
0x2a: {  	p0 =	seq.s32 s5, $0x0;
	s5 =	sld [smem:$0x3FAB]  }
0x2b: {  	s6 =	sld [smem:$0x3FAC]  }
0x2c: {  	s7 =	sld [smem:$0x3FAD]  }
0x2d: {  	s3 =	simm.s32 $0x108;
	s8 =	sld [smem:$0x3FAE]  }
0x2e: {  	s3 =	simm.s32 @!p0 $0x1082;
	s9 =	sld [smem:$0x3FAF]  }
0x2f: {  	lr =	sadd.s32 s0, s3;
	s0 =	sld [smem:$0x3FA6]  }
0x30: {  	s3 =	sld [smem:$0x3FA9]  }
0x31: {  	[smem:$0x3FB2] =	sst s10  }
0x32: {  	s10 =	sld [smem:$0x3FB0];
	_ =	sdelay $0x3  }
0x33: {  	p0 =	seq.s32 s10, $0x1;
	s10 =	sld [smem:$0x3FB2];
	_ =	sdelay $0x3  }
0x34: {  	[smem:$0x3FB2] =	sst s10  }
0x35: {  	s10 =	sld [smem:$0x3FB1];
	_ =	sdelay $0x3  }
0x36: {  	p1 =	seq.s32 s10, $0x1;
	s10 =	sld [smem:$0x3FB2];
	_ =	sdelay $0x3  }
0x37: {  	[smem:$0x3FB2] =	sst s10  }
0x38: {  	s10 =	sld [smem:$0x3FB3]  }
0x39: {  	_ = 	snop;
	(pc) =	sbr.ind lr, $3  }
0x3a: {  	_ = 	snop  }
0x3b: {  	_ = 	snop  }
0x3c: {  	p2 =	seq.s32 s10, $0x1;
	s10 =	sld [smem:$0x3FB2]  }
0x3d: {  	_ =	shalt  }
0x3e: {  	_ =	shalt  }
0x3f: {  	_ =	shalt  }
0x40: {  	_ =	shalt  }
0x41: {  	_ =	shalt  }
0x42: {  	_ =	shalt  }
0x43: {  	_ =	shalt  }
0x44: {  	_ =	shalt  }
0x45: {  	_ =	shalt  }
0x46: {  	_ =	shalt  }
0x47: {  	_ =	shalt  }
0x48: {  	_ =	shalt  }
0x49: {  	_ =	shalt  }
0x4a: {  	_ =	shalt  }
0x4b: {  	_ =	shalt  }
0x4c: {  	_ =	shalt  }
0x4d: {  	_ =	shalt  }
0x4e: {  	_ =	shalt  }
0x4f: {  	_ =	shalt  }
0x50: {  	_ =	shalt  }
0x51: {  	_ =	shalt  }
0x52: {  	_ =	shalt  }
0x53: {  	_ =	shalt  }
0x54: {  	_ =	shalt  }
0x55: {  	_ =	shalt  }
0x56: {  	_ =	shalt  }
0x57: {  	_ =	shalt  }
0x58: {  	_ =	shalt  }
0x59: {  	_ =	shalt  }
0x5a: {  	_ =	shalt  }
0x5b: {  	_ =	shalt  }
0x5c: {  	_ =	shalt  }
0x5d: {  	_ =	shalt  }
0x5e: {  	_ =	shalt  }
0x5f: {  	_ =	shalt  }
0x60: {  	_ =	shalt  }
0x61: {  	_ =	shalt  }
0x62: {  	_ =	shalt  }
0x63: {  	_ =	shalt  }
0x64: {  	_ =	shalt  }
0x65: {  	_ =	shalt  }
0x66: {  	_ =	shalt  }
0x67: {  	_ =	shalt  }
0x68: {  	_ =	shalt  }
0x69: {  	_ =	shalt  }
0x6a: {  	_ =	shalt  }
0x6b: {  	_ =	shalt  }
0x6c: {  	_ =	shalt  }
0x6d: {  	_ =	shalt  }
0x6e: {  	_ =	shalt  }
0x6f: {  	_ =	shalt  }
0x70: {  	_ =	shalt  }
0x71: {  	_ =	shalt  }
0x72: {  	_ =	shalt  }
0x73: {  	_ =	shalt  }
0x74: {  	_ =	shalt  }
0x75: {  	_ =	shalt  }
0x76: {  	_ =	shalt  }
0x77: {  	_ =	shalt  }
0x78: {  	_ =	shalt  }
0x79: {  	_ =	shalt  }
0x7a: {  	_ =	shalt  }
0x7b: {  	_ =	shalt  }
0x7c: {  	_ =	shalt  }
0x7d: {  	_ =	shalt  }
0x7e: {  	_ =	shalt  }
0x7f: {  	_ =	shalt  }
0x80: {  	_ =	shalt  }
0x81: {  	_ =	shalt  }
0x82: {  	_ =	shalt  }
0x83: {  	_ =	shalt  }
0x84: {  	_ =	shalt  }
0x85: {  	_ =	shalt  }
0x86: {  	_ =	shalt  }
0x87: {  	_ =	shalt  }
.Lfunc_end0:
.L_simem_size_0:
called_computation.1_lowered:
.L_overlay_start_0:
0x88: {  	s2 =	sld [smem:$0x3FD9]  }
0x89: {  	s3 =	sld [smem:$0x3FFE];
	_ =	sdelay $0x1  }
0x8a: {  	s1 =	srdreg.scid  }
0x8b: {  	s0 =	sand.u32 $0x1, s1  }
0x8c: {  	s17 =	sshll.u32 s0, $0xA;
	s2 =	sadd.s32 s3, s2  }
0x8d: {  	s2 =	sadd.s32 s2, s17  }
0x8e: {  	[smem:$0x3FBE] =	sst s2  }
0x8f: {  	_ = 	snop  }
0x90: {  	s2 =	sld [smem:$0x3FD0];
	(tm) =	ssettm $0x1  }
0x91: {  	s18 =	sld [smem:$0x3FFB];
	_ =	sdelay $0x3  }
0x92: {  	_ =	strace s18  }
0x93: {  	s3 =	sld [smem:$0x3FFC];
	_ =	sdelay $0x3  }
0x94: {  	_ =	strace s3  }
0x95: {  	s3 =	sld [smem:$0x3FFD];
	_ =	sdelay $0x3  }
0x96: {  	_ =	strace s3  }
0x97: {  	_ =	strace $0x8FFFFFFF  }
0x98: {  	s19 =	sld [smem:$0x3FDB];
	_ =	sdelay $0x1  }
0x99: {  	s4 =	simm.s32 $_scs_section_size  }
0x9a: {  	s5 =	simm.s32 $_size__tile_overlayer_lowered;
	s6 =	simm.s32 $_tile_overlayer_lowered  }
0x9b: {  	s22 =	simm.s32 $0x1BFF;
	s21 =	sshll.u32 s6, $0x1;
	s3 =	sadd.s32 s4, s19  }
0x9c: {  	s7 =	simm.s32 $0x0;
	s20 =	sshll.u32 s5, $0x1;
	s5 =	sadd.s32 s21, s3  }
0x9d: {  	[timem:s7], [sflag:s22] =	dma.local [hbm:s5], s20  }
0x9e: {  	_ =	swait.ge [sflag:s22], s20  }
0x9f: {  	s4 =	ssub.s32 $0x0, s20;
	[sflag:s22] =	ssyncset.done $0x0  }
0xa0: {  	[sflag:s22] =	ssyncadd.s32 s4;
	_ =	sdelay $0x1  }
0xa1: {  	s23 =	simm.s32 $0x1B8B  }
0xa2: {  	_ =	swait.ge [sflag:s23], $0x1  }
0xa3: {  	[sflag:s23] =	ssyncset.done $0x0  }
0xa4: {  	s25 =	simm.s32 $0x1B8E;
	s24 =	sld [smem:$0x3FFE];
	[sflag:s23] =	ssyncadd.s32 $0xFFFFFFFF  }
0xa5: {  	s26 =	simm.s32 $execute0_lowered;
	[smem:$0x3FD2] =	sst s25  }
0xa6: {  	s5 =	sshll.u32 s26, $0x1;
	_ =	strace $0x80000049;
	[dreg:$0x1] =	wrdreg $0xFFFFFFFF  }
0xa7: {  	s28 =	simm.s32 $_size_execute0_lowered;
	s3 =	sadd.s32 s3, s5;
	[dreg:$0x0] =	wrdreg $0x0  }
0xa8: {  	s5 =	sshll.u32 s28, $0x1;
	[dreg:$0x2] =	wrdreg s3  }
0xa9: {  	[dreg:$0x3] =	wrdreg s5  }
0xaa: {  	[dreg:$0x4] =	wrdreg $0xC0  }
0xab: {  	_ =	task [dreg:s7], $0x5FFFF  }
0xac: {  	[dreg:$0x1] =	wrdreg $0xFFFFFFFF  }
0xad: {  	[dreg:$0x0] =	wrdreg $0x60  }
0xae: {  	[dreg:$0x2] =	wrdreg s2  }
0xaf: {  	[dreg:$0x3] =	wrdreg s24  }
0xb0: {  	[dreg:$0x4] =	wrdreg $0x120000  }
0xb1: {  	[dreg:$0x5] =	wrdreg $0x9  }
0xb2: {  	_ =	task.clear_ibuf [dreg:s7], $0x6FFFF;
	_ =	strace $0x90000049  }
0xb3: {  	s29 =	simm.s32 $0x9;
	_ =	strace $0x8000004B  }
0xb4: {  	_ =	swait.ge [sflag:s29], $0x1  }
0xb5: {  	[sflag:s29] =	ssyncadd.s32 $0xFFFFFFFF  }
0xb6: {  	_ =	strace $0x9000004B  }
0xb7: {  	_ =	sfence  }
0xb8: {  	s30 =	sld [smem:$0x0];
	_ =	sdelay $0x2  }
0xb9: {  	s31 =	sshll.u32 s1, $0xD;
	s1 =	sshrl.u32 s1, $0x2  }
0xba: {  	s3 =	sand.u32 $0x4000, s31;
	s1 =	sadd.s32 s1, s30  }
0xbb: {  	s0 =	sor.u32 s3, s0;
	s1 =	sshll.u32 s1, $0x11  }
0xbc: {  	s0 =	sor.u32 s1, s0  }
0xbd: {  	s0 =	sadd.s32 $0x8F2B, s0  }
0xbe: {  	[sflag:s0] =	ssyncadd.remote.s32 $0x1  }
0xbf: {  	_ =	sfence.sel $0xFFFF  }
0xc0: {  	[dreg:$0x0] =	wrdreg $0xFFFFFFFF;
	(pc) =	sbr.abs _section_cstart, $3  }
0xc1: {  	[dreg:$0x1] =	wrdreg $0xFFFFFFFF  }
0xc2: {  	_ =	task.clear_ibuf [dreg:s7], $0x2FFFF;
	_ =	strace $0x9FFFFFFF  }
0xc3: {  	(tm) =	ssettm $0x7FFFFFFF  }
tec
execute0_lowered:
.L_overlay_start_1:
0x0: {  	(tag) =	ssettag $0x1  }
0x1: {  	s0 =	rddreg [dreg:$0x0]  }
0x2: {  	s1 =	rddreg [dreg:$0x1]  }
0x3: {  	s2 =	rddreg [dreg:$0x2];
	s3 =	simm.s32 $0x0  }
0x4: {  	s12 =	stileid.u32;
	s6 =	srdreg.scid;
	s14 =	simm.s32 $0x80  }
0x5: {  	s15 =	simm.s32 $0xA000;
	s16 =	simm.s32 $0xC000;
	s18 =	simm.s32 $0xE000  }
0x6: {  	s19 =	simm.s32 $0x180;
	s20 =	simm.s32 $0x10000;
	s21 =	simm.s32 $0x1  }
0x7: {  	s22 =	simm.s32 $0x2;
	s28 =	simm.s32 $0x9F00;
	s4 =	smul.u32 $0xA00, s12  }
0x8: {  	s29 =	simm.s32 $0x9F80;
	s30 =	simm.s32 $0x10;
	s5 =	smul.u32 $0x13C0, s12  }
0x9: {  	s31 =	simm.s32 $0x8;
	[smem:$0x7FF] =	sst s3;
	s7 =	smul.u32 $0x13C00, s12  }
0xa: {  	s6 =	sand.u32 $0x1, s6;
	s9 =	smul.u32 $0x27800, s12;
	s25 =	sshll.u32 s12, $0x6  }
0xb: {  	s12 =	simm.s32 $0x5;
	_ =	strace $0x8000004A;
	s23 =	sshll.u32 s6, $0x6  }
0xc: {  	s24 =	ssub.s32 $0x2, s6;
	s26 =	smul.u32 $0x13880, s6;
	s8 =	sadd.s32 s4, s1  }
0xd: {  	s5 =	sadd.s32 s5, s1;
	s4 =	sor.u32 s23, s7;
	s10 =	sshrl.u32 s24, $0x1  }
0xe: {  	s9 =	sshrl.u32 s9, $0x2;
	s23 =	simm.s32 $0x3;
	s4 =	sshrl.u32 s4, $0x3  }
0xf: {  	s10 =	ssub.s32 s24, s10;
	s11 =	sadd.s32 s9, s2;
	s6 =	sadd.s32 $0xE000, s8  }
0x10: {  	s7 =	sadd.s32 $0x4000, s8;
	s8 =	sadd.s32 s0, s26;
	s24 =	simm.s32 $0x4  }
0x11: {  	s26 =	simm.s32 $0x9E80;
	s0 =	simm.s32 $0x0;
	s1 =	sadd.s32 s4, s1  }
0x12: {  	s4 =	sadd.s32 $0x8D400, s5;
	s5 =	sor.u32 $0x1C05, s25;
	s10 =	smax.u32 s10, $0x1  }
0x13: {  	s11 =	sshrl.u32 s11, $0x3;
	s25 =	simm.s32 $0x9E00;
	s9 =	sadd.s32 $0xA1000, s1  }
.LBB2_1:
0x14: {  	[spmem:s11], [sflag:s5] =	dma.local [hbm:s4], $0x13C0  }
0x15: {  	_ =	swait.ge [sflag:s12], $0x13C0  }
0x16: {  	[sflag:s12] =	ssyncset.done $0x0  }
0x17: {  	[sflag:s12] =	ssyncadd.s32 $0xFFFFEC40  }
0x18: {  	[tilespmem:s3], [sflag:$0x5] =	stream.linear.gather [hbm4b:s6+s3], $0x5000, $0x38;
	[tilespmem:$0x1BE00] =	vst v63  }
0x19: {  	_ =	swait.ge [sflag:s12], $0x5000  }
0x1a: {  	[sflag:s12] =	ssyncset.done $0x0  }
0x1b: {  	s1 =	simm.s32 $0x5000;
	[sflag:s12] =	ssyncadd.s32 $0xFFFFB000  }
0x1c: {  	[tilespmem:s1], [sflag:$0x5] =	stream.linear.gather [hbm4b:s7+s3], $0x5000, $0x38;
	[tilespmem:$0x1BE00] =	vst v63  }
0x1d: {  	_ =	swait.ge [sflag:s12], $0x5000  }
0x1e: {  	[sflag:s12] =	ssyncset.done $0x0  }
0x1f: {  	[sflag:s12] =	ssyncadd.s32 $0xFFFFB000  }
0x20: {  	[bflag:$0x0] =	sbarrier.arrive $0xFFFF  }
0x21: {  	[tilespmem:s15], [sflag:$0x1] =	stream.indirect.gather [hbm4b:s8+s14], $0x40, s3, s14, $0xb8;
	[tilespmem:$0x1BE00] =	vst v63  }
0x22: {  	_ = 	snop  }
0x23: {  	[tilespmem:s16], [sflag:$0x2] =	stream.indirect.gather [hbm4b:s8+s14], $0x40, s14, s14, $0xb8;
	[tilespmem:$0x1BE00] =	vst v63  }
0x24: {  	s13 =	simm.s32 $0x100  }
0x25: {  	[tilespmem:s18], [sflag:$0x3] =	stream.indirect.gather [hbm4b:s8+s14], $0x40, s13, s14, $0xb8;
	[tilespmem:$0x1BE00] =	vst v63  }
0x26: {  	_ = 	snop  }
0x27: {  	[tilespmem:s20], [sflag:$0x4] =	stream.indirect.gather [hbm4b:s8+s14], $0x40, s19, s14, $0xb8;
	[tilespmem:$0x1BE00] =	vst v63  }
0x28: {  	_ =	swait.ge [sflag:s21], $0x2000  }
0x29: {  	[sflag:s21] =	ssyncset.done $0x0  }
0x2a: {  	s17 =	simm.s32 $0x5000;
	[sflag:s21] =	ssyncadd.s32 $0xFFFFE000  }
0x2b: {  	[spmem:s2] =	stream.indirect.scatter.add.f32 [tilespmem:s15], [sflag:$0x5], $0x40, s17, s14, $0xb8;
	[tilespmem:$0x1BE00] =	vst v63  }
0x2c: {  	_ =	swait.ge [sflag:s12], $0x2000  }
0x2d: {  	[sflag:s12] =	ssyncset.done $0x0  }
0x2e: {  	s13 =	simm.s32 $0x200;
	[sflag:s12] =	ssyncadd.s32 $0xFFFFE000  }
0x2f: {  	[tilespmem:s15], [sflag:$0x1] =	stream.indirect.gather [hbm4b:s8+s14], $0x40, s13, s14, $0xb8;
	[tilespmem:$0x1BE00] =	vst v63  }
0x30: {  	_ =	swait.ge [sflag:s22], $0x2000  }
0x31: {  	[sflag:s22] =	ssyncset.done $0x0  }
0x32: {  	s17 =	simm.s32 $0x5080;
	[sflag:s22] =	ssyncadd.s32 $0xFFFFE000  }
0x33: {  	[spmem:s2] =	stream.indirect.scatter.add.f32 [tilespmem:s16], [sflag:$0x5], $0x40, s17, s14, $0xb8;
	[tilespmem:$0x1BE00] =	vst v63  }
0x34: {  	_ =	swait.ge [sflag:s12], $0x2000  }
0x35: {  	[sflag:s12] =	ssyncset.done $0x0  }
0x36: {  	s13 =	simm.s32 $0x280;
	[sflag:s12] =	ssyncadd.s32 $0xFFFFE000  }
0x37: {  	[tilespmem:s16], [sflag:$0x2] =	stream.indirect.gather [hbm4b:s8+s14], $0x40, s13, s14, $0xb8;
	[tilespmem:$0x1BE00] =	vst v63  }
0x38: {  	_ =	swait.ge [sflag:s23], $0x2000  }
0x39: {  	[sflag:s23] =	ssyncset.done $0x0  }
0x3a: {  	s17 =	simm.s32 $0x5100;
	[sflag:s23] =	ssyncadd.s32 $0xFFFFE000  }
0x3b: {  	[spmem:s2] =	stream.indirect.scatter.add.f32 [tilespmem:s18], [sflag:$0x5], $0x40, s17, s14, $0xb8;
	[tilespmem:$0x1BE00] =	vst v63  }
0x3c: {  	_ =	swait.ge [sflag:s12], $0x2000  }
0x3d: {  	[sflag:s12] =	ssyncset.done $0x0  }
0x3e: {  	s13 =	simm.s32 $0x300;
	[sflag:s12] =	ssyncadd.s32 $0xFFFFE000  }
0x3f: {  	[tilespmem:s18], [sflag:$0x3] =	stream.indirect.gather [hbm4b:s8+s14], $0x40, s13, s14, $0xb8;
	[tilespmem:$0x1BE00] =	vst v63  }
0x40: {  	_ =	swait.ge [sflag:s24], $0x2000  }
0x41: {  	[sflag:s24] =	ssyncset.done $0x0  }
0x42: {  	s17 =	simm.s32 $0x5180;
	[sflag:s24] =	ssyncadd.s32 $0xFFFFE000  }
0x43: {  	[spmem:s2] =	stream.indirect.scatter.add.f32 [tilespmem:s20], [sflag:$0x5], $0x40, s17, s14, $0xb8;
	[tilespmem:$0x1BE00] =	vst v63  }
0x44: {  	_ =	swait.ge [sflag:s12], $0x2000  }
0x45: {  	[sflag:s12] =	ssyncset.done $0x0  }
0x46: {  	s1 =	simm.s32 $0x800;
	s13 =	simm.s32 $0x380;
	[sflag:s12] =	ssyncadd.s32 $0xFFFFE000  }
.LBB2_2:
0x47: {  	[tilespmem:s20], [sflag:$0x4] =	stream.indirect.gather [hbm4b:s8+s14], $0x40, s13, s14, $0xb8;
	[tilespmem:$0x1BE00] =	vst v63  }
0x48: {  	s13 =	smov.u32 s1  }
0x49: {  	p0 =	sne.s32 s1, $0x13000;
	s1 =	sadd.s32 $0x800, s1;
	_ =	swait.ge [sflag:s21], $0x2000  }
0x4a: {  	s13 =	sshra.s32 s13, $0x2;
	[sflag:s21] =	ssyncset.done $0x0  }
0x4b: {  	s17 =	sadd.s32 $0x5000, s13;
	[sflag:s21] =	ssyncadd.s32 $0xFFFFE000  }
0x4c: {  	[spmem:s2] =	stream.indirect.scatter.add.f32 [tilespmem:s15], [sflag:$0x5], $0x40, s17, s14, $0xb8;
	[tilespmem:$0x1BE00] =	vst v63  }
0x4d: {  	_ =	swait.ge [sflag:s12], $0x2000  }
0x4e: {  	[sflag:s12] =	ssyncset.done $0x0  }
0x4f: {  	s17 =	sadd.s32 $0x200, s13;
	[sflag:s12] =	ssyncadd.s32 $0xFFFFE000  }
0x50: {  	[tilespmem:s15], [sflag:$0x1] =	stream.indirect.gather [hbm4b:s8+s14], $0x40, s17, s14, $0xb8;
	[tilespmem:$0x1BE00] =	vst v63  }
0x51: {  	_ =	swait.ge [sflag:s22], $0x2000  }
0x52: {  	[sflag:s22] =	ssyncset.done $0x0  }
0x53: {  	s17 =	sadd.s32 $0x5080, s13;
	[sflag:s22] =	ssyncadd.s32 $0xFFFFE000  }
0x54: {  	[spmem:s2] =	stream.indirect.scatter.add.f32 [tilespmem:s16], [sflag:$0x5], $0x40, s17, s14, $0xb8;
	[tilespmem:$0x1BE00] =	vst v63  }
0x55: {  	_ =	swait.ge [sflag:s12], $0x2000  }
0x56: {  	[sflag:s12] =	ssyncset.done $0x0  }
0x57: {  	s17 =	sadd.s32 $0x280, s13;
	[sflag:s12] =	ssyncadd.s32 $0xFFFFE000  }
0x58: {  	[tilespmem:s16], [sflag:$0x2] =	stream.indirect.gather [hbm4b:s8+s14], $0x40, s17, s14, $0xb8;
	[tilespmem:$0x1BE00] =	vst v63  }
0x59: {  	_ =	swait.ge [sflag:s23], $0x2000  }
0x5a: {  	[sflag:s23] =	ssyncset.done $0x0  }
0x5b: {  	s17 =	sadd.s32 $0x5100, s13;
	[sflag:s23] =	ssyncadd.s32 $0xFFFFE000  }
0x5c: {  	[spmem:s2] =	stream.indirect.scatter.add.f32 [tilespmem:s18], [sflag:$0x5], $0x40, s17, s14, $0xb8;
	[tilespmem:$0x1BE00] =	vst v63  }
0x5d: {  	_ =	swait.ge [sflag:s12], $0x2000  }
0x5e: {  	[sflag:s12] =	ssyncset.done $0x0  }
0x5f: {  	s17 =	sadd.s32 $0x300, s13;
	[sflag:s12] =	ssyncadd.s32 $0xFFFFE000  }
0x60: {  	[tilespmem:s18], [sflag:$0x3] =	stream.indirect.gather [hbm4b:s8+s14], $0x40, s17, s14, $0xb8;
	[tilespmem:$0x1BE00] =	vst v63  }
0x61: {  	_ =	swait.ge [sflag:s24], $0x2000  }
0x62: {  	[sflag:s24] =	ssyncset.done $0x0  }
.Ltmp0:
0x63: {  	s17 =	sadd.s32 $0x5180, s13;
	[sflag:s24] =	ssyncadd.s32 $0xFFFFE000;
	(pc) =	sbr.rel @p0 .LBB2_2-.Ltmp0, $4  }
0x64: {  	[spmem:s2] =	stream.indirect.scatter.add.f32 [tilespmem:s20], [sflag:$0x5], $0x40, s17, s14, $0xb8;
	[tilespmem:$0x1BE00] =	vst v63  }
0x65: {  	_ =	swait.ge [sflag:s12], $0x2000  }
0x66: {  	[sflag:s12] =	ssyncset.done $0x0  }
0x67: {  	s13 =	sadd.s32 $0x380, s13;
	[sflag:s12] =	ssyncadd.s32 $0xFFFFE000  }
0x68: {  	[tilespmem:s20], [sflag:$0x4] =	stream.indirect.gather [hbm4b:s8+s14], $0x40, s13, s14, $0xb8;
	[tilespmem:$0x1BE00] =	vst v63  }
0x69: {  	_ =	swait.ge [sflag:s21], $0x2000  }
0x6a: {  	[sflag:s21] =	ssyncset.done $0x0  }
0x6b: {  	[sflag:s21] =	ssyncadd.s32 $0xFFFFE000  }
0x6c: {  	[spmem:s2] =	stream.indirect.scatter.add.f32 [tilespmem:s15], [sflag:$0x5], $0x40, s25, s14, $0xb8;
	[tilespmem:$0x1BE00] =	vst v63  }
0x6d: {  	_ =	swait.ge [sflag:s12], $0x2000  }
0x6e: {  	[sflag:s12] =	ssyncset.done $0x0  }
0x6f: {  	[sflag:s12] =	ssyncadd.s32 $0xFFFFE000  }
0x70: {  	_ =	swait.ge [sflag:s22], $0x2000  }
0x71: {  	[sflag:s22] =	ssyncset.done $0x0  }
0x72: {  	[sflag:s22] =	ssyncadd.s32 $0xFFFFE000  }
0x73: {  	[spmem:s2] =	stream.indirect.scatter.add.f32 [tilespmem:s16], [sflag:$0x5], $0x40, s26, s14, $0xb8;
	[tilespmem:$0x1BE00] =	vst v63  }
0x74: {  	_ =	swait.ge [sflag:s12], $0x2000  }
0x75: {  	[sflag:s12] =	ssyncset.done $0x0  }
0x76: {  	[sflag:s12] =	ssyncadd.s32 $0xFFFFE000  }
0x77: {  	_ =	swait.ge [sflag:s23], $0x2000  }
0x78: {  	[sflag:s23] =	ssyncset.done $0x0  }
0x79: {  	[sflag:s23] =	ssyncadd.s32 $0xFFFFE000  }
0x7a: {  	[spmem:s2] =	stream.indirect.scatter.add.f32 [tilespmem:s18], [sflag:$0x5], $0x40, s28, s14, $0xb8;
	[tilespmem:$0x1BE00] =	vst v63  }
0x7b: {  	_ =	swait.ge [sflag:s12], $0x2000  }
0x7c: {  	[sflag:s12] =	ssyncset.done $0x0  }
0x7d: {  	[sflag:s12] =	ssyncadd.s32 $0xFFFFE000  }
0x7e: {  	_ =	swait.ge [sflag:s24], $0x2000  }
0x7f: {  	[sflag:s24] =	ssyncset.done $0x0  }
0x80: {  	[sflag:s24] =	ssyncadd.s32 $0xFFFFE000  }
0x81: {  	[spmem:s2] =	stream.indirect.scatter.add.f32 [tilespmem:s20], [sflag:$0x5], $0x40, s29, s14, $0xb8;
	[tilespmem:$0x1BE00] =	vst v63  }
0x82: {  	_ =	swait.ge [sflag:s12], $0x2000  }
0x83: {  	s0 =	sadd.s32 $0x1, s0;
	[sflag:s12] =	ssyncset.done $0x0  }
0x84: {  	p0 =	sne.s32 s0, s10;
	[sflag:s12] =	ssyncadd.s32 $0xFFFFE000  }
.Ltmp1:
0x85: {  	[bflag:$0x0] =	sbarrier.arrive $0xFFFF;
	(pc) =	sbr.rel @p0 .LBB2_1-.Ltmp1, $4  }
0x86: {  	[hbm:s9@s30], [sflag:s5] =	dma.strided [spmem:s11@s31], $0x13C0, s21, $0x8   }
0x87: {  	_ =	swait.ge [sflag:s12], $0x13C0  }
0x88: {  	[sflag:s12] =	ssyncset.done $0x0  }
0x89: {  	[sflag:s12] =	ssyncadd.s32 $0xFFFFEC40  }
0x8a: {  	_ =	sfence.sel $0x180000  }
0x8b: {  	[bflag:$0x0] =	sbarrier.arrive $0xFFFF  }
0x8c: {  	_ =	strace $0x9000004A  }
0x8d: {  	s0 =	stileid.u32;
	[bflag:$0x2] =	sbarrier.arrive $0xFFFF  }
0x8e: {  	p0 =	sne.s32 s0, $0x0;
	s0 =	rddreg [dreg:$0x3]  }
0x8f: {  	s0 =	sadd.s32 @!p0 $0x100000, s0  }
0x90: {  	[sflag:s0] =	ssyncadd.tile.s32 @!p0 $0x1;
	_ =	shalt  }
.Lfunc_end2:
_tile_overlayer_lowered:
.L_overlay_start_2:
0x91: {  	(tag) =	ssettag $0x2  }
0x92: {  	s0 =	rddreg [dreg:$0x0];
	s2 =	stileid.u32  }
0x93: {  	s1 =	rddreg [dreg:$0x1];
	p0 =	sne.s32 s2, $0x0  }
0x94: {  	s3 =	rddreg [dreg:$0x2];
	[bflag:$0x3] =	sbarrier.arrive $0xFFFF;
	s2 =	simm.s32 @!p0 $0x1C05  }
0x95: {  	[timem:s3], [sflag:s2] =	dma.local @!p0 [hbm:s0], s1  }
0x96: {  	s0 =	simm.s32 @!p0 $0x5  }
0x97: {  	_ =	swait.ge @!p0 [sflag:s0], s1  }
0x98: {  	s1 =	ssub.s32 @!p0 $0x0, s1;
	[sflag:s0] =	ssyncset.done @!p0 $0x0  }
0x99: {  	[sflag:s0] =	ssyncadd.s32 @!p0 s1  }
0x9a: {  	[bflag:$0x3] =	sbarrier.arrive $0xFFFF  }
0x9b: {  	_ =	shalt  }

// kernel: kernel.18.cloned.1.call-start
scs
__scs_entry_jumppad:
0x0: {  	(pc) =	sbr.rel $0x88, $3  }
0x1: {  	(tag) =	ssettag $0x0;
	lr =	simm.s32 $0x1  }
0x2: {  	[smem:$0x3F97] =	sst lr;
	_ =	strace $0xD0000000  }
0x3: {  	_ = 	snop  }
0x4: {  	_ = 	snop  }
0x5: {  	_ = 	snop  }
0x6: {  	_ = 	snop  }
0x7: {  	_ = 	snop  }
__scs_overlays_trampoline_lowered:
0x8: {  	[smem:$0x3FA6] =	sst s0  }
0x9: {  	[smem:$0x3FA7] =	sst s1  }
0xa: {  	[smem:$0x3FA8] =	sst s2  }
0xb: {  	[smem:$0x3FA9] =	sst s3  }
0xc: {  	[smem:$0x3FAA] =	sst s4  }
0xd: {  	[smem:$0x3FAB] =	sst s5  }
0xe: {  	[smem:$0x3FAC] =	sst s6  }
0xf: {  	[smem:$0x3FAD] =	sst s7  }
0x10: {  	[smem:$0x3FAE] =	sst s8  }
0x11: {  	[smem:$0x3FAF] =	sst s9;
	s0 =	simm.s32 @!p0 $0x0  }
0x12: {  	s1 =	sld [smem:$0x3F95];
	s0 =	simm.s32 @p0 $0x1  }
0x13: {  	[smem:$0x3FB0] =	sst s0;
	s0 =	simm.s32 @!p1 $0x0  }
0x14: {  	s2 =	sld [smem:$0x3F94];
	s0 =	simm.s32 @p1 $0x1  }
0x15: {  	[smem:$0x3FB1] =	sst s0;
	s0 =	simm.s32 @!p2 $0x0  }
0x16: {  	s3 =	sld [smem:$0x3FDB];
	s0 =	simm.s32 @p2 $0x1  }
0x17: {  	s4 =	simm.s32 $0x1BF5;
	[smem:$0x3FB3] =	sst s0  }
0x18: {  	s0 =	sld [smem:$0x3F96];
	_ =	swait.ge [sflag:s4], $0x0  }
0x19: {  	s7 =	sld [smem:$0x3F97]  }
0x1a: {  	s8 =	sadd.s32 $0xFFFFE003, lr  }
0x1b: {  	s9 =	sadd.s32 $0xFFFFFEF7, lr;
	s5 =	simm.s32 $0xFFFFFFFF;
	p2 =	slt.u32 s8, $0xFFFFF086  }
0x1c: {  	p1 =	slt.u32 s9, $0xF7A;
	s5 =	simm.s32 @!p2 $0x0  }
0x1d: {  	s5 =	simm.s32 @p1 $0x1;
	p0 =	seq.s32 s7, s2  }
0x1e: {  	s7 =	smul.u32 @!p0 $0xF7A, s2;
	p2 =	seq.s32 @!p0 s5, $0x0  }
0x1f: {  	s9 =	smul.u32 $0xF7A, s1;
	s8 =	simm.s32 @!p0 $0x1BF5;
	p2 =	por !p2, p0  }
0x20: {  	[sflag:s8] =	ssyncset.s32 @!p0 $0xFFFFF086;
	s6 =	sadd.s32 @!p0 s3, s7;
	s7 =	simm.s32 @!p0 $0x108  }
0x21: {  	s3 =	sadd.s32 s3, s9;
	s6 =	sadd.s32 @!p0 $0x88, s6;
	s7 =	simm.s32 @p2 $0x1082  }
0x22: {  	[simem:s7], [sflag:s8] =	dma.local @!p0 [hbm:s6], $0xF7A  }
0x23: {  	s9 =	sor.u32 $0xD0000000, s2;
	s6 =	simm.s32 $0x108;
	_ =	swait.ge @!p0 [sflag:s8], $0x0  }
0x24: {  	s3 =	sadd.s32 $0x88, s3;
	s6 =	simm.s32 @!p1 $0x1082;
	[sflag:s4] =	ssyncset.s32 $0xFFFFF086  }
0x25: {  	[simem:s6], [sflag:s4] =	dma.local [hbm:s3], $0xF7A  }
0x26: {  	[smem:$0x3F97] =	sst s1;
	(tag) =	ssettag s2;
	_ =	strace s9  }
0x27: {  	s1 =	sld [smem:$0x3FA7]  }
0x28: {  	s2 =	sld [smem:$0x3FA8]  }
0x29: {  	s4 =	sld [smem:$0x3FAA]  }
0x2a: {  	p0 =	seq.s32 s5, $0x0;
	s5 =	sld [smem:$0x3FAB]  }
0x2b: {  	s6 =	sld [smem:$0x3FAC]  }
0x2c: {  	s7 =	sld [smem:$0x3FAD]  }
0x2d: {  	s3 =	simm.s32 $0x108;
	s8 =	sld [smem:$0x3FAE]  }
0x2e: {  	s3 =	simm.s32 @!p0 $0x1082;
	s9 =	sld [smem:$0x3FAF]  }
0x2f: {  	lr =	sadd.s32 s0, s3;
	s0 =	sld [smem:$0x3FA6]  }
0x30: {  	s3 =	sld [smem:$0x3FA9]  }
0x31: {  	[smem:$0x3FB2] =	sst s10  }
0x32: {  	s10 =	sld [smem:$0x3FB0];
	_ =	sdelay $0x3  }
0x33: {  	p0 =	seq.s32 s10, $0x1;
	s10 =	sld [smem:$0x3FB2];
	_ =	sdelay $0x3  }
0x34: {  	[smem:$0x3FB2] =	sst s10  }
0x35: {  	s10 =	sld [smem:$0x3FB1];
	_ =	sdelay $0x3  }
0x36: {  	p1 =	seq.s32 s10, $0x1;
	s10 =	sld [smem:$0x3FB2];
	_ =	sdelay $0x3  }
0x37: {  	[smem:$0x3FB2] =	sst s10  }
0x38: {  	s10 =	sld [smem:$0x3FB3]  }
0x39: {  	_ = 	snop;
	(pc) =	sbr.ind lr, $3  }
0x3a: {  	_ = 	snop  }
0x3b: {  	_ = 	snop  }
0x3c: {  	p2 =	seq.s32 s10, $0x1;
	s10 =	sld [smem:$0x3FB2]  }
0x3d: {  	_ =	shalt  }
0x3e: {  	_ =	shalt  }
0x3f: {  	_ =	shalt  }
0x40: {  	_ =	shalt  }
0x41: {  	_ =	shalt  }
0x42: {  	_ =	shalt  }
0x43: {  	_ =	shalt  }
0x44: {  	_ =	shalt  }
0x45: {  	_ =	shalt  }
0x46: {  	_ =	shalt  }
0x47: {  	_ =	shalt  }
0x48: {  	_ =	shalt  }
0x49: {  	_ =	shalt  }
0x4a: {  	_ =	shalt  }
0x4b: {  	_ =	shalt  }
0x4c: {  	_ =	shalt  }
0x4d: {  	_ =	shalt  }
0x4e: {  	_ =	shalt  }
0x4f: {  	_ =	shalt  }
0x50: {  	_ =	shalt  }
0x51: {  	_ =	shalt  }
0x52: {  	_ =	shalt  }
0x53: {  	_ =	shalt  }
0x54: {  	_ =	shalt  }
0x55: {  	_ =	shalt  }
0x56: {  	_ =	shalt  }
0x57: {  	_ =	shalt  }
0x58: {  	_ =	shalt  }
0x59: {  	_ =	shalt  }
0x5a: {  	_ =	shalt  }
0x5b: {  	_ =	shalt  }
0x5c: {  	_ =	shalt  }
0x5d: {  	_ =	shalt  }
0x5e: {  	_ =	shalt  }
0x5f: {  	_ =	shalt  }
0x60: {  	_ =	shalt  }
0x61: {  	_ =	shalt  }
0x62: {  	_ =	shalt  }
0x63: {  	_ =	shalt  }
0x64: {  	_ =	shalt  }
0x65: {  	_ =	shalt  }
0x66: {  	_ =	shalt  }
0x67: {  	_ =	shalt  }
0x68: {  	_ =	shalt  }
0x69: {  	_ =	shalt  }
0x6a: {  	_ =	shalt  }
0x6b: {  	_ =	shalt  }
0x6c: {  	_ =	shalt  }
0x6d: {  	_ =	shalt  }
0x6e: {  	_ =	shalt  }
0x6f: {  	_ =	shalt  }
0x70: {  	_ =	shalt  }
0x71: {  	_ =	shalt  }
0x72: {  	_ =	shalt  }
0x73: {  	_ =	shalt  }
0x74: {  	_ =	shalt  }
0x75: {  	_ =	shalt  }
0x76: {  	_ =	shalt  }
0x77: {  	_ =	shalt  }
0x78: {  	_ =	shalt  }
0x79: {  	_ =	shalt  }
0x7a: {  	_ =	shalt  }
0x7b: {  	_ =	shalt  }
0x7c: {  	_ =	shalt  }
0x7d: {  	_ =	shalt  }
0x7e: {  	_ =	shalt  }
0x7f: {  	_ =	shalt  }
0x80: {  	_ =	shalt  }
0x81: {  	_ =	shalt  }
0x82: {  	_ =	shalt  }
0x83: {  	_ =	shalt  }
0x84: {  	_ =	shalt  }
0x85: {  	_ =	shalt  }
0x86: {  	_ =	shalt  }
0x87: {  	_ =	shalt  }
.Lfunc_end0:
.L_simem_size_0:
called_computation.2_lowered:
.L_overlay_start_0:
0x88: {  	s2 =	sld [smem:$0x3FD9]  }
0x89: {  	s3 =	sld [smem:$0x3FFE];
	_ =	sdelay $0x1  }
0x8a: {  	s1 =	srdreg.scid  }
0x8b: {  	s0 =	sand.u32 $0x1, s1  }
0x8c: {  	s17 =	sshll.u32 s0, $0xA;
	s2 =	sadd.s32 s3, s2  }
0x8d: {  	s2 =	sadd.s32 s2, s17  }
0x8e: {  	[smem:$0x3FBE] =	sst s2  }
0x8f: {  	_ = 	snop  }
0x90: {  	s2 =	sld [smem:$0x3FD0];
	(tm) =	ssettm $0x1  }
0x91: {  	s18 =	sld [smem:$0x3FFB];
	_ =	sdelay $0x3  }
0x92: {  	_ =	strace s18  }
0x93: {  	s3 =	sld [smem:$0x3FFC];
	_ =	sdelay $0x3  }
0x94: {  	_ =	strace s3  }
0x95: {  	s3 =	sld [smem:$0x3FFD];
	_ =	sdelay $0x3  }
0x96: {  	_ =	strace s3  }
0x97: {  	_ =	strace $0x8FFFFFFF  }
0x98: {  	s19 =	sld [smem:$0x3FDB];
	_ =	sdelay $0x1  }
0x99: {  	s4 =	simm.s32 $_scs_section_size  }
0x9a: {  	s5 =	simm.s32 $_size__tile_overlayer_lowered;
	s6 =	simm.s32 $_tile_overlayer_lowered  }
0x9b: {  	s22 =	simm.s32 $0x1BFF;
	s21 =	sshll.u32 s6, $0x1;
	s3 =	sadd.s32 s4, s19  }
0x9c: {  	s7 =	simm.s32 $0x0;
	s20 =	sshll.u32 s5, $0x1;
	s5 =	sadd.s32 s21, s3  }
0x9d: {  	[timem:s7], [sflag:s22] =	dma.local [hbm:s5], s20  }
0x9e: {  	_ =	swait.ge [sflag:s22], s20  }
0x9f: {  	s4 =	ssub.s32 $0x0, s20;
	[sflag:s22] =	ssyncset.done $0x0  }
0xa0: {  	[sflag:s22] =	ssyncadd.s32 s4;
	_ =	sdelay $0x1  }
0xa1: {  	s23 =	simm.s32 $0x1B8B  }
0xa2: {  	_ =	swait.ge [sflag:s23], $0x1  }
0xa3: {  	[sflag:s23] =	ssyncset.done $0x0  }
0xa4: {  	s25 =	simm.s32 $0x1B8E;
	s24 =	sld [smem:$0x3FFE];
	[sflag:s23] =	ssyncadd.s32 $0xFFFFFFFF  }
0xa5: {  	s26 =	simm.s32 $execute0_lowered;
	[smem:$0x3FD2] =	sst s25  }
0xa6: {  	s5 =	sshll.u32 s26, $0x1;
	_ =	strace $0x8000004C;
	[dreg:$0x1] =	wrdreg $0xFFFFFFFF  }
0xa7: {  	s28 =	simm.s32 $_size_execute0_lowered;
	s3 =	sadd.s32 s3, s5;
	[dreg:$0x0] =	wrdreg $0x0  }
0xa8: {  	s5 =	sshll.u32 s28, $0x1;
	[dreg:$0x2] =	wrdreg s3  }
0xa9: {  	[dreg:$0x3] =	wrdreg s5  }
0xaa: {  	[dreg:$0x4] =	wrdreg $0xC0  }
0xab: {  	_ =	task [dreg:s7], $0x5FFFF  }
0xac: {  	[dreg:$0x1] =	wrdreg $0xFFFFFFFF  }
0xad: {  	[dreg:$0x0] =	wrdreg $0x60  }
0xae: {  	[dreg:$0x2] =	wrdreg s2  }
0xaf: {  	[dreg:$0x3] =	wrdreg s24  }
0xb0: {  	[dreg:$0x4] =	wrdreg $0x120000  }
0xb1: {  	[dreg:$0x5] =	wrdreg $0x9  }
0xb2: {  	_ =	task.clear_ibuf [dreg:s7], $0x6FFFF;
	_ =	strace $0x9000004C  }
0xb3: {  	s29 =	simm.s32 $0x9;
	_ =	strace $0x8000004E  }
0xb4: {  	_ =	swait.ge [sflag:s29], $0x1  }
0xb5: {  	[sflag:s29] =	ssyncadd.s32 $0xFFFFFFFF  }
0xb6: {  	_ =	strace $0x9000004E  }
0xb7: {  	_ =	sfence  }
0xb8: {  	s30 =	sld [smem:$0x0];
	_ =	sdelay $0x2  }
0xb9: {  	s31 =	sshll.u32 s1, $0xD;
	s1 =	sshrl.u32 s1, $0x2  }
0xba: {  	s3 =	sand.u32 $0x4000, s31;
	s1 =	sadd.s32 s1, s30  }
0xbb: {  	s0 =	sor.u32 s3, s0;
	s1 =	sshll.u32 s1, $0x11  }
0xbc: {  	s0 =	sor.u32 s1, s0  }
0xbd: {  	s0 =	sadd.s32 $0x8F2B, s0  }
0xbe: {  	[sflag:s0] =	ssyncadd.remote.s32 $0x1  }
0xbf: {  	_ =	sfence.sel $0xFFFF  }
0xc0: {  	[dreg:$0x0] =	wrdreg $0xFFFFFFFF;
	(pc) =	sbr.abs _section_cstart, $3  }
0xc1: {  	[dreg:$0x1] =	wrdreg $0xFFFFFFFF  }
0xc2: {  	_ =	task.clear_ibuf [dreg:s7], $0x2FFFF;
	_ =	strace $0x9FFFFFFF  }
0xc3: {  	(tm) =	ssettm $0x7FFFFFFF  }
tec
execute0_lowered:
.L_overlay_start_1:
0x0: {  	(tag) =	ssettag $0x1  }
0x1: {  	s0 =	rddreg [dreg:$0x0]  }
0x2: {  	s1 =	rddreg [dreg:$0x1]  }
0x3: {  	s2 =	rddreg [dreg:$0x2];
	s3 =	simm.s32 $0x0  }
0x4: {  	s12 =	stileid.u32;
	s6 =	srdreg.scid;
	s14 =	simm.s32 $0x80  }
0x5: {  	s15 =	simm.s32 $0xA000;
	s16 =	simm.s32 $0xC000;
	s18 =	simm.s32 $0xE000  }
0x6: {  	s19 =	simm.s32 $0x180;
	s20 =	simm.s32 $0x10000;
	s21 =	simm.s32 $0x1  }
0x7: {  	s22 =	simm.s32 $0x2;
	s28 =	simm.s32 $0x9F00;
	s4 =	smul.u32 $0xA00, s12  }
0x8: {  	s29 =	simm.s32 $0x9F80;
	s30 =	simm.s32 $0x10;
	s5 =	smul.u32 $0x13C0, s12  }
0x9: {  	s31 =	simm.s32 $0x8;
	[smem:$0x7FF] =	sst s3;
	s7 =	smul.u32 $0x13C00, s12  }
0xa: {  	s6 =	sand.u32 $0x1, s6;
	s9 =	smul.u32 $0x27800, s12;
	s25 =	sshll.u32 s12, $0x6  }
0xb: {  	s12 =	simm.s32 $0x5;
	_ =	strace $0x8000004D;
	s23 =	sshll.u32 s6, $0x6  }
0xc: {  	s24 =	ssub.s32 $0x2, s6;
	s26 =	smul.u32 $0x13880, s6;
	s8 =	sadd.s32 s4, s1  }
0xd: {  	s5 =	sadd.s32 s5, s1;
	s4 =	sor.u32 s23, s7;
	s10 =	sshrl.u32 s24, $0x1  }
0xe: {  	s9 =	sshrl.u32 s9, $0x2;
	s23 =	simm.s32 $0x3;
	s4 =	sshrl.u32 s4, $0x3  }
0xf: {  	s10 =	ssub.s32 s24, s10;
	s11 =	sadd.s32 s9, s2;
	s6 =	sadd.s32 $0xE000, s8  }
0x10: {  	s7 =	sadd.s32 $0x4000, s8;
	s8 =	sadd.s32 s0, s26;
	s24 =	simm.s32 $0x4  }
0x11: {  	s26 =	simm.s32 $0x9E80;
	s0 =	simm.s32 $0x0;
	s1 =	sadd.s32 s4, s1  }
0x12: {  	s4 =	sadd.s32 $0x8D400, s5;
	s5 =	sor.u32 $0x1C05, s25;
	s10 =	smax.u32 s10, $0x1  }
0x13: {  	s11 =	sshrl.u32 s11, $0x3;
	s25 =	simm.s32 $0x9E00;
	s9 =	sadd.s32 $0xA1000, s1  }
.LBB2_1:
0x14: {  	[spmem:s11], [sflag:s5] =	dma.local [hbm:s4], $0x13C0  }
0x15: {  	_ =	swait.ge [sflag:s12], $0x13C0  }
0x16: {  	[sflag:s12] =	ssyncset.done $0x0  }
0x17: {  	[sflag:s12] =	ssyncadd.s32 $0xFFFFEC40  }
0x18: {  	[tilespmem:s3], [sflag:$0x5] =	stream.linear.gather [hbm4b:s6+s3], $0x5000, $0x38;
	[tilespmem:$0x1BE00] =	vst v63  }
0x19: {  	_ =	swait.ge [sflag:s12], $0x5000  }
0x1a: {  	[sflag:s12] =	ssyncset.done $0x0  }
0x1b: {  	s1 =	simm.s32 $0x5000;
	[sflag:s12] =	ssyncadd.s32 $0xFFFFB000  }
0x1c: {  	[tilespmem:s1], [sflag:$0x5] =	stream.linear.gather [hbm4b:s7+s3], $0x5000, $0x38;
	[tilespmem:$0x1BE00] =	vst v63  }
0x1d: {  	_ =	swait.ge [sflag:s12], $0x5000  }
0x1e: {  	[sflag:s12] =	ssyncset.done $0x0  }
0x1f: {  	[sflag:s12] =	ssyncadd.s32 $0xFFFFB000  }
0x20: {  	[bflag:$0x0] =	sbarrier.arrive $0xFFFF  }
0x21: {  	[tilespmem:s15], [sflag:$0x1] =	stream.indirect.gather [hbm4b:s8+s14], $0x40, s3, s14, $0xb8;
	[tilespmem:$0x1BE00] =	vst v63  }
0x22: {  	_ = 	snop  }
0x23: {  	[tilespmem:s16], [sflag:$0x2] =	stream.indirect.gather [hbm4b:s8+s14], $0x40, s14, s14, $0xb8;
	[tilespmem:$0x1BE00] =	vst v63  }
0x24: {  	s13 =	simm.s32 $0x100  }
0x25: {  	[tilespmem:s18], [sflag:$0x3] =	stream.indirect.gather [hbm4b:s8+s14], $0x40, s13, s14, $0xb8;
	[tilespmem:$0x1BE00] =	vst v63  }
0x26: {  	_ = 	snop  }
0x27: {  	[tilespmem:s20], [sflag:$0x4] =	stream.indirect.gather [hbm4b:s8+s14], $0x40, s19, s14, $0xb8;
	[tilespmem:$0x1BE00] =	vst v63  }
0x28: {  	_ =	swait.ge [sflag:s21], $0x2000  }
0x29: {  	[sflag:s21] =	ssyncset.done $0x0  }
0x2a: {  	s17 =	simm.s32 $0x5000;
	[sflag:s21] =	ssyncadd.s32 $0xFFFFE000  }
0x2b: {  	[spmem:s2] =	stream.indirect.scatter.add.f32 [tilespmem:s15], [sflag:$0x5], $0x40, s17, s14, $0xb8;
	[tilespmem:$0x1BE00] =	vst v63  }
0x2c: {  	_ =	swait.ge [sflag:s12], $0x2000  }
0x2d: {  	[sflag:s12] =	ssyncset.done $0x0  }
0x2e: {  	s13 =	simm.s32 $0x200;
	[sflag:s12] =	ssyncadd.s32 $0xFFFFE000  }
0x2f: {  	[tilespmem:s15], [sflag:$0x1] =	stream.indirect.gather [hbm4b:s8+s14], $0x40, s13, s14, $0xb8;
	[tilespmem:$0x1BE00] =	vst v63  }
0x30: {  	_ =	swait.ge [sflag:s22], $0x2000  }
0x31: {  	[sflag:s22] =	ssyncset.done $0x0  }
0x32: {  	s17 =	simm.s32 $0x5080;
	[sflag:s22] =	ssyncadd.s32 $0xFFFFE000  }
0x33: {  	[spmem:s2] =	stream.indirect.scatter.add.f32 [tilespmem:s16], [sflag:$0x5], $0x40, s17, s14, $0xb8;
	[tilespmem:$0x1BE00] =	vst v63  }
0x34: {  	_ =	swait.ge [sflag:s12], $0x2000  }
0x35: {  	[sflag:s12] =	ssyncset.done $0x0  }
0x36: {  	s13 =	simm.s32 $0x280;
	[sflag:s12] =	ssyncadd.s32 $0xFFFFE000  }
0x37: {  	[tilespmem:s16], [sflag:$0x2] =	stream.indirect.gather [hbm4b:s8+s14], $0x40, s13, s14, $0xb8;
	[tilespmem:$0x1BE00] =	vst v63  }
0x38: {  	_ =	swait.ge [sflag:s23], $0x2000  }
0x39: {  	[sflag:s23] =	ssyncset.done $0x0  }
0x3a: {  	s17 =	simm.s32 $0x5100;
	[sflag:s23] =	ssyncadd.s32 $0xFFFFE000  }
0x3b: {  	[spmem:s2] =	stream.indirect.scatter.add.f32 [tilespmem:s18], [sflag:$0x5], $0x40, s17, s14, $0xb8;
	[tilespmem:$0x1BE00] =	vst v63  }
0x3c: {  	_ =	swait.ge [sflag:s12], $0x2000  }
0x3d: {  	[sflag:s12] =	ssyncset.done $0x0  }
0x3e: {  	s13 =	simm.s32 $0x300;
	[sflag:s12] =	ssyncadd.s32 $0xFFFFE000  }
0x3f: {  	[tilespmem:s18], [sflag:$0x3] =	stream.indirect.gather [hbm4b:s8+s14], $0x40, s13, s14, $0xb8;
	[tilespmem:$0x1BE00] =	vst v63  }
0x40: {  	_ =	swait.ge [sflag:s24], $0x2000  }
0x41: {  	[sflag:s24] =	ssyncset.done $0x0  }
0x42: {  	s17 =	simm.s32 $0x5180;
	[sflag:s24] =	ssyncadd.s32 $0xFFFFE000  }
0x43: {  	[spmem:s2] =	stream.indirect.scatter.add.f32 [tilespmem:s20], [sflag:$0x5], $0x40, s17, s14, $0xb8;
	[tilespmem:$0x1BE00] =	vst v63  }
0x44: {  	_ =	swait.ge [sflag:s12], $0x2000  }
0x45: {  	[sflag:s12] =	ssyncset.done $0x0  }
0x46: {  	s1 =	simm.s32 $0x800;
	s13 =	simm.s32 $0x380;
	[sflag:s12] =	ssyncadd.s32 $0xFFFFE000  }
.LBB2_2:
0x47: {  	[tilespmem:s20], [sflag:$0x4] =	stream.indirect.gather [hbm4b:s8+s14], $0x40, s13, s14, $0xb8;
	[tilespmem:$0x1BE00] =	vst v63  }
0x48: {  	s13 =	smov.u32 s1  }
0x49: {  	p0 =	sne.s32 s1, $0x13000;
	s1 =	sadd.s32 $0x800, s1;
	_ =	swait.ge [sflag:s21], $0x2000  }
0x4a: {  	s13 =	sshra.s32 s13, $0x2;
	[sflag:s21] =	ssyncset.done $0x0  }
0x4b: {  	s17 =	sadd.s32 $0x5000, s13;
	[sflag:s21] =	ssyncadd.s32 $0xFFFFE000  }
0x4c: {  	[spmem:s2] =	stream.indirect.scatter.add.f32 [tilespmem:s15], [sflag:$0x5], $0x40, s17, s14, $0xb8;
	[tilespmem:$0x1BE00] =	vst v63  }
0x4d: {  	_ =	swait.ge [sflag:s12], $0x2000  }
0x4e: {  	[sflag:s12] =	ssyncset.done $0x0  }
0x4f: {  	s17 =	sadd.s32 $0x200, s13;
	[sflag:s12] =	ssyncadd.s32 $0xFFFFE000  }
0x50: {  	[tilespmem:s15], [sflag:$0x1] =	stream.indirect.gather [hbm4b:s8+s14], $0x40, s17, s14, $0xb8;
	[tilespmem:$0x1BE00] =	vst v63  }
0x51: {  	_ =	swait.ge [sflag:s22], $0x2000  }
0x52: {  	[sflag:s22] =	ssyncset.done $0x0  }
0x53: {  	s17 =	sadd.s32 $0x5080, s13;
	[sflag:s22] =	ssyncadd.s32 $0xFFFFE000  }
0x54: {  	[spmem:s2] =	stream.indirect.scatter.add.f32 [tilespmem:s16], [sflag:$0x5], $0x40, s17, s14, $0xb8;
	[tilespmem:$0x1BE00] =	vst v63  }
0x55: {  	_ =	swait.ge [sflag:s12], $0x2000  }
0x56: {  	[sflag:s12] =	ssyncset.done $0x0  }
0x57: {  	s17 =	sadd.s32 $0x280, s13;
	[sflag:s12] =	ssyncadd.s32 $0xFFFFE000  }
0x58: {  	[tilespmem:s16], [sflag:$0x2] =	stream.indirect.gather [hbm4b:s8+s14], $0x40, s17, s14, $0xb8;
	[tilespmem:$0x1BE00] =	vst v63  }
0x59: {  	_ =	swait.ge [sflag:s23], $0x2000  }
0x5a: {  	[sflag:s23] =	ssyncset.done $0x0  }
0x5b: {  	s17 =	sadd.s32 $0x5100, s13;
	[sflag:s23] =	ssyncadd.s32 $0xFFFFE000  }
0x5c: {  	[spmem:s2] =	stream.indirect.scatter.add.f32 [tilespmem:s18], [sflag:$0x5], $0x40, s17, s14, $0xb8;
	[tilespmem:$0x1BE00] =	vst v63  }
0x5d: {  	_ =	swait.ge [sflag:s12], $0x2000  }
0x5e: {  	[sflag:s12] =	ssyncset.done $0x0  }
0x5f: {  	s17 =	sadd.s32 $0x300, s13;
	[sflag:s12] =	ssyncadd.s32 $0xFFFFE000  }
0x60: {  	[tilespmem:s18], [sflag:$0x3] =	stream.indirect.gather [hbm4b:s8+s14], $0x40, s17, s14, $0xb8;
	[tilespmem:$0x1BE00] =	vst v63  }
0x61: {  	_ =	swait.ge [sflag:s24], $0x2000  }
0x62: {  	[sflag:s24] =	ssyncset.done $0x0  }
.Ltmp0:
0x63: {  	s17 =	sadd.s32 $0x5180, s13;
	[sflag:s24] =	ssyncadd.s32 $0xFFFFE000;
	(pc) =	sbr.rel @p0 .LBB2_2-.Ltmp0, $4  }
0x64: {  	[spmem:s2] =	stream.indirect.scatter.add.f32 [tilespmem:s20], [sflag:$0x5], $0x40, s17, s14, $0xb8;
	[tilespmem:$0x1BE00] =	vst v63  }
0x65: {  	_ =	swait.ge [sflag:s12], $0x2000  }
0x66: {  	[sflag:s12] =	ssyncset.done $0x0  }
0x67: {  	s13 =	sadd.s32 $0x380, s13;
	[sflag:s12] =	ssyncadd.s32 $0xFFFFE000  }
0x68: {  	[tilespmem:s20], [sflag:$0x4] =	stream.indirect.gather [hbm4b:s8+s14], $0x40, s13, s14, $0xb8;
	[tilespmem:$0x1BE00] =	vst v63  }
0x69: {  	_ =	swait.ge [sflag:s21], $0x2000  }
0x6a: {  	[sflag:s21] =	ssyncset.done $0x0  }
0x6b: {  	[sflag:s21] =	ssyncadd.s32 $0xFFFFE000  }
0x6c: {  	[spmem:s2] =	stream.indirect.scatter.add.f32 [tilespmem:s15], [sflag:$0x5], $0x40, s25, s14, $0xb8;
	[tilespmem:$0x1BE00] =	vst v63  }
0x6d: {  	_ =	swait.ge [sflag:s12], $0x2000  }
0x6e: {  	[sflag:s12] =	ssyncset.done $0x0  }
0x6f: {  	[sflag:s12] =	ssyncadd.s32 $0xFFFFE000  }
0x70: {  	_ =	swait.ge [sflag:s22], $0x2000  }
0x71: {  	[sflag:s22] =	ssyncset.done $0x0  }
0x72: {  	[sflag:s22] =	ssyncadd.s32 $0xFFFFE000  }
0x73: {  	[spmem:s2] =	stream.indirect.scatter.add.f32 [tilespmem:s16], [sflag:$0x5], $0x40, s26, s14, $0xb8;
	[tilespmem:$0x1BE00] =	vst v63  }
0x74: {  	_ =	swait.ge [sflag:s12], $0x2000  }
0x75: {  	[sflag:s12] =	ssyncset.done $0x0  }
0x76: {  	[sflag:s12] =	ssyncadd.s32 $0xFFFFE000  }
0x77: {  	_ =	swait.ge [sflag:s23], $0x2000  }
0x78: {  	[sflag:s23] =	ssyncset.done $0x0  }
0x79: {  	[sflag:s23] =	ssyncadd.s32 $0xFFFFE000  }
0x7a: {  	[spmem:s2] =	stream.indirect.scatter.add.f32 [tilespmem:s18], [sflag:$0x5], $0x40, s28, s14, $0xb8;
	[tilespmem:$0x1BE00] =	vst v63  }
0x7b: {  	_ =	swait.ge [sflag:s12], $0x2000  }
0x7c: {  	[sflag:s12] =	ssyncset.done $0x0  }
0x7d: {  	[sflag:s12] =	ssyncadd.s32 $0xFFFFE000  }
0x7e: {  	_ =	swait.ge [sflag:s24], $0x2000  }
0x7f: {  	[sflag:s24] =	ssyncset.done $0x0  }
0x80: {  	[sflag:s24] =	ssyncadd.s32 $0xFFFFE000  }
0x81: {  	[spmem:s2] =	stream.indirect.scatter.add.f32 [tilespmem:s20], [sflag:$0x5], $0x40, s29, s14, $0xb8;
	[tilespmem:$0x1BE00] =	vst v63  }
0x82: {  	_ =	swait.ge [sflag:s12], $0x2000  }
0x83: {  	s0 =	sadd.s32 $0x1, s0;
	[sflag:s12] =	ssyncset.done $0x0  }
0x84: {  	p0 =	sne.s32 s0, s10;
	[sflag:s12] =	ssyncadd.s32 $0xFFFFE000  }
.Ltmp1:
0x85: {  	[bflag:$0x0] =	sbarrier.arrive $0xFFFF;
	(pc) =	sbr.rel @p0 .LBB2_1-.Ltmp1, $4  }
0x86: {  	[hbm:s9@s30], [sflag:s5] =	dma.strided [spmem:s11@s31], $0x13C0, s21, $0x8   }
0x87: {  	_ =	swait.ge [sflag:s12], $0x13C0  }
0x88: {  	[sflag:s12] =	ssyncset.done $0x0  }
0x89: {  	[sflag:s12] =	ssyncadd.s32 $0xFFFFEC40  }
0x8a: {  	_ =	sfence.sel $0x180000  }
0x8b: {  	[bflag:$0x0] =	sbarrier.arrive $0xFFFF  }
0x8c: {  	_ =	strace $0x9000004D  }
0x8d: {  	s0 =	stileid.u32;
	[bflag:$0x2] =	sbarrier.arrive $0xFFFF  }
0x8e: {  	p0 =	sne.s32 s0, $0x0;
	s0 =	rddreg [dreg:$0x3]  }
0x8f: {  	s0 =	sadd.s32 @!p0 $0x100000, s0  }
0x90: {  	[sflag:s0] =	ssyncadd.tile.s32 @!p0 $0x1;
	_ =	shalt  }
.Lfunc_end2:
_tile_overlayer_lowered:
.L_overlay_start_2:
0x91: {  	(tag) =	ssettag $0x2  }
0x92: {  	s0 =	rddreg [dreg:$0x0];
	s2 =	stileid.u32  }
0x93: {  	s1 =	rddreg [dreg:$0x1];
	p0 =	sne.s32 s2, $0x0  }
0x94: {  	s3 =	rddreg [dreg:$0x2];
	[bflag:$0x3] =	sbarrier.arrive $0xFFFF;
	s2 =	simm.s32 @!p0 $0x1C05  }
0x95: {  	[timem:s3], [sflag:s2] =	dma.local @!p0 [hbm:s0], s1  }
0x96: {  	s0 =	simm.s32 @!p0 $0x5  }
0x97: {  	_ =	swait.ge @!p0 [sflag:s0], s1  }
0x98: {  	s1 =	ssub.s32 @!p0 $0x0, s1;
	[sflag:s0] =	ssyncset.done @!p0 $0x0  }
0x99: {  	[sflag:s0] =	ssyncadd.s32 @!p0 s1  }
0x9a: {  	[bflag:$0x3] =	sbarrier.arrive $0xFFFF  }
0x9b: {  	_ =	shalt  }

// kernel: kernel.21.cloned.1.call-start
scs
__scs_entry_jumppad:
0x0: {  	(pc) =	sbr.rel $0x88, $3  }
0x1: {  	(tag) =	ssettag $0x0;
	lr =	simm.s32 $0x1  }
0x2: {  	[smem:$0x3F97] =	sst lr;
	_ =	strace $0xD0000000  }
0x3: {  	_ = 	snop  }
0x4: {  	_ = 	snop  }
0x5: {  	_ = 	snop  }
0x6: {  	_ = 	snop  }
0x7: {  	_ = 	snop  }
__scs_overlays_trampoline_lowered:
0x8: {  	[smem:$0x3FA6] =	sst s0  }
0x9: {  	[smem:$0x3FA7] =	sst s1  }
0xa: {  	[smem:$0x3FA8] =	sst s2  }
0xb: {  	[smem:$0x3FA9] =	sst s3  }
0xc: {  	[smem:$0x3FAA] =	sst s4  }
0xd: {  	[smem:$0x3FAB] =	sst s5  }
0xe: {  	[smem:$0x3FAC] =	sst s6  }
0xf: {  	[smem:$0x3FAD] =	sst s7  }
0x10: {  	[smem:$0x3FAE] =	sst s8  }
0x11: {  	[smem:$0x3FAF] =	sst s9;
	s0 =	simm.s32 @!p0 $0x0  }
0x12: {  	s1 =	sld [smem:$0x3F95];
	s0 =	simm.s32 @p0 $0x1  }
0x13: {  	[smem:$0x3FB0] =	sst s0;
	s0 =	simm.s32 @!p1 $0x0  }
0x14: {  	s2 =	sld [smem:$0x3F94];
	s0 =	simm.s32 @p1 $0x1  }
0x15: {  	[smem:$0x3FB1] =	sst s0;
	s0 =	simm.s32 @!p2 $0x0  }
0x16: {  	s3 =	sld [smem:$0x3FDB];
	s0 =	simm.s32 @p2 $0x1  }
0x17: {  	s4 =	simm.s32 $0x1BF5;
	[smem:$0x3FB3] =	sst s0  }
0x18: {  	s0 =	sld [smem:$0x3F96];
	_ =	swait.ge [sflag:s4], $0x0  }
0x19: {  	s7 =	sld [smem:$0x3F97]  }
0x1a: {  	s8 =	sadd.s32 $0xFFFFE003, lr  }
0x1b: {  	s9 =	sadd.s32 $0xFFFFFEF7, lr;
	s5 =	simm.s32 $0xFFFFFFFF;
	p2 =	slt.u32 s8, $0xFFFFF086  }
0x1c: {  	p1 =	slt.u32 s9, $0xF7A;
	s5 =	simm.s32 @!p2 $0x0  }
0x1d: {  	s5 =	simm.s32 @p1 $0x1;
	p0 =	seq.s32 s7, s2  }
0x1e: {  	s7 =	smul.u32 @!p0 $0xF7A, s2;
	p2 =	seq.s32 @!p0 s5, $0x0  }
0x1f: {  	s9 =	smul.u32 $0xF7A, s1;
	s8 =	simm.s32 @!p0 $0x1BF5;
	p2 =	por !p2, p0  }
0x20: {  	[sflag:s8] =	ssyncset.s32 @!p0 $0xFFFFF086;
	s6 =	sadd.s32 @!p0 s3, s7;
	s7 =	simm.s32 @!p0 $0x108  }
0x21: {  	s3 =	sadd.s32 s3, s9;
	s6 =	sadd.s32 @!p0 $0x88, s6;
	s7 =	simm.s32 @p2 $0x1082  }
0x22: {  	[simem:s7], [sflag:s8] =	dma.local @!p0 [hbm:s6], $0xF7A  }
0x23: {  	s9 =	sor.u32 $0xD0000000, s2;
	s6 =	simm.s32 $0x108;
	_ =	swait.ge @!p0 [sflag:s8], $0x0  }
0x24: {  	s3 =	sadd.s32 $0x88, s3;
	s6 =	simm.s32 @!p1 $0x1082;
	[sflag:s4] =	ssyncset.s32 $0xFFFFF086  }
0x25: {  	[simem:s6], [sflag:s4] =	dma.local [hbm:s3], $0xF7A  }
0x26: {  	[smem:$0x3F97] =	sst s1;
	(tag) =	ssettag s2;
	_ =	strace s9  }
0x27: {  	s1 =	sld [smem:$0x3FA7]  }
0x28: {  	s2 =	sld [smem:$0x3FA8]  }
0x29: {  	s4 =	sld [smem:$0x3FAA]  }
0x2a: {  	p0 =	seq.s32 s5, $0x0;
	s5 =	sld [smem:$0x3FAB]  }
0x2b: {  	s6 =	sld [smem:$0x3FAC]  }
0x2c: {  	s7 =	sld [smem:$0x3FAD]  }
0x2d: {  	s3 =	simm.s32 $0x108;
	s8 =	sld [smem:$0x3FAE]  }
0x2e: {  	s3 =	simm.s32 @!p0 $0x1082;
	s9 =	sld [smem:$0x3FAF]  }
0x2f: {  	lr =	sadd.s32 s0, s3;
	s0 =	sld [smem:$0x3FA6]  }
0x30: {  	s3 =	sld [smem:$0x3FA9]  }
0x31: {  	[smem:$0x3FB2] =	sst s10  }
0x32: {  	s10 =	sld [smem:$0x3FB0];
	_ =	sdelay $0x3  }
0x33: {  	p0 =	seq.s32 s10, $0x1;
	s10 =	sld [smem:$0x3FB2];
	_ =	sdelay $0x3  }
0x34: {  	[smem:$0x3FB2] =	sst s10  }
0x35: {  	s10 =	sld [smem:$0x3FB1];
	_ =	sdelay $0x3  }
0x36: {  	p1 =	seq.s32 s10, $0x1;
	s10 =	sld [smem:$0x3FB2];
	_ =	sdelay $0x3  }
0x37: {  	[smem:$0x3FB2] =	sst s10  }
0x38: {  	s10 =	sld [smem:$0x3FB3]  }
0x39: {  	_ = 	snop;
	(pc) =	sbr.ind lr, $3  }
0x3a: {  	_ = 	snop  }
0x3b: {  	_ = 	snop  }
0x3c: {  	p2 =	seq.s32 s10, $0x1;
	s10 =	sld [smem:$0x3FB2]  }
0x3d: {  	_ =	shalt  }
0x3e: {  	_ =	shalt  }
0x3f: {  	_ =	shalt  }
0x40: {  	_ =	shalt  }
0x41: {  	_ =	shalt  }
0x42: {  	_ =	shalt  }
0x43: {  	_ =	shalt  }
0x44: {  	_ =	shalt  }
0x45: {  	_ =	shalt  }
0x46: {  	_ =	shalt  }
0x47: {  	_ =	shalt  }
0x48: {  	_ =	shalt  }
0x49: {  	_ =	shalt  }
0x4a: {  	_ =	shalt  }
0x4b: {  	_ =	shalt  }
0x4c: {  	_ =	shalt  }
0x4d: {  	_ =	shalt  }
0x4e: {  	_ =	shalt  }
0x4f: {  	_ =	shalt  }
0x50: {  	_ =	shalt  }
0x51: {  	_ =	shalt  }
0x52: {  	_ =	shalt  }
0x53: {  	_ =	shalt  }
0x54: {  	_ =	shalt  }
0x55: {  	_ =	shalt  }
0x56: {  	_ =	shalt  }
0x57: {  	_ =	shalt  }
0x58: {  	_ =	shalt  }
0x59: {  	_ =	shalt  }
0x5a: {  	_ =	shalt  }
0x5b: {  	_ =	shalt  }
0x5c: {  	_ =	shalt  }
0x5d: {  	_ =	shalt  }
0x5e: {  	_ =	shalt  }
0x5f: {  	_ =	shalt  }
0x60: {  	_ =	shalt  }
0x61: {  	_ =	shalt  }
0x62: {  	_ =	shalt  }
0x63: {  	_ =	shalt  }
0x64: {  	_ =	shalt  }
0x65: {  	_ =	shalt  }
0x66: {  	_ =	shalt  }
0x67: {  	_ =	shalt  }
0x68: {  	_ =	shalt  }
0x69: {  	_ =	shalt  }
0x6a: {  	_ =	shalt  }
0x6b: {  	_ =	shalt  }
0x6c: {  	_ =	shalt  }
0x6d: {  	_ =	shalt  }
0x6e: {  	_ =	shalt  }
0x6f: {  	_ =	shalt  }
0x70: {  	_ =	shalt  }
0x71: {  	_ =	shalt  }
0x72: {  	_ =	shalt  }
0x73: {  	_ =	shalt  }
0x74: {  	_ =	shalt  }
0x75: {  	_ =	shalt  }
0x76: {  	_ =	shalt  }
0x77: {  	_ =	shalt  }
0x78: {  	_ =	shalt  }
0x79: {  	_ =	shalt  }
0x7a: {  	_ =	shalt  }
0x7b: {  	_ =	shalt  }
0x7c: {  	_ =	shalt  }
0x7d: {  	_ =	shalt  }
0x7e: {  	_ =	shalt  }
0x7f: {  	_ =	shalt  }
0x80: {  	_ =	shalt  }
0x81: {  	_ =	shalt  }
0x82: {  	_ =	shalt  }
0x83: {  	_ =	shalt  }
0x84: {  	_ =	shalt  }
0x85: {  	_ =	shalt  }
0x86: {  	_ =	shalt  }
0x87: {  	_ =	shalt  }
.Lfunc_end0:
.L_simem_size_0:
called_computation.3_lowered:
.L_overlay_start_0:
0x88: {  	s2 =	sld [smem:$0x3FD9]  }
0x89: {  	s3 =	sld [smem:$0x3FFE];
	_ =	sdelay $0x1  }
0x8a: {  	s1 =	srdreg.scid  }
0x8b: {  	s0 =	sand.u32 $0x1, s1  }
0x8c: {  	s17 =	sshll.u32 s0, $0xA;
	s2 =	sadd.s32 s3, s2  }
0x8d: {  	s2 =	sadd.s32 s2, s17  }
0x8e: {  	[smem:$0x3FBE] =	sst s2  }
0x8f: {  	_ = 	snop  }
0x90: {  	s2 =	sld [smem:$0x3FD0];
	(tm) =	ssettm $0x1  }
0x91: {  	s18 =	sld [smem:$0x3FFB];
	_ =	sdelay $0x3  }
0x92: {  	_ =	strace s18  }
0x93: {  	s3 =	sld [smem:$0x3FFC];
	_ =	sdelay $0x3  }
0x94: {  	_ =	strace s3  }
0x95: {  	s3 =	sld [smem:$0x3FFD];
	_ =	sdelay $0x3  }
0x96: {  	_ =	strace s3  }
0x97: {  	_ =	strace $0x8FFFFFFF  }
0x98: {  	s19 =	sld [smem:$0x3FDB];
	_ =	sdelay $0x1  }
0x99: {  	s4 =	simm.s32 $_scs_section_size  }
0x9a: {  	s5 =	simm.s32 $_size__tile_overlayer_lowered;
	s6 =	simm.s32 $_tile_overlayer_lowered  }
0x9b: {  	s22 =	simm.s32 $0x1BFF;
	s21 =	sshll.u32 s6, $0x1;
	s3 =	sadd.s32 s4, s19  }
0x9c: {  	s7 =	simm.s32 $0x0;
	s20 =	sshll.u32 s5, $0x1;
	s5 =	sadd.s32 s21, s3  }
0x9d: {  	[timem:s7], [sflag:s22] =	dma.local [hbm:s5], s20  }
0x9e: {  	_ =	swait.ge [sflag:s22], s20  }
0x9f: {  	s4 =	ssub.s32 $0x0, s20;
	[sflag:s22] =	ssyncset.done $0x0  }
0xa0: {  	[sflag:s22] =	ssyncadd.s32 s4;
	_ =	sdelay $0x1  }
0xa1: {  	s23 =	simm.s32 $0x1B8B  }
0xa2: {  	_ =	swait.ge [sflag:s23], $0x1  }
0xa3: {  	[sflag:s23] =	ssyncset.done $0x0  }
0xa4: {  	s25 =	simm.s32 $0x1B8E;
	s24 =	sld [smem:$0x3FFE];
	[sflag:s23] =	ssyncadd.s32 $0xFFFFFFFF  }
0xa5: {  	s26 =	simm.s32 $execute0_lowered;
	[smem:$0x3FD2] =	sst s25  }
0xa6: {  	s5 =	sshll.u32 s26, $0x1;
	_ =	strace $0x8000004F;
	[dreg:$0x1] =	wrdreg $0xFFFFFFFF  }
0xa7: {  	s28 =	simm.s32 $_size_execute0_lowered;
	s3 =	sadd.s32 s3, s5;
	[dreg:$0x0] =	wrdreg $0x0  }
0xa8: {  	s5 =	sshll.u32 s28, $0x1;
	[dreg:$0x2] =	wrdreg s3  }
0xa9: {  	[dreg:$0x3] =	wrdreg s5  }
0xaa: {  	[dreg:$0x4] =	wrdreg $0xC0  }
0xab: {  	_ =	task [dreg:s7], $0x5FFFF  }
0xac: {  	[dreg:$0x1] =	wrdreg $0xFFFFFFFF  }
0xad: {  	[dreg:$0x0] =	wrdreg $0x60  }
0xae: {  	[dreg:$0x2] =	wrdreg s2  }
0xaf: {  	[dreg:$0x3] =	wrdreg s24  }
0xb0: {  	[dreg:$0x4] =	wrdreg $0x120000  }
0xb1: {  	[dreg:$0x5] =	wrdreg $0x9  }
0xb2: {  	_ =	task.clear_ibuf [dreg:s7], $0x6FFFF;
	_ =	strace $0x9000004F  }
0xb3: {  	s29 =	simm.s32 $0x9;
	_ =	strace $0x80000051  }
0xb4: {  	_ =	swait.ge [sflag:s29], $0x1  }
0xb5: {  	[sflag:s29] =	ssyncadd.s32 $0xFFFFFFFF  }
0xb6: {  	_ =	strace $0x90000051  }
0xb7: {  	_ =	sfence  }
0xb8: {  	s30 =	sld [smem:$0x0];
	_ =	sdelay $0x2  }
0xb9: {  	s31 =	sshll.u32 s1, $0xD;
	s1 =	sshrl.u32 s1, $0x2  }
0xba: {  	s3 =	sand.u32 $0x4000, s31;
	s1 =	sadd.s32 s1, s30  }
0xbb: {  	s0 =	sor.u32 s3, s0;
	s1 =	sshll.u32 s1, $0x11  }
0xbc: {  	s0 =	sor.u32 s1, s0  }
0xbd: {  	s0 =	sadd.s32 $0x8F2B, s0  }
0xbe: {  	[sflag:s0] =	ssyncadd.remote.s32 $0x1  }
0xbf: {  	_ =	sfence.sel $0xFFFF  }
0xc0: {  	[dreg:$0x0] =	wrdreg $0xFFFFFFFF;
	(pc) =	sbr.abs _section_cstart, $3  }
0xc1: {  	[dreg:$0x1] =	wrdreg $0xFFFFFFFF  }
0xc2: {  	_ =	task.clear_ibuf [dreg:s7], $0x2FFFF;
	_ =	strace $0x9FFFFFFF  }
0xc3: {  	(tm) =	ssettm $0x7FFFFFFF  }
tec
execute0_lowered:
.L_overlay_start_1:
0x0: {  	(tag) =	ssettag $0x1  }
0x1: {  	s0 =	rddreg [dreg:$0x0]  }
0x2: {  	s1 =	rddreg [dreg:$0x1]  }
0x3: {  	s2 =	rddreg [dreg:$0x2];
	s3 =	simm.s32 $0x0  }
0x4: {  	s12 =	stileid.u32;
	s6 =	srdreg.scid;
	s14 =	simm.s32 $0x80  }
0x5: {  	s15 =	simm.s32 $0xA000;
	s16 =	simm.s32 $0xC000;
	s18 =	simm.s32 $0xE000  }
0x6: {  	s19 =	simm.s32 $0x180;
	s20 =	simm.s32 $0x10000;
	s21 =	simm.s32 $0x1  }
0x7: {  	s22 =	simm.s32 $0x2;
	s28 =	simm.s32 $0x9F00;
	s4 =	smul.u32 $0xA00, s12  }
0x8: {  	s29 =	simm.s32 $0x9F80;
	s30 =	simm.s32 $0x10;
	s5 =	smul.u32 $0x13C0, s12  }
0x9: {  	s31 =	simm.s32 $0x8;
	[smem:$0x7FF] =	sst s3;
	s7 =	smul.u32 $0x13C00, s12  }
0xa: {  	s6 =	sand.u32 $0x1, s6;
	s9 =	smul.u32 $0x27800, s12;
	s25 =	sshll.u32 s12, $0x6  }
0xb: {  	s12 =	simm.s32 $0x5;
	_ =	strace $0x80000050;
	s23 =	sshll.u32 s6, $0x6  }
0xc: {  	s24 =	ssub.s32 $0x2, s6;
	s26 =	smul.u32 $0x13880, s6;
	s8 =	sadd.s32 s4, s1  }
0xd: {  	s5 =	sadd.s32 s5, s1;
	s4 =	sor.u32 s23, s7;
	s10 =	sshrl.u32 s24, $0x1  }
0xe: {  	s9 =	sshrl.u32 s9, $0x2;
	s23 =	simm.s32 $0x3;
	s4 =	sshrl.u32 s4, $0x3  }
0xf: {  	s10 =	ssub.s32 s24, s10;
	s11 =	sadd.s32 s9, s2;
	s6 =	sadd.s32 $0xE000, s8  }
0x10: {  	s7 =	sadd.s32 $0x4000, s8;
	s8 =	sadd.s32 s0, s26;
	s24 =	simm.s32 $0x4  }
0x11: {  	s26 =	simm.s32 $0x9E80;
	s0 =	simm.s32 $0x0;
	s1 =	sadd.s32 s4, s1  }
0x12: {  	s4 =	sadd.s32 $0x8D400, s5;
	s5 =	sor.u32 $0x1C05, s25;
	s10 =	smax.u32 s10, $0x1  }
0x13: {  	s11 =	sshrl.u32 s11, $0x3;
	s25 =	simm.s32 $0x9E00;
	s9 =	sadd.s32 $0xA1000, s1  }
.LBB2_1:
0x14: {  	[spmem:s11], [sflag:s5] =	dma.local [hbm:s4], $0x13C0  }
0x15: {  	_ =	swait.ge [sflag:s12], $0x13C0  }
0x16: {  	[sflag:s12] =	ssyncset.done $0x0  }
0x17: {  	[sflag:s12] =	ssyncadd.s32 $0xFFFFEC40  }
0x18: {  	[tilespmem:s3], [sflag:$0x5] =	stream.linear.gather [hbm4b:s6+s3], $0x5000, $0x38;
	[tilespmem:$0x1BE00] =	vst v63  }
0x19: {  	_ =	swait.ge [sflag:s12], $0x5000  }
0x1a: {  	[sflag:s12] =	ssyncset.done $0x0  }
0x1b: {  	s1 =	simm.s32 $0x5000;
	[sflag:s12] =	ssyncadd.s32 $0xFFFFB000  }
0x1c: {  	[tilespmem:s1], [sflag:$0x5] =	stream.linear.gather [hbm4b:s7+s3], $0x5000, $0x38;
	[tilespmem:$0x1BE00] =	vst v63  }
0x1d: {  	_ =	swait.ge [sflag:s12], $0x5000  }
0x1e: {  	[sflag:s12] =	ssyncset.done $0x0  }
0x1f: {  	[sflag:s12] =	ssyncadd.s32 $0xFFFFB000  }
0x20: {  	[bflag:$0x0] =	sbarrier.arrive $0xFFFF  }
0x21: {  	[tilespmem:s15], [sflag:$0x1] =	stream.indirect.gather [hbm4b:s8+s14], $0x40, s3, s14, $0xb8;
	[tilespmem:$0x1BE00] =	vst v63  }
0x22: {  	_ = 	snop  }
0x23: {  	[tilespmem:s16], [sflag:$0x2] =	stream.indirect.gather [hbm4b:s8+s14], $0x40, s14, s14, $0xb8;
	[tilespmem:$0x1BE00] =	vst v63  }
0x24: {  	s13 =	simm.s32 $0x100  }
0x25: {  	[tilespmem:s18], [sflag:$0x3] =	stream.indirect.gather [hbm4b:s8+s14], $0x40, s13, s14, $0xb8;
	[tilespmem:$0x1BE00] =	vst v63  }
0x26: {  	_ = 	snop  }
0x27: {  	[tilespmem:s20], [sflag:$0x4] =	stream.indirect.gather [hbm4b:s8+s14], $0x40, s19, s14, $0xb8;
	[tilespmem:$0x1BE00] =	vst v63  }
0x28: {  	_ =	swait.ge [sflag:s21], $0x2000  }
0x29: {  	[sflag:s21] =	ssyncset.done $0x0  }
0x2a: {  	s17 =	simm.s32 $0x5000;
	[sflag:s21] =	ssyncadd.s32 $0xFFFFE000  }
0x2b: {  	[spmem:s2] =	stream.indirect.scatter.add.f32 [tilespmem:s15], [sflag:$0x5], $0x40, s17, s14, $0xb8;
	[tilespmem:$0x1BE00] =	vst v63  }
0x2c: {  	_ =	swait.ge [sflag:s12], $0x2000  }
0x2d: {  	[sflag:s12] =	ssyncset.done $0x0  }
0x2e: {  	s13 =	simm.s32 $0x200;
	[sflag:s12] =	ssyncadd.s32 $0xFFFFE000  }
0x2f: {  	[tilespmem:s15], [sflag:$0x1] =	stream.indirect.gather [hbm4b:s8+s14], $0x40, s13, s14, $0xb8;
	[tilespmem:$0x1BE00] =	vst v63  }
0x30: {  	_ =	swait.ge [sflag:s22], $0x2000  }
0x31: {  	[sflag:s22] =	ssyncset.done $0x0  }
0x32: {  	s17 =	simm.s32 $0x5080;
	[sflag:s22] =	ssyncadd.s32 $0xFFFFE000  }
0x33: {  	[spmem:s2] =	stream.indirect.scatter.add.f32 [tilespmem:s16], [sflag:$0x5], $0x40, s17, s14, $0xb8;
	[tilespmem:$0x1BE00] =	vst v63  }
0x34: {  	_ =	swait.ge [sflag:s12], $0x2000  }
0x35: {  	[sflag:s12] =	ssyncset.done $0x0  }
0x36: {  	s13 =	simm.s32 $0x280;
	[sflag:s12] =	ssyncadd.s32 $0xFFFFE000  }
0x37: {  	[tilespmem:s16], [sflag:$0x2] =	stream.indirect.gather [hbm4b:s8+s14], $0x40, s13, s14, $0xb8;
	[tilespmem:$0x1BE00] =	vst v63  }
0x38: {  	_ =	swait.ge [sflag:s23], $0x2000  }
0x39: {  	[sflag:s23] =	ssyncset.done $0x0  }
0x3a: {  	s17 =	simm.s32 $0x5100;
	[sflag:s23] =	ssyncadd.s32 $0xFFFFE000  }
0x3b: {  	[spmem:s2] =	stream.indirect.scatter.add.f32 [tilespmem:s18], [sflag:$0x5], $0x40, s17, s14, $0xb8;
	[tilespmem:$0x1BE00] =	vst v63  }
0x3c: {  	_ =	swait.ge [sflag:s12], $0x2000  }
0x3d: {  	[sflag:s12] =	ssyncset.done $0x0  }
0x3e: {  	s13 =	simm.s32 $0x300;
	[sflag:s12] =	ssyncadd.s32 $0xFFFFE000  }
0x3f: {  	[tilespmem:s18], [sflag:$0x3] =	stream.indirect.gather [hbm4b:s8+s14], $0x40, s13, s14, $0xb8;
	[tilespmem:$0x1BE00] =	vst v63  }
0x40: {  	_ =	swait.ge [sflag:s24], $0x2000  }
0x41: {  	[sflag:s24] =	ssyncset.done $0x0  }
0x42: {  	s17 =	simm.s32 $0x5180;
	[sflag:s24] =	ssyncadd.s32 $0xFFFFE000  }
0x43: {  	[spmem:s2] =	stream.indirect.scatter.add.f32 [tilespmem:s20], [sflag:$0x5], $0x40, s17, s14, $0xb8;
	[tilespmem:$0x1BE00] =	vst v63  }
0x44: {  	_ =	swait.ge [sflag:s12], $0x2000  }
0x45: {  	[sflag:s12] =	ssyncset.done $0x0  }
0x46: {  	s1 =	simm.s32 $0x800;
	s13 =	simm.s32 $0x380;
	[sflag:s12] =	ssyncadd.s32 $0xFFFFE000  }
.LBB2_2:
0x47: {  	[tilespmem:s20], [sflag:$0x4] =	stream.indirect.gather [hbm4b:s8+s14], $0x40, s13, s14, $0xb8;
	[tilespmem:$0x1BE00] =	vst v63  }
0x48: {  	s13 =	smov.u32 s1  }
0x49: {  	p0 =	sne.s32 s1, $0x13000;
	s1 =	sadd.s32 $0x800, s1;
	_ =	swait.ge [sflag:s21], $0x2000  }
0x4a: {  	s13 =	sshra.s32 s13, $0x2;
	[sflag:s21] =	ssyncset.done $0x0  }
0x4b: {  	s17 =	sadd.s32 $0x5000, s13;
	[sflag:s21] =	ssyncadd.s32 $0xFFFFE000  }
0x4c: {  	[spmem:s2] =	stream.indirect.scatter.add.f32 [tilespmem:s15], [sflag:$0x5], $0x40, s17, s14, $0xb8;
	[tilespmem:$0x1BE00] =	vst v63  }
0x4d: {  	_ =	swait.ge [sflag:s12], $0x2000  }
0x4e: {  	[sflag:s12] =	ssyncset.done $0x0  }
0x4f: {  	s17 =	sadd.s32 $0x200, s13;
	[sflag:s12] =	ssyncadd.s32 $0xFFFFE000  }
0x50: {  	[tilespmem:s15], [sflag:$0x1] =	stream.indirect.gather [hbm4b:s8+s14], $0x40, s17, s14, $0xb8;
	[tilespmem:$0x1BE00] =	vst v63  }
0x51: {  	_ =	swait.ge [sflag:s22], $0x2000  }
0x52: {  	[sflag:s22] =	ssyncset.done $0x0  }
0x53: {  	s17 =	sadd.s32 $0x5080, s13;
	[sflag:s22] =	ssyncadd.s32 $0xFFFFE000  }
0x54: {  	[spmem:s2] =	stream.indirect.scatter.add.f32 [tilespmem:s16], [sflag:$0x5], $0x40, s17, s14, $0xb8;
	[tilespmem:$0x1BE00] =	vst v63  }
0x55: {  	_ =	swait.ge [sflag:s12], $0x2000  }
0x56: {  	[sflag:s12] =	ssyncset.done $0x0  }
0x57: {  	s17 =	sadd.s32 $0x280, s13;
	[sflag:s12] =	ssyncadd.s32 $0xFFFFE000  }
0x58: {  	[tilespmem:s16], [sflag:$0x2] =	stream.indirect.gather [hbm4b:s8+s14], $0x40, s17, s14, $0xb8;
	[tilespmem:$0x1BE00] =	vst v63  }
0x59: {  	_ =	swait.ge [sflag:s23], $0x2000  }
0x5a: {  	[sflag:s23] =	ssyncset.done $0x0  }
0x5b: {  	s17 =	sadd.s32 $0x5100, s13;
	[sflag:s23] =	ssyncadd.s32 $0xFFFFE000  }
0x5c: {  	[spmem:s2] =	stream.indirect.scatter.add.f32 [tilespmem:s18], [sflag:$0x5], $0x40, s17, s14, $0xb8;
	[tilespmem:$0x1BE00] =	vst v63  }
0x5d: {  	_ =	swait.ge [sflag:s12], $0x2000  }
0x5e: {  	[sflag:s12] =	ssyncset.done $0x0  }
0x5f: {  	s17 =	sadd.s32 $0x300, s13;
	[sflag:s12] =	ssyncadd.s32 $0xFFFFE000  }
0x60: {  	[tilespmem:s18], [sflag:$0x3] =	stream.indirect.gather [hbm4b:s8+s14], $0x40, s17, s14, $0xb8;
	[tilespmem:$0x1BE00] =	vst v63  }
0x61: {  	_ =	swait.ge [sflag:s24], $0x2000  }
0x62: {  	[sflag:s24] =	ssyncset.done $0x0  }
.Ltmp0:
0x63: {  	s17 =	sadd.s32 $0x5180, s13;
	[sflag:s24] =	ssyncadd.s32 $0xFFFFE000;
	(pc) =	sbr.rel @p0 .LBB2_2-.Ltmp0, $4  }
0x64: {  	[spmem:s2] =	stream.indirect.scatter.add.f32 [tilespmem:s20], [sflag:$0x5], $0x40, s17, s14, $0xb8;
	[tilespmem:$0x1BE00] =	vst v63  }
0x65: {  	_ =	swait.ge [sflag:s12], $0x2000  }
0x66: {  	[sflag:s12] =	ssyncset.done $0x0  }
0x67: {  	s13 =	sadd.s32 $0x380, s13;
	[sflag:s12] =	ssyncadd.s32 $0xFFFFE000  }
0x68: {  	[tilespmem:s20], [sflag:$0x4] =	stream.indirect.gather [hbm4b:s8+s14], $0x40, s13, s14, $0xb8;
	[tilespmem:$0x1BE00] =	vst v63  }
0x69: {  	_ =	swait.ge [sflag:s21], $0x2000  }
0x6a: {  	[sflag:s21] =	ssyncset.done $0x0  }
0x6b: {  	[sflag:s21] =	ssyncadd.s32 $0xFFFFE000  }
0x6c: {  	[spmem:s2] =	stream.indirect.scatter.add.f32 [tilespmem:s15], [sflag:$0x5], $0x40, s25, s14, $0xb8;
	[tilespmem:$0x1BE00] =	vst v63  }
0x6d: {  	_ =	swait.ge [sflag:s12], $0x2000  }
0x6e: {  	[sflag:s12] =	ssyncset.done $0x0  }
0x6f: {  	[sflag:s12] =	ssyncadd.s32 $0xFFFFE000  }
0x70: {  	_ =	swait.ge [sflag:s22], $0x2000  }
0x71: {  	[sflag:s22] =	ssyncset.done $0x0  }
0x72: {  	[sflag:s22] =	ssyncadd.s32 $0xFFFFE000  }
0x73: {  	[spmem:s2] =	stream.indirect.scatter.add.f32 [tilespmem:s16], [sflag:$0x5], $0x40, s26, s14, $0xb8;
	[tilespmem:$0x1BE00] =	vst v63  }
0x74: {  	_ =	swait.ge [sflag:s12], $0x2000  }
0x75: {  	[sflag:s12] =	ssyncset.done $0x0  }
0x76: {  	[sflag:s12] =	ssyncadd.s32 $0xFFFFE000  }
0x77: {  	_ =	swait.ge [sflag:s23], $0x2000  }
0x78: {  	[sflag:s23] =	ssyncset.done $0x0  }
0x79: {  	[sflag:s23] =	ssyncadd.s32 $0xFFFFE000  }
0x7a: {  	[spmem:s2] =	stream.indirect.scatter.add.f32 [tilespmem:s18], [sflag:$0x5], $0x40, s28, s14, $0xb8;
	[tilespmem:$0x1BE00] =	vst v63  }
0x7b: {  	_ =	swait.ge [sflag:s12], $0x2000  }
0x7c: {  	[sflag:s12] =	ssyncset.done $0x0  }
0x7d: {  	[sflag:s12] =	ssyncadd.s32 $0xFFFFE000  }
0x7e: {  	_ =	swait.ge [sflag:s24], $0x2000  }
0x7f: {  	[sflag:s24] =	ssyncset.done $0x0  }
0x80: {  	[sflag:s24] =	ssyncadd.s32 $0xFFFFE000  }
0x81: {  	[spmem:s2] =	stream.indirect.scatter.add.f32 [tilespmem:s20], [sflag:$0x5], $0x40, s29, s14, $0xb8;
	[tilespmem:$0x1BE00] =	vst v63  }
0x82: {  	_ =	swait.ge [sflag:s12], $0x2000  }
0x83: {  	s0 =	sadd.s32 $0x1, s0;
	[sflag:s12] =	ssyncset.done $0x0  }
0x84: {  	p0 =	sne.s32 s0, s10;
	[sflag:s12] =	ssyncadd.s32 $0xFFFFE000  }
.Ltmp1:
0x85: {  	[bflag:$0x0] =	sbarrier.arrive $0xFFFF;
	(pc) =	sbr.rel @p0 .LBB2_1-.Ltmp1, $4  }
0x86: {  	[hbm:s9@s30], [sflag:s5] =	dma.strided [spmem:s11@s31], $0x13C0, s21, $0x8   }
0x87: {  	_ =	swait.ge [sflag:s12], $0x13C0  }
0x88: {  	[sflag:s12] =	ssyncset.done $0x0  }
0x89: {  	[sflag:s12] =	ssyncadd.s32 $0xFFFFEC40  }
0x8a: {  	_ =	sfence.sel $0x180000  }
0x8b: {  	[bflag:$0x0] =	sbarrier.arrive $0xFFFF  }
0x8c: {  	_ =	strace $0x90000050  }
0x8d: {  	s0 =	stileid.u32;
	[bflag:$0x2] =	sbarrier.arrive $0xFFFF  }
0x8e: {  	p0 =	sne.s32 s0, $0x0;
	s0 =	rddreg [dreg:$0x3]  }
0x8f: {  	s0 =	sadd.s32 @!p0 $0x100000, s0  }
0x90: {  	[sflag:s0] =	ssyncadd.tile.s32 @!p0 $0x1;
	_ =	shalt  }
.Lfunc_end2:
_tile_overlayer_lowered:
.L_overlay_start_2:
0x91: {  	(tag) =	ssettag $0x2  }
0x92: {  	s0 =	rddreg [dreg:$0x0];
	s2 =	stileid.u32  }
0x93: {  	s1 =	rddreg [dreg:$0x1];
	p0 =	sne.s32 s2, $0x0  }
0x94: {  	s3 =	rddreg [dreg:$0x2];
	[bflag:$0x3] =	sbarrier.arrive $0xFFFF;
	s2 =	simm.s32 @!p0 $0x1C05  }
0x95: {  	[timem:s3], [sflag:s2] =	dma.local @!p0 [hbm:s0], s1  }
0x96: {  	s0 =	simm.s32 @!p0 $0x5  }
0x97: {  	_ =	swait.ge @!p0 [sflag:s0], s1  }
0x98: {  	s1 =	ssub.s32 @!p0 $0x0, s1;
	[sflag:s0] =	ssyncset.done @!p0 $0x0  }
0x99: {  	[sflag:s0] =	ssyncadd.s32 @!p0 s1  }
0x9a: {  	[bflag:$0x3] =	sbarrier.arrive $0xFFFF  }
0x9b: {  	_ =	shalt  }

// kernel: kernel.24.cloned.1.call-start
scs
__scs_entry_jumppad:
0x0: {  	(pc) =	sbr.rel $0x88, $3  }
0x1: {  	(tag) =	ssettag $0x0;
	lr =	simm.s32 $0x1  }
0x2: {  	[smem:$0x3F97] =	sst lr;
	_ =	strace $0xD0000000  }
0x3: {  	_ = 	snop  }
0x4: {  	_ = 	snop  }
0x5: {  	_ = 	snop  }
0x6: {  	_ = 	snop  }
0x7: {  	_ = 	snop  }
__scs_overlays_trampoline_lowered:
0x8: {  	[smem:$0x3FA6] =	sst s0  }
0x9: {  	[smem:$0x3FA7] =	sst s1  }
0xa: {  	[smem:$0x3FA8] =	sst s2  }
0xb: {  	[smem:$0x3FA9] =	sst s3  }
0xc: {  	[smem:$0x3FAA] =	sst s4  }
0xd: {  	[smem:$0x3FAB] =	sst s5  }
0xe: {  	[smem:$0x3FAC] =	sst s6  }
0xf: {  	[smem:$0x3FAD] =	sst s7  }
0x10: {  	[smem:$0x3FAE] =	sst s8  }
0x11: {  	[smem:$0x3FAF] =	sst s9;
	s0 =	simm.s32 @!p0 $0x0  }
0x12: {  	s1 =	sld [smem:$0x3F95];
	s0 =	simm.s32 @p0 $0x1  }
0x13: {  	[smem:$0x3FB0] =	sst s0;
	s0 =	simm.s32 @!p1 $0x0  }
0x14: {  	s2 =	sld [smem:$0x3F94];
	s0 =	simm.s32 @p1 $0x1  }
0x15: {  	[smem:$0x3FB1] =	sst s0;
	s0 =	simm.s32 @!p2 $0x0  }
0x16: {  	s3 =	sld [smem:$0x3FDB];
	s0 =	simm.s32 @p2 $0x1  }
0x17: {  	s4 =	simm.s32 $0x1BF5;
	[smem:$0x3FB3] =	sst s0  }
0x18: {  	s0 =	sld [smem:$0x3F96];
	_ =	swait.ge [sflag:s4], $0x0  }
0x19: {  	s7 =	sld [smem:$0x3F97]  }
0x1a: {  	s8 =	sadd.s32 $0xFFFFE003, lr  }
0x1b: {  	s9 =	sadd.s32 $0xFFFFFEF7, lr;
	s5 =	simm.s32 $0xFFFFFFFF;
	p2 =	slt.u32 s8, $0xFFFFF086  }
0x1c: {  	p1 =	slt.u32 s9, $0xF7A;
	s5 =	simm.s32 @!p2 $0x0  }
0x1d: {  	s5 =	simm.s32 @p1 $0x1;
	p0 =	seq.s32 s7, s2  }
0x1e: {  	s7 =	smul.u32 @!p0 $0xF7A, s2;
	p2 =	seq.s32 @!p0 s5, $0x0  }
0x1f: {  	s9 =	smul.u32 $0xF7A, s1;
	s8 =	simm.s32 @!p0 $0x1BF5;
	p2 =	por !p2, p0  }
0x20: {  	[sflag:s8] =	ssyncset.s32 @!p0 $0xFFFFF086;
	s6 =	sadd.s32 @!p0 s3, s7;
	s7 =	simm.s32 @!p0 $0x108  }
0x21: {  	s3 =	sadd.s32 s3, s9;
	s6 =	sadd.s32 @!p0 $0x88, s6;
	s7 =	simm.s32 @p2 $0x1082  }
0x22: {  	[simem:s7], [sflag:s8] =	dma.local @!p0 [hbm:s6], $0xF7A  }
0x23: {  	s9 =	sor.u32 $0xD0000000, s2;
	s6 =	simm.s32 $0x108;
	_ =	swait.ge @!p0 [sflag:s8], $0x0  }
0x24: {  	s3 =	sadd.s32 $0x88, s3;
	s6 =	simm.s32 @!p1 $0x1082;
	[sflag:s4] =	ssyncset.s32 $0xFFFFF086  }
0x25: {  	[simem:s6], [sflag:s4] =	dma.local [hbm:s3], $0xF7A  }
0x26: {  	[smem:$0x3F97] =	sst s1;
	(tag) =	ssettag s2;
	_ =	strace s9  }
0x27: {  	s1 =	sld [smem:$0x3FA7]  }
0x28: {  	s2 =	sld [smem:$0x3FA8]  }
0x29: {  	s4 =	sld [smem:$0x3FAA]  }
0x2a: {  	p0 =	seq.s32 s5, $0x0;
	s5 =	sld [smem:$0x3FAB]  }
0x2b: {  	s6 =	sld [smem:$0x3FAC]  }
0x2c: {  	s7 =	sld [smem:$0x3FAD]  }
0x2d: {  	s3 =	simm.s32 $0x108;
	s8 =	sld [smem:$0x3FAE]  }
0x2e: {  	s3 =	simm.s32 @!p0 $0x1082;
	s9 =	sld [smem:$0x3FAF]  }
0x2f: {  	lr =	sadd.s32 s0, s3;
	s0 =	sld [smem:$0x3FA6]  }
0x30: {  	s3 =	sld [smem:$0x3FA9]  }
0x31: {  	[smem:$0x3FB2] =	sst s10  }
0x32: {  	s10 =	sld [smem:$0x3FB0];
	_ =	sdelay $0x3  }
0x33: {  	p0 =	seq.s32 s10, $0x1;
	s10 =	sld [smem:$0x3FB2];
	_ =	sdelay $0x3  }
0x34: {  	[smem:$0x3FB2] =	sst s10  }
0x35: {  	s10 =	sld [smem:$0x3FB1];
	_ =	sdelay $0x3  }
0x36: {  	p1 =	seq.s32 s10, $0x1;
	s10 =	sld [smem:$0x3FB2];
	_ =	sdelay $0x3  }
0x37: {  	[smem:$0x3FB2] =	sst s10  }
0x38: {  	s10 =	sld [smem:$0x3FB3]  }
0x39: {  	_ = 	snop;
	(pc) =	sbr.ind lr, $3  }
0x3a: {  	_ = 	snop  }
0x3b: {  	_ = 	snop  }
0x3c: {  	p2 =	seq.s32 s10, $0x1;
	s10 =	sld [smem:$0x3FB2]  }
0x3d: {  	_ =	shalt  }
0x3e: {  	_ =	shalt  }
0x3f: {  	_ =	shalt  }
0x40: {  	_ =	shalt  }
0x41: {  	_ =	shalt  }
0x42: {  	_ =	shalt  }
0x43: {  	_ =	shalt  }
0x44: {  	_ =	shalt  }
0x45: {  	_ =	shalt  }
0x46: {  	_ =	shalt  }
0x47: {  	_ =	shalt  }
0x48: {  	_ =	shalt  }
0x49: {  	_ =	shalt  }
0x4a: {  	_ =	shalt  }
0x4b: {  	_ =	shalt  }
0x4c: {  	_ =	shalt  }
0x4d: {  	_ =	shalt  }
0x4e: {  	_ =	shalt  }
0x4f: {  	_ =	shalt  }
0x50: {  	_ =	shalt  }
0x51: {  	_ =	shalt  }
0x52: {  	_ =	shalt  }
0x53: {  	_ =	shalt  }
0x54: {  	_ =	shalt  }
0x55: {  	_ =	shalt  }
0x56: {  	_ =	shalt  }
0x57: {  	_ =	shalt  }
0x58: {  	_ =	shalt  }
0x59: {  	_ =	shalt  }
0x5a: {  	_ =	shalt  }
0x5b: {  	_ =	shalt  }
0x5c: {  	_ =	shalt  }
0x5d: {  	_ =	shalt  }
0x5e: {  	_ =	shalt  }
0x5f: {  	_ =	shalt  }
0x60: {  	_ =	shalt  }
0x61: {  	_ =	shalt  }
0x62: {  	_ =	shalt  }
0x63: {  	_ =	shalt  }
0x64: {  	_ =	shalt  }
0x65: {  	_ =	shalt  }
0x66: {  	_ =	shalt  }
0x67: {  	_ =	shalt  }
0x68: {  	_ =	shalt  }
0x69: {  	_ =	shalt  }
0x6a: {  	_ =	shalt  }
0x6b: {  	_ =	shalt  }
0x6c: {  	_ =	shalt  }
0x6d: {  	_ =	shalt  }
0x6e: {  	_ =	shalt  }
0x6f: {  	_ =	shalt  }
0x70: {  	_ =	shalt  }
0x71: {  	_ =	shalt  }
0x72: {  	_ =	shalt  }
0x73: {  	_ =	shalt  }
0x74: {  	_ =	shalt  }
0x75: {  	_ =	shalt  }
0x76: {  	_ =	shalt  }
0x77: {  	_ =	shalt  }
0x78: {  	_ =	shalt  }
0x79: {  	_ =	shalt  }
0x7a: {  	_ =	shalt  }
0x7b: {  	_ =	shalt  }
0x7c: {  	_ =	shalt  }
0x7d: {  	_ =	shalt  }
0x7e: {  	_ =	shalt  }
0x7f: {  	_ =	shalt  }
0x80: {  	_ =	shalt  }
0x81: {  	_ =	shalt  }
0x82: {  	_ =	shalt  }
0x83: {  	_ =	shalt  }
0x84: {  	_ =	shalt  }
0x85: {  	_ =	shalt  }
0x86: {  	_ =	shalt  }
0x87: {  	_ =	shalt  }
.Lfunc_end0:
.L_simem_size_0:
called_computation.4_lowered:
.L_overlay_start_0:
0x88: {  	s2 =	sld [smem:$0x3FD9]  }
0x89: {  	s3 =	sld [smem:$0x3FFE];
	_ =	sdelay $0x1  }
0x8a: {  	s1 =	srdreg.scid  }
0x8b: {  	s0 =	sand.u32 $0x1, s1  }
0x8c: {  	s17 =	sshll.u32 s0, $0xA;
	s2 =	sadd.s32 s3, s2  }
0x8d: {  	s2 =	sadd.s32 s2, s17  }
0x8e: {  	[smem:$0x3FBE] =	sst s2  }
0x8f: {  	_ = 	snop  }
0x90: {  	s2 =	sld [smem:$0x3FD0];
	(tm) =	ssettm $0x1  }
0x91: {  	s18 =	sld [smem:$0x3FFB];
	_ =	sdelay $0x3  }
0x92: {  	_ =	strace s18  }
0x93: {  	s3 =	sld [smem:$0x3FFC];
	_ =	sdelay $0x3  }
0x94: {  	_ =	strace s3  }
0x95: {  	s3 =	sld [smem:$0x3FFD];
	_ =	sdelay $0x3  }
0x96: {  	_ =	strace s3  }
0x97: {  	_ =	strace $0x8FFFFFFF  }
0x98: {  	s19 =	sld [smem:$0x3FDB];
	_ =	sdelay $0x1  }
0x99: {  	s4 =	simm.s32 $_scs_section_size  }
0x9a: {  	s5 =	simm.s32 $_size__tile_overlayer_lowered;
	s6 =	simm.s32 $_tile_overlayer_lowered  }
0x9b: {  	s22 =	simm.s32 $0x1BFF;
	s21 =	sshll.u32 s6, $0x1;
	s3 =	sadd.s32 s4, s19  }
0x9c: {  	s7 =	simm.s32 $0x0;
	s20 =	sshll.u32 s5, $0x1;
	s5 =	sadd.s32 s21, s3  }
0x9d: {  	[timem:s7], [sflag:s22] =	dma.local [hbm:s5], s20  }
0x9e: {  	_ =	swait.ge [sflag:s22], s20  }
0x9f: {  	s4 =	ssub.s32 $0x0, s20;
	[sflag:s22] =	ssyncset.done $0x0  }
0xa0: {  	[sflag:s22] =	ssyncadd.s32 s4;
	_ =	sdelay $0x1  }
0xa1: {  	s23 =	simm.s32 $0x1B8B  }
0xa2: {  	_ =	swait.ge [sflag:s23], $0x1  }
0xa3: {  	[sflag:s23] =	ssyncset.done $0x0  }
0xa4: {  	s25 =	simm.s32 $0x1B8E;
	s24 =	sld [smem:$0x3FFE];
	[sflag:s23] =	ssyncadd.s32 $0xFFFFFFFF  }
0xa5: {  	s26 =	simm.s32 $execute0_lowered;
	[smem:$0x3FD2] =	sst s25  }
0xa6: {  	s5 =	sshll.u32 s26, $0x1;
	_ =	strace $0x80000052;
	[dreg:$0x1] =	wrdreg $0xFFFFFFFF  }
0xa7: {  	s28 =	simm.s32 $_size_execute0_lowered;
	s3 =	sadd.s32 s3, s5;
	[dreg:$0x0] =	wrdreg $0x0  }
0xa8: {  	s5 =	sshll.u32 s28, $0x1;
	[dreg:$0x2] =	wrdreg s3  }
0xa9: {  	[dreg:$0x3] =	wrdreg s5  }
0xaa: {  	[dreg:$0x4] =	wrdreg $0xC0  }
0xab: {  	_ =	task [dreg:s7], $0x5FFFF  }
0xac: {  	[dreg:$0x1] =	wrdreg $0xFFFFFFFF  }
0xad: {  	[dreg:$0x0] =	wrdreg $0x60  }
0xae: {  	[dreg:$0x2] =	wrdreg s2  }
0xaf: {  	[dreg:$0x3] =	wrdreg s24  }
0xb0: {  	[dreg:$0x4] =	wrdreg $0x120000  }
0xb1: {  	[dreg:$0x5] =	wrdreg $0x9  }
0xb2: {  	_ =	task.clear_ibuf [dreg:s7], $0x6FFFF;
	_ =	strace $0x90000052  }
0xb3: {  	s29 =	simm.s32 $0x9;
	_ =	strace $0x80000054  }
0xb4: {  	_ =	swait.ge [sflag:s29], $0x1  }
0xb5: {  	[sflag:s29] =	ssyncadd.s32 $0xFFFFFFFF  }
0xb6: {  	_ =	strace $0x90000054  }
0xb7: {  	_ =	sfence  }
0xb8: {  	s30 =	sld [smem:$0x0];
	_ =	sdelay $0x2  }
0xb9: {  	s31 =	sshll.u32 s1, $0xD;
	s1 =	sshrl.u32 s1, $0x2  }
0xba: {  	s3 =	sand.u32 $0x4000, s31;
	s1 =	sadd.s32 s1, s30  }
0xbb: {  	s0 =	sor.u32 s3, s0;
	s1 =	sshll.u32 s1, $0x11  }
0xbc: {  	s0 =	sor.u32 s1, s0  }
0xbd: {  	s0 =	sadd.s32 $0x8F2B, s0  }
0xbe: {  	[sflag:s0] =	ssyncadd.remote.s32 $0x1  }
0xbf: {  	_ =	sfence.sel $0xFFFF  }
0xc0: {  	[dreg:$0x0] =	wrdreg $0xFFFFFFFF;
	(pc) =	sbr.abs _section_cstart, $3  }
0xc1: {  	[dreg:$0x1] =	wrdreg $0xFFFFFFFF  }
0xc2: {  	_ =	task.clear_ibuf [dreg:s7], $0x2FFFF;
	_ =	strace $0x9FFFFFFF  }
0xc3: {  	(tm) =	ssettm $0x7FFFFFFF  }
tec
execute0_lowered:
.L_overlay_start_1:
0x0: {  	(tag) =	ssettag $0x1  }
0x1: {  	s0 =	rddreg [dreg:$0x0]  }
0x2: {  	s1 =	rddreg [dreg:$0x1]  }
0x3: {  	s2 =	rddreg [dreg:$0x2];
	s3 =	simm.s32 $0x0  }
0x4: {  	s12 =	stileid.u32;
	s6 =	srdreg.scid;
	s14 =	simm.s32 $0x80  }
0x5: {  	s15 =	simm.s32 $0xA000;
	s16 =	simm.s32 $0xC000;
	s18 =	simm.s32 $0xE000  }
0x6: {  	s19 =	simm.s32 $0x180;
	s20 =	simm.s32 $0x10000;
	s21 =	simm.s32 $0x1  }
0x7: {  	s22 =	simm.s32 $0x2;
	s28 =	simm.s32 $0x9F00;
	s4 =	smul.u32 $0xA00, s12  }
0x8: {  	s29 =	simm.s32 $0x9F80;
	s30 =	simm.s32 $0x10;
	s5 =	smul.u32 $0x13C0, s12  }
0x9: {  	s31 =	simm.s32 $0x8;
	[smem:$0x7FF] =	sst s3;
	s7 =	smul.u32 $0x13C00, s12  }
0xa: {  	s6 =	sand.u32 $0x1, s6;
	s9 =	smul.u32 $0x27800, s12;
	s25 =	sshll.u32 s12, $0x6  }
0xb: {  	s12 =	simm.s32 $0x5;
	_ =	strace $0x80000053;
	s23 =	sshll.u32 s6, $0x6  }
0xc: {  	s24 =	ssub.s32 $0x2, s6;
	s26 =	smul.u32 $0x13880, s6;
	s8 =	sadd.s32 s4, s1  }
0xd: {  	s5 =	sadd.s32 s5, s1;
	s4 =	sor.u32 s23, s7;
	s10 =	sshrl.u32 s24, $0x1  }
0xe: {  	s9 =	sshrl.u32 s9, $0x2;
	s23 =	simm.s32 $0x3;
	s4 =	sshrl.u32 s4, $0x3  }
0xf: {  	s10 =	ssub.s32 s24, s10;
	s11 =	sadd.s32 s9, s2;
	s6 =	sadd.s32 $0xE000, s8  }
0x10: {  	s7 =	sadd.s32 $0x4000, s8;
	s8 =	sadd.s32 s0, s26;
	s24 =	simm.s32 $0x4  }
0x11: {  	s26 =	simm.s32 $0x9E80;
	s0 =	simm.s32 $0x0;
	s1 =	sadd.s32 s4, s1  }
0x12: {  	s4 =	sadd.s32 $0x8D400, s5;
	s5 =	sor.u32 $0x1C05, s25;
	s10 =	smax.u32 s10, $0x1  }
0x13: {  	s11 =	sshrl.u32 s11, $0x3;
	s25 =	simm.s32 $0x9E00;
	s9 =	sadd.s32 $0x18000, s1  }
.LBB2_1:
0x14: {  	[spmem:s11], [sflag:s5] =	dma.local [hbm:s4], $0x13C0  }
0x15: {  	_ =	swait.ge [sflag:s12], $0x13C0  }
0x16: {  	[sflag:s12] =	ssyncset.done $0x0  }
0x17: {  	[sflag:s12] =	ssyncadd.s32 $0xFFFFEC40  }
0x18: {  	[tilespmem:s3], [sflag:$0x5] =	stream.linear.gather [hbm4b:s6+s3], $0x5000, $0x38;
	[tilespmem:$0x1BE00] =	vst v63  }
0x19: {  	_ =	swait.ge [sflag:s12], $0x5000  }
0x1a: {  	[sflag:s12] =	ssyncset.done $0x0  }
0x1b: {  	s1 =	simm.s32 $0x5000;
	[sflag:s12] =	ssyncadd.s32 $0xFFFFB000  }
0x1c: {  	[tilespmem:s1], [sflag:$0x5] =	stream.linear.gather [hbm4b:s7+s3], $0x5000, $0x38;
	[tilespmem:$0x1BE00] =	vst v63  }
0x1d: {  	_ =	swait.ge [sflag:s12], $0x5000  }
0x1e: {  	[sflag:s12] =	ssyncset.done $0x0  }
0x1f: {  	[sflag:s12] =	ssyncadd.s32 $0xFFFFB000  }
0x20: {  	[bflag:$0x0] =	sbarrier.arrive $0xFFFF  }
0x21: {  	[tilespmem:s15], [sflag:$0x1] =	stream.indirect.gather [hbm4b:s8+s14], $0x40, s3, s14, $0xb8;
	[tilespmem:$0x1BE00] =	vst v63  }
0x22: {  	_ = 	snop  }
0x23: {  	[tilespmem:s16], [sflag:$0x2] =	stream.indirect.gather [hbm4b:s8+s14], $0x40, s14, s14, $0xb8;
	[tilespmem:$0x1BE00] =	vst v63  }
0x24: {  	s13 =	simm.s32 $0x100  }
0x25: {  	[tilespmem:s18], [sflag:$0x3] =	stream.indirect.gather [hbm4b:s8+s14], $0x40, s13, s14, $0xb8;
	[tilespmem:$0x1BE00] =	vst v63  }
0x26: {  	_ = 	snop  }
0x27: {  	[tilespmem:s20], [sflag:$0x4] =	stream.indirect.gather [hbm4b:s8+s14], $0x40, s19, s14, $0xb8;
	[tilespmem:$0x1BE00] =	vst v63  }
0x28: {  	_ =	swait.ge [sflag:s21], $0x2000  }
0x29: {  	[sflag:s21] =	ssyncset.done $0x0  }
0x2a: {  	s17 =	simm.s32 $0x5000;
	[sflag:s21] =	ssyncadd.s32 $0xFFFFE000  }
0x2b: {  	[spmem:s2] =	stream.indirect.scatter.add.f32 [tilespmem:s15], [sflag:$0x5], $0x40, s17, s14, $0xb8;
	[tilespmem:$0x1BE00] =	vst v63  }
0x2c: {  	_ =	swait.ge [sflag:s12], $0x2000  }
0x2d: {  	[sflag:s12] =	ssyncset.done $0x0  }
0x2e: {  	s13 =	simm.s32 $0x200;
	[sflag:s12] =	ssyncadd.s32 $0xFFFFE000  }
0x2f: {  	[tilespmem:s15], [sflag:$0x1] =	stream.indirect.gather [hbm4b:s8+s14], $0x40, s13, s14, $0xb8;
	[tilespmem:$0x1BE00] =	vst v63  }
0x30: {  	_ =	swait.ge [sflag:s22], $0x2000  }
0x31: {  	[sflag:s22] =	ssyncset.done $0x0  }
0x32: {  	s17 =	simm.s32 $0x5080;
	[sflag:s22] =	ssyncadd.s32 $0xFFFFE000  }
0x33: {  	[spmem:s2] =	stream.indirect.scatter.add.f32 [tilespmem:s16], [sflag:$0x5], $0x40, s17, s14, $0xb8;
	[tilespmem:$0x1BE00] =	vst v63  }
0x34: {  	_ =	swait.ge [sflag:s12], $0x2000  }
0x35: {  	[sflag:s12] =	ssyncset.done $0x0  }
0x36: {  	s13 =	simm.s32 $0x280;
	[sflag:s12] =	ssyncadd.s32 $0xFFFFE000  }
0x37: {  	[tilespmem:s16], [sflag:$0x2] =	stream.indirect.gather [hbm4b:s8+s14], $0x40, s13, s14, $0xb8;
	[tilespmem:$0x1BE00] =	vst v63  }
0x38: {  	_ =	swait.ge [sflag:s23], $0x2000  }
0x39: {  	[sflag:s23] =	ssyncset.done $0x0  }
0x3a: {  	s17 =	simm.s32 $0x5100;
	[sflag:s23] =	ssyncadd.s32 $0xFFFFE000  }
0x3b: {  	[spmem:s2] =	stream.indirect.scatter.add.f32 [tilespmem:s18], [sflag:$0x5], $0x40, s17, s14, $0xb8;
	[tilespmem:$0x1BE00] =	vst v63  }
0x3c: {  	_ =	swait.ge [sflag:s12], $0x2000  }
0x3d: {  	[sflag:s12] =	ssyncset.done $0x0  }
0x3e: {  	s13 =	simm.s32 $0x300;
	[sflag:s12] =	ssyncadd.s32 $0xFFFFE000  }
0x3f: {  	[tilespmem:s18], [sflag:$0x3] =	stream.indirect.gather [hbm4b:s8+s14], $0x40, s13, s14, $0xb8;
	[tilespmem:$0x1BE00] =	vst v63  }
0x40: {  	_ =	swait.ge [sflag:s24], $0x2000  }
0x41: {  	[sflag:s24] =	ssyncset.done $0x0  }
0x42: {  	s17 =	simm.s32 $0x5180;
	[sflag:s24] =	ssyncadd.s32 $0xFFFFE000  }
0x43: {  	[spmem:s2] =	stream.indirect.scatter.add.f32 [tilespmem:s20], [sflag:$0x5], $0x40, s17, s14, $0xb8;
	[tilespmem:$0x1BE00] =	vst v63  }
0x44: {  	_ =	swait.ge [sflag:s12], $0x2000  }
0x45: {  	[sflag:s12] =	ssyncset.done $0x0  }
0x46: {  	s1 =	simm.s32 $0x800;
	s13 =	simm.s32 $0x380;
	[sflag:s12] =	ssyncadd.s32 $0xFFFFE000  }
.LBB2_2:
0x47: {  	[tilespmem:s20], [sflag:$0x4] =	stream.indirect.gather [hbm4b:s8+s14], $0x40, s13, s14, $0xb8;
	[tilespmem:$0x1BE00] =	vst v63  }
0x48: {  	s13 =	smov.u32 s1  }
0x49: {  	p0 =	sne.s32 s1, $0x13000;
	s1 =	sadd.s32 $0x800, s1;
	_ =	swait.ge [sflag:s21], $0x2000  }
0x4a: {  	s13 =	sshra.s32 s13, $0x2;
	[sflag:s21] =	ssyncset.done $0x0  }
0x4b: {  	s17 =	sadd.s32 $0x5000, s13;
	[sflag:s21] =	ssyncadd.s32 $0xFFFFE000  }
0x4c: {  	[spmem:s2] =	stream.indirect.scatter.add.f32 [tilespmem:s15], [sflag:$0x5], $0x40, s17, s14, $0xb8;
	[tilespmem:$0x1BE00] =	vst v63  }
0x4d: {  	_ =	swait.ge [sflag:s12], $0x2000  }
0x4e: {  	[sflag:s12] =	ssyncset.done $0x0  }
0x4f: {  	s17 =	sadd.s32 $0x200, s13;
	[sflag:s12] =	ssyncadd.s32 $0xFFFFE000  }
0x50: {  	[tilespmem:s15], [sflag:$0x1] =	stream.indirect.gather [hbm4b:s8+s14], $0x40, s17, s14, $0xb8;
	[tilespmem:$0x1BE00] =	vst v63  }
0x51: {  	_ =	swait.ge [sflag:s22], $0x2000  }
0x52: {  	[sflag:s22] =	ssyncset.done $0x0  }
0x53: {  	s17 =	sadd.s32 $0x5080, s13;
	[sflag:s22] =	ssyncadd.s32 $0xFFFFE000  }
0x54: {  	[spmem:s2] =	stream.indirect.scatter.add.f32 [tilespmem:s16], [sflag:$0x5], $0x40, s17, s14, $0xb8;
	[tilespmem:$0x1BE00] =	vst v63  }
0x55: {  	_ =	swait.ge [sflag:s12], $0x2000  }
0x56: {  	[sflag:s12] =	ssyncset.done $0x0  }
0x57: {  	s17 =	sadd.s32 $0x280, s13;
	[sflag:s12] =	ssyncadd.s32 $0xFFFFE000  }
0x58: {  	[tilespmem:s16], [sflag:$0x2] =	stream.indirect.gather [hbm4b:s8+s14], $0x40, s17, s14, $0xb8;
	[tilespmem:$0x1BE00] =	vst v63  }
0x59: {  	_ =	swait.ge [sflag:s23], $0x2000  }
0x5a: {  	[sflag:s23] =	ssyncset.done $0x0  }
0x5b: {  	s17 =	sadd.s32 $0x5100, s13;
	[sflag:s23] =	ssyncadd.s32 $0xFFFFE000  }
0x5c: {  	[spmem:s2] =	stream.indirect.scatter.add.f32 [tilespmem:s18], [sflag:$0x5], $0x40, s17, s14, $0xb8;
	[tilespmem:$0x1BE00] =	vst v63  }
0x5d: {  	_ =	swait.ge [sflag:s12], $0x2000  }
0x5e: {  	[sflag:s12] =	ssyncset.done $0x0  }
0x5f: {  	s17 =	sadd.s32 $0x300, s13;
	[sflag:s12] =	ssyncadd.s32 $0xFFFFE000  }
0x60: {  	[tilespmem:s18], [sflag:$0x3] =	stream.indirect.gather [hbm4b:s8+s14], $0x40, s17, s14, $0xb8;
	[tilespmem:$0x1BE00] =	vst v63  }
0x61: {  	_ =	swait.ge [sflag:s24], $0x2000  }
0x62: {  	[sflag:s24] =	ssyncset.done $0x0  }
.Ltmp0:
0x63: {  	s17 =	sadd.s32 $0x5180, s13;
	[sflag:s24] =	ssyncadd.s32 $0xFFFFE000;
	(pc) =	sbr.rel @p0 .LBB2_2-.Ltmp0, $4  }
0x64: {  	[spmem:s2] =	stream.indirect.scatter.add.f32 [tilespmem:s20], [sflag:$0x5], $0x40, s17, s14, $0xb8;
	[tilespmem:$0x1BE00] =	vst v63  }
0x65: {  	_ =	swait.ge [sflag:s12], $0x2000  }
0x66: {  	[sflag:s12] =	ssyncset.done $0x0  }
0x67: {  	s13 =	sadd.s32 $0x380, s13;
	[sflag:s12] =	ssyncadd.s32 $0xFFFFE000  }
0x68: {  	[tilespmem:s20], [sflag:$0x4] =	stream.indirect.gather [hbm4b:s8+s14], $0x40, s13, s14, $0xb8;
	[tilespmem:$0x1BE00] =	vst v63  }
0x69: {  	_ =	swait.ge [sflag:s21], $0x2000  }
0x6a: {  	[sflag:s21] =	ssyncset.done $0x0  }
0x6b: {  	[sflag:s21] =	ssyncadd.s32 $0xFFFFE000  }
0x6c: {  	[spmem:s2] =	stream.indirect.scatter.add.f32 [tilespmem:s15], [sflag:$0x5], $0x40, s25, s14, $0xb8;
	[tilespmem:$0x1BE00] =	vst v63  }
0x6d: {  	_ =	swait.ge [sflag:s12], $0x2000  }
0x6e: {  	[sflag:s12] =	ssyncset.done $0x0  }
0x6f: {  	[sflag:s12] =	ssyncadd.s32 $0xFFFFE000  }
0x70: {  	_ =	swait.ge [sflag:s22], $0x2000  }
0x71: {  	[sflag:s22] =	ssyncset.done $0x0  }
0x72: {  	[sflag:s22] =	ssyncadd.s32 $0xFFFFE000  }
0x73: {  	[spmem:s2] =	stream.indirect.scatter.add.f32 [tilespmem:s16], [sflag:$0x5], $0x40, s26, s14, $0xb8;
	[tilespmem:$0x1BE00] =	vst v63  }
0x74: {  	_ =	swait.ge [sflag:s12], $0x2000  }
0x75: {  	[sflag:s12] =	ssyncset.done $0x0  }
0x76: {  	[sflag:s12] =	ssyncadd.s32 $0xFFFFE000  }
0x77: {  	_ =	swait.ge [sflag:s23], $0x2000  }
0x78: {  	[sflag:s23] =	ssyncset.done $0x0  }
0x79: {  	[sflag:s23] =	ssyncadd.s32 $0xFFFFE000  }
0x7a: {  	[spmem:s2] =	stream.indirect.scatter.add.f32 [tilespmem:s18], [sflag:$0x5], $0x40, s28, s14, $0xb8;
	[tilespmem:$0x1BE00] =	vst v63  }
0x7b: {  	_ =	swait.ge [sflag:s12], $0x2000  }
0x7c: {  	[sflag:s12] =	ssyncset.done $0x0  }
0x7d: {  	[sflag:s12] =	ssyncadd.s32 $0xFFFFE000  }
0x7e: {  	_ =	swait.ge [sflag:s24], $0x2000  }
0x7f: {  	[sflag:s24] =	ssyncset.done $0x0  }
0x80: {  	[sflag:s24] =	ssyncadd.s32 $0xFFFFE000  }
0x81: {  	[spmem:s2] =	stream.indirect.scatter.add.f32 [tilespmem:s20], [sflag:$0x5], $0x40, s29, s14, $0xb8;
	[tilespmem:$0x1BE00] =	vst v63  }
0x82: {  	_ =	swait.ge [sflag:s12], $0x2000  }
0x83: {  	s0 =	sadd.s32 $0x1, s0;
	[sflag:s12] =	ssyncset.done $0x0  }
0x84: {  	p0 =	sne.s32 s0, s10;
	[sflag:s12] =	ssyncadd.s32 $0xFFFFE000  }
.Ltmp1:
0x85: {  	[bflag:$0x0] =	sbarrier.arrive $0xFFFF;
	(pc) =	sbr.rel @p0 .LBB2_1-.Ltmp1, $4  }
0x86: {  	[hbm:s9@s30], [sflag:s5] =	dma.strided [spmem:s11@s31], $0x13C0, s21, $0x8   }
0x87: {  	_ =	swait.ge [sflag:s12], $0x13C0  }
0x88: {  	[sflag:s12] =	ssyncset.done $0x0  }
0x89: {  	[sflag:s12] =	ssyncadd.s32 $0xFFFFEC40  }
0x8a: {  	_ =	sfence.sel $0x180000  }
0x8b: {  	[bflag:$0x0] =	sbarrier.arrive $0xFFFF  }
0x8c: {  	_ =	strace $0x90000053  }
0x8d: {  	s0 =	stileid.u32;
	[bflag:$0x2] =	sbarrier.arrive $0xFFFF  }
0x8e: {  	p0 =	sne.s32 s0, $0x0;
	s0 =	rddreg [dreg:$0x3]  }
0x8f: {  	s0 =	sadd.s32 @!p0 $0x100000, s0  }
0x90: {  	[sflag:s0] =	ssyncadd.tile.s32 @!p0 $0x1;
	_ =	shalt  }
.Lfunc_end2:
_tile_overlayer_lowered:
.L_overlay_start_2:
0x91: {  	(tag) =	ssettag $0x2  }
0x92: {  	s0 =	rddreg [dreg:$0x0];
	s2 =	stileid.u32  }
0x93: {  	s1 =	rddreg [dreg:$0x1];
	p0 =	sne.s32 s2, $0x0  }
0x94: {  	s3 =	rddreg [dreg:$0x2];
	[bflag:$0x3] =	sbarrier.arrive $0xFFFF;
	s2 =	simm.s32 @!p0 $0x1C05  }
0x95: {  	[timem:s3], [sflag:s2] =	dma.local @!p0 [hbm:s0], s1  }
0x96: {  	s0 =	simm.s32 @!p0 $0x5  }
0x97: {  	_ =	swait.ge @!p0 [sflag:s0], s1  }
0x98: {  	s1 =	ssub.s32 @!p0 $0x0, s1;
	[sflag:s0] =	ssyncset.done @!p0 $0x0  }
0x99: {  	[sflag:s0] =	ssyncadd.s32 @!p0 s1  }
0x9a: {  	[bflag:$0x3] =	sbarrier.arrive $0xFFFF  }
0x9b: {  	_ =	shalt  }

</sc_bundles>
